<compile_context>
chip_gen: v7x
topology: tpu7x:2x2x1
jax: 0.10.2.dev20260603
libtpu: 0.0.44.dev20260713+nightly
codegen_flags: <defaults>
</compile_context>

<pallas_src>
import functools

import jax
import jax.numpy as jnp
from jax import lax
from jax.experimental import pallas as pl
from jax.experimental.pallas import tpu as pltpu
from jax.experimental.pallas import tpu_sc as plsc

N = 10000
NPAD = 10240
D = 256
H = 128
E = 160000
EPAD = 163840
CHUNK = 128
NC = 2
NS = 16
EPS = 1e-5
BR = 512
NBLK = NPAD // BR
FBR = 400

_MESH = plsc.VectorSubcoreMesh(core_axis_name="c", subcore_axis_name="s")



def _deg_body(dst_hbm, deg_out, acc, ones_v, obuf, idx_v, ssem):
    c = lax.axis_index("c")
    s = lax.axis_index("s")
    w = c * NS + s
    rpt = NPAD // NS
    nco = rpt // CHUNK

    def zel(k, _):
        i = k // 8
        j = k - i * 8
        obuf[i, pl.ds(j * 16, 16)] = jnp.zeros((16,), jnp.float32)
        ones_v[i, pl.ds(j * 16, 16)] = jnp.ones((16,), jnp.float32)
        return 0
    lax.fori_loop(0, CHUNK * 8, zel, 0)
    for j in range(nco):
        pltpu.sync_copy(obuf, acc.at[pl.ds(s * rpt + j * CHUNK, CHUNK)])
    plsc.subcore_barrier()

    nch = (EPAD // CHUNK) // (NC * NS)
    pltpu.sync_copy(dst_hbm.at[pl.ds(w * nch, nch)], idx_v)

    def body(g, _):
        pltpu.async_copy(ones_v, acc.at[idx_v.at[g]], ssem, add=True)
        return 0
    lax.fori_loop(0, nch, body, 0)

    def drain(g, _):
        pltpu.make_async_copy(ones_v, acc.at[idx_v.at[g]], ssem).wait()
        return 0
    lax.fori_loop(0, nch, drain, 0)
    plsc.subcore_barrier()

    r0 = s * rpt
    for j in range(nco):
        pltpu.sync_copy(acc.at[pl.ds(r0 + j * CHUNK, CHUNK)], obuf)
        pltpu.sync_copy(obuf, deg_out.at[c, pl.ds(r0 + j * CHUNK, CHUNK)])


_deg_call = functools.partial(
    pl.kernel,
    out_type=jax.ShapeDtypeStruct((NC, NPAD, H), jnp.float32),
    mesh=_MESH,
    scratch_types=[
        pltpu.VMEM_SHARED((NPAD, H), jnp.float32),
        pltpu.VMEM((CHUNK, H), jnp.float32),
        pltpu.VMEM((CHUNK, H), jnp.float32),
        pltpu.VMEM((EPAD // CHUNK // (NC * NS), CHUNK), jnp.int32),
        pltpu.SemaphoreType.DMA,
    ],
)(_deg_body)


NBUF = 2
GC = 40
NG = (EPAD // CHUNK) // NS // GC


def _scat_body(u_hbm, src_hbm, dst_hbm, s_out, acc, rows_v, sidx, didx, gsem, ssem):
    c = lax.axis_index("c")
    s = lax.axis_index("s")
    rpt = NPAD // NS
    nco = rpt // CHUNK

    off = c * NPAD
    tch = (EPAD // CHUNK) // NS
    first = True

    for gi in range(NG):
        row0 = s * tch + gi * GC
        pltpu.sync_copy(src_hbm.at[pl.ds(row0, GC)], sidx)
        pltpu.sync_copy(dst_hbm.at[pl.ds(row0, GC)], didx)

        def addoff(k, _):
            i = k // 8
            j = k - i * 8
            sl = pl.ds(j * 16, 16)
            sidx[i, sl] = sidx[i, sl] + off
            return 0
        lax.fori_loop(0, GC * 8, addoff, 0)

        pltpu.async_copy(u_hbm.at[sidx.at[0]], rows_v.at[0], gsem.at[0])

        if first:
            first = False

            def zel(k, _):
                i = k // 8
                j = k - i * 8
                rows_v[1, i, pl.ds(j * 16, 16)] = jnp.zeros((16,), jnp.float32)
                return 0
            lax.fori_loop(0, CHUNK * 8, zel, 0)
            for j in range(nco):
                pltpu.sync_copy(rows_v.at[1],
                                acc.at[pl.ds(s * rpt + j * CHUNK, CHUNK)])
            plsc.subcore_barrier()

        def body(g, _):
            b = lax.rem(g, NBUF)
            b2 = lax.rem(g + 1, NBUF)

            @pl.when(g + 1 < GC)
            def _():
                pltpu.async_copy(u_hbm.at[sidx.at[g + 1]], rows_v.at[b2],
                                 gsem.at[b2])

            pltpu.make_async_copy(u_hbm.at[sidx.at[g]], rows_v.at[b],
                                  gsem.at[b]).wait()
            pltpu.async_copy(rows_v.at[b], acc.at[didx.at[g]], ssem.at[b],
                             add=True)
            pltpu.make_async_copy(rows_v.at[b], acc.at[didx.at[g]],
                                  ssem.at[b]).wait()
            return 0
        lax.fori_loop(0, GC, body, 0)

    plsc.subcore_barrier()
    r0 = s * rpt
    pltpu.async_copy(acc.at[pl.ds(r0, CHUNK)], rows_v.at[0], gsem.at[0])
    for j in range(nco):
        b = j % NBUF
        pltpu.make_async_copy(acc.at[pl.ds(r0 + j * CHUNK, CHUNK)],
                              rows_v.at[b], gsem.at[b]).wait()
        if j + 1 < nco:
            b2 = (j + 1) % NBUF
            pltpu.async_copy(acc.at[pl.ds(r0 + (j + 1) * CHUNK, CHUNK)],
                             rows_v.at[b2], gsem.at[b2])
        pltpu.sync_copy(rows_v.at[b], s_out.at[c, pl.ds(r0 + j * CHUNK, CHUNK)])


_scat_call = functools.partial(
    pl.kernel,
    out_type=jax.ShapeDtypeStruct((NC, NPAD, H), jnp.float32),
    mesh=_MESH,
    scratch_types=[
        pltpu.VMEM_SHARED((NPAD, H), jnp.float32),
        pltpu.VMEM((NBUF, CHUNK, H), jnp.float32),
        pltpu.VMEM((GC, CHUNK), jnp.int32),
        pltpu.VMEM((GC, CHUNK), jnp.int32),
        pltpu.SemaphoreType.DMA((NBUF,)),
        pltpu.SemaphoreType.DMA((NBUF,)),
    ],
)(_scat_body)



def _dinv_of(deg_ref):
    deg = deg_ref[0, :, 0:1] + deg_ref[1, :, 0:1] + 1.0
    return lax.rsqrt(deg), deg


def _mm1_body(x_ref, w_ref, deg_ref, z_ref, u_ref):
    dinv, _ = _dinv_of(deg_ref)
    z = jnp.dot(x_ref[...], w_ref[...], preferred_element_type=jnp.float32)
    z_ref[...] = z
    u = z * dinv
    u_ref[0] = u[:, :H]
    u_ref[1] = u[:, H:]


_mm1_call = pl.pallas_call(
    _mm1_body,
    grid=(NBLK,),
    in_specs=[
        pl.BlockSpec((BR, D), lambda i: (i, 0)),
        pl.BlockSpec((D, D), lambda i: (0, 0)),
        pl.BlockSpec((NC, BR, H), lambda i: (0, i, 0)),
    ],
    out_specs=[
        pl.BlockSpec((BR, D), lambda i: (i, 0)),
        pl.BlockSpec((NC, BR, H), lambda i: (0, i, 0)),
    ],
    out_shape=[
        jax.ShapeDtypeStruct((NPAD, D), jnp.float32),
        jax.ShapeDtypeStruct((NC, NPAD, H), jnp.float32),
    ],
)


def _bn_affine(st, g_ref, bt_ref):
    mu = st[0:1, :] * (1.0 / N)
    ey2 = st[1:2, :] * (1.0 / N)
    var = ey2 - mu * mu
    a = g_ref[0:1, :] * lax.rsqrt(var + EPS)
    cvec = bt_ref[0:1, :] - mu * a
    return a, cvec


def _phase_a(i, s_ref, z_ref, deg_ref, b_ref, y_s, acc):
    @pl.when(i == 0)
    def _():
        acc[...] = jnp.zeros_like(acc)

    dinv, deg = _dinv_of(deg_ref)
    sfull = jnp.concatenate([s_ref[0], s_ref[1]], axis=1)
    p = dinv * sfull + z_ref[...] / deg
    y = jnp.maximum(p + b_ref[0:1, :], 0.0)
    rows = i * BR + lax.broadcasted_iota(jnp.int32, (BR, 1), 0)
    y = jnp.where(rows < N, y, 0.0)
    y_s[pl.ds(i * BR, BR), :] = y
    acc[0:1, :] += jnp.sum(y, axis=0, keepdims=True)
    acc[1:2, :] += jnp.sum(y * y, axis=0, keepdims=True)


def _pm_body(s_ref, z_ref, deg_ref, b_ref, g_ref, bt_ref, w_ref,
             z2_ref, u_ref, y_s, acc):
    i = pl.program_id(0)

    @pl.when(i < NBLK)
    def _():
        _phase_a(i, s_ref, z_ref, deg_ref, b_ref, y_s, acc)

    @pl.when(i >= NBLK)
    def _():
        j = i - NBLK
        a, cvec = _bn_affine(acc, g_ref, bt_ref)
        bn = y_s[pl.ds(j * BR, BR), :] * a + cvec
        z = jnp.dot(bn, w_ref[...], preferred_element_type=jnp.float32)
        z2_ref[...] = z
        dinv, _ = _dinv_of(deg_ref)
        rows = j * BR + lax.broadcasted_iota(jnp.int32, (BR, 1), 0)
        u = jnp.where(rows < N, z * dinv, 0.0)
        u_ref[0] = u[:, :H]
        u_ref[1] = u[:, H:]


def _ab_idx(i):
    return jnp.where(i < NBLK, i, i - NBLK)


_pm_call = pl.pallas_call(
    _pm_body,
    grid=(2 * NBLK,),
    in_specs=[
        pl.BlockSpec((NC, BR, H), lambda i: (0, jnp.where(i < NBLK, i, 0), 0)),
        pl.BlockSpec((BR, D), lambda i: (jnp.where(i < NBLK, i, 0), 0)),
        pl.BlockSpec((NC, BR, H), lambda i: (0, _ab_idx(i), 0)),
        pl.BlockSpec((8, D), lambda i: (0, 0)),
        pl.BlockSpec((8, D), lambda i: (0, 0)),
        pl.BlockSpec((8, D), lambda i: (0, 0)),
        pl.BlockSpec((D, D), lambda i: (0, 0)),
    ],
    out_specs=[
        pl.BlockSpec((BR, D), lambda i: (jnp.where(i < NBLK, 0, i - NBLK), 0)),
        pl.BlockSpec((NC, BR, H),
                     lambda i: (0, jnp.where(i < NBLK, 0, i - NBLK), 0)),
    ],
    out_shape=[
        jax.ShapeDtypeStruct((NPAD, D), jnp.float32),
        jax.ShapeDtypeStruct((NC, NPAD, H), jnp.float32),
    ],
    scratch_shapes=[pltpu.VMEM((NPAD, D), jnp.float32),
                    pltpu.VMEM((8, D), jnp.float32)],
)


NFB = N // FBR


def _pf_body(s_ref, z_ref, deg_ref, b_ref, g_ref, bt_ref, o_ref, y_s, acc):
    i = pl.program_id(0)

    @pl.when(i < NBLK)
    def _():
        _phase_a(i, s_ref, z_ref, deg_ref, b_ref, y_s, acc)

    @pl.when(i >= NBLK)
    def _():
        j = i - NBLK
        a, cvec = _bn_affine(acc, g_ref, bt_ref)
        o_ref[...] = y_s[pl.ds(j * FBR, FBR), :] * a + cvec


_pf_call = pl.pallas_call(
    _pf_body,
    grid=(NBLK + NFB,),
    in_specs=[
        pl.BlockSpec((NC, BR, H), lambda i: (0, jnp.where(i < NBLK, i, 0), 0)),
        pl.BlockSpec((BR, D), lambda i: (jnp.where(i < NBLK, i, 0), 0)),
        pl.BlockSpec((NC, BR, H), lambda i: (0, jnp.where(i < NBLK, i, 0), 0)),
        pl.BlockSpec((8, D), lambda i: (0, 0)),
        pl.BlockSpec((8, D), lambda i: (0, 0)),
        pl.BlockSpec((8, D), lambda i: (0, 0)),
    ],
    out_specs=pl.BlockSpec((FBR, D), lambda i: (jnp.where(i < NBLK, 0, i - NBLK), 0)),
    out_shape=jax.ShapeDtypeStruct((N, D), jnp.float32),
    scratch_shapes=[pltpu.VMEM((NPAD, D), jnp.float32),
                    pltpu.VMEM((8, D), jnp.float32)],
)



def _row8(v):
    return jnp.broadcast_to(v.reshape(1, D), (8, D))


def kernel(x, edge_index, W1, b1, g1, bt1, W2, b2, g2, bt2, W3, b3, g3, bt3):
    src = edge_index[0].astype(jnp.int32)
    dst = edge_index[1].astype(jnp.int32)
    pad_e = EPAD - E
    src_p = jnp.concatenate(
        [src, jnp.full((pad_e,), N, jnp.int32)]).reshape(EPAD // CHUNK, CHUNK)
    dst_p = jnp.concatenate(
        [dst, jnp.full((pad_e,), NPAD - 1, jnp.int32)]).reshape(EPAD // CHUNK, CHUNK)
    x_p = jnp.pad(x, ((0, NPAD - N), (0, 0)))

    deg_parts = _deg_call(dst_p)
    z, u = _mm1_call(x_p, W1, deg_parts)

    for (b, g, bt, Wn) in ((b1, g1, bt1, W2), (b2, g2, bt2, W3)):
        sagg = _scat_call(u.reshape(NC * NPAD, H), src_p, dst_p)
        z, u = _pm_call(sagg, z, deg_parts, _row8(b), _row8(g), _row8(bt), Wn)

    sagg = _scat_call(u.reshape(NC * NPAD, H), src_p, dst_p)
    return _pf_call(sagg, z, deg_parts, _row8(b3), _row8(g3), _row8(bt3))

# --- scband reference (transcript-rebuilt; emitter-appended) ---
"""Pipeline reference for scband-encoder-50895362458310 (READ-ONLY COPY).

The authoritative reference and input builder live on the scoring server;
editing this copy changes nothing except your own understanding.
"""

import jax, jax.numpy as jnp
import numpy as np

N_NODES = 10000
N_EDGES = 160000
D = 256
N_LAYERS = 3

def setup_inputs(seed: int = 0) -> dict:
    key = jax.random.key(seed)
    ks = jax.random.split(key, 2 + 4 * N_LAYERS)
    inp = {}
    inp['x'] = jax.random.normal(ks[0], (N_NODES, D), dtype=jnp.float32)
    inp['edge_index'] = jax.random.randint(ks[1], (2, N_EDGES), 0, N_NODES, dtype=jnp.int64)
    scale = 1.0 / np.sqrt(D)
    for i in range(N_LAYERS):
        inp[f'W{i+1}'] = jax.random.normal(ks[2 + 4 * i], (D, D), dtype=jnp.float32) * scale
        inp[f'b{i+1}'] = jnp.zeros((D,), dtype=jnp.float32)
        inp[f'g{i+1}'] = jnp.ones((D,), dtype=jnp.float32)
        inp[f'bt{i+1}'] = jnp.zeros((D,), dtype=jnp.float32)
    return inp

def _batch_norm(x, gamma, beta, eps=1e-5):
    mean = jnp.mean(x, axis=0, keepdims=True)
    var = jnp.var(x, axis=0, keepdims=True)
    return (x - mean) / jnp.sqrt(var + eps) * gamma + beta

def _gcn_layer(x, src, dst, norm, W, b, n_nodes):
    h = x @ W
    msg = h[src] * norm[:, None]
    agg = jax.ops.segment_sum(msg, dst, num_segments=n_nodes)
    return agg + b

def reference(x, edge_index, W1, b1, g1, bt1, W2, b2, g2, bt2, W3, b3, g3, bt3):
    n_nodes = x.shape[0]
    # add self-loops (GCNConv default)
    loops = jnp.arange(n_nodes, dtype=edge_index.dtype)
    src = jnp.concatenate([edge_index[0], loops])
    dst = jnp.concatenate([edge_index[1], loops])
    deg = jax.ops.segment_sum(jnp.ones_like(dst, dtype=x.dtype), dst, num_segments=n_nodes)
    dinv = jnp.where(deg > 0, deg ** -0.5, 0.0)
    norm = dinv[src] * dinv[dst]
    params = [(W1, b1, g1, bt1), (W2, b2, g2, bt2), (W3, b3, g3, bt3)]
    h = x
    for (W, b, g, bt) in params:
        h = _gcn_layer(h, src, dst, norm, W, b, n_nodes)
        h = jax.nn.relu(h)
        h = _batch_norm(h, g, bt)
        # dropout is identity in eval / deterministic reference
    return h

if __name__ == "__main__":
    import jax
    _d = setup_inputs()
    print(jax.jit(kernel)(*tuple(_d.values())))

</pallas_src>

<mosaic_0001>
#map = affine_map<(d0, d1) -> (0, 0)>
#map1 = affine_map<(d0, d1) -> (0, 0, 0)>
module attributes {stable_mosaic.version = 14 : i64} {
  func.func @_scat_body(%arg0: i32, %arg1: i32, %arg2: memref<20480x128xf32, #tpu.memory_space<hbm>>, %arg3: memref<1280x128xi32, #tpu.memory_space<hbm>>, %arg4: memref<1280x128xi32, #tpu.memory_space<hbm>>, %arg5: memref<2x10240x128xf32, #tpu.memory_space<hbm>>, %arg6: memref<10240x128xf32, #tpu.memory_space<vmem_shared>>, %arg7: memref<2x128x128xf32, #tpu.memory_space<vmem>>, %arg8: memref<40x128xi32, #tpu.memory_space<vmem>>, %arg9: memref<40x128xi32, #tpu.memory_space<vmem>>, %arg10: memref<2x!tpu.dma_semaphore, #tpu.memory_space<semaphore_mem>>, %arg11: memref<2x!tpu.dma_semaphore, #tpu.memory_space<semaphore_mem>>) attributes {dimension_semantics = [#tpu.dimension_semantics<core_parallel>, #tpu.dimension_semantics<subcore_parallel>], iteration_bounds = array<i64: 2, 16>, scalar_prefetch = 0 : i64, scratch_operands = 6 : i64, tpu.core_type = #tpu.core_type<sc_vector_subcore>, window_params = [{transform_indices = #map}, {transform_indices = #map}, {transform_indices = #map}, {transform_indices = #map1}]} {
    %mul3A = arith.constant 10240 : i32
    %mul3A_0 = arith.muli %arg0, %mul3A : i32
    %mul3A_1 = arith.constant 80 : i32
    %mul3A_2 = arith.muli %arg1, %mul3A_1 : i32
    %add3A = arith.constant 0 : i32
    %add3A_3 = arith.addi %mul3A_2, %add3A : i32
    "tpu.region"() ({
      %run_scoped3A_290 = tpu.sem_alloc : memref<!tpu.dma_semaphore, #tpu.memory_space<semaphore_mem>>
      %dma_start3A_291 = arith.constant 0 : i32
      %dma_start3A_292 = tpu.memref_slice %arg3[%add3A_3, %dma_start3A_291] : memref<1280x128xi32, #tpu.memory_space<hbm>> -> memref<40x128xi32, #tpu.memory_space<hbm>>
      %dma_start3A_293 = arith.constant 0 : i32
      %dma_start3A_294 = tpu.memref_slice %arg3[%add3A_3, %dma_start3A_293] : memref<1280x128xi32, #tpu.memory_space<hbm>> -> memref<40x128xi32, #tpu.memory_space<hbm>>
      tpu.enqueue_dma source(%dma_start3A_294 : memref<40x128xi32, #tpu.memory_space<hbm>>) target(%arg8 : memref<40x128xi32, #tpu.memory_space<vmem>>) target_semaphore(%run_scoped3A_290 : memref<!tpu.dma_semaphore, #tpu.memory_space<semaphore_mem>>)
      %dma_wait3A_295 = arith.constant 0 : i32
      %dma_wait3A_296 = tpu.memref_slice %arg3[%add3A_3, %dma_wait3A_295] : memref<1280x128xi32, #tpu.memory_space<hbm>> -> memref<40x128xi32, #tpu.memory_space<hbm>>
      %dma_wait3A_297 = arith.constant 0 : i32
      %dma_wait3A_298 = tpu.memref_slice %arg3[%add3A_3, %dma_wait3A_297] : memref<1280x128xi32, #tpu.memory_space<hbm>> -> memref<40x128xi32, #tpu.memory_space<hbm>>
      tpu.wait_dma2 semaphore(%run_scoped3A_290 : memref<!tpu.dma_semaphore, #tpu.memory_space<semaphore_mem>>) src(%dma_wait3A_298 : memref<40x128xi32, #tpu.memory_space<hbm>>) dst(%arg8 : memref<40x128xi32, #tpu.memory_space<vmem>>)
      tpu.yield
    }) : () -> ()
    "tpu.region"() ({
      %run_scoped3A_290 = tpu.sem_alloc : memref<!tpu.dma_semaphore, #tpu.memory_space<semaphore_mem>>
      %dma_start3A_291 = arith.constant 0 : i32
      %dma_start3A_292 = tpu.memref_slice %arg4[%add3A_3, %dma_start3A_291] : memref<1280x128xi32, #tpu.memory_space<hbm>> -> memref<40x128xi32, #tpu.memory_space<hbm>>
      %dma_start3A_293 = arith.constant 0 : i32
      %dma_start3A_294 = tpu.memref_slice %arg4[%add3A_3, %dma_start3A_293] : memref<1280x128xi32, #tpu.memory_space<hbm>> -> memref<40x128xi32, #tpu.memory_space<hbm>>
      tpu.enqueue_dma source(%dma_start3A_294 : memref<40x128xi32, #tpu.memory_space<hbm>>) target(%arg9 : memref<40x128xi32, #tpu.memory_space<vmem>>) target_semaphore(%run_scoped3A_290 : memref<!tpu.dma_semaphore, #tpu.memory_space<semaphore_mem>>)
      %dma_wait3A_295 = arith.constant 0 : i32
      %dma_wait3A_296 = tpu.memref_slice %arg4[%add3A_3, %dma_wait3A_295] : memref<1280x128xi32, #tpu.memory_space<hbm>> -> memref<40x128xi32, #tpu.memory_space<hbm>>
      %dma_wait3A_297 = arith.constant 0 : i32
      %dma_wait3A_298 = tpu.memref_slice %arg4[%add3A_3, %dma_wait3A_297] : memref<1280x128xi32, #tpu.memory_space<hbm>> -> memref<40x128xi32, #tpu.memory_space<hbm>>
      tpu.wait_dma2 semaphore(%run_scoped3A_290 : memref<!tpu.dma_semaphore, #tpu.memory_space<semaphore_mem>>) src(%dma_wait3A_298 : memref<40x128xi32, #tpu.memory_space<hbm>>) dst(%arg9 : memref<40x128xi32, #tpu.memory_space<vmem>>)
      tpu.yield
    }) : () -> ()
    %scan3A = arith.constant 0 : i32
    %scan3A_4 = arith.constant 0 : i32
    %scan3A_5 = arith.constant 320 : i32
    %scan3A_6 = arith.addi %scan3A_4, %scan3A_5 : i32
    %scan3A_7 = arith.constant 1 : i32
    %scan3A_8 = scf.for %scan3A_290 = %scan3A_4 to %scan3A_6 step %scan3A_7 iter_args(%scan3A_291 = %scan3A) -> (i32)  : i32 {
      %jit3A = arith.constant 8 : i32
      %div3A = arith.divsi %scan3A_290, %jit3A : i32
      %sign3A = arith.constant 0 : i32
      %sign3A_292 = arith.cmpi sgt, %scan3A_290, %sign3A : i32
      %sign3A_293 = arith.extui %sign3A_292 : i1 to i32
      %sign3A_294 = arith.constant 0 : i32
      %sign3A_295 = arith.cmpi slt, %scan3A_290, %sign3A_294 : i32
      %sign3A_296 = arith.extui %sign3A_295 : i1 to i32
      %sign3A_297 = arith.subi %sign3A_293, %sign3A_296 : i32
      %sign3A_298 = arith.constant 0 : i32
      %sign3A_299 = arith.cmpi sgt, %jit3A, %sign3A_298 : i32
      %sign3A_300 = arith.extui %sign3A_299 : i1 to i32
      %sign3A_301 = arith.constant 0 : i32
      %sign3A_302 = arith.cmpi slt, %jit3A, %sign3A_301 : i32
      %sign3A_303 = arith.extui %sign3A_302 : i1 to i32
      %sign3A_304 = arith.subi %sign3A_300, %sign3A_303 : i32
      %ne3A = arith.cmpi ne, %sign3A_297, %sign3A_304 : i32
      %rem3A = arith.remsi %scan3A_290, %jit3A : i32
      %ne3A_305 = arith.constant 0 : i32
      %ne3A_306 = arith.cmpi ne, %rem3A, %ne3A_305 : i32
      %and3A = arith.andi %ne3A, %ne3A_306 : i1
      %sub3A = arith.constant 1 : i32
      %sub3A_307 = arith.subi %div3A, %sub3A : i32
      %select_n3A = arith.select %and3A, %sub3A_307, %div3A : i32
      %mul3A_308 = arith.constant 8 : i32
      %mul3A_309 = arith.muli %select_n3A, %mul3A_308 : i32
      %sub3A_310 = arith.subi %scan3A_290, %mul3A_309 : i32
      %mul3A_311 = arith.constant 16 : i32
      %mul3A_312 = arith.muli %sub3A_310, %mul3A_311 : i32
      %get3A = arith.index_cast %select_n3A : i32 to index
      %get3A_313 = arith.index_cast %mul3A_312 : i32 to index
      %get3A_314 = tpu.vector_load %arg8[%get3A, %get3A_313] {strides = array<i32>} : memref<40x128xi32, #tpu.memory_space<vmem>>, vector<1x16xi32>,
      %get3A_315 = vector.shape_cast %get3A_314 : vector<1x16xi32> to vector<16xi32>
      %add3A_316 = vector.broadcast %mul3A_0 : i32 to vector<16xi32>
      %add3A_317 = arith.addi %get3A_315, %add3A_316 : vector<16xi32>
      %swap3A = arith.index_cast %select_n3A : i32 to index
      %swap3A_318 = arith.index_cast %mul3A_312 : i32 to index
      %swap3A_319 = tpu.vector_load %arg8[%swap3A, %swap3A_318] {strides = array<i32>} : memref<40x128xi32, #tpu.memory_space<vmem>>, vector<1x16xi32>,
      %swap3A_320 = vector.shape_cast %swap3A_319 : vector<1x16xi32> to vector<16xi32>
      %swap3A_321 = vector.shape_cast %add3A_317 : vector<16xi32> to vector<1x16xi32>
      tpu.vector_store %arg8[%swap3A, %swap3A_318], %swap3A_321 {strides = array<i32>} : memref<40x128xi32, #tpu.memory_space<vmem>>, vector<1x16xi32>,
      %scan3A_322 = arith.constant 0 : i32
      scf.yield %scan3A_322 : i32
    }
    %scan3A_9 = arith.constant 320 : i32
    %dma_start3A = arith.constant 0 : i32
    %dma_start3A_10 = arith.constant 0 : i32
    %dma_start3A_11 = arith.constant 0 : i32
    %dma_start3A_12 = arith.constant 0 : i32
    %dma_start3A_13 = arith.constant 0 : i32
    %dma_start3A_14 = tpu.memref_slice %arg7[%dma_start3A_10, %dma_start3A_12, %dma_start3A_13] : memref<2x128x128xf32, #tpu.memory_space<vmem>> -> memref<1x128x128xf32, #tpu.memory_space<vmem>>
    %dma_start3A_15 = tpu.memref_squeeze %dma_start3A_14 : memref<1x128x128xf32, #tpu.memory_space<vmem>> -> memref<128x128xf32, #tpu.memory_space<vmem>>
    %dma_start3A_16 = arith.constant 0 : i32
    %dma_start3A_17 = tpu.memref_slice %arg8[%dma_start3A, %dma_start3A_16] : memref<40x128xi32, #tpu.memory_space<vmem>> -> memref<1x128xi32, #tpu.memory_space<vmem>>
    %dma_start3A_18 = tpu.memref_squeeze %dma_start3A_17 : memref<1x128xi32, #tpu.memory_space<vmem>> -> memref<128xi32, #tpu.memory_space<vmem>>
    %dma_start3A_19 = arith.constant 0 : i32
    %dma_start3A_20 = arith.constant 0 : i32
    %dma_start3A_21 = tpu.memref_slice %arg2[%dma_start3A_19, %dma_start3A_20] : memref<20480x128xf32, #tpu.memory_space<hbm>> -> memref<20480x128xf32, #tpu.memory_space<hbm>>
    %dma_start3A_22 = tpu.memref_slice %arg10[%dma_start3A_11] : memref<2x!tpu.dma_semaphore, #tpu.memory_space<semaphore_mem>> -> memref<1x!tpu.dma_semaphore, #tpu.memory_space<semaphore_mem>>
    %dma_start3A_23 = tpu.memref_squeeze %dma_start3A_22 : memref<1x!tpu.dma_semaphore, #tpu.memory_space<semaphore_mem>> -> memref<!tpu.dma_semaphore, #tpu.memory_space<semaphore_mem>>
    tpu.enqueue_indirect_dma source(%dma_start3A_21 : memref<20480x128xf32, #tpu.memory_space<hbm>>) target(%dma_start3A_15 : memref<128x128xf32, #tpu.memory_space<vmem>>) offsets(%dma_start3A_18 : memref<128xi32, #tpu.memory_space<vmem>>) semaphore(%dma_start3A_23 : memref<!tpu.dma_semaphore, #tpu.memory_space<semaphore_mem>>)
    %scan3A_24 = arith.constant 0 : i32
    %scan3A_25 = arith.constant 0 : i32
    %scan3A_26 = arith.constant 1024 : i32
    %scan3A_27 = arith.addi %scan3A_25, %scan3A_26 : i32
    %scan3A_28 = arith.constant 1 : i32
    %scan3A_29 = scf.for %scan3A_290 = %scan3A_25 to %scan3A_27 step %scan3A_28 iter_args(%scan3A_291 = %scan3A_24) -> (i32)  : i32 {
      %jit3A = arith.constant 8 : i32
      %div3A = arith.divsi %scan3A_290, %jit3A : i32
      %sign3A = arith.constant 0 : i32
      %sign3A_292 = arith.cmpi sgt, %scan3A_290, %sign3A : i32
      %sign3A_293 = arith.extui %sign3A_292 : i1 to i32
      %sign3A_294 = arith.constant 0 : i32
      %sign3A_295 = arith.cmpi slt, %scan3A_290, %sign3A_294 : i32
      %sign3A_296 = arith.extui %sign3A_295 : i1 to i32
      %sign3A_297 = arith.subi %sign3A_293, %sign3A_296 : i32
      %sign3A_298 = arith.constant 0 : i32
      %sign3A_299 = arith.cmpi sgt, %jit3A, %sign3A_298 : i32
      %sign3A_300 = arith.extui %sign3A_299 : i1 to i32
      %sign3A_301 = arith.constant 0 : i32
      %sign3A_302 = arith.cmpi slt, %jit3A, %sign3A_301 : i32
      %sign3A_303 = arith.extui %sign3A_302 : i1 to i32
      %sign3A_304 = arith.subi %sign3A_300, %sign3A_303 : i32
      %ne3A = arith.cmpi ne, %sign3A_297, %sign3A_304 : i32
      %rem3A = arith.remsi %scan3A_290, %jit3A : i32
      %ne3A_305 = arith.constant 0 : i32
      %ne3A_306 = arith.cmpi ne, %rem3A, %ne3A_305 : i32
      %and3A = arith.andi %ne3A, %ne3A_306 : i1
      %sub3A = arith.constant 1 : i32
      %sub3A_307 = arith.subi %div3A, %sub3A : i32
      %select_n3A = arith.select %and3A, %sub3A_307, %div3A : i32
      %mul3A_308 = arith.constant 8 : i32
      %mul3A_309 = arith.muli %select_n3A, %mul3A_308 : i32
      %sub3A_310 = arith.subi %scan3A_290, %mul3A_309 : i32
      %broadcast_in_dim3A = arith.constant 0.000000e+00 : f32
      %broadcast_in_dim3A_311 = vector.broadcast %broadcast_in_dim3A : f32 to vector<16xf32>
      %mul3A_312 = arith.constant 16 : i32
      %mul3A_313 = arith.muli %sub3A_310, %mul3A_312 : i32
      %swap3A = arith.constant 1 : i32
      %swap3A_314 = arith.index_cast %swap3A : i32 to index
      %swap3A_315 = arith.index_cast %select_n3A : i32 to index
      %swap3A_316 = arith.index_cast %mul3A_313 : i32 to index
      %swap3A_317 = tpu.vector_load %arg7[%swap3A_314, %swap3A_315, %swap3A_316] {strides = array<i32>} : memref<2x128x128xf32, #tpu.memory_space<vmem>>, vector<1x1x16xf32>,
      %swap3A_318 = vector.shape_cast %swap3A_317 : vector<1x1x16xf32> to vector<16xf32>
      %swap3A_319 = vector.shape_cast %broadcast_in_dim3A_311 : vector<16xf32> to vector<1x1x16xf32>
      tpu.vector_store %arg7[%swap3A_314, %swap3A_315, %swap3A_316], %swap3A_319 {strides = array<i32>} : memref<2x128x128xf32, #tpu.memory_space<vmem>>, vector<1x1x16xf32>,
      %scan3A_320 = arith.constant 0 : i32
      scf.yield %scan3A_320 : i32
    }
    %scan3A_30 = arith.constant 1024 : i32
    %mul3A_31 = arith.constant 640 : i32
    %mul3A_32 = arith.muli %arg1, %mul3A_31 : i32
    %add3A_33 = arith.constant 0 : i32
    %add3A_34 = arith.addi %mul3A_32, %add3A_33 : i32
    %run_scoped3A = arith.constant 1 : i32
    "tpu.region"() ({
      %run_scoped3A_290 = tpu.sem_alloc : memref<!tpu.dma_semaphore, #tpu.memory_space<semaphore_mem>>
      %dma_start3A_291 = arith.constant 0 : i32
      %dma_start3A_292 = arith.constant 0 : i32
      %dma_start3A_293 = tpu.memref_slice %arg7[%run_scoped3A, %dma_start3A_291, %dma_start3A_292] : memref<2x128x128xf32, #tpu.memory_space<vmem>> -> memref<1x128x128xf32, #tpu.memory_space<vmem>>
      %dma_start3A_294 = tpu.memref_squeeze %dma_start3A_293 : memref<1x128x128xf32, #tpu.memory_space<vmem>> -> memref<128x128xf32, #tpu.memory_space<vmem>>
      %dma_start3A_295 = arith.constant 0 : i32
      %dma_start3A_296 = tpu.memref_slice %arg6[%add3A_34, %dma_start3A_295] : memref<10240x128xf32, #tpu.memory_space<vmem_shared>> -> memref<128x128xf32, #tpu.memory_space<vmem_shared>>
      %dma_start3A_297 = arith.constant 0 : i32
      %dma_start3A_298 = tpu.memref_slice %arg6[%add3A_34, %dma_start3A_297] : memref<10240x128xf32, #tpu.memory_space<vmem_shared>> -> memref<128x128xf32, #tpu.memory_space<vmem_shared>>
      %dma_start3A_299 = arith.constant 0 : i32
      %dma_start3A_300 = arith.constant 0 : i32
      %dma_start3A_301 = tpu.memref_slice %arg7[%run_scoped3A, %dma_start3A_299, %dma_start3A_300] : memref<2x128x128xf32, #tpu.memory_space<vmem>> -> memref<1x128x128xf32, #tpu.memory_space<vmem>>
      %dma_start3A_302 = tpu.memref_squeeze %dma_start3A_301 : memref<1x128x128xf32, #tpu.memory_space<vmem>> -> memref<128x128xf32, #tpu.memory_space<vmem>>
      tpu.enqueue_dma source(%dma_start3A_302 : memref<128x128xf32, #tpu.memory_space<vmem>>) target(%dma_start3A_298 : memref<128x128xf32, #tpu.memory_space<vmem_shared>>) target_semaphore(%run_scoped3A_290 : memref<!tpu.dma_semaphore, #tpu.memory_space<semaphore_mem>>)
      %dma_wait3A_303 = arith.constant 0 : i32
      %dma_wait3A_304 = arith.constant 0 : i32
      %dma_wait3A_305 = tpu.memref_slice %arg7[%run_scoped3A, %dma_wait3A_303, %dma_wait3A_304] : memref<2x128x128xf32, #tpu.memory_space<vmem>> -> memref<1x128x128xf32, #tpu.memory_space<vmem>>
      %dma_wait3A_306 = tpu.memref_squeeze %dma_wait3A_305 : memref<1x128x128xf32, #tpu.memory_space<vmem>> -> memref<128x128xf32, #tpu.memory_space<vmem>>
      %dma_wait3A_307 = arith.constant 0 : i32
      %dma_wait3A_308 = tpu.memref_slice %arg6[%add3A_34, %dma_wait3A_307] : memref<10240x128xf32, #tpu.memory_space<vmem_shared>> -> memref<128x128xf32, #tpu.memory_space<vmem_shared>>
      %dma_wait3A_309 = arith.constant 0 : i32
      %dma_wait3A_310 = tpu.memref_slice %arg6[%add3A_34, %dma_wait3A_309] : memref<10240x128xf32, #tpu.memory_space<vmem_shared>> -> memref<128x128xf32, #tpu.memory_space<vmem_shared>>
      %dma_wait3A_311 = arith.constant 0 : i32
      %dma_wait3A_312 = arith.constant 0 : i32
      %dma_wait3A_313 = tpu.memref_slice %arg7[%run_scoped3A, %dma_wait3A_311, %dma_wait3A_312] : memref<2x128x128xf32, #tpu.memory_space<vmem>> -> memref<1x128x128xf32, #tpu.memory_space<vmem>>
      %dma_wait3A_314 = tpu.memref_squeeze %dma_wait3A_313 : memref<1x128x128xf32, #tpu.memory_space<vmem>> -> memref<128x128xf32, #tpu.memory_space<vmem>>
      tpu.wait_dma2 semaphore(%run_scoped3A_290 : memref<!tpu.dma_semaphore, #tpu.memory_space<semaphore_mem>>) src(%dma_wait3A_314 : memref<128x128xf32, #tpu.memory_space<vmem>>) dst(%dma_wait3A_310 : memref<128x128xf32, #tpu.memory_space<vmem_shared>>)
      tpu.yield
    }) : () -> ()
    %mul3A_35 = arith.constant 640 : i32
    %mul3A_36 = arith.muli %arg1, %mul3A_35 : i32
    %add3A_37 = arith.constant 128 : i32
    %add3A_38 = arith.addi %mul3A_36, %add3A_37 : i32
    %run_scoped3A_39 = arith.constant 1 : i32
    "tpu.region"() ({
      %run_scoped3A_290 = tpu.sem_alloc : memref<!tpu.dma_semaphore, #tpu.memory_space<semaphore_mem>>
      %dma_start3A_291 = arith.constant 0 : i32
      %dma_start3A_292 = arith.constant 0 : i32
      %dma_start3A_293 = tpu.memref_slice %arg7[%run_scoped3A_39, %dma_start3A_291, %dma_start3A_292] : memref<2x128x128xf32, #tpu.memory_space<vmem>> -> memref<1x128x128xf32, #tpu.memory_space<vmem>>
      %dma_start3A_294 = tpu.memref_squeeze %dma_start3A_293 : memref<1x128x128xf32, #tpu.memory_space<vmem>> -> memref<128x128xf32, #tpu.memory_space<vmem>>
      %dma_start3A_295 = arith.constant 0 : i32
      %dma_start3A_296 = tpu.memref_slice %arg6[%add3A_38, %dma_start3A_295] : memref<10240x128xf32, #tpu.memory_space<vmem_shared>> -> memref<128x128xf32, #tpu.memory_space<vmem_shared>>
      %dma_start3A_297 = arith.constant 0 : i32
      %dma_start3A_298 = tpu.memref_slice %arg6[%add3A_38, %dma_start3A_297] : memref<10240x128xf32, #tpu.memory_space<vmem_shared>> -> memref<128x128xf32, #tpu.memory_space<vmem_shared>>
      %dma_start3A_299 = arith.constant 0 : i32
      %dma_start3A_300 = arith.constant 0 : i32
      %dma_start3A_301 = tpu.memref_slice %arg7[%run_scoped3A_39, %dma_start3A_299, %dma_start3A_300] : memref<2x128x128xf32, #tpu.memory_space<vmem>> -> memref<1x128x128xf32, #tpu.memory_space<vmem>>
      %dma_start3A_302 = tpu.memref_squeeze %dma_start3A_301 : memref<1x128x128xf32, #tpu.memory_space<vmem>> -> memref<128x128xf32, #tpu.memory_space<vmem>>
      tpu.enqueue_dma source(%dma_start3A_302 : memref<128x128xf32, #tpu.memory_space<vmem>>) target(%dma_start3A_298 : memref<128x128xf32, #tpu.memory_space<vmem_shared>>) target_semaphore(%run_scoped3A_290 : memref<!tpu.dma_semaphore, #tpu.memory_space<semaphore_mem>>)
      %dma_wait3A_303 = arith.constant 0 : i32
      %dma_wait3A_304 = arith.constant 0 : i32
      %dma_wait3A_305 = tpu.memref_slice %arg7[%run_scoped3A_39, %dma_wait3A_303, %dma_wait3A_304] : memref<2x128x128xf32, #tpu.memory_space<vmem>> -> memref<1x128x128xf32, #tpu.memory_space<vmem>>
      %dma_wait3A_306 = tpu.memref_squeeze %dma_wait3A_305 : memref<1x128x128xf32, #tpu.memory_space<vmem>> -> memref<128x128xf32, #tpu.memory_space<vmem>>
      %dma_wait3A_307 = arith.constant 0 : i32
      %dma_wait3A_308 = tpu.memref_slice %arg6[%add3A_38, %dma_wait3A_307] : memref<10240x128xf32, #tpu.memory_space<vmem_shared>> -> memref<128x128xf32, #tpu.memory_space<vmem_shared>>
      %dma_wait3A_309 = arith.constant 0 : i32
      %dma_wait3A_310 = tpu.memref_slice %arg6[%add3A_38, %dma_wait3A_309] : memref<10240x128xf32, #tpu.memory_space<vmem_shared>> -> memref<128x128xf32, #tpu.memory_space<vmem_shared>>
      %dma_wait3A_311 = arith.constant 0 : i32
      %dma_wait3A_312 = arith.constant 0 : i32
      %dma_wait3A_313 = tpu.memref_slice %arg7[%run_scoped3A_39, %dma_wait3A_311, %dma_wait3A_312] : memref<2x128x128xf32, #tpu.memory_space<vmem>> -> memref<1x128x128xf32, #tpu.memory_space<vmem>>
      %dma_wait3A_314 = tpu.memref_squeeze %dma_wait3A_313 : memref<1x128x128xf32, #tpu.memory_space<vmem>> -> memref<128x128xf32, #tpu.memory_space<vmem>>
      tpu.wait_dma2 semaphore(%run_scoped3A_290 : memref<!tpu.dma_semaphore, #tpu.memory_space<semaphore_mem>>) src(%dma_wait3A_314 : memref<128x128xf32, #tpu.memory_space<vmem>>) dst(%dma_wait3A_310 : memref<128x128xf32, #tpu.memory_space<vmem_shared>>)
      tpu.yield
    }) : () -> ()
    %mul3A_40 = arith.constant 640 : i32
    %mul3A_41 = arith.muli %arg1, %mul3A_40 : i32
    %add3A_42 = arith.constant 256 : i32
    %add3A_43 = arith.addi %mul3A_41, %add3A_42 : i32
    %run_scoped3A_44 = arith.constant 1 : i32
    "tpu.region"() ({
      %run_scoped3A_290 = tpu.sem_alloc : memref<!tpu.dma_semaphore, #tpu.memory_space<semaphore_mem>>
      %dma_start3A_291 = arith.constant 0 : i32
      %dma_start3A_292 = arith.constant 0 : i32
      %dma_start3A_293 = tpu.memref_slice %arg7[%run_scoped3A_44, %dma_start3A_291, %dma_start3A_292] : memref<2x128x128xf32, #tpu.memory_space<vmem>> -> memref<1x128x128xf32, #tpu.memory_space<vmem>>
      %dma_start3A_294 = tpu.memref_squeeze %dma_start3A_293 : memref<1x128x128xf32, #tpu.memory_space<vmem>> -> memref<128x128xf32, #tpu.memory_space<vmem>>
      %dma_start3A_295 = arith.constant 0 : i32
      %dma_start3A_296 = tpu.memref_slice %arg6[%add3A_43, %dma_start3A_295] : memref<10240x128xf32, #tpu.memory_space<vmem_shared>> -> memref<128x128xf32, #tpu.memory_space<vmem_shared>>
      %dma_start3A_297 = arith.constant 0 : i32
      %dma_start3A_298 = tpu.memref_slice %arg6[%add3A_43, %dma_start3A_297] : memref<10240x128xf32, #tpu.memory_space<vmem_shared>> -> memref<128x128xf32, #tpu.memory_space<vmem_shared>>
      %dma_start3A_299 = arith.constant 0 : i32
      %dma_start3A_300 = arith.constant 0 : i32
      %dma_start3A_301 = tpu.memref_slice %arg7[%run_scoped3A_44, %dma_start3A_299, %dma_start3A_300] : memref<2x128x128xf32, #tpu.memory_space<vmem>> -> memref<1x128x128xf32, #tpu.memory_space<vmem>>
      %dma_start3A_302 = tpu.memref_squeeze %dma_start3A_301 : memref<1x128x128xf32, #tpu.memory_space<vmem>> -> memref<128x128xf32, #tpu.memory_space<vmem>>
      tpu.enqueue_dma source(%dma_start3A_302 : memref<128x128xf32, #tpu.memory_space<vmem>>) target(%dma_start3A_298 : memref<128x128xf32, #tpu.memory_space<vmem_shared>>) target_semaphore(%run_scoped3A_290 : memref<!tpu.dma_semaphore, #tpu.memory_space<semaphore_mem>>)
      %dma_wait3A_303 = arith.constant 0 : i32
      %dma_wait3A_304 = arith.constant 0 : i32
      %dma_wait3A_305 = tpu.memref_slice %arg7[%run_scoped3A_44, %dma_wait3A_303, %dma_wait3A_304] : memref<2x128x128xf32, #tpu.memory_space<vmem>> -> memref<1x128x128xf32, #tpu.memory_space<vmem>>
      %dma_wait3A_306 = tpu.memref_squeeze %dma_wait3A_305 : memref<1x128x128xf32, #tpu.memory_space<vmem>> -> memref<128x128xf32, #tpu.memory_space<vmem>>
      %dma_wait3A_307 = arith.constant 0 : i32
      %dma_wait3A_308 = tpu.memref_slice %arg6[%add3A_43, %dma_wait3A_307] : memref<10240x128xf32, #tpu.memory_space<vmem_shared>> -> memref<128x128xf32, #tpu.memory_space<vmem_shared>>
      %dma_wait3A_309 = arith.constant 0 : i32
      %dma_wait3A_310 = tpu.memref_slice %arg6[%add3A_43, %dma_wait3A_309] : memref<10240x128xf32, #tpu.memory_space<vmem_shared>> -> memref<128x128xf32, #tpu.memory_space<vmem_shared>>
      %dma_wait3A_311 = arith.constant 0 : i32
      %dma_wait3A_312 = arith.constant 0 : i32
      %dma_wait3A_313 = tpu.memref_slice %arg7[%run_scoped3A_44, %dma_wait3A_311, %dma_wait3A_312] : memref<2x128x128xf32, #tpu.memory_space<vmem>> -> memref<1x128x128xf32, #tpu.memory_space<vmem>>
      %dma_wait3A_314 = tpu.memref_squeeze %dma_wait3A_313 : memref<1x128x128xf32, #tpu.memory_space<vmem>> -> memref<128x128xf32, #tpu.memory_space<vmem>>
      tpu.wait_dma2 semaphore(%run_scoped3A_290 : memref<!tpu.dma_semaphore, #tpu.memory_space<semaphore_mem>>) src(%dma_wait3A_314 : memref<128x128xf32, #tpu.memory_space<vmem>>) dst(%dma_wait3A_310 : memref<128x128xf32, #tpu.memory_space<vmem_shared>>)
      tpu.yield
    }) : () -> ()
    %mul3A_45 = arith.constant 640 : i32
    %mul3A_46 = arith.muli %arg1, %mul3A_45 : i32
    %add3A_47 = arith.constant 384 : i32
    %add3A_48 = arith.addi %mul3A_46, %add3A_47 : i32
    %run_scoped3A_49 = arith.constant 1 : i32
    "tpu.region"() ({
      %run_scoped3A_290 = tpu.sem_alloc : memref<!tpu.dma_semaphore, #tpu.memory_space<semaphore_mem>>
      %dma_start3A_291 = arith.constant 0 : i32
      %dma_start3A_292 = arith.constant 0 : i32
      %dma_start3A_293 = tpu.memref_slice %arg7[%run_scoped3A_49, %dma_start3A_291, %dma_start3A_292] : memref<2x128x128xf32, #tpu.memory_space<vmem>> -> memref<1x128x128xf32, #tpu.memory_space<vmem>>
      %dma_start3A_294 = tpu.memref_squeeze %dma_start3A_293 : memref<1x128x128xf32, #tpu.memory_space<vmem>> -> memref<128x128xf32, #tpu.memory_space<vmem>>
      %dma_start3A_295 = arith.constant 0 : i32
      %dma_start3A_296 = tpu.memref_slice %arg6[%add3A_48, %dma_start3A_295] : memref<10240x128xf32, #tpu.memory_space<vmem_shared>> -> memref<128x128xf32, #tpu.memory_space<vmem_shared>>
      %dma_start3A_297 = arith.constant 0 : i32
      %dma_start3A_298 = tpu.memref_slice %arg6[%add3A_48, %dma_start3A_297] : memref<10240x128xf32, #tpu.memory_space<vmem_shared>> -> memref<128x128xf32, #tpu.memory_space<vmem_shared>>
      %dma_start3A_299 = arith.constant 0 : i32
      %dma_start3A_300 = arith.constant 0 : i32
      %dma_start3A_301 = tpu.memref_slice %arg7[%run_scoped3A_49, %dma_start3A_299, %dma_start3A_300] : memref<2x128x128xf32, #tpu.memory_space<vmem>> -> memref<1x128x128xf32, #tpu.memory_space<vmem>>
      %dma_start3A_302 = tpu.memref_squeeze %dma_start3A_301 : memref<1x128x128xf32, #tpu.memory_space<vmem>> -> memref<128x128xf32, #tpu.memory_space<vmem>>
      tpu.enqueue_dma source(%dma_start3A_302 : memref<128x128xf32, #tpu.memory_space<vmem>>) target(%dma_start3A_298 : memref<128x128xf32, #tpu.memory_space<vmem_shared>>) target_semaphore(%run_scoped3A_290 : memref<!tpu.dma_semaphore, #tpu.memory_space<semaphore_mem>>)
      %dma_wait3A_303 = arith.constant 0 : i32
      %dma_wait3A_304 = arith.constant 0 : i32
      %dma_wait3A_305 = tpu.memref_slice %arg7[%run_scoped3A_49, %dma_wait3A_303, %dma_wait3A_304] : memref<2x128x128xf32, #tpu.memory_space<vmem>> -> memref<1x128x128xf32, #tpu.memory_space<vmem>>
      %dma_wait3A_306 = tpu.memref_squeeze %dma_wait3A_305 : memref<1x128x128xf32, #tpu.memory_space<vmem>> -> memref<128x128xf32, #tpu.memory_space<vmem>>
      %dma_wait3A_307 = arith.constant 0 : i32
      %dma_wait3A_308 = tpu.memref_slice %arg6[%add3A_48, %dma_wait3A_307] : memref<10240x128xf32, #tpu.memory_space<vmem_shared>> -> memref<128x128xf32, #tpu.memory_space<vmem_shared>>
      %dma_wait3A_309 = arith.constant 0 : i32
      %dma_wait3A_310 = tpu.memref_slice %arg6[%add3A_48, %dma_wait3A_309] : memref<10240x128xf32, #tpu.memory_space<vmem_shared>> -> memref<128x128xf32, #tpu.memory_space<vmem_shared>>
      %dma_wait3A_311 = arith.constant 0 : i32
      %dma_wait3A_312 = arith.constant 0 : i32
      %dma_wait3A_313 = tpu.memref_slice %arg7[%run_scoped3A_49, %dma_wait3A_311, %dma_wait3A_312] : memref<2x128x128xf32, #tpu.memory_space<vmem>> -> memref<1x128x128xf32, #tpu.memory_space<vmem>>
      %dma_wait3A_314 = tpu.memref_squeeze %dma_wait3A_313 : memref<1x128x128xf32, #tpu.memory_space<vmem>> -> memref<128x128xf32, #tpu.memory_space<vmem>>
      tpu.wait_dma2 semaphore(%run_scoped3A_290 : memref<!tpu.dma_semaphore, #tpu.memory_space<semaphore_mem>>) src(%dma_wait3A_314 : memref<128x128xf32, #tpu.memory_space<vmem>>) dst(%dma_wait3A_310 : memref<128x128xf32, #tpu.memory_space<vmem_shared>>)
      tpu.yield
    }) : () -> ()
    %mul3A_50 = arith.constant 640 : i32
    %mul3A_51 = arith.muli %arg1, %mul3A_50 : i32
    %add3A_52 = arith.constant 512 : i32
    %add3A_53 = arith.addi %mul3A_51, %add3A_52 : i32
    %run_scoped3A_54 = arith.constant 1 : i32
    "tpu.region"() ({
      %run_scoped3A_290 = tpu.sem_alloc : memref<!tpu.dma_semaphore, #tpu.memory_space<semaphore_mem>>
      %dma_start3A_291 = arith.constant 0 : i32
      %dma_start3A_292 = arith.constant 0 : i32
      %dma_start3A_293 = tpu.memref_slice %arg7[%run_scoped3A_54, %dma_start3A_291, %dma_start3A_292] : memref<2x128x128xf32, #tpu.memory_space<vmem>> -> memref<1x128x128xf32, #tpu.memory_space<vmem>>
      %dma_start3A_294 = tpu.memref_squeeze %dma_start3A_293 : memref<1x128x128xf32, #tpu.memory_space<vmem>> -> memref<128x128xf32, #tpu.memory_space<vmem>>
      %dma_start3A_295 = arith.constant 0 : i32
      %dma_start3A_296 = tpu.memref_slice %arg6[%add3A_53, %dma_start3A_295] : memref<10240x128xf32, #tpu.memory_space<vmem_shared>> -> memref<128x128xf32, #tpu.memory_space<vmem_shared>>
      %dma_start3A_297 = arith.constant 0 : i32
      %dma_start3A_298 = tpu.memref_slice %arg6[%add3A_53, %dma_start3A_297] : memref<10240x128xf32, #tpu.memory_space<vmem_shared>> -> memref<128x128xf32, #tpu.memory_space<vmem_shared>>
      %dma_start3A_299 = arith.constant 0 : i32
      %dma_start3A_300 = arith.constant 0 : i32
      %dma_start3A_301 = tpu.memref_slice %arg7[%run_scoped3A_54, %dma_start3A_299, %dma_start3A_300] : memref<2x128x128xf32, #tpu.memory_space<vmem>> -> memref<1x128x128xf32, #tpu.memory_space<vmem>>
      %dma_start3A_302 = tpu.memref_squeeze %dma_start3A_301 : memref<1x128x128xf32, #tpu.memory_space<vmem>> -> memref<128x128xf32, #tpu.memory_space<vmem>>
      tpu.enqueue_dma source(%dma_start3A_302 : memref<128x128xf32, #tpu.memory_space<vmem>>) target(%dma_start3A_298 : memref<128x128xf32, #tpu.memory_space<vmem_shared>>) target_semaphore(%run_scoped3A_290 : memref<!tpu.dma_semaphore, #tpu.memory_space<semaphore_mem>>)
      %dma_wait3A_303 = arith.constant 0 : i32
      %dma_wait3A_304 = arith.constant 0 : i32
      %dma_wait3A_305 = tpu.memref_slice %arg7[%run_scoped3A_54, %dma_wait3A_303, %dma_wait3A_304] : memref<2x128x128xf32, #tpu.memory_space<vmem>> -> memref<1x128x128xf32, #tpu.memory_space<vmem>>
      %dma_wait3A_306 = tpu.memref_squeeze %dma_wait3A_305 : memref<1x128x128xf32, #tpu.memory_space<vmem>> -> memref<128x128xf32, #tpu.memory_space<vmem>>
      %dma_wait3A_307 = arith.constant 0 : i32
      %dma_wait3A_308 = tpu.memref_slice %arg6[%add3A_53, %dma_wait3A_307] : memref<10240x128xf32, #tpu.memory_space<vmem_shared>> -> memref<128x128xf32, #tpu.memory_space<vmem_shared>>
      %dma_wait3A_309 = arith.constant 0 : i32
      %dma_wait3A_310 = tpu.memref_slice %arg6[%add3A_53, %dma_wait3A_309] : memref<10240x128xf32, #tpu.memory_space<vmem_shared>> -> memref<128x128xf32, #tpu.memory_space<vmem_shared>>
      %dma_wait3A_311 = arith.constant 0 : i32
      %dma_wait3A_312 = arith.constant 0 : i32
      %dma_wait3A_313 = tpu.memref_slice %arg7[%run_scoped3A_54, %dma_wait3A_311, %dma_wait3A_312] : memref<2x128x128xf32, #tpu.memory_space<vmem>> -> memref<1x128x128xf32, #tpu.memory_space<vmem>>
      %dma_wait3A_314 = tpu.memref_squeeze %dma_wait3A_313 : memref<1x128x128xf32, #tpu.memory_space<vmem>> -> memref<128x128xf32, #tpu.memory_space<vmem>>
      tpu.wait_dma2 semaphore(%run_scoped3A_290 : memref<!tpu.dma_semaphore, #tpu.memory_space<semaphore_mem>>) src(%dma_wait3A_314 : memref<128x128xf32, #tpu.memory_space<vmem>>) dst(%dma_wait3A_310 : memref<128x128xf32, #tpu.memory_space<vmem_shared>>)
      tpu.yield
    }) : () -> ()
    %barrier3A = arith.constant 0 : index
    tpu.barrier barrier_id(%barrier3A)
    %scan3A_55 = arith.constant 0 : i32
    %scan3A_56 = arith.constant 0 : i32
    %scan3A_57 = arith.constant 40 : i32
    %scan3A_58 = arith.addi %scan3A_56, %scan3A_57 : i32
    %scan3A_59 = arith.constant 1 : i32
    %scan3A_60 = scf.for %scan3A_290 = %scan3A_56 to %scan3A_58 step %scan3A_59 iter_args(%scan3A_291 = %scan3A_55) -> (i32)  : i32 {
      %rem3A = arith.constant 2 : i32
      %rem3A_292 = arith.remsi %scan3A_290, %rem3A : i32
      %add3A_293 = arith.constant 1 : i32
      %add3A_294 = arith.addi %scan3A_290, %add3A_293 : i32
      %rem3A_295 = arith.constant 2 : i32
      %rem3A_296 = arith.remsi %add3A_294, %rem3A_295 : i32
      %add3A_297 = arith.constant 1 : i32
      %add3A_298 = arith.addi %scan3A_290, %add3A_297 : i32
      %lt3A = arith.constant 40 : i32
      %lt3A_299 = arith.cmpi slt, %add3A_298, %lt3A : i32
      %convert_element_type3A = arith.extui %lt3A_299 : i1 to i32
      %cond3A = arith.constant 0 : i32
      %cond3A_300 = arith.cmpi ne, %convert_element_type3A, %cond3A : i32
      scf.if %cond3A_300 {
        %add3A_338 = arith.constant 1 : i32
        %add3A_339 = arith.addi %scan3A_290, %add3A_338 : i32
        %dma_start3A_340 = arith.constant 0 : i32
        %dma_start3A_341 = arith.constant 0 : i32
        %dma_start3A_342 = tpu.memref_slice %arg7[%rem3A_296, %dma_start3A_340, %dma_start3A_341] : memref<2x128x128xf32, #tpu.memory_space<vmem>> -> memref<1x128x128xf32, #tpu.memory_space<vmem>>
        %dma_start3A_343 = tpu.memref_squeeze %dma_start3A_342 : memref<1x128x128xf32, #tpu.memory_space<vmem>> -> memref<128x128xf32, #tpu.memory_space<vmem>>
        %dma_start3A_344 = arith.constant 0 : i32
        %dma_start3A_345 = tpu.memref_slice %arg8[%add3A_339, %dma_start3A_344] : memref<40x128xi32, #tpu.memory_space<vmem>> -> memref<1x128xi32, #tpu.memory_space<vmem>>
        %dma_start3A_346 = tpu.memref_squeeze %dma_start3A_345 : memref<1x128xi32, #tpu.memory_space<vmem>> -> memref<128xi32, #tpu.memory_space<vmem>>
        %dma_start3A_347 = arith.constant 0 : i32
        %dma_start3A_348 = arith.constant 0 : i32
        %dma_start3A_349 = tpu.memref_slice %arg2[%dma_start3A_347, %dma_start3A_348] : memref<20480x128xf32, #tpu.memory_space<hbm>> -> memref<20480x128xf32, #tpu.memory_space<hbm>>
        %dma_start3A_350 = tpu.memref_slice %arg10[%rem3A_296] : memref<2x!tpu.dma_semaphore, #tpu.memory_space<semaphore_mem>> -> memref<1x!tpu.dma_semaphore, #tpu.memory_space<semaphore_mem>>
        %dma_start3A_351 = tpu.memref_squeeze %dma_start3A_350 : memref<1x!tpu.dma_semaphore, #tpu.memory_space<semaphore_mem>> -> memref<!tpu.dma_semaphore, #tpu.memory_space<semaphore_mem>>
        tpu.enqueue_indirect_dma source(%dma_start3A_349 : memref<20480x128xf32, #tpu.memory_space<hbm>>) target(%dma_start3A_343 : memref<128x128xf32, #tpu.memory_space<vmem>>) offsets(%dma_start3A_346 : memref<128xi32, #tpu.memory_space<vmem>>) semaphore(%dma_start3A_351 : memref<!tpu.dma_semaphore, #tpu.memory_space<semaphore_mem>>)
      } else {
      }
      %dma_wait3A_301 = arith.constant 0 : i32
      %dma_wait3A_302 = arith.constant 0 : i32
      %dma_wait3A_303 = tpu.memref_slice %arg7[%rem3A_292, %dma_wait3A_301, %dma_wait3A_302] : memref<2x128x128xf32, #tpu.memory_space<vmem>> -> memref<1x128x128xf32, #tpu.memory_space<vmem>>
      %dma_wait3A_304 = tpu.memref_squeeze %dma_wait3A_303 : memref<1x128x128xf32, #tpu.memory_space<vmem>> -> memref<128x128xf32, #tpu.memory_space<vmem>>
      %dma_wait3A_305 = arith.constant 0 : i32
      %dma_wait3A_306 = tpu.memref_slice %arg8[%scan3A_290, %dma_wait3A_305] : memref<40x128xi32, #tpu.memory_space<vmem>> -> memref<1x128xi32, #tpu.memory_space<vmem>>
      %dma_wait3A_307 = tpu.memref_squeeze %dma_wait3A_306 : memref<1x128xi32, #tpu.memory_space<vmem>> -> memref<128xi32, #tpu.memory_space<vmem>>
      %dma_wait3A_308 = arith.constant 0 : i32
      %dma_wait3A_309 = arith.constant 0 : i32
      %dma_wait3A_310 = tpu.memref_slice %arg2[%dma_wait3A_308, %dma_wait3A_309] : memref<20480x128xf32, #tpu.memory_space<hbm>> -> memref<20480x128xf32, #tpu.memory_space<hbm>>
      %dma_wait3A_311 = tpu.memref_slice %arg10[%rem3A_292] : memref<2x!tpu.dma_semaphore, #tpu.memory_space<semaphore_mem>> -> memref<1x!tpu.dma_semaphore, #tpu.memory_space<semaphore_mem>>
      %dma_wait3A_312 = tpu.memref_squeeze %dma_wait3A_311 : memref<1x!tpu.dma_semaphore, #tpu.memory_space<semaphore_mem>> -> memref<!tpu.dma_semaphore, #tpu.memory_space<semaphore_mem>>
      tpu.wait_indirect_dma semaphore(%dma_wait3A_312 : memref<!tpu.dma_semaphore, #tpu.memory_space<semaphore_mem>>) src(%dma_wait3A_310 : memref<20480x128xf32, #tpu.memory_space<hbm>>) dst(%dma_wait3A_304 : memref<128x128xf32, #tpu.memory_space<vmem>>)
      %dma_start3A_313 = arith.constant 0 : i32
      %dma_start3A_314 = arith.constant 0 : i32
      %dma_start3A_315 = tpu.memref_slice %arg7[%rem3A_292, %dma_start3A_313, %dma_start3A_314] : memref<2x128x128xf32, #tpu.memory_space<vmem>> -> memref<1x128x128xf32, #tpu.memory_space<vmem>>
      %dma_start3A_316 = tpu.memref_squeeze %dma_start3A_315 : memref<1x128x128xf32, #tpu.memory_space<vmem>> -> memref<128x128xf32, #tpu.memory_space<vmem>>
      %dma_start3A_317 = arith.constant 0 : i32
      %dma_start3A_318 = tpu.memref_slice %arg9[%scan3A_290, %dma_start3A_317] : memref<40x128xi32, #tpu.memory_space<vmem>> -> memref<1x128xi32, #tpu.memory_space<vmem>>
      %dma_start3A_319 = tpu.memref_squeeze %dma_start3A_318 : memref<1x128xi32, #tpu.memory_space<vmem>> -> memref<128xi32, #tpu.memory_space<vmem>>
      %dma_start3A_320 = arith.constant 0 : i32
      %dma_start3A_321 = arith.constant 0 : i32
      %dma_start3A_322 = tpu.memref_slice %arg6[%dma_start3A_320, %dma_start3A_321] : memref<10240x128xf32, #tpu.memory_space<vmem_shared>> -> memref<10240x128xf32, #tpu.memory_space<vmem_shared>>
      %dma_start3A_323 = tpu.memref_slice %arg11[%rem3A_292] : memref<2x!tpu.dma_semaphore, #tpu.memory_space<semaphore_mem>> -> memref<1x!tpu.dma_semaphore, #tpu.memory_space<semaphore_mem>>
      %dma_start3A_324 = tpu.memref_squeeze %dma_start3A_323 : memref<1x!tpu.dma_semaphore, #tpu.memory_space<semaphore_mem>> -> memref<!tpu.dma_semaphore, #tpu.memory_space<semaphore_mem>>
      tpu.enqueue_indirect_dma source(%dma_start3A_316 : memref<128x128xf32, #tpu.memory_space<vmem>>) target(%dma_start3A_322 : memref<10240x128xf32, #tpu.memory_space<vmem_shared>>) offsets(%dma_start3A_319 : memref<128xi32, #tpu.memory_space<vmem>>) semaphore(%dma_start3A_324 : memref<!tpu.dma_semaphore, #tpu.memory_space<semaphore_mem>>) {add = true}
      %dma_wait3A_325 = arith.constant 0 : i32
      %dma_wait3A_326 = arith.constant 0 : i32
      %dma_wait3A_327 = tpu.memref_slice %arg7[%rem3A_292, %dma_wait3A_325, %dma_wait3A_326] : memref<2x128x128xf32, #tpu.memory_space<vmem>> -> memref<1x128x128xf32, #tpu.memory_space<vmem>>
      %dma_wait3A_328 = tpu.memref_squeeze %dma_wait3A_327 : memref<1x128x128xf32, #tpu.memory_space<vmem>> -> memref<128x128xf32, #tpu.memory_space<vmem>>
      %dma_wait3A_329 = arith.constant 0 : i32
      %dma_wait3A_330 = tpu.memref_slice %arg9[%scan3A_290, %dma_wait3A_329] : memref<40x128xi32, #tpu.memory_space<vmem>> -> memref<1x128xi32, #tpu.memory_space<vmem>>
      %dma_wait3A_331 = tpu.memref_squeeze %dma_wait3A_330 : memref<1x128xi32, #tpu.memory_space<vmem>> -> memref<128xi32, #tpu.memory_space<vmem>>
      %dma_wait3A_332 = arith.constant 0 : i32
      %dma_wait3A_333 = arith.constant 0 : i32
      %dma_wait3A_334 = tpu.memref_slice %arg6[%dma_wait3A_332, %dma_wait3A_333] : memref<10240x128xf32, #tpu.memory_space<vmem_shared>> -> memref<10240x128xf32, #tpu.memory_space<vmem_shared>>
      %dma_wait3A_335 = tpu.memref_slice %arg11[%rem3A_292] : memref<2x!tpu.dma_semaphore, #tpu.memory_space<semaphore_mem>> -> memref<1x!tpu.dma_semaphore, #tpu.memory_space<semaphore_mem>>
      %dma_wait3A_336 = tpu.memref_squeeze %dma_wait3A_335 : memref<1x!tpu.dma_semaphore, #tpu.memory_space<semaphore_mem>> -> memref<!tpu.dma_semaphore, #tpu.memory_space<semaphore_mem>>
      tpu.wait_indirect_dma semaphore(%dma_wait3A_336 : memref<!tpu.dma_semaphore, #tpu.memory_space<semaphore_mem>>) src(%dma_wait3A_328 : memref<128x128xf32, #tpu.memory_space<vmem>>) dst(%dma_wait3A_334 : memref<10240x128xf32, #tpu.memory_space<vmem_shared>>)
      %scan3A_337 = arith.constant 0 : i32
      scf.yield %scan3A_337 : i32
    }
    %scan3A_61 = arith.constant 40 : i32
    %mul3A_62 = arith.constant 80 : i32
    %mul3A_63 = arith.muli %arg1, %mul3A_62 : i32
    %add3A_64 = arith.constant 40 : i32
    %add3A_65 = arith.addi %mul3A_63, %add3A_64 : i32
    "tpu.region"() ({
      %run_scoped3A_290 = tpu.sem_alloc : memref<!tpu.dma_semaphore, #tpu.memory_space<semaphore_mem>>
      %dma_start3A_291 = arith.constant 0 : i32
      %dma_start3A_292 = tpu.memref_slice %arg3[%add3A_65, %dma_start3A_291] : memref<1280x128xi32, #tpu.memory_space<hbm>> -> memref<40x128xi32, #tpu.memory_space<hbm>>
      %dma_start3A_293 = arith.constant 0 : i32
      %dma_start3A_294 = tpu.memref_slice %arg3[%add3A_65, %dma_start3A_293] : memref<1280x128xi32, #tpu.memory_space<hbm>> -> memref<40x128xi32, #tpu.memory_space<hbm>>
      tpu.enqueue_dma source(%dma_start3A_294 : memref<40x128xi32, #tpu.memory_space<hbm>>) target(%arg8 : memref<40x128xi32, #tpu.memory_space<vmem>>) target_semaphore(%run_scoped3A_290 : memref<!tpu.dma_semaphore, #tpu.memory_space<semaphore_mem>>)
      %dma_wait3A_295 = arith.constant 0 : i32
      %dma_wait3A_296 = tpu.memref_slice %arg3[%add3A_65, %dma_wait3A_295] : memref<1280x128xi32, #tpu.memory_space<hbm>> -> memref<40x128xi32, #tpu.memory_space<hbm>>
      %dma_wait3A_297 = arith.constant 0 : i32
      %dma_wait3A_298 = tpu.memref_slice %arg3[%add3A_65, %dma_wait3A_297] : memref<1280x128xi32, #tpu.memory_space<hbm>> -> memref<40x128xi32, #tpu.memory_space<hbm>>
      tpu.wait_dma2 semaphore(%run_scoped3A_290 : memref<!tpu.dma_semaphore, #tpu.memory_space<semaphore_mem>>) src(%dma_wait3A_298 : memref<40x128xi32, #tpu.memory_space<hbm>>) dst(%arg8 : memref<40x128xi32, #tpu.memory_space<vmem>>)
      tpu.yield
    }) : () -> ()
    "tpu.region"() ({
      %run_scoped3A_290 = tpu.sem_alloc : memref<!tpu.dma_semaphore, #tpu.memory_space<semaphore_mem>>
      %dma_start3A_291 = arith.constant 0 : i32
      %dma_start3A_292 = tpu.memref_slice %arg4[%add3A_65, %dma_start3A_291] : memref<1280x128xi32, #tpu.memory_space<hbm>> -> memref<40x128xi32, #tpu.memory_space<hbm>>
      %dma_start3A_293 = arith.constant 0 : i32
      %dma_start3A_294 = tpu.memref_slice %arg4[%add3A_65, %dma_start3A_293] : memref<1280x128xi32, #tpu.memory_space<hbm>> -> memref<40x128xi32, #tpu.memory_space<hbm>>
      tpu.enqueue_dma source(%dma_start3A_294 : memref<40x128xi32, #tpu.memory_space<hbm>>) target(%arg9 : memref<40x128xi32, #tpu.memory_space<vmem>>) target_semaphore(%run_scoped3A_290 : memref<!tpu.dma_semaphore, #tpu.memory_space<semaphore_mem>>)
      %dma_wait3A_295 = arith.constant 0 : i32
      %dma_wait3A_296 = tpu.memref_slice %arg4[%add3A_65, %dma_wait3A_295] : memref<1280x128xi32, #tpu.memory_space<hbm>> -> memref<40x128xi32, #tpu.memory_space<hbm>>
      %dma_wait3A_297 = arith.constant 0 : i32
      %dma_wait3A_298 = tpu.memref_slice %arg4[%add3A_65, %dma_wait3A_297] : memref<1280x128xi32, #tpu.memory_space<hbm>> -> memref<40x128xi32, #tpu.memory_space<hbm>>
      tpu.wait_dma2 semaphore(%run_scoped3A_290 : memref<!tpu.dma_semaphore, #tpu.memory_space<semaphore_mem>>) src(%dma_wait3A_298 : memref<40x128xi32, #tpu.memory_space<hbm>>) dst(%arg9 : memref<40x128xi32, #tpu.memory_space<vmem>>)
      tpu.yield
    }) : () -> ()
    %scan3A_66 = arith.constant 0 : i32
    %scan3A_67 = arith.constant 0 : i32
    %scan3A_68 = arith.constant 320 : i32
    %scan3A_69 = arith.addi %scan3A_67, %scan3A_68 : i32
    %scan3A_70 = arith.constant 1 : i32
    %scan3A_71 = scf.for %scan3A_290 = %scan3A_67 to %scan3A_69 step %scan3A_70 iter_args(%scan3A_291 = %scan3A_66) -> (i32)  : i32 {
      %jit3A = arith.constant 8 : i32
      %div3A = arith.divsi %scan3A_290, %jit3A : i32
      %sign3A = arith.constant 0 : i32
      %sign3A_292 = arith.cmpi sgt, %scan3A_290, %sign3A : i32
      %sign3A_293 = arith.extui %sign3A_292 : i1 to i32
      %sign3A_294 = arith.constant 0 : i32
      %sign3A_295 = arith.cmpi slt, %scan3A_290, %sign3A_294 : i32
      %sign3A_296 = arith.extui %sign3A_295 : i1 to i32
      %sign3A_297 = arith.subi %sign3A_293, %sign3A_296 : i32
      %sign3A_298 = arith.constant 0 : i32
      %sign3A_299 = arith.cmpi sgt, %jit3A, %sign3A_298 : i32
      %sign3A_300 = arith.extui %sign3A_299 : i1 to i32
      %sign3A_301 = arith.constant 0 : i32
      %sign3A_302 = arith.cmpi slt, %jit3A, %sign3A_301 : i32
      %sign3A_303 = arith.extui %sign3A_302 : i1 to i32
      %sign3A_304 = arith.subi %sign3A_300, %sign3A_303 : i32
      %ne3A = arith.cmpi ne, %sign3A_297, %sign3A_304 : i32
      %rem3A = arith.remsi %scan3A_290, %jit3A : i32
      %ne3A_305 = arith.constant 0 : i32
      %ne3A_306 = arith.cmpi ne, %rem3A, %ne3A_305 : i32
      %and3A = arith.andi %ne3A, %ne3A_306 : i1
      %sub3A = arith.constant 1 : i32
      %sub3A_307 = arith.subi %div3A, %sub3A : i32
      %select_n3A = arith.select %and3A, %sub3A_307, %div3A : i32
      %mul3A_308 = arith.constant 8 : i32
      %mul3A_309 = arith.muli %select_n3A, %mul3A_308 : i32
      %sub3A_310 = arith.subi %scan3A_290, %mul3A_309 : i32
      %mul3A_311 = arith.constant 16 : i32
      %mul3A_312 = arith.muli %sub3A_310, %mul3A_311 : i32
      %get3A = arith.index_cast %select_n3A : i32 to index
      %get3A_313 = arith.index_cast %mul3A_312 : i32 to index
      %get3A_314 = tpu.vector_load %arg8[%get3A, %get3A_313] {strides = array<i32>} : memref<40x128xi32, #tpu.memory_space<vmem>>, vector<1x16xi32>,
      %get3A_315 = vector.shape_cast %get3A_314 : vector<1x16xi32> to vector<16xi32>
      %add3A_316 = vector.broadcast %mul3A_0 : i32 to vector<16xi32>
      %add3A_317 = arith.addi %get3A_315, %add3A_316 : vector<16xi32>
      %swap3A = arith.index_cast %select_n3A : i32 to index
      %swap3A_318 = arith.index_cast %mul3A_312 : i32 to index
      %swap3A_319 = tpu.vector_load %arg8[%swap3A, %swap3A_318] {strides = array<i32>} : memref<40x128xi32, #tpu.memory_space<vmem>>, vector<1x16xi32>,
      %swap3A_320 = vector.shape_cast %swap3A_319 : vector<1x16xi32> to vector<16xi32>
      %swap3A_321 = vector.shape_cast %add3A_317 : vector<16xi32> to vector<1x16xi32>
      tpu.vector_store %arg8[%swap3A, %swap3A_318], %swap3A_321 {strides = array<i32>} : memref<40x128xi32, #tpu.memory_space<vmem>>, vector<1x16xi32>,
      %scan3A_322 = arith.constant 0 : i32
      scf.yield %scan3A_322 : i32
    }
    %scan3A_72 = arith.constant 320 : i32
    %dma_start3A_73 = arith.constant 0 : i32
    %dma_start3A_74 = arith.constant 0 : i32
    %dma_start3A_75 = arith.constant 0 : i32
    %dma_start3A_76 = arith.constant 0 : i32
    %dma_start3A_77 = arith.constant 0 : i32
    %dma_start3A_78 = tpu.memref_slice %arg7[%dma_start3A_74, %dma_start3A_76, %dma_start3A_77] : memref<2x128x128xf32, #tpu.memory_space<vmem>> -> memref<1x128x128xf32, #tpu.memory_space<vmem>>
    %dma_start3A_79 = tpu.memref_squeeze %dma_start3A_78 : memref<1x128x128xf32, #tpu.memory_space<vmem>> -> memref<128x128xf32, #tpu.memory_space<vmem>>
    %dma_start3A_80 = arith.constant 0 : i32
    %dma_start3A_81 = tpu.memref_slice %arg8[%dma_start3A_73, %dma_start3A_80] : memref<40x128xi32, #tpu.memory_space<vmem>> -> memref<1x128xi32, #tpu.memory_space<vmem>>
    %dma_start3A_82 = tpu.memref_squeeze %dma_start3A_81 : memref<1x128xi32, #tpu.memory_space<vmem>> -> memref<128xi32, #tpu.memory_space<vmem>>
    %dma_start3A_83 = arith.constant 0 : i32
    %dma_start3A_84 = arith.constant 0 : i32
    %dma_start3A_85 = tpu.memref_slice %arg2[%dma_start3A_83, %dma_start3A_84] : memref<20480x128xf32, #tpu.memory_space<hbm>> -> memref<20480x128xf32, #tpu.memory_space<hbm>>
    %dma_start3A_86 = tpu.memref_slice %arg10[%dma_start3A_75] : memref<2x!tpu.dma_semaphore, #tpu.memory_space<semaphore_mem>> -> memref<1x!tpu.dma_semaphore, #tpu.memory_space<semaphore_mem>>
    %dma_start3A_87 = tpu.memref_squeeze %dma_start3A_86 : memref<1x!tpu.dma_semaphore, #tpu.memory_space<semaphore_mem>> -> memref<!tpu.dma_semaphore, #tpu.memory_space<semaphore_mem>>
    tpu.enqueue_indirect_dma source(%dma_start3A_85 : memref<20480x128xf32, #tpu.memory_space<hbm>>) target(%dma_start3A_79 : memref<128x128xf32, #tpu.memory_space<vmem>>) offsets(%dma_start3A_82 : memref<128xi32, #tpu.memory_space<vmem>>) semaphore(%dma_start3A_87 : memref<!tpu.dma_semaphore, #tpu.memory_space<semaphore_mem>>)
    %scan3A_88 = arith.constant 0 : i32
    %scan3A_89 = arith.constant 0 : i32
    %scan3A_90 = arith.constant 40 : i32
    %scan3A_91 = arith.addi %scan3A_89, %scan3A_90 : i32
    %scan3A_92 = arith.constant 1 : i32
    %scan3A_93 = scf.for %scan3A_290 = %scan3A_89 to %scan3A_91 step %scan3A_92 iter_args(%scan3A_291 = %scan3A_88) -> (i32)  : i32 {
      %rem3A = arith.constant 2 : i32
      %rem3A_292 = arith.remsi %scan3A_290, %rem3A : i32
      %add3A_293 = arith.constant 1 : i32
      %add3A_294 = arith.addi %scan3A_290, %add3A_293 : i32
      %rem3A_295 = arith.constant 2 : i32
      %rem3A_296 = arith.remsi %add3A_294, %rem3A_295 : i32
      %add3A_297 = arith.constant 1 : i32
      %add3A_298 = arith.addi %scan3A_290, %add3A_297 : i32
      %lt3A = arith.constant 40 : i32
      %lt3A_299 = arith.cmpi slt, %add3A_298, %lt3A : i32
      %convert_element_type3A = arith.extui %lt3A_299 : i1 to i32
      %cond3A = arith.constant 0 : i32
      %cond3A_300 = arith.cmpi ne, %convert_element_type3A, %cond3A : i32
      scf.if %cond3A_300 {
        %add3A_338 = arith.constant 1 : i32
        %add3A_339 = arith.addi %scan3A_290, %add3A_338 : i32
        %dma_start3A_340 = arith.constant 0 : i32
        %dma_start3A_341 = arith.constant 0 : i32
        %dma_start3A_342 = tpu.memref_slice %arg7[%rem3A_296, %dma_start3A_340, %dma_start3A_341] : memref<2x128x128xf32, #tpu.memory_space<vmem>> -> memref<1x128x128xf32, #tpu.memory_space<vmem>>
        %dma_start3A_343 = tpu.memref_squeeze %dma_start3A_342 : memref<1x128x128xf32, #tpu.memory_space<vmem>> -> memref<128x128xf32, #tpu.memory_space<vmem>>
        %dma_start3A_344 = arith.constant 0 : i32
        %dma_start3A_345 = tpu.memref_slice %arg8[%add3A_339, %dma_start3A_344] : memref<40x128xi32, #tpu.memory_space<vmem>> -> memref<1x128xi32, #tpu.memory_space<vmem>>
        %dma_start3A_346 = tpu.memref_squeeze %dma_start3A_345 : memref<1x128xi32, #tpu.memory_space<vmem>> -> memref<128xi32, #tpu.memory_space<vmem>>
        %dma_start3A_347 = arith.constant 0 : i32
        %dma_start3A_348 = arith.constant 0 : i32
        %dma_start3A_349 = tpu.memref_slice %arg2[%dma_start3A_347, %dma_start3A_348] : memref<20480x128xf32, #tpu.memory_space<hbm>> -> memref<20480x128xf32, #tpu.memory_space<hbm>>
        %dma_start3A_350 = tpu.memref_slice %arg10[%rem3A_296] : memref<2x!tpu.dma_semaphore, #tpu.memory_space<semaphore_mem>> -> memref<1x!tpu.dma_semaphore, #tpu.memory_space<semaphore_mem>>
        %dma_start3A_351 = tpu.memref_squeeze %dma_start3A_350 : memref<1x!tpu.dma_semaphore, #tpu.memory_space<semaphore_mem>> -> memref<!tpu.dma_semaphore, #tpu.memory_space<semaphore_mem>>
        tpu.enqueue_indirect_dma source(%dma_start3A_349 : memref<20480x128xf32, #tpu.memory_space<hbm>>) target(%dma_start3A_343 : memref<128x128xf32, #tpu.memory_space<vmem>>) offsets(%dma_start3A_346 : memref<128xi32, #tpu.memory_space<vmem>>) semaphore(%dma_start3A_351 : memref<!tpu.dma_semaphore, #tpu.memory_space<semaphore_mem>>)
      } else {
      }
      %dma_wait3A_301 = arith.constant 0 : i32
      %dma_wait3A_302 = arith.constant 0 : i32
      %dma_wait3A_303 = tpu.memref_slice %arg7[%rem3A_292, %dma_wait3A_301, %dma_wait3A_302] : memref<2x128x128xf32, #tpu.memory_space<vmem>> -> memref<1x128x128xf32, #tpu.memory_space<vmem>>
      %dma_wait3A_304 = tpu.memref_squeeze %dma_wait3A_303 : memref<1x128x128xf32, #tpu.memory_space<vmem>> -> memref<128x128xf32, #tpu.memory_space<vmem>>
      %dma_wait3A_305 = arith.constant 0 : i32
      %dma_wait3A_306 = tpu.memref_slice %arg8[%scan3A_290, %dma_wait3A_305] : memref<40x128xi32, #tpu.memory_space<vmem>> -> memref<1x128xi32, #tpu.memory_space<vmem>>
      %dma_wait3A_307 = tpu.memref_squeeze %dma_wait3A_306 : memref<1x128xi32, #tpu.memory_space<vmem>> -> memref<128xi32, #tpu.memory_space<vmem>>
      %dma_wait3A_308 = arith.constant 0 : i32
      %dma_wait3A_309 = arith.constant 0 : i32
      %dma_wait3A_310 = tpu.memref_slice %arg2[%dma_wait3A_308, %dma_wait3A_309] : memref<20480x128xf32, #tpu.memory_space<hbm>> -> memref<20480x128xf32, #tpu.memory_space<hbm>>
      %dma_wait3A_311 = tpu.memref_slice %arg10[%rem3A_292] : memref<2x!tpu.dma_semaphore, #tpu.memory_space<semaphore_mem>> -> memref<1x!tpu.dma_semaphore, #tpu.memory_space<semaphore_mem>>
      %dma_wait3A_312 = tpu.memref_squeeze %dma_wait3A_311 : memref<1x!tpu.dma_semaphore, #tpu.memory_space<semaphore_mem>> -> memref<!tpu.dma_semaphore, #tpu.memory_space<semaphore_mem>>
      tpu.wait_indirect_dma semaphore(%dma_wait3A_312 : memref<!tpu.dma_semaphore, #tpu.memory_space<semaphore_mem>>) src(%dma_wait3A_310 : memref<20480x128xf32, #tpu.memory_space<hbm>>) dst(%dma_wait3A_304 : memref<128x128xf32, #tpu.memory_space<vmem>>)
      %dma_start3A_313 = arith.constant 0 : i32
      %dma_start3A_314 = arith.constant 0 : i32
      %dma_start3A_315 = tpu.memref_slice %arg7[%rem3A_292, %dma_start3A_313, %dma_start3A_314] : memref<2x128x128xf32, #tpu.memory_space<vmem>> -> memref<1x128x128xf32, #tpu.memory_space<vmem>>
      %dma_start3A_316 = tpu.memref_squeeze %dma_start3A_315 : memref<1x128x128xf32, #tpu.memory_space<vmem>> -> memref<128x128xf32, #tpu.memory_space<vmem>>
      %dma_start3A_317 = arith.constant 0 : i32
      %dma_start3A_318 = tpu.memref_slice %arg9[%scan3A_290, %dma_start3A_317] : memref<40x128xi32, #tpu.memory_space<vmem>> -> memref<1x128xi32, #tpu.memory_space<vmem>>
      %dma_start3A_319 = tpu.memref_squeeze %dma_start3A_318 : memref<1x128xi32, #tpu.memory_space<vmem>> -> memref<128xi32, #tpu.memory_space<vmem>>
      %dma_start3A_320 = arith.constant 0 : i32
      %dma_start3A_321 = arith.constant 0 : i32
      %dma_start3A_322 = tpu.memref_slice %arg6[%dma_start3A_320, %dma_start3A_321] : memref<10240x128xf32, #tpu.memory_space<vmem_shared>> -> memref<10240x128xf32, #tpu.memory_space<vmem_shared>>
      %dma_start3A_323 = tpu.memref_slice %arg11[%rem3A_292] : memref<2x!tpu.dma_semaphore, #tpu.memory_space<semaphore_mem>> -> memref<1x!tpu.dma_semaphore, #tpu.memory_space<semaphore_mem>>
      %dma_start3A_324 = tpu.memref_squeeze %dma_start3A_323 : memref<1x!tpu.dma_semaphore, #tpu.memory_space<semaphore_mem>> -> memref<!tpu.dma_semaphore, #tpu.memory_space<semaphore_mem>>
      tpu.enqueue_indirect_dma source(%dma_start3A_316 : memref<128x128xf32, #tpu.memory_space<vmem>>) target(%dma_start3A_322 : memref<10240x128xf32, #tpu.memory_space<vmem_shared>>) offsets(%dma_start3A_319 : memref<128xi32, #tpu.memory_space<vmem>>) semaphore(%dma_start3A_324 : memref<!tpu.dma_semaphore, #tpu.memory_space<semaphore_mem>>) {add = true}
      %dma_wait3A_325 = arith.constant 0 : i32
      %dma_wait3A_326 = arith.constant 0 : i32
      %dma_wait3A_327 = tpu.memref_slice %arg7[%rem3A_292, %dma_wait3A_325, %dma_wait3A_326] : memref<2x128x128xf32, #tpu.memory_space<vmem>> -> memref<1x128x128xf32, #tpu.memory_space<vmem>>
      %dma_wait3A_328 = tpu.memref_squeeze %dma_wait3A_327 : memref<1x128x128xf32, #tpu.memory_space<vmem>> -> memref<128x128xf32, #tpu.memory_space<vmem>>
      %dma_wait3A_329 = arith.constant 0 : i32
      %dma_wait3A_330 = tpu.memref_slice %arg9[%scan3A_290, %dma_wait3A_329] : memref<40x128xi32, #tpu.memory_space<vmem>> -> memref<1x128xi32, #tpu.memory_space<vmem>>
      %dma_wait3A_331 = tpu.memref_squeeze %dma_wait3A_330 : memref<1x128xi32, #tpu.memory_space<vmem>> -> memref<128xi32, #tpu.memory_space<vmem>>
      %dma_wait3A_332 = arith.constant 0 : i32
      %dma_wait3A_333 = arith.constant 0 : i32
      %dma_wait3A_334 = tpu.memref_slice %arg6[%dma_wait3A_332, %dma_wait3A_333] : memref<10240x128xf32, #tpu.memory_space<vmem_shared>> -> memref<10240x128xf32, #tpu.memory_space<vmem_shared>>
      %dma_wait3A_335 = tpu.memref_slice %arg11[%rem3A_292] : memref<2x!tpu.dma_semaphore, #tpu.memory_space<semaphore_mem>> -> memref<1x!tpu.dma_semaphore, #tpu.memory_space<semaphore_mem>>
      %dma_wait3A_336 = tpu.memref_squeeze %dma_wait3A_335 : memref<1x!tpu.dma_semaphore, #tpu.memory_space<semaphore_mem>> -> memref<!tpu.dma_semaphore, #tpu.memory_space<semaphore_mem>>
      tpu.wait_indirect_dma semaphore(%dma_wait3A_336 : memref<!tpu.dma_semaphore, #tpu.memory_space<semaphore_mem>>) src(%dma_wait3A_328 : memref<128x128xf32, #tpu.memory_space<vmem>>) dst(%dma_wait3A_334 : memref<10240x128xf32, #tpu.memory_space<vmem_shared>>)
      %scan3A_337 = arith.constant 0 : i32
      scf.yield %scan3A_337 : i32
    }
    %scan3A_94 = arith.constant 40 : i32
    %barrier3A_95 = arith.constant 0 : index
    tpu.barrier barrier_id(%barrier3A_95)
    %mul3A_96 = arith.constant 640 : i32
    %mul3A_97 = arith.muli %arg1, %mul3A_96 : i32
    %dma_start3A_98 = arith.constant 0 : i32
    %dma_start3A_99 = arith.constant 0 : i32
    %dma_start3A_100 = arith.constant 0 : i32
    %dma_start3A_101 = arith.constant 0 : i32
    %dma_start3A_102 = tpu.memref_slice %arg7[%dma_start3A_98, %dma_start3A_100, %dma_start3A_101] : memref<2x128x128xf32, #tpu.memory_space<vmem>> -> memref<1x128x128xf32, #tpu.memory_space<vmem>>
    %dma_start3A_103 = tpu.memref_squeeze %dma_start3A_102 : memref<1x128x128xf32, #tpu.memory_space<vmem>> -> memref<128x128xf32, #tpu.memory_space<vmem>>
    %dma_start3A_104 = arith.constant 0 : i32
    %dma_start3A_105 = tpu.memref_slice %arg6[%mul3A_97, %dma_start3A_104] : memref<10240x128xf32, #tpu.memory_space<vmem_shared>> -> memref<128x128xf32, #tpu.memory_space<vmem_shared>>
    %dma_start3A_106 = tpu.memref_slice %arg10[%dma_start3A_99] : memref<2x!tpu.dma_semaphore, #tpu.memory_space<semaphore_mem>> -> memref<1x!tpu.dma_semaphore, #tpu.memory_space<semaphore_mem>>
    %dma_start3A_107 = tpu.memref_squeeze %dma_start3A_106 : memref<1x!tpu.dma_semaphore, #tpu.memory_space<semaphore_mem>> -> memref<!tpu.dma_semaphore, #tpu.memory_space<semaphore_mem>>
    %dma_start3A_108 = arith.constant 0 : i32
    %dma_start3A_109 = arith.constant 0 : i32
    %dma_start3A_110 = tpu.memref_slice %arg7[%dma_start3A_98, %dma_start3A_108, %dma_start3A_109] : memref<2x128x128xf32, #tpu.memory_space<vmem>> -> memref<1x128x128xf32, #tpu.memory_space<vmem>>
    %dma_start3A_111 = tpu.memref_squeeze %dma_start3A_110 : memref<1x128x128xf32, #tpu.memory_space<vmem>> -> memref<128x128xf32, #tpu.memory_space<vmem>>
    %dma_start3A_112 = arith.constant 0 : i32
    %dma_start3A_113 = tpu.memref_slice %arg6[%mul3A_97, %dma_start3A_112] : memref<10240x128xf32, #tpu.memory_space<vmem_shared>> -> memref<128x128xf32, #tpu.memory_space<vmem_shared>>
    tpu.enqueue_dma source(%dma_start3A_113 : memref<128x128xf32, #tpu.memory_space<vmem_shared>>) target(%dma_start3A_111 : memref<128x128xf32, #tpu.memory_space<vmem>>) target_semaphore(%dma_start3A_107 : memref<!tpu.dma_semaphore, #tpu.memory_space<semaphore_mem>>)
    %add3A_114 = arith.constant 0 : i32
    %add3A_115 = arith.addi %mul3A_97, %add3A_114 : i32
    %dma_wait3A = arith.constant 0 : i32
    %dma_wait3A_116 = arith.constant 0 : i32
    %dma_wait3A_117 = arith.constant 0 : i32
    %dma_wait3A_118 = arith.constant 0 : i32
    %dma_wait3A_119 = tpu.memref_slice %arg7[%dma_wait3A, %dma_wait3A_117, %dma_wait3A_118] : memref<2x128x128xf32, #tpu.memory_space<vmem>> -> memref<1x128x128xf32, #tpu.memory_space<vmem>>
    %dma_wait3A_120 = tpu.memref_squeeze %dma_wait3A_119 : memref<1x128x128xf32, #tpu.memory_space<vmem>> -> memref<128x128xf32, #tpu.memory_space<vmem>>
    %dma_wait3A_121 = arith.constant 0 : i32
    %dma_wait3A_122 = tpu.memref_slice %arg6[%add3A_115, %dma_wait3A_121] : memref<10240x128xf32, #tpu.memory_space<vmem_shared>> -> memref<128x128xf32, #tpu.memory_space<vmem_shared>>
    %dma_wait3A_123 = tpu.memref_slice %arg10[%dma_wait3A_116] : memref<2x!tpu.dma_semaphore, #tpu.memory_space<semaphore_mem>> -> memref<1x!tpu.dma_semaphore, #tpu.memory_space<semaphore_mem>>
    %dma_wait3A_124 = tpu.memref_squeeze %dma_wait3A_123 : memref<1x!tpu.dma_semaphore, #tpu.memory_space<semaphore_mem>> -> memref<!tpu.dma_semaphore, #tpu.memory_space<semaphore_mem>>
    %dma_wait3A_125 = arith.constant 0 : i32
    %dma_wait3A_126 = arith.constant 0 : i32
    %dma_wait3A_127 = tpu.memref_slice %arg7[%dma_wait3A, %dma_wait3A_125, %dma_wait3A_126] : memref<2x128x128xf32, #tpu.memory_space<vmem>> -> memref<1x128x128xf32, #tpu.memory_space<vmem>>
    %dma_wait3A_128 = tpu.memref_squeeze %dma_wait3A_127 : memref<1x128x128xf32, #tpu.memory_space<vmem>> -> memref<128x128xf32, #tpu.memory_space<vmem>>
    %dma_wait3A_129 = arith.constant 0 : i32
    %dma_wait3A_130 = tpu.memref_slice %arg6[%add3A_115, %dma_wait3A_129] : memref<10240x128xf32, #tpu.memory_space<vmem_shared>> -> memref<128x128xf32, #tpu.memory_space<vmem_shared>>
    tpu.wait_dma2 semaphore(%dma_wait3A_124 : memref<!tpu.dma_semaphore, #tpu.memory_space<semaphore_mem>>) src(%dma_wait3A_130 : memref<128x128xf32, #tpu.memory_space<vmem_shared>>) dst(%dma_wait3A_128 : memref<128x128xf32, #tpu.memory_space<vmem>>)
    %add3A_131 = arith.constant 128 : i32
    %add3A_132 = arith.addi %mul3A_97, %add3A_131 : i32
    %dma_start3A_133 = arith.constant 1 : i32
    %dma_start3A_134 = arith.constant 1 : i32
    %dma_start3A_135 = arith.constant 0 : i32
    %dma_start3A_136 = arith.constant 0 : i32
    %dma_start3A_137 = tpu.memref_slice %arg7[%dma_start3A_133, %dma_start3A_135, %dma_start3A_136] : memref<2x128x128xf32, #tpu.memory_space<vmem>> -> memref<1x128x128xf32, #tpu.memory_space<vmem>>
    %dma_start3A_138 = tpu.memref_squeeze %dma_start3A_137 : memref<1x128x128xf32, #tpu.memory_space<vmem>> -> memref<128x128xf32, #tpu.memory_space<vmem>>
    %dma_start3A_139 = arith.constant 0 : i32
    %dma_start3A_140 = tpu.memref_slice %arg6[%add3A_132, %dma_start3A_139] : memref<10240x128xf32, #tpu.memory_space<vmem_shared>> -> memref<128x128xf32, #tpu.memory_space<vmem_shared>>
    %dma_start3A_141 = tpu.memref_slice %arg10[%dma_start3A_134] : memref<2x!tpu.dma_semaphore, #tpu.memory_space<semaphore_mem>> -> memref<1x!tpu.dma_semaphore, #tpu.memory_space<semaphore_mem>>
    %dma_start3A_142 = tpu.memref_squeeze %dma_start3A_141 : memref<1x!tpu.dma_semaphore, #tpu.memory_space<semaphore_mem>> -> memref<!tpu.dma_semaphore, #tpu.memory_space<semaphore_mem>>
    %dma_start3A_143 = arith.constant 0 : i32
    %dma_start3A_144 = arith.constant 0 : i32
    %dma_start3A_145 = tpu.memref_slice %arg7[%dma_start3A_133, %dma_start3A_143, %dma_start3A_144] : memref<2x128x128xf32, #tpu.memory_space<vmem>> -> memref<1x128x128xf32, #tpu.memory_space<vmem>>
    %dma_start3A_146 = tpu.memref_squeeze %dma_start3A_145 : memref<1x128x128xf32, #tpu.memory_space<vmem>> -> memref<128x128xf32, #tpu.memory_space<vmem>>
    %dma_start3A_147 = arith.constant 0 : i32
    %dma_start3A_148 = tpu.memref_slice %arg6[%add3A_132, %dma_start3A_147] : memref<10240x128xf32, #tpu.memory_space<vmem_shared>> -> memref<128x128xf32, #tpu.memory_space<vmem_shared>>
    tpu.enqueue_dma source(%dma_start3A_148 : memref<128x128xf32, #tpu.memory_space<vmem_shared>>) target(%dma_start3A_146 : memref<128x128xf32, #tpu.memory_space<vmem>>) target_semaphore(%dma_start3A_142 : memref<!tpu.dma_semaphore, #tpu.memory_space<semaphore_mem>>)
    %add3A_149 = arith.constant 0 : i32
    %add3A_150 = arith.addi %mul3A_97, %add3A_149 : i32
    %run_scoped3A_151 = arith.constant 0 : i32
    "tpu.region"() ({
      %run_scoped3A_290 = tpu.sem_alloc : memref<!tpu.dma_semaphore, #tpu.memory_space<semaphore_mem>>
      %dma_start3A_291 = arith.constant 0 : i32
      %dma_start3A_292 = arith.constant 0 : i32
      %dma_start3A_293 = tpu.memref_slice %arg7[%run_scoped3A_151, %dma_start3A_291, %dma_start3A_292] : memref<2x128x128xf32, #tpu.memory_space<vmem>> -> memref<1x128x128xf32, #tpu.memory_space<vmem>>
      %dma_start3A_294 = tpu.memref_squeeze %dma_start3A_293 : memref<1x128x128xf32, #tpu.memory_space<vmem>> -> memref<128x128xf32, #tpu.memory_space<vmem>>
      %dma_start3A_295 = arith.constant 0 : i32
      %dma_start3A_296 = tpu.memref_slice %arg5[%arg0, %add3A_150, %dma_start3A_295] : memref<2x10240x128xf32, #tpu.memory_space<hbm>> -> memref<1x128x128xf32, #tpu.memory_space<hbm>>
      %dma_start3A_297 = tpu.memref_squeeze %dma_start3A_296 : memref<1x128x128xf32, #tpu.memory_space<hbm>> -> memref<128x128xf32, #tpu.memory_space<hbm>>
      %dma_start3A_298 = arith.constant 0 : i32
      %dma_start3A_299 = tpu.memref_slice %arg5[%arg0, %add3A_150, %dma_start3A_298] : memref<2x10240x128xf32, #tpu.memory_space<hbm>> -> memref<1x128x128xf32, #tpu.memory_space<hbm>>
      %dma_start3A_300 = tpu.memref_squeeze %dma_start3A_299 : memref<1x128x128xf32, #tpu.memory_space<hbm>> -> memref<128x128xf32, #tpu.memory_space<hbm>>
      %dma_start3A_301 = arith.constant 0 : i32
      %dma_start3A_302 = arith.constant 0 : i32
      %dma_start3A_303 = tpu.memref_slice %arg7[%run_scoped3A_151, %dma_start3A_301, %dma_start3A_302] : memref<2x128x128xf32, #tpu.memory_space<vmem>> -> memref<1x128x128xf32, #tpu.memory_space<vmem>>
      %dma_start3A_304 = tpu.memref_squeeze %dma_start3A_303 : memref<1x128x128xf32, #tpu.memory_space<vmem>> -> memref<128x128xf32, #tpu.memory_space<vmem>>
      tpu.enqueue_dma source(%dma_start3A_304 : memref<128x128xf32, #tpu.memory_space<vmem>>) target(%dma_start3A_300 : memref<128x128xf32, #tpu.memory_space<hbm>>) target_semaphore(%run_scoped3A_290 : memref<!tpu.dma_semaphore, #tpu.memory_space<semaphore_mem>>)
      %dma_wait3A_305 = arith.constant 0 : i32
      %dma_wait3A_306 = arith.constant 0 : i32
      %dma_wait3A_307 = tpu.memref_slice %arg7[%run_scoped3A_151, %dma_wait3A_305, %dma_wait3A_306] : memref<2x128x128xf32, #tpu.memory_space<vmem>> -> memref<1x128x128xf32, #tpu.memory_space<vmem>>
      %dma_wait3A_308 = tpu.memref_squeeze %dma_wait3A_307 : memref<1x128x128xf32, #tpu.memory_space<vmem>> -> memref<128x128xf32, #tpu.memory_space<vmem>>
      %dma_wait3A_309 = arith.constant 0 : i32
      %dma_wait3A_310 = tpu.memref_slice %arg5[%arg0, %add3A_150, %dma_wait3A_309] : memref<2x10240x128xf32, #tpu.memory_space<hbm>> -> memref<1x128x128xf32, #tpu.memory_space<hbm>>
      %dma_wait3A_311 = tpu.memref_squeeze %dma_wait3A_310 : memref<1x128x128xf32, #tpu.memory_space<hbm>> -> memref<128x128xf32, #tpu.memory_space<hbm>>
      %dma_wait3A_312 = arith.constant 0 : i32
      %dma_wait3A_313 = tpu.memref_slice %arg5[%arg0, %add3A_150, %dma_wait3A_312] : memref<2x10240x128xf32, #tpu.memory_space<hbm>> -> memref<1x128x128xf32, #tpu.memory_space<hbm>>
      %dma_wait3A_314 = tpu.memref_squeeze %dma_wait3A_313 : memref<1x128x128xf32, #tpu.memory_space<hbm>> -> memref<128x128xf32, #tpu.memory_space<hbm>>
      %dma_wait3A_315 = arith.constant 0 : i32
      %dma_wait3A_316 = arith.constant 0 : i32
      %dma_wait3A_317 = tpu.memref_slice %arg7[%run_scoped3A_151, %dma_wait3A_315, %dma_wait3A_316] : memref<2x128x128xf32, #tpu.memory_space<vmem>> -> memref<1x128x128xf32, #tpu.memory_space<vmem>>
      %dma_wait3A_318 = tpu.memref_squeeze %dma_wait3A_317 : memref<1x128x128xf32, #tpu.memory_space<vmem>> -> memref<128x128xf32, #tpu.memory_space<vmem>>
      tpu.wait_dma2 semaphore(%run_scoped3A_290 : memref<!tpu.dma_semaphore, #tpu.memory_space<semaphore_mem>>) src(%dma_wait3A_318 : memref<128x128xf32, #tpu.memory_space<vmem>>) dst(%dma_wait3A_314 : memref<128x128xf32, #tpu.memory_space<hbm>>)
      tpu.yield
    }) : () -> ()
    %add3A_152 = arith.constant 128 : i32
    %add3A_153 = arith.addi %mul3A_97, %add3A_152 : i32
    %dma_wait3A_154 = arith.constant 1 : i32
    %dma_wait3A_155 = arith.constant 1 : i32
    %dma_wait3A_156 = arith.constant 0 : i32
    %dma_wait3A_157 = arith.constant 0 : i32
    %dma_wait3A_158 = tpu.memref_slice %arg7[%dma_wait3A_154, %dma_wait3A_156, %dma_wait3A_157] : memref<2x128x128xf32, #tpu.memory_space<vmem>> -> memref<1x128x128xf32, #tpu.memory_space<vmem>>
    %dma_wait3A_159 = tpu.memref_squeeze %dma_wait3A_158 : memref<1x128x128xf32, #tpu.memory_space<vmem>> -> memref<128x128xf32, #tpu.memory_space<vmem>>
    %dma_wait3A_160 = arith.constant 0 : i32
    %dma_wait3A_161 = tpu.memref_slice %arg6[%add3A_153, %dma_wait3A_160] : memref<10240x128xf32, #tpu.memory_space<vmem_shared>> -> memref<128x128xf32, #tpu.memory_space<vmem_shared>>
    %dma_wait3A_162 = tpu.memref_slice %arg10[%dma_wait3A_155] : memref<2x!tpu.dma_semaphore, #tpu.memory_space<semaphore_mem>> -> memref<1x!tpu.dma_semaphore, #tpu.memory_space<semaphore_mem>>
    %dma_wait3A_163 = tpu.memref_squeeze %dma_wait3A_162 : memref<1x!tpu.dma_semaphore, #tpu.memory_space<semaphore_mem>> -> memref<!tpu.dma_semaphore, #tpu.memory_space<semaphore_mem>>
    %dma_wait3A_164 = arith.constant 0 : i32
    %dma_wait3A_165 = arith.constant 0 : i32
    %dma_wait3A_166 = tpu.memref_slice %arg7[%dma_wait3A_154, %dma_wait3A_164, %dma_wait3A_165] : memref<2x128x128xf32, #tpu.memory_space<vmem>> -> memref<1x128x128xf32, #tpu.memory_space<vmem>>
    %dma_wait3A_167 = tpu.memref_squeeze %dma_wait3A_166 : memref<1x128x128xf32, #tpu.memory_space<vmem>> -> memref<128x128xf32, #tpu.memory_space<vmem>>
    %dma_wait3A_168 = arith.constant 0 : i32
    %dma_wait3A_169 = tpu.memref_slice %arg6[%add3A_153, %dma_wait3A_168] : memref<10240x128xf32, #tpu.memory_space<vmem_shared>> -> memref<128x128xf32, #tpu.memory_space<vmem_shared>>
    tpu.wait_dma2 semaphore(%dma_wait3A_163 : memref<!tpu.dma_semaphore, #tpu.memory_space<semaphore_mem>>) src(%dma_wait3A_169 : memref<128x128xf32, #tpu.memory_space<vmem_shared>>) dst(%dma_wait3A_167 : memref<128x128xf32, #tpu.memory_space<vmem>>)
    %add3A_170 = arith.constant 256 : i32
    %add3A_171 = arith.addi %mul3A_97, %add3A_170 : i32
    %dma_start3A_172 = arith.constant 0 : i32
    %dma_start3A_173 = arith.constant 0 : i32
    %dma_start3A_174 = arith.constant 0 : i32
    %dma_start3A_175 = arith.constant 0 : i32
    %dma_start3A_176 = tpu.memref_slice %arg7[%dma_start3A_172, %dma_start3A_174, %dma_start3A_175] : memref<2x128x128xf32, #tpu.memory_space<vmem>> -> memref<1x128x128xf32, #tpu.memory_space<vmem>>
    %dma_start3A_177 = tpu.memref_squeeze %dma_start3A_176 : memref<1x128x128xf32, #tpu.memory_space<vmem>> -> memref<128x128xf32, #tpu.memory_space<vmem>>
    %dma_start3A_178 = arith.constant 0 : i32
    %dma_start3A_179 = tpu.memref_slice %arg6[%add3A_171, %dma_start3A_178] : memref<10240x128xf32, #tpu.memory_space<vmem_shared>> -> memref<128x128xf32, #tpu.memory_space<vmem_shared>>
    %dma_start3A_180 = tpu.memref_slice %arg10[%dma_start3A_173] : memref<2x!tpu.dma_semaphore, #tpu.memory_space<semaphore_mem>> -> memref<1x!tpu.dma_semaphore, #tpu.memory_space<semaphore_mem>>
    %dma_start3A_181 = tpu.memref_squeeze %dma_start3A_180 : memref<1x!tpu.dma_semaphore, #tpu.memory_space<semaphore_mem>> -> memref<!tpu.dma_semaphore, #tpu.memory_space<semaphore_mem>>
    %dma_start3A_182 = arith.constant 0 : i32
    %dma_start3A_183 = arith.constant 0 : i32
    %dma_start3A_184 = tpu.memref_slice %arg7[%dma_start3A_172, %dma_start3A_182, %dma_start3A_183] : memref<2x128x128xf32, #tpu.memory_space<vmem>> -> memref<1x128x128xf32, #tpu.memory_space<vmem>>
    %dma_start3A_185 = tpu.memref_squeeze %dma_start3A_184 : memref<1x128x128xf32, #tpu.memory_space<vmem>> -> memref<128x128xf32, #tpu.memory_space<vmem>>
    %dma_start3A_186 = arith.constant 0 : i32
    %dma_start3A_187 = tpu.memref_slice %arg6[%add3A_171, %dma_start3A_186] : memref<10240x128xf32, #tpu.memory_space<vmem_shared>> -> memref<128x128xf32, #tpu.memory_space<vmem_shared>>
    tpu.enqueue_dma source(%dma_start3A_187 : memref<128x128xf32, #tpu.memory_space<vmem_shared>>) target(%dma_start3A_185 : memref<128x128xf32, #tpu.memory_space<vmem>>) target_semaphore(%dma_start3A_181 : memref<!tpu.dma_semaphore, #tpu.memory_space<semaphore_mem>>)
    %add3A_188 = arith.constant 128 : i32
    %add3A_189 = arith.addi %mul3A_97, %add3A_188 : i32
    %run_scoped3A_190 = arith.constant 1 : i32
    "tpu.region"() ({
      %run_scoped3A_290 = tpu.sem_alloc : memref<!tpu.dma_semaphore, #tpu.memory_space<semaphore_mem>>
      %dma_start3A_291 = arith.constant 0 : i32
      %dma_start3A_292 = arith.constant 0 : i32
      %dma_start3A_293 = tpu.memref_slice %arg7[%run_scoped3A_190, %dma_start3A_291, %dma_start3A_292] : memref<2x128x128xf32, #tpu.memory_space<vmem>> -> memref<1x128x128xf32, #tpu.memory_space<vmem>>
      %dma_start3A_294 = tpu.memref_squeeze %dma_start3A_293 : memref<1x128x128xf32, #tpu.memory_space<vmem>> -> memref<128x128xf32, #tpu.memory_space<vmem>>
      %dma_start3A_295 = arith.constant 0 : i32
      %dma_start3A_296 = tpu.memref_slice %arg5[%arg0, %add3A_189, %dma_start3A_295] : memref<2x10240x128xf32, #tpu.memory_space<hbm>> -> memref<1x128x128xf32, #tpu.memory_space<hbm>>
      %dma_start3A_297 = tpu.memref_squeeze %dma_start3A_296 : memref<1x128x128xf32, #tpu.memory_space<hbm>> -> memref<128x128xf32, #tpu.memory_space<hbm>>
      %dma_start3A_298 = arith.constant 0 : i32
      %dma_start3A_299 = tpu.memref_slice %arg5[%arg0, %add3A_189, %dma_start3A_298] : memref<2x10240x128xf32, #tpu.memory_space<hbm>> -> memref<1x128x128xf32, #tpu.memory_space<hbm>>
      %dma_start3A_300 = tpu.memref_squeeze %dma_start3A_299 : memref<1x128x128xf32, #tpu.memory_space<hbm>> -> memref<128x128xf32, #tpu.memory_space<hbm>>
      %dma_start3A_301 = arith.constant 0 : i32
      %dma_start3A_302 = arith.constant 0 : i32
      %dma_start3A_303 = tpu.memref_slice %arg7[%run_scoped3A_190, %dma_start3A_301, %dma_start3A_302] : memref<2x128x128xf32, #tpu.memory_space<vmem>> -> memref<1x128x128xf32, #tpu.memory_space<vmem>>
      %dma_start3A_304 = tpu.memref_squeeze %dma_start3A_303 : memref<1x128x128xf32, #tpu.memory_space<vmem>> -> memref<128x128xf32, #tpu.memory_space<vmem>>
      tpu.enqueue_dma source(%dma_start3A_304 : memref<128x128xf32, #tpu.memory_space<vmem>>) target(%dma_start3A_300 : memref<128x128xf32, #tpu.memory_space<hbm>>) target_semaphore(%run_scoped3A_290 : memref<!tpu.dma_semaphore, #tpu.memory_space<semaphore_mem>>)
      %dma_wait3A_305 = arith.constant 0 : i32
      %dma_wait3A_306 = arith.constant 0 : i32
      %dma_wait3A_307 = tpu.memref_slice %arg7[%run_scoped3A_190, %dma_wait3A_305, %dma_wait3A_306] : memref<2x128x128xf32, #tpu.memory_space<vmem>> -> memref<1x128x128xf32, #tpu.memory_space<vmem>>
      %dma_wait3A_308 = tpu.memref_squeeze %dma_wait3A_307 : memref<1x128x128xf32, #tpu.memory_space<vmem>> -> memref<128x128xf32, #tpu.memory_space<vmem>>
      %dma_wait3A_309 = arith.constant 0 : i32
      %dma_wait3A_310 = tpu.memref_slice %arg5[%arg0, %add3A_189, %dma_wait3A_309] : memref<2x10240x128xf32, #tpu.memory_space<hbm>> -> memref<1x128x128xf32, #tpu.memory_space<hbm>>
      %dma_wait3A_311 = tpu.memref_squeeze %dma_wait3A_310 : memref<1x128x128xf32, #tpu.memory_space<hbm>> -> memref<128x128xf32, #tpu.memory_space<hbm>>
      %dma_wait3A_312 = arith.constant 0 : i32
      %dma_wait3A_313 = tpu.memref_slice %arg5[%arg0, %add3A_189, %dma_wait3A_312] : memref<2x10240x128xf32, #tpu.memory_space<hbm>> -> memref<1x128x128xf32, #tpu.memory_space<hbm>>
      %dma_wait3A_314 = tpu.memref_squeeze %dma_wait3A_313 : memref<1x128x128xf32, #tpu.memory_space<hbm>> -> memref<128x128xf32, #tpu.memory_space<hbm>>
      %dma_wait3A_315 = arith.constant 0 : i32
      %dma_wait3A_316 = arith.constant 0 : i32
      %dma_wait3A_317 = tpu.memref_slice %arg7[%run_scoped3A_190, %dma_wait3A_315, %dma_wait3A_316] : memref<2x128x128xf32, #tpu.memory_space<vmem>> -> memref<1x128x128xf32, #tpu.memory_space<vmem>>
      %dma_wait3A_318 = tpu.memref_squeeze %dma_wait3A_317 : memref<1x128x128xf32, #tpu.memory_space<vmem>> -> memref<128x128xf32, #tpu.memory_space<vmem>>
      tpu.wait_dma2 semaphore(%run_scoped3A_290 : memref<!tpu.dma_semaphore, #tpu.memory_space<semaphore_mem>>) src(%dma_wait3A_318 : memref<128x128xf32, #tpu.memory_space<vmem>>) dst(%dma_wait3A_314 : memref<128x128xf32, #tpu.memory_space<hbm>>)
      tpu.yield
    }) : () -> ()
    %add3A_191 = arith.constant 256 : i32
    %add3A_192 = arith.addi %mul3A_97, %add3A_191 : i32
    %dma_wait3A_193 = arith.constant 0 : i32
    %dma_wait3A_194 = arith.constant 0 : i32
    %dma_wait3A_195 = arith.constant 0 : i32
    %dma_wait3A_196 = arith.constant 0 : i32
    %dma_wait3A_197 = tpu.memref_slice %arg7[%dma_wait3A_193, %dma_wait3A_195, %dma_wait3A_196] : memref<2x128x128xf32, #tpu.memory_space<vmem>> -> memref<1x128x128xf32, #tpu.memory_space<vmem>>
    %dma_wait3A_198 = tpu.memref_squeeze %dma_wait3A_197 : memref<1x128x128xf32, #tpu.memory_space<vmem>> -> memref<128x128xf32, #tpu.memory_space<vmem>>
    %dma_wait3A_199 = arith.constant 0 : i32
    %dma_wait3A_200 = tpu.memref_slice %arg6[%add3A_192, %dma_wait3A_199] : memref<10240x128xf32, #tpu.memory_space<vmem_shared>> -> memref<128x128xf32, #tpu.memory_space<vmem_shared>>
    %dma_wait3A_201 = tpu.memref_slice %arg10[%dma_wait3A_194] : memref<2x!tpu.dma_semaphore, #tpu.memory_space<semaphore_mem>> -> memref<1x!tpu.dma_semaphore, #tpu.memory_space<semaphore_mem>>
    %dma_wait3A_202 = tpu.memref_squeeze %dma_wait3A_201 : memref<1x!tpu.dma_semaphore, #tpu.memory_space<semaphore_mem>> -> memref<!tpu.dma_semaphore, #tpu.memory_space<semaphore_mem>>
    %dma_wait3A_203 = arith.constant 0 : i32
    %dma_wait3A_204 = arith.constant 0 : i32
    %dma_wait3A_205 = tpu.memref_slice %arg7[%dma_wait3A_193, %dma_wait3A_203, %dma_wait3A_204] : memref<2x128x128xf32, #tpu.memory_space<vmem>> -> memref<1x128x128xf32, #tpu.memory_space<vmem>>
    %dma_wait3A_206 = tpu.memref_squeeze %dma_wait3A_205 : memref<1x128x128xf32, #tpu.memory_space<vmem>> -> memref<128x128xf32, #tpu.memory_space<vmem>>
    %dma_wait3A_207 = arith.constant 0 : i32
    %dma_wait3A_208 = tpu.memref_slice %arg6[%add3A_192, %dma_wait3A_207] : memref<10240x128xf32, #tpu.memory_space<vmem_shared>> -> memref<128x128xf32, #tpu.memory_space<vmem_shared>>
    tpu.wait_dma2 semaphore(%dma_wait3A_202 : memref<!tpu.dma_semaphore, #tpu.memory_space<semaphore_mem>>) src(%dma_wait3A_208 : memref<128x128xf32, #tpu.memory_space<vmem_shared>>) dst(%dma_wait3A_206 : memref<128x128xf32, #tpu.memory_space<vmem>>)
    %add3A_209 = arith.constant 384 : i32
    %add3A_210 = arith.addi %mul3A_97, %add3A_209 : i32
    %dma_start3A_211 = arith.constant 1 : i32
    %dma_start3A_212 = arith.constant 1 : i32
    %dma_start3A_213 = arith.constant 0 : i32
    %dma_start3A_214 = arith.constant 0 : i32
    %dma_start3A_215 = tpu.memref_slice %arg7[%dma_start3A_211, %dma_start3A_213, %dma_start3A_214] : memref<2x128x128xf32, #tpu.memory_space<vmem>> -> memref<1x128x128xf32, #tpu.memory_space<vmem>>
    %dma_start3A_216 = tpu.memref_squeeze %dma_start3A_215 : memref<1x128x128xf32, #tpu.memory_space<vmem>> -> memref<128x128xf32, #tpu.memory_space<vmem>>
    %dma_start3A_217 = arith.constant 0 : i32
    %dma_start3A_218 = tpu.memref_slice %arg6[%add3A_210, %dma_start3A_217] : memref<10240x128xf32, #tpu.memory_space<vmem_shared>> -> memref<128x128xf32, #tpu.memory_space<vmem_shared>>
    %dma_start3A_219 = tpu.memref_slice %arg10[%dma_start3A_212] : memref<2x!tpu.dma_semaphore, #tpu.memory_space<semaphore_mem>> -> memref<1x!tpu.dma_semaphore, #tpu.memory_space<semaphore_mem>>
    %dma_start3A_220 = tpu.memref_squeeze %dma_start3A_219 : memref<1x!tpu.dma_semaphore, #tpu.memory_space<semaphore_mem>> -> memref<!tpu.dma_semaphore, #tpu.memory_space<semaphore_mem>>
    %dma_start3A_221 = arith.constant 0 : i32
    %dma_start3A_222 = arith.constant 0 : i32
    %dma_start3A_223 = tpu.memref_slice %arg7[%dma_start3A_211, %dma_start3A_221, %dma_start3A_222] : memref<2x128x128xf32, #tpu.memory_space<vmem>> -> memref<1x128x128xf32, #tpu.memory_space<vmem>>
    %dma_start3A_224 = tpu.memref_squeeze %dma_start3A_223 : memref<1x128x128xf32, #tpu.memory_space<vmem>> -> memref<128x128xf32, #tpu.memory_space<vmem>>
    %dma_start3A_225 = arith.constant 0 : i32
    %dma_start3A_226 = tpu.memref_slice %arg6[%add3A_210, %dma_start3A_225] : memref<10240x128xf32, #tpu.memory_space<vmem_shared>> -> memref<128x128xf32, #tpu.memory_space<vmem_shared>>
    tpu.enqueue_dma source(%dma_start3A_226 : memref<128x128xf32, #tpu.memory_space<vmem_shared>>) target(%dma_start3A_224 : memref<128x128xf32, #tpu.memory_space<vmem>>) target_semaphore(%dma_start3A_220 : memref<!tpu.dma_semaphore, #tpu.memory_space<semaphore_mem>>)
    %add3A_227 = arith.constant 256 : i32
    %add3A_228 = arith.addi %mul3A_97, %add3A_227 : i32
    %run_scoped3A_229 = arith.constant 0 : i32
    "tpu.region"() ({
      %run_scoped3A_290 = tpu.sem_alloc : memref<!tpu.dma_semaphore, #tpu.memory_space<semaphore_mem>>
      %dma_start3A_291 = arith.constant 0 : i32
      %dma_start3A_292 = arith.constant 0 : i32
      %dma_start3A_293 = tpu.memref_slice %arg7[%run_scoped3A_229, %dma_start3A_291, %dma_start3A_292] : memref<2x128x128xf32, #tpu.memory_space<vmem>> -> memref<1x128x128xf32, #tpu.memory_space<vmem>>
      %dma_start3A_294 = tpu.memref_squeeze %dma_start3A_293 : memref<1x128x128xf32, #tpu.memory_space<vmem>> -> memref<128x128xf32, #tpu.memory_space<vmem>>
      %dma_start3A_295 = arith.constant 0 : i32
      %dma_start3A_296 = tpu.memref_slice %arg5[%arg0, %add3A_228, %dma_start3A_295] : memref<2x10240x128xf32, #tpu.memory_space<hbm>> -> memref<1x128x128xf32, #tpu.memory_space<hbm>>
      %dma_start3A_297 = tpu.memref_squeeze %dma_start3A_296 : memref<1x128x128xf32, #tpu.memory_space<hbm>> -> memref<128x128xf32, #tpu.memory_space<hbm>>
      %dma_start3A_298 = arith.constant 0 : i32
      %dma_start3A_299 = tpu.memref_slice %arg5[%arg0, %add3A_228, %dma_start3A_298] : memref<2x10240x128xf32, #tpu.memory_space<hbm>> -> memref<1x128x128xf32, #tpu.memory_space<hbm>>
      %dma_start3A_300 = tpu.memref_squeeze %dma_start3A_299 : memref<1x128x128xf32, #tpu.memory_space<hbm>> -> memref<128x128xf32, #tpu.memory_space<hbm>>
      %dma_start3A_301 = arith.constant 0 : i32
      %dma_start3A_302 = arith.constant 0 : i32
      %dma_start3A_303 = tpu.memref_slice %arg7[%run_scoped3A_229, %dma_start3A_301, %dma_start3A_302] : memref<2x128x128xf32, #tpu.memory_space<vmem>> -> memref<1x128x128xf32, #tpu.memory_space<vmem>>
      %dma_start3A_304 = tpu.memref_squeeze %dma_start3A_303 : memref<1x128x128xf32, #tpu.memory_space<vmem>> -> memref<128x128xf32, #tpu.memory_space<vmem>>
      tpu.enqueue_dma source(%dma_start3A_304 : memref<128x128xf32, #tpu.memory_space<vmem>>) target(%dma_start3A_300 : memref<128x128xf32, #tpu.memory_space<hbm>>) target_semaphore(%run_scoped3A_290 : memref<!tpu.dma_semaphore, #tpu.memory_space<semaphore_mem>>)
      %dma_wait3A_305 = arith.constant 0 : i32
      %dma_wait3A_306 = arith.constant 0 : i32
      %dma_wait3A_307 = tpu.memref_slice %arg7[%run_scoped3A_229, %dma_wait3A_305, %dma_wait3A_306] : memref<2x128x128xf32, #tpu.memory_space<vmem>> -> memref<1x128x128xf32, #tpu.memory_space<vmem>>
      %dma_wait3A_308 = tpu.memref_squeeze %dma_wait3A_307 : memref<1x128x128xf32, #tpu.memory_space<vmem>> -> memref<128x128xf32, #tpu.memory_space<vmem>>
      %dma_wait3A_309 = arith.constant 0 : i32
      %dma_wait3A_310 = tpu.memref_slice %arg5[%arg0, %add3A_228, %dma_wait3A_309] : memref<2x10240x128xf32, #tpu.memory_space<hbm>> -> memref<1x128x128xf32, #tpu.memory_space<hbm>>
      %dma_wait3A_311 = tpu.memref_squeeze %dma_wait3A_310 : memref<1x128x128xf32, #tpu.memory_space<hbm>> -> memref<128x128xf32, #tpu.memory_space<hbm>>
      %dma_wait3A_312 = arith.constant 0 : i32
      %dma_wait3A_313 = tpu.memref_slice %arg5[%arg0, %add3A_228, %dma_wait3A_312] : memref<2x10240x128xf32, #tpu.memory_space<hbm>> -> memref<1x128x128xf32, #tpu.memory_space<hbm>>
      %dma_wait3A_314 = tpu.memref_squeeze %dma_wait3A_313 : memref<1x128x128xf32, #tpu.memory_space<hbm>> -> memref<128x128xf32, #tpu.memory_space<hbm>>
      %dma_wait3A_315 = arith.constant 0 : i32
      %dma_wait3A_316 = arith.constant 0 : i32
      %dma_wait3A_317 = tpu.memref_slice %arg7[%run_scoped3A_229, %dma_wait3A_315, %dma_wait3A_316] : memref<2x128x128xf32, #tpu.memory_space<vmem>> -> memref<1x128x128xf32, #tpu.memory_space<vmem>>
      %dma_wait3A_318 = tpu.memref_squeeze %dma_wait3A_317 : memref<1x128x128xf32, #tpu.memory_space<vmem>> -> memref<128x128xf32, #tpu.memory_space<vmem>>
      tpu.wait_dma2 semaphore(%run_scoped3A_290 : memref<!tpu.dma_semaphore, #tpu.memory_space<semaphore_mem>>) src(%dma_wait3A_318 : memref<128x128xf32, #tpu.memory_space<vmem>>) dst(%dma_wait3A_314 : memref<128x128xf32, #tpu.memory_space<hbm>>)
      tpu.yield
    }) : () -> ()
    %add3A_230 = arith.constant 384 : i32
    %add3A_231 = arith.addi %mul3A_97, %add3A_230 : i32
    %dma_wait3A_232 = arith.constant 1 : i32
    %dma_wait3A_233 = arith.constant 1 : i32
    %dma_wait3A_234 = arith.constant 0 : i32
    %dma_wait3A_235 = arith.constant 0 : i32
    %dma_wait3A_236 = tpu.memref_slice %arg7[%dma_wait3A_232, %dma_wait3A_234, %dma_wait3A_235] : memref<2x128x128xf32, #tpu.memory_space<vmem>> -> memref<1x128x128xf32, #tpu.memory_space<vmem>>
    %dma_wait3A_237 = tpu.memref_squeeze %dma_wait3A_236 : memref<1x128x128xf32, #tpu.memory_space<vmem>> -> memref<128x128xf32, #tpu.memory_space<vmem>>
    %dma_wait3A_238 = arith.constant 0 : i32
    %dma_wait3A_239 = tpu.memref_slice %arg6[%add3A_231, %dma_wait3A_238] : memref<10240x128xf32, #tpu.memory_space<vmem_shared>> -> memref<128x128xf32, #tpu.memory_space<vmem_shared>>
    %dma_wait3A_240 = tpu.memref_slice %arg10[%dma_wait3A_233] : memref<2x!tpu.dma_semaphore, #tpu.memory_space<semaphore_mem>> -> memref<1x!tpu.dma_semaphore, #tpu.memory_space<semaphore_mem>>
    %dma_wait3A_241 = tpu.memref_squeeze %dma_wait3A_240 : memref<1x!tpu.dma_semaphore, #tpu.memory_space<semaphore_mem>> -> memref<!tpu.dma_semaphore, #tpu.memory_space<semaphore_mem>>
    %dma_wait3A_242 = arith.constant 0 : i32
    %dma_wait3A_243 = arith.constant 0 : i32
    %dma_wait3A_244 = tpu.memref_slice %arg7[%dma_wait3A_232, %dma_wait3A_242, %dma_wait3A_243] : memref<2x128x128xf32, #tpu.memory_space<vmem>> -> memref<1x128x128xf32, #tpu.memory_space<vmem>>
    %dma_wait3A_245 = tpu.memref_squeeze %dma_wait3A_244 : memref<1x128x128xf32, #tpu.memory_space<vmem>> -> memref<128x128xf32, #tpu.memory_space<vmem>>
    %dma_wait3A_246 = arith.constant 0 : i32
    %dma_wait3A_247 = tpu.memref_slice %arg6[%add3A_231, %dma_wait3A_246] : memref<10240x128xf32, #tpu.memory_space<vmem_shared>> -> memref<128x128xf32, #tpu.memory_space<vmem_shared>>
    tpu.wait_dma2 semaphore(%dma_wait3A_241 : memref<!tpu.dma_semaphore, #tpu.memory_space<semaphore_mem>>) src(%dma_wait3A_247 : memref<128x128xf32, #tpu.memory_space<vmem_shared>>) dst(%dma_wait3A_245 : memref<128x128xf32, #tpu.memory_space<vmem>>)
    %add3A_248 = arith.constant 512 : i32
    %add3A_249 = arith.addi %mul3A_97, %add3A_248 : i32
    %dma_start3A_250 = arith.constant 0 : i32
    %dma_start3A_251 = arith.constant 0 : i32
    %dma_start3A_252 = arith.constant 0 : i32
    %dma_start3A_253 = arith.constant 0 : i32
    %dma_start3A_254 = tpu.memref_slice %arg7[%dma_start3A_250, %dma_start3A_252, %dma_start3A_253] : memref<2x128x128xf32, #tpu.memory_space<vmem>> -> memref<1x128x128xf32, #tpu.memory_space<vmem>>
    %dma_start3A_255 = tpu.memref_squeeze %dma_start3A_254 : memref<1x128x128xf32, #tpu.memory_space<vmem>> -> memref<128x128xf32, #tpu.memory_space<vmem>>
    %dma_start3A_256 = arith.constant 0 : i32
    %dma_start3A_257 = tpu.memref_slice %arg6[%add3A_249, %dma_start3A_256] : memref<10240x128xf32, #tpu.memory_space<vmem_shared>> -> memref<128x128xf32, #tpu.memory_space<vmem_shared>>
    %dma_start3A_258 = tpu.memref_slice %arg10[%dma_start3A_251] : memref<2x!tpu.dma_semaphore, #tpu.memory_space<semaphore_mem>> -> memref<1x!tpu.dma_semaphore, #tpu.memory_space<semaphore_mem>>
    %dma_start3A_259 = tpu.memref_squeeze %dma_start3A_258 : memref<1x!tpu.dma_semaphore, #tpu.memory_space<semaphore_mem>> -> memref<!tpu.dma_semaphore, #tpu.memory_space<semaphore_mem>>
    %dma_start3A_260 = arith.constant 0 : i32
    %dma_start3A_261 = arith.constant 0 : i32
    %dma_start3A_262 = tpu.memref_slice %arg7[%dma_start3A_250, %dma_start3A_260, %dma_start3A_261] : memref<2x128x128xf32, #tpu.memory_space<vmem>> -> memref<1x128x128xf32, #tpu.memory_space<vmem>>
    %dma_start3A_263 = tpu.memref_squeeze %dma_start3A_262 : memref<1x128x128xf32, #tpu.memory_space<vmem>> -> memref<128x128xf32, #tpu.memory_space<vmem>>
    %dma_start3A_264 = arith.constant 0 : i32
    %dma_start3A_265 = tpu.memref_slice %arg6[%add3A_249, %dma_start3A_264] : memref<10240x128xf32, #tpu.memory_space<vmem_shared>> -> memref<128x128xf32, #tpu.memory_space<vmem_shared>>
    tpu.enqueue_dma source(%dma_start3A_265 : memref<128x128xf32, #tpu.memory_space<vmem_shared>>) target(%dma_start3A_263 : memref<128x128xf32, #tpu.memory_space<vmem>>) target_semaphore(%dma_start3A_259 : memref<!tpu.dma_semaphore, #tpu.memory_space<semaphore_mem>>)
    %add3A_266 = arith.constant 384 : i32
    %add3A_267 = arith.addi %mul3A_97, %add3A_266 : i32
    %run_scoped3A_268 = arith.constant 1 : i32
    "tpu.region"() ({
      %run_scoped3A_290 = tpu.sem_alloc : memref<!tpu.dma_semaphore, #tpu.memory_space<semaphore_mem>>
      %dma_start3A_291 = arith.constant 0 : i32
      %dma_start3A_292 = arith.constant 0 : i32
      %dma_start3A_293 = tpu.memref_slice %arg7[%run_scoped3A_268, %dma_start3A_291, %dma_start3A_292] : memref<2x128x128xf32, #tpu.memory_space<vmem>> -> memref<1x128x128xf32, #tpu.memory_space<vmem>>
      %dma_start3A_294 = tpu.memref_squeeze %dma_start3A_293 : memref<1x128x128xf32, #tpu.memory_space<vmem>> -> memref<128x128xf32, #tpu.memory_space<vmem>>
      %dma_start3A_295 = arith.constant 0 : i32
      %dma_start3A_296 = tpu.memref_slice %arg5[%arg0, %add3A_267, %dma_start3A_295] : memref<2x10240x128xf32, #tpu.memory_space<hbm>> -> memref<1x128x128xf32, #tpu.memory_space<hbm>>
      %dma_start3A_297 = tpu.memref_squeeze %dma_start3A_296 : memref<1x128x128xf32, #tpu.memory_space<hbm>> -> memref<128x128xf32, #tpu.memory_space<hbm>>
      %dma_start3A_298 = arith.constant 0 : i32
      %dma_start3A_299 = tpu.memref_slice %arg5[%arg0, %add3A_267, %dma_start3A_298] : memref<2x10240x128xf32, #tpu.memory_space<hbm>> -> memref<1x128x128xf32, #tpu.memory_space<hbm>>
      %dma_start3A_300 = tpu.memref_squeeze %dma_start3A_299 : memref<1x128x128xf32, #tpu.memory_space<hbm>> -> memref<128x128xf32, #tpu.memory_space<hbm>>
      %dma_start3A_301 = arith.constant 0 : i32
      %dma_start3A_302 = arith.constant 0 : i32
      %dma_start3A_303 = tpu.memref_slice %arg7[%run_scoped3A_268, %dma_start3A_301, %dma_start3A_302] : memref<2x128x128xf32, #tpu.memory_space<vmem>> -> memref<1x128x128xf32, #tpu.memory_space<vmem>>
      %dma_start3A_304 = tpu.memref_squeeze %dma_start3A_303 : memref<1x128x128xf32, #tpu.memory_space<vmem>> -> memref<128x128xf32, #tpu.memory_space<vmem>>
      tpu.enqueue_dma source(%dma_start3A_304 : memref<128x128xf32, #tpu.memory_space<vmem>>) target(%dma_start3A_300 : memref<128x128xf32, #tpu.memory_space<hbm>>) target_semaphore(%run_scoped3A_290 : memref<!tpu.dma_semaphore, #tpu.memory_space<semaphore_mem>>)
      %dma_wait3A_305 = arith.constant 0 : i32
      %dma_wait3A_306 = arith.constant 0 : i32
      %dma_wait3A_307 = tpu.memref_slice %arg7[%run_scoped3A_268, %dma_wait3A_305, %dma_wait3A_306] : memref<2x128x128xf32, #tpu.memory_space<vmem>> -> memref<1x128x128xf32, #tpu.memory_space<vmem>>
      %dma_wait3A_308 = tpu.memref_squeeze %dma_wait3A_307 : memref<1x128x128xf32, #tpu.memory_space<vmem>> -> memref<128x128xf32, #tpu.memory_space<vmem>>
      %dma_wait3A_309 = arith.constant 0 : i32
      %dma_wait3A_310 = tpu.memref_slice %arg5[%arg0, %add3A_267, %dma_wait3A_309] : memref<2x10240x128xf32, #tpu.memory_space<hbm>> -> memref<1x128x128xf32, #tpu.memory_space<hbm>>
      %dma_wait3A_311 = tpu.memref_squeeze %dma_wait3A_310 : memref<1x128x128xf32, #tpu.memory_space<hbm>> -> memref<128x128xf32, #tpu.memory_space<hbm>>
      %dma_wait3A_312 = arith.constant 0 : i32
      %dma_wait3A_313 = tpu.memref_slice %arg5[%arg0, %add3A_267, %dma_wait3A_312] : memref<2x10240x128xf32, #tpu.memory_space<hbm>> -> memref<1x128x128xf32, #tpu.memory_space<hbm>>
      %dma_wait3A_314 = tpu.memref_squeeze %dma_wait3A_313 : memref<1x128x128xf32, #tpu.memory_space<hbm>> -> memref<128x128xf32, #tpu.memory_space<hbm>>
      %dma_wait3A_315 = arith.constant 0 : i32
      %dma_wait3A_316 = arith.constant 0 : i32
      %dma_wait3A_317 = tpu.memref_slice %arg7[%run_scoped3A_268, %dma_wait3A_315, %dma_wait3A_316] : memref<2x128x128xf32, #tpu.memory_space<vmem>> -> memref<1x128x128xf32, #tpu.memory_space<vmem>>
      %dma_wait3A_318 = tpu.memref_squeeze %dma_wait3A_317 : memref<1x128x128xf32, #tpu.memory_space<vmem>> -> memref<128x128xf32, #tpu.memory_space<vmem>>
      tpu.wait_dma2 semaphore(%run_scoped3A_290 : memref<!tpu.dma_semaphore, #tpu.memory_space<semaphore_mem>>) src(%dma_wait3A_318 : memref<128x128xf32, #tpu.memory_space<vmem>>) dst(%dma_wait3A_314 : memref<128x128xf32, #tpu.memory_space<hbm>>)
      tpu.yield
    }) : () -> ()
    %add3A_269 = arith.constant 512 : i32
    %add3A_270 = arith.addi %mul3A_97, %add3A_269 : i32
    %dma_wait3A_271 = arith.constant 0 : i32
    %dma_wait3A_272 = arith.constant 0 : i32
    %dma_wait3A_273 = arith.constant 0 : i32
    %dma_wait3A_274 = arith.constant 0 : i32
    %dma_wait3A_275 = tpu.memref_slice %arg7[%dma_wait3A_271, %dma_wait3A_273, %dma_wait3A_274] : memref<2x128x128xf32, #tpu.memory_space<vmem>> -> memref<1x128x128xf32, #tpu.memory_space<vmem>>
    %dma_wait3A_276 = tpu.memref_squeeze %dma_wait3A_275 : memref<1x128x128xf32, #tpu.memory_space<vmem>> -> memref<128x128xf32, #tpu.memory_space<vmem>>
    %dma_wait3A_277 = arith.constant 0 : i32
    %dma_wait3A_278 = tpu.memref_slice %arg6[%add3A_270, %dma_wait3A_277] : memref<10240x128xf32, #tpu.memory_space<vmem_shared>> -> memref<128x128xf32, #tpu.memory_space<vmem_shared>>
    %dma_wait3A_279 = tpu.memref_slice %arg10[%dma_wait3A_272] : memref<2x!tpu.dma_semaphore, #tpu.memory_space<semaphore_mem>> -> memref<1x!tpu.dma_semaphore, #tpu.memory_space<semaphore_mem>>
    %dma_wait3A_280 = tpu.memref_squeeze %dma_wait3A_279 : memref<1x!tpu.dma_semaphore, #tpu.memory_space<semaphore_mem>> -> memref<!tpu.dma_semaphore, #tpu.memory_space<semaphore_mem>>
    %dma_wait3A_281 = arith.constant 0 : i32
    %dma_wait3A_282 = arith.constant 0 : i32
    %dma_wait3A_283 = tpu.memref_slice %arg7[%dma_wait3A_271, %dma_wait3A_281, %dma_wait3A_282] : memref<2x128x128xf32, #tpu.memory_space<vmem>> -> memref<1x128x128xf32, #tpu.memory_space<vmem>>
    %dma_wait3A_284 = tpu.memref_squeeze %dma_wait3A_283 : memref<1x128x128xf32, #tpu.memory_space<vmem>> -> memref<128x128xf32, #tpu.memory_space<vmem>>
    %dma_wait3A_285 = arith.constant 0 : i32
    %dma_wait3A_286 = tpu.memref_slice %arg6[%add3A_270, %dma_wait3A_285] : memref<10240x128xf32, #tpu.memory_space<vmem_shared>> -> memref<128x128xf32, #tpu.memory_space<vmem_shared>>
    tpu.wait_dma2 semaphore(%dma_wait3A_280 : memref<!tpu.dma_semaphore, #tpu.memory_space<semaphore_mem>>) src(%dma_wait3A_286 : memref<128x128xf32, #tpu.memory_space<vmem_shared>>) dst(%dma_wait3A_284 : memref<128x128xf32, #tpu.memory_space<vmem>>)
    %add3A_287 = arith.constant 512 : i32
    %add3A_288 = arith.addi %mul3A_97, %add3A_287 : i32
    %run_scoped3A_289 = arith.constant 0 : i32
    "tpu.region"() ({
      %run_scoped3A_290 = tpu.sem_alloc : memref<!tpu.dma_semaphore, #tpu.memory_space<semaphore_mem>>
      %dma_start3A_291 = arith.constant 0 : i32
      %dma_start3A_292 = arith.constant 0 : i32
      %dma_start3A_293 = tpu.memref_slice %arg7[%run_scoped3A_289, %dma_start3A_291, %dma_start3A_292] : memref<2x128x128xf32, #tpu.memory_space<vmem>> -> memref<1x128x128xf32, #tpu.memory_space<vmem>>
      %dma_start3A_294 = tpu.memref_squeeze %dma_start3A_293 : memref<1x128x128xf32, #tpu.memory_space<vmem>> -> memref<128x128xf32, #tpu.memory_space<vmem>>
      %dma_start3A_295 = arith.constant 0 : i32
      %dma_start3A_296 = tpu.memref_slice %arg5[%arg0, %add3A_288, %dma_start3A_295] : memref<2x10240x128xf32, #tpu.memory_space<hbm>> -> memref<1x128x128xf32, #tpu.memory_space<hbm>>
      %dma_start3A_297 = tpu.memref_squeeze %dma_start3A_296 : memref<1x128x128xf32, #tpu.memory_space<hbm>> -> memref<128x128xf32, #tpu.memory_space<hbm>>
      %dma_start3A_298 = arith.constant 0 : i32
      %dma_start3A_299 = tpu.memref_slice %arg5[%arg0, %add3A_288, %dma_start3A_298] : memref<2x10240x128xf32, #tpu.memory_space<hbm>> -> memref<1x128x128xf32, #tpu.memory_space<hbm>>
      %dma_start3A_300 = tpu.memref_squeeze %dma_start3A_299 : memref<1x128x128xf32, #tpu.memory_space<hbm>> -> memref<128x128xf32, #tpu.memory_space<hbm>>
      %dma_start3A_301 = arith.constant 0 : i32
      %dma_start3A_302 = arith.constant 0 : i32
      %dma_start3A_303 = tpu.memref_slice %arg7[%run_scoped3A_289, %dma_start3A_301, %dma_start3A_302] : memref<2x128x128xf32, #tpu.memory_space<vmem>> -> memref<1x128x128xf32, #tpu.memory_space<vmem>>
      %dma_start3A_304 = tpu.memref_squeeze %dma_start3A_303 : memref<1x128x128xf32, #tpu.memory_space<vmem>> -> memref<128x128xf32, #tpu.memory_space<vmem>>
      tpu.enqueue_dma source(%dma_start3A_304 : memref<128x128xf32, #tpu.memory_space<vmem>>) target(%dma_start3A_300 : memref<128x128xf32, #tpu.memory_space<hbm>>) target_semaphore(%run_scoped3A_290 : memref<!tpu.dma_semaphore, #tpu.memory_space<semaphore_mem>>)
      %dma_wait3A_305 = arith.constant 0 : i32
      %dma_wait3A_306 = arith.constant 0 : i32
      %dma_wait3A_307 = tpu.memref_slice %arg7[%run_scoped3A_289, %dma_wait3A_305, %dma_wait3A_306] : memref<2x128x128xf32, #tpu.memory_space<vmem>> -> memref<1x128x128xf32, #tpu.memory_space<vmem>>
      %dma_wait3A_308 = tpu.memref_squeeze %dma_wait3A_307 : memref<1x128x128xf32, #tpu.memory_space<vmem>> -> memref<128x128xf32, #tpu.memory_space<vmem>>
      %dma_wait3A_309 = arith.constant 0 : i32
      %dma_wait3A_310 = tpu.memref_slice %arg5[%arg0, %add3A_288, %dma_wait3A_309] : memref<2x10240x128xf32, #tpu.memory_space<hbm>> -> memref<1x128x128xf32, #tpu.memory_space<hbm>>
      %dma_wait3A_311 = tpu.memref_squeeze %dma_wait3A_310 : memref<1x128x128xf32, #tpu.memory_space<hbm>> -> memref<128x128xf32, #tpu.memory_space<hbm>>
      %dma_wait3A_312 = arith.constant 0 : i32
      %dma_wait3A_313 = tpu.memref_slice %arg5[%arg0, %add3A_288, %dma_wait3A_312] : memref<2x10240x128xf32, #tpu.memory_space<hbm>> -> memref<1x128x128xf32, #tpu.memory_space<hbm>>
      %dma_wait3A_314 = tpu.memref_squeeze %dma_wait3A_313 : memref<1x128x128xf32, #tpu.memory_space<hbm>> -> memref<128x128xf32, #tpu.memory_space<hbm>>
      %dma_wait3A_315 = arith.constant 0 : i32
      %dma_wait3A_316 = arith.constant 0 : i32
      %dma_wait3A_317 = tpu.memref_slice %arg7[%run_scoped3A_289, %dma_wait3A_315, %dma_wait3A_316] : memref<2x128x128xf32, #tpu.memory_space<vmem>> -> memref<1x128x128xf32, #tpu.memory_space<vmem>>
      %dma_wait3A_318 = tpu.memref_squeeze %dma_wait3A_317 : memref<1x128x128xf32, #tpu.memory_space<vmem>> -> memref<128x128xf32, #tpu.memory_space<vmem>>
      tpu.wait_dma2 semaphore(%run_scoped3A_290 : memref<!tpu.dma_semaphore, #tpu.memory_space<semaphore_mem>>) src(%dma_wait3A_318 : memref<128x128xf32, #tpu.memory_space<vmem>>) dst(%dma_wait3A_314 : memref<128x128xf32, #tpu.memory_space<hbm>>)
      tpu.yield
    }) : () -> ()
    return
  }
}

#map = affine_map<(d0, d1) -> (0, 0)>
#map1 = affine_map<(d0, d1) -> (0, 0, 0)>
module attributes {stable_mosaic.version = 14 : i64} {
  func.func @_deg_body(%arg0: i32, %arg1: i32, %arg2: memref<1280x128xi32, #tpu.memory_space<hbm>>, %arg3: memref<2x10240x128xf32, #tpu.memory_space<hbm>>, %arg4: memref<10240x128xf32, #tpu.memory_space<vmem_shared>>, %arg5: memref<128x128xf32, #tpu.memory_space<vmem>>, %arg6: memref<128x128xf32, #tpu.memory_space<vmem>>, %arg7: memref<40x128xi32, #tpu.memory_space<vmem>>, %arg8: memref<!tpu.dma_semaphore, #tpu.memory_space<semaphore_mem>>) attributes {dimension_semantics = [#tpu.dimension_semantics<core_parallel>, #tpu.dimension_semantics<subcore_parallel>], iteration_bounds = array<i64: 2, 16>, scalar_prefetch = 0 : i64, scratch_operands = 5 : i64, tpu.core_type = #tpu.core_type<sc_vector_subcore>, window_params = [{transform_indices = #map}, {transform_indices = #map1}]} {
    %mul3A = arith.constant 16 : i32
    %mul3A_0 = arith.muli %arg0, %mul3A : i32
    %add3A = arith.addi %mul3A_0, %arg1 : i32
    %scan3A = arith.constant 0 : i32
    %scan3A_1 = arith.constant 0 : i32
    %scan3A_2 = arith.constant 1024 : i32
    %scan3A_3 = arith.addi %scan3A_1, %scan3A_2 : i32
    %scan3A_4 = arith.constant 1 : i32
    %scan3A_5 = scf.for %scan3A_66 = %scan3A_1 to %scan3A_3 step %scan3A_4 iter_args(%scan3A_67 = %scan3A) -> (i32)  : i32 {
      %jit3A = arith.constant 8 : i32
      %div3A = arith.divsi %scan3A_66, %jit3A : i32
      %sign3A = arith.constant 0 : i32
      %sign3A_68 = arith.cmpi sgt, %scan3A_66, %sign3A : i32
      %sign3A_69 = arith.extui %sign3A_68 : i1 to i32
      %sign3A_70 = arith.constant 0 : i32
      %sign3A_71 = arith.cmpi slt, %scan3A_66, %sign3A_70 : i32
      %sign3A_72 = arith.extui %sign3A_71 : i1 to i32
      %sign3A_73 = arith.subi %sign3A_69, %sign3A_72 : i32
      %sign3A_74 = arith.constant 0 : i32
      %sign3A_75 = arith.cmpi sgt, %jit3A, %sign3A_74 : i32
      %sign3A_76 = arith.extui %sign3A_75 : i1 to i32
      %sign3A_77 = arith.constant 0 : i32
      %sign3A_78 = arith.cmpi slt, %jit3A, %sign3A_77 : i32
      %sign3A_79 = arith.extui %sign3A_78 : i1 to i32
      %sign3A_80 = arith.subi %sign3A_76, %sign3A_79 : i32
      %ne3A = arith.cmpi ne, %sign3A_73, %sign3A_80 : i32
      %rem3A = arith.remsi %scan3A_66, %jit3A : i32
      %ne3A_81 = arith.constant 0 : i32
      %ne3A_82 = arith.cmpi ne, %rem3A, %ne3A_81 : i32
      %and3A = arith.andi %ne3A, %ne3A_82 : i1
      %sub3A = arith.constant 1 : i32
      %sub3A_83 = arith.subi %div3A, %sub3A : i32
      %select_n3A = arith.select %and3A, %sub3A_83, %div3A : i32
      %mul3A_84 = arith.constant 8 : i32
      %mul3A_85 = arith.muli %select_n3A, %mul3A_84 : i32
      %sub3A_86 = arith.subi %scan3A_66, %mul3A_85 : i32
      %broadcast_in_dim3A = arith.constant 0.000000e+00 : f32
      %broadcast_in_dim3A_87 = vector.broadcast %broadcast_in_dim3A : f32 to vector<16xf32>
      %mul3A_88 = arith.constant 16 : i32
      %mul3A_89 = arith.muli %sub3A_86, %mul3A_88 : i32
      %swap3A = arith.index_cast %select_n3A : i32 to index
      %swap3A_90 = arith.index_cast %mul3A_89 : i32 to index
      %swap3A_91 = tpu.vector_load %arg6[%swap3A, %swap3A_90] {strides = array<i32>} : memref<128x128xf32, #tpu.memory_space<vmem>>, vector<1x16xf32>,
      %swap3A_92 = vector.shape_cast %swap3A_91 : vector<1x16xf32> to vector<16xf32>
      %swap3A_93 = vector.shape_cast %broadcast_in_dim3A_87 : vector<16xf32> to vector<1x16xf32>
      tpu.vector_store %arg6[%swap3A, %swap3A_90], %swap3A_93 {strides = array<i32>} : memref<128x128xf32, #tpu.memory_space<vmem>>, vector<1x16xf32>,
      %broadcast_in_dim3A_94 = arith.constant 1.000000e+00 : f32
      %broadcast_in_dim3A_95 = vector.broadcast %broadcast_in_dim3A_94 : f32 to vector<16xf32>
      %mul3A_96 = arith.constant 16 : i32
      %mul3A_97 = arith.muli %sub3A_86, %mul3A_96 : i32
      %swap3A_98 = arith.index_cast %select_n3A : i32 to index
      %swap3A_99 = arith.index_cast %mul3A_97 : i32 to index
      %swap3A_100 = tpu.vector_load %arg5[%swap3A_98, %swap3A_99] {strides = array<i32>} : memref<128x128xf32, #tpu.memory_space<vmem>>, vector<1x16xf32>,
      %swap3A_101 = vector.shape_cast %swap3A_100 : vector<1x16xf32> to vector<16xf32>
      %swap3A_102 = vector.shape_cast %broadcast_in_dim3A_95 : vector<16xf32> to vector<1x16xf32>
      tpu.vector_store %arg5[%swap3A_98, %swap3A_99], %swap3A_102 {strides = array<i32>} : memref<128x128xf32, #tpu.memory_space<vmem>>, vector<1x16xf32>,
      %scan3A_103 = arith.constant 0 : i32
      scf.yield %scan3A_103 : i32
    }
    %scan3A_6 = arith.constant 1024 : i32
    %mul3A_7 = arith.constant 640 : i32
    %mul3A_8 = arith.muli %arg1, %mul3A_7 : i32
    %add3A_9 = arith.constant 0 : i32
    %add3A_10 = arith.addi %mul3A_8, %add3A_9 : i32
    "tpu.region"() ({
      %run_scoped3A = tpu.sem_alloc : memref<!tpu.dma_semaphore, #tpu.memory_space<semaphore_mem>>
      %dma_start3A = arith.constant 0 : i32
      %dma_start3A_66 = tpu.memref_slice %arg4[%add3A_10, %dma_start3A] : memref<10240x128xf32, #tpu.memory_space<vmem_shared>> -> memref<128x128xf32, #tpu.memory_space<vmem_shared>>
      %dma_start3A_67 = arith.constant 0 : i32
      %dma_start3A_68 = tpu.memref_slice %arg4[%add3A_10, %dma_start3A_67] : memref<10240x128xf32, #tpu.memory_space<vmem_shared>> -> memref<128x128xf32, #tpu.memory_space<vmem_shared>>
      tpu.enqueue_dma source(%arg6 : memref<128x128xf32, #tpu.memory_space<vmem>>) target(%dma_start3A_68 : memref<128x128xf32, #tpu.memory_space<vmem_shared>>) target_semaphore(%run_scoped3A : memref<!tpu.dma_semaphore, #tpu.memory_space<semaphore_mem>>)
      %dma_wait3A = arith.constant 0 : i32
      %dma_wait3A_69 = tpu.memref_slice %arg4[%add3A_10, %dma_wait3A] : memref<10240x128xf32, #tpu.memory_space<vmem_shared>> -> memref<128x128xf32, #tpu.memory_space<vmem_shared>>
      %dma_wait3A_70 = arith.constant 0 : i32
      %dma_wait3A_71 = tpu.memref_slice %arg4[%add3A_10, %dma_wait3A_70] : memref<10240x128xf32, #tpu.memory_space<vmem_shared>> -> memref<128x128xf32, #tpu.memory_space<vmem_shared>>
      tpu.wait_dma2 semaphore(%run_scoped3A : memref<!tpu.dma_semaphore, #tpu.memory_space<semaphore_mem>>) src(%arg6 : memref<128x128xf32, #tpu.memory_space<vmem>>) dst(%dma_wait3A_71 : memref<128x128xf32, #tpu.memory_space<vmem_shared>>)
      tpu.yield
    }) : () -> ()
    %mul3A_11 = arith.constant 640 : i32
    %mul3A_12 = arith.muli %arg1, %mul3A_11 : i32
    %add3A_13 = arith.constant 128 : i32
    %add3A_14 = arith.addi %mul3A_12, %add3A_13 : i32
    "tpu.region"() ({
      %run_scoped3A = tpu.sem_alloc : memref<!tpu.dma_semaphore, #tpu.memory_space<semaphore_mem>>
      %dma_start3A = arith.constant 0 : i32
      %dma_start3A_66 = tpu.memref_slice %arg4[%add3A_14, %dma_start3A] : memref<10240x128xf32, #tpu.memory_space<vmem_shared>> -> memref<128x128xf32, #tpu.memory_space<vmem_shared>>
      %dma_start3A_67 = arith.constant 0 : i32
      %dma_start3A_68 = tpu.memref_slice %arg4[%add3A_14, %dma_start3A_67] : memref<10240x128xf32, #tpu.memory_space<vmem_shared>> -> memref<128x128xf32, #tpu.memory_space<vmem_shared>>
      tpu.enqueue_dma source(%arg6 : memref<128x128xf32, #tpu.memory_space<vmem>>) target(%dma_start3A_68 : memref<128x128xf32, #tpu.memory_space<vmem_shared>>) target_semaphore(%run_scoped3A : memref<!tpu.dma_semaphore, #tpu.memory_space<semaphore_mem>>)
      %dma_wait3A = arith.constant 0 : i32
      %dma_wait3A_69 = tpu.memref_slice %arg4[%add3A_14, %dma_wait3A] : memref<10240x128xf32, #tpu.memory_space<vmem_shared>> -> memref<128x128xf32, #tpu.memory_space<vmem_shared>>
      %dma_wait3A_70 = arith.constant 0 : i32
      %dma_wait3A_71 = tpu.memref_slice %arg4[%add3A_14, %dma_wait3A_70] : memref<10240x128xf32, #tpu.memory_space<vmem_shared>> -> memref<128x128xf32, #tpu.memory_space<vmem_shared>>
      tpu.wait_dma2 semaphore(%run_scoped3A : memref<!tpu.dma_semaphore, #tpu.memory_space<semaphore_mem>>) src(%arg6 : memref<128x128xf32, #tpu.memory_space<vmem>>) dst(%dma_wait3A_71 : memref<128x128xf32, #tpu.memory_space<vmem_shared>>)
      tpu.yield
    }) : () -> ()
    %mul3A_15 = arith.constant 640 : i32
    %mul3A_16 = arith.muli %arg1, %mul3A_15 : i32
    %add3A_17 = arith.constant 256 : i32
    %add3A_18 = arith.addi %mul3A_16, %add3A_17 : i32
    "tpu.region"() ({
      %run_scoped3A = tpu.sem_alloc : memref<!tpu.dma_semaphore, #tpu.memory_space<semaphore_mem>>
      %dma_start3A = arith.constant 0 : i32
      %dma_start3A_66 = tpu.memref_slice %arg4[%add3A_18, %dma_start3A] : memref<10240x128xf32, #tpu.memory_space<vmem_shared>> -> memref<128x128xf32, #tpu.memory_space<vmem_shared>>
      %dma_start3A_67 = arith.constant 0 : i32
      %dma_start3A_68 = tpu.memref_slice %arg4[%add3A_18, %dma_start3A_67] : memref<10240x128xf32, #tpu.memory_space<vmem_shared>> -> memref<128x128xf32, #tpu.memory_space<vmem_shared>>
      tpu.enqueue_dma source(%arg6 : memref<128x128xf32, #tpu.memory_space<vmem>>) target(%dma_start3A_68 : memref<128x128xf32, #tpu.memory_space<vmem_shared>>) target_semaphore(%run_scoped3A : memref<!tpu.dma_semaphore, #tpu.memory_space<semaphore_mem>>)
      %dma_wait3A = arith.constant 0 : i32
      %dma_wait3A_69 = tpu.memref_slice %arg4[%add3A_18, %dma_wait3A] : memref<10240x128xf32, #tpu.memory_space<vmem_shared>> -> memref<128x128xf32, #tpu.memory_space<vmem_shared>>
      %dma_wait3A_70 = arith.constant 0 : i32
      %dma_wait3A_71 = tpu.memref_slice %arg4[%add3A_18, %dma_wait3A_70] : memref<10240x128xf32, #tpu.memory_space<vmem_shared>> -> memref<128x128xf32, #tpu.memory_space<vmem_shared>>
      tpu.wait_dma2 semaphore(%run_scoped3A : memref<!tpu.dma_semaphore, #tpu.memory_space<semaphore_mem>>) src(%arg6 : memref<128x128xf32, #tpu.memory_space<vmem>>) dst(%dma_wait3A_71 : memref<128x128xf32, #tpu.memory_space<vmem_shared>>)
      tpu.yield
    }) : () -> ()
    %mul3A_19 = arith.constant 640 : i32
    %mul3A_20 = arith.muli %arg1, %mul3A_19 : i32
    %add3A_21 = arith.constant 384 : i32
    %add3A_22 = arith.addi %mul3A_20, %add3A_21 : i32
    "tpu.region"() ({
      %run_scoped3A = tpu.sem_alloc : memref<!tpu.dma_semaphore, #tpu.memory_space<semaphore_mem>>
      %dma_start3A = arith.constant 0 : i32
      %dma_start3A_66 = tpu.memref_slice %arg4[%add3A_22, %dma_start3A] : memref<10240x128xf32, #tpu.memory_space<vmem_shared>> -> memref<128x128xf32, #tpu.memory_space<vmem_shared>>
      %dma_start3A_67 = arith.constant 0 : i32
      %dma_start3A_68 = tpu.memref_slice %arg4[%add3A_22, %dma_start3A_67] : memref<10240x128xf32, #tpu.memory_space<vmem_shared>> -> memref<128x128xf32, #tpu.memory_space<vmem_shared>>
      tpu.enqueue_dma source(%arg6 : memref<128x128xf32, #tpu.memory_space<vmem>>) target(%dma_start3A_68 : memref<128x128xf32, #tpu.memory_space<vmem_shared>>) target_semaphore(%run_scoped3A : memref<!tpu.dma_semaphore, #tpu.memory_space<semaphore_mem>>)
      %dma_wait3A = arith.constant 0 : i32
      %dma_wait3A_69 = tpu.memref_slice %arg4[%add3A_22, %dma_wait3A] : memref<10240x128xf32, #tpu.memory_space<vmem_shared>> -> memref<128x128xf32, #tpu.memory_space<vmem_shared>>
      %dma_wait3A_70 = arith.constant 0 : i32
      %dma_wait3A_71 = tpu.memref_slice %arg4[%add3A_22, %dma_wait3A_70] : memref<10240x128xf32, #tpu.memory_space<vmem_shared>> -> memref<128x128xf32, #tpu.memory_space<vmem_shared>>
      tpu.wait_dma2 semaphore(%run_scoped3A : memref<!tpu.dma_semaphore, #tpu.memory_space<semaphore_mem>>) src(%arg6 : memref<128x128xf32, #tpu.memory_space<vmem>>) dst(%dma_wait3A_71 : memref<128x128xf32, #tpu.memory_space<vmem_shared>>)
      tpu.yield
    }) : () -> ()
    %mul3A_23 = arith.constant 640 : i32
    %mul3A_24 = arith.muli %arg1, %mul3A_23 : i32
    %add3A_25 = arith.constant 512 : i32
    %add3A_26 = arith.addi %mul3A_24, %add3A_25 : i32
    "tpu.region"() ({
      %run_scoped3A = tpu.sem_alloc : memref<!tpu.dma_semaphore, #tpu.memory_space<semaphore_mem>>
      %dma_start3A = arith.constant 0 : i32
      %dma_start3A_66 = tpu.memref_slice %arg4[%add3A_26, %dma_start3A] : memref<10240x128xf32, #tpu.memory_space<vmem_shared>> -> memref<128x128xf32, #tpu.memory_space<vmem_shared>>
      %dma_start3A_67 = arith.constant 0 : i32
      %dma_start3A_68 = tpu.memref_slice %arg4[%add3A_26, %dma_start3A_67] : memref<10240x128xf32, #tpu.memory_space<vmem_shared>> -> memref<128x128xf32, #tpu.memory_space<vmem_shared>>
      tpu.enqueue_dma source(%arg6 : memref<128x128xf32, #tpu.memory_space<vmem>>) target(%dma_start3A_68 : memref<128x128xf32, #tpu.memory_space<vmem_shared>>) target_semaphore(%run_scoped3A : memref<!tpu.dma_semaphore, #tpu.memory_space<semaphore_mem>>)
      %dma_wait3A = arith.constant 0 : i32
      %dma_wait3A_69 = tpu.memref_slice %arg4[%add3A_26, %dma_wait3A] : memref<10240x128xf32, #tpu.memory_space<vmem_shared>> -> memref<128x128xf32, #tpu.memory_space<vmem_shared>>
      %dma_wait3A_70 = arith.constant 0 : i32
      %dma_wait3A_71 = tpu.memref_slice %arg4[%add3A_26, %dma_wait3A_70] : memref<10240x128xf32, #tpu.memory_space<vmem_shared>> -> memref<128x128xf32, #tpu.memory_space<vmem_shared>>
      tpu.wait_dma2 semaphore(%run_scoped3A : memref<!tpu.dma_semaphore, #tpu.memory_space<semaphore_mem>>) src(%arg6 : memref<128x128xf32, #tpu.memory_space<vmem>>) dst(%dma_wait3A_71 : memref<128x128xf32, #tpu.memory_space<vmem_shared>>)
      tpu.yield
    }) : () -> ()
    %barrier3A = arith.constant 0 : index
    tpu.barrier barrier_id(%barrier3A)
    %mul3A_27 = arith.constant 40 : i32
    %mul3A_28 = arith.muli %add3A, %mul3A_27 : i32
    "tpu.region"() ({
      %run_scoped3A = tpu.sem_alloc : memref<!tpu.dma_semaphore, #tpu.memory_space<semaphore_mem>>
      %dma_start3A = arith.constant 0 : i32
      %dma_start3A_66 = tpu.memref_slice %arg2[%mul3A_28, %dma_start3A] : memref<1280x128xi32, #tpu.memory_space<hbm>> -> memref<40x128xi32, #tpu.memory_space<hbm>>
      %dma_start3A_67 = arith.constant 0 : i32
      %dma_start3A_68 = tpu.memref_slice %arg2[%mul3A_28, %dma_start3A_67] : memref<1280x128xi32, #tpu.memory_space<hbm>> -> memref<40x128xi32, #tpu.memory_space<hbm>>
      tpu.enqueue_dma source(%dma_start3A_68 : memref<40x128xi32, #tpu.memory_space<hbm>>) target(%arg7 : memref<40x128xi32, #tpu.memory_space<vmem>>) target_semaphore(%run_scoped3A : memref<!tpu.dma_semaphore, #tpu.memory_space<semaphore_mem>>)
      %dma_wait3A = arith.constant 0 : i32
      %dma_wait3A_69 = tpu.memref_slice %arg2[%mul3A_28, %dma_wait3A] : memref<1280x128xi32, #tpu.memory_space<hbm>> -> memref<40x128xi32, #tpu.memory_space<hbm>>
      %dma_wait3A_70 = arith.constant 0 : i32
      %dma_wait3A_71 = tpu.memref_slice %arg2[%mul3A_28, %dma_wait3A_70] : memref<1280x128xi32, #tpu.memory_space<hbm>> -> memref<40x128xi32, #tpu.memory_space<hbm>>
      tpu.wait_dma2 semaphore(%run_scoped3A : memref<!tpu.dma_semaphore, #tpu.memory_space<semaphore_mem>>) src(%dma_wait3A_71 : memref<40x128xi32, #tpu.memory_space<hbm>>) dst(%arg7 : memref<40x128xi32, #tpu.memory_space<vmem>>)
      tpu.yield
    }) : () -> ()
    %scan3A_29 = arith.constant 0 : i32
    %scan3A_30 = arith.constant 0 : i32
    %scan3A_31 = arith.constant 40 : i32
    %scan3A_32 = arith.addi %scan3A_30, %scan3A_31 : i32
    %scan3A_33 = arith.constant 1 : i32
    %scan3A_34 = scf.for %scan3A_66 = %scan3A_30 to %scan3A_32 step %scan3A_33 iter_args(%scan3A_67 = %scan3A_29) -> (i32)  : i32 {
      %dma_start3A = arith.constant 0 : i32
      %dma_start3A_68 = tpu.memref_slice %arg7[%scan3A_66, %dma_start3A] : memref<40x128xi32, #tpu.memory_space<vmem>> -> memref<1x128xi32, #tpu.memory_space<vmem>>
      %dma_start3A_69 = tpu.memref_squeeze %dma_start3A_68 : memref<1x128xi32, #tpu.memory_space<vmem>> -> memref<128xi32, #tpu.memory_space<vmem>>
      %dma_start3A_70 = arith.constant 0 : i32
      %dma_start3A_71 = arith.constant 0 : i32
      %dma_start3A_72 = tpu.memref_slice %arg4[%dma_start3A_70, %dma_start3A_71] : memref<10240x128xf32, #tpu.memory_space<vmem_shared>> -> memref<10240x128xf32, #tpu.memory_space<vmem_shared>>
      tpu.enqueue_indirect_dma source(%arg5 : memref<128x128xf32, #tpu.memory_space<vmem>>) target(%dma_start3A_72 : memref<10240x128xf32, #tpu.memory_space<vmem_shared>>) offsets(%dma_start3A_69 : memref<128xi32, #tpu.memory_space<vmem>>) semaphore(%arg8 : memref<!tpu.dma_semaphore, #tpu.memory_space<semaphore_mem>>) {add = true}
      %scan3A_73 = arith.constant 0 : i32
      scf.yield %scan3A_73 : i32
    }
    %scan3A_35 = arith.constant 40 : i32
    %scan3A_36 = arith.constant 0 : i32
    %scan3A_37 = arith.constant 0 : i32
    %scan3A_38 = arith.constant 40 : i32
    %scan3A_39 = arith.addi %scan3A_37, %scan3A_38 : i32
    %scan3A_40 = arith.constant 1 : i32
    %scan3A_41 = scf.for %scan3A_66 = %scan3A_37 to %scan3A_39 step %scan3A_40 iter_args(%scan3A_67 = %scan3A_36) -> (i32)  : i32 {
      %dma_wait3A = arith.constant 0 : i32
      %dma_wait3A_68 = tpu.memref_slice %arg7[%scan3A_66, %dma_wait3A] : memref<40x128xi32, #tpu.memory_space<vmem>> -> memref<1x128xi32, #tpu.memory_space<vmem>>
      %dma_wait3A_69 = tpu.memref_squeeze %dma_wait3A_68 : memref<1x128xi32, #tpu.memory_space<vmem>> -> memref<128xi32, #tpu.memory_space<vmem>>
      %dma_wait3A_70 = arith.constant 0 : i32
      %dma_wait3A_71 = arith.constant 0 : i32
      %dma_wait3A_72 = tpu.memref_slice %arg4[%dma_wait3A_70, %dma_wait3A_71] : memref<10240x128xf32, #tpu.memory_space<vmem_shared>> -> memref<10240x128xf32, #tpu.memory_space<vmem_shared>>
      tpu.wait_indirect_dma semaphore(%arg8 : memref<!tpu.dma_semaphore, #tpu.memory_space<semaphore_mem>>) src(%arg5 : memref<128x128xf32, #tpu.memory_space<vmem>>) dst(%dma_wait3A_72 : memref<10240x128xf32, #tpu.memory_space<vmem_shared>>)
      %scan3A_73 = arith.constant 0 : i32
      scf.yield %scan3A_73 : i32
    }
    %scan3A_42 = arith.constant 40 : i32
    %barrier3A_43 = arith.constant 0 : index
    tpu.barrier barrier_id(%barrier3A_43)
    %mul3A_44 = arith.constant 640 : i32
    %mul3A_45 = arith.muli %arg1, %mul3A_44 : i32
    %add3A_46 = arith.constant 0 : i32
    %add3A_47 = arith.addi %mul3A_45, %add3A_46 : i32
    "tpu.region"() ({
      %run_scoped3A = tpu.sem_alloc : memref<!tpu.dma_semaphore, #tpu.memory_space<semaphore_mem>>
      %dma_start3A = arith.constant 0 : i32
      %dma_start3A_66 = tpu.memref_slice %arg4[%add3A_47, %dma_start3A] : memref<10240x128xf32, #tpu.memory_space<vmem_shared>> -> memref<128x128xf32, #tpu.memory_space<vmem_shared>>
      %dma_start3A_67 = arith.constant 0 : i32
      %dma_start3A_68 = tpu.memref_slice %arg4[%add3A_47, %dma_start3A_67] : memref<10240x128xf32, #tpu.memory_space<vmem_shared>> -> memref<128x128xf32, #tpu.memory_space<vmem_shared>>
      tpu.enqueue_dma source(%dma_start3A_68 : memref<128x128xf32, #tpu.memory_space<vmem_shared>>) target(%arg6 : memref<128x128xf32, #tpu.memory_space<vmem>>) target_semaphore(%run_scoped3A : memref<!tpu.dma_semaphore, #tpu.memory_space<semaphore_mem>>)
      %dma_wait3A = arith.constant 0 : i32
      %dma_wait3A_69 = tpu.memref_slice %arg4[%add3A_47, %dma_wait3A] : memref<10240x128xf32, #tpu.memory_space<vmem_shared>> -> memref<128x128xf32, #tpu.memory_space<vmem_shared>>
      %dma_wait3A_70 = arith.constant 0 : i32
      %dma_wait3A_71 = tpu.memref_slice %arg4[%add3A_47, %dma_wait3A_70] : memref<10240x128xf32, #tpu.memory_space<vmem_shared>> -> memref<128x128xf32, #tpu.memory_space<vmem_shared>>
      tpu.wait_dma2 semaphore(%run_scoped3A : memref<!tpu.dma_semaphore, #tpu.memory_space<semaphore_mem>>) src(%dma_wait3A_71 : memref<128x128xf32, #tpu.memory_space<vmem_shared>>) dst(%arg6 : memref<128x128xf32, #tpu.memory_space<vmem>>)
      tpu.yield
    }) : () -> ()
    %add3A_48 = arith.constant 0 : i32
    %add3A_49 = arith.addi %mul3A_45, %add3A_48 : i32
    "tpu.region"() ({
      %run_scoped3A = tpu.sem_alloc : memref<!tpu.dma_semaphore, #tpu.memory_space<semaphore_mem>>
      %dma_start3A = arith.constant 0 : i32
      %dma_start3A_66 = tpu.memref_slice %arg3[%arg0, %add3A_49, %dma_start3A] : memref<2x10240x128xf32, #tpu.memory_space<hbm>> -> memref<1x128x128xf32, #tpu.memory_space<hbm>>
      %dma_start3A_67 = tpu.memref_squeeze %dma_start3A_66 : memref<1x128x128xf32, #tpu.memory_space<hbm>> -> memref<128x128xf32, #tpu.memory_space<hbm>>
      %dma_start3A_68 = arith.constant 0 : i32
      %dma_start3A_69 = tpu.memref_slice %arg3[%arg0, %add3A_49, %dma_start3A_68] : memref<2x10240x128xf32, #tpu.memory_space<hbm>> -> memref<1x128x128xf32, #tpu.memory_space<hbm>>
      %dma_start3A_70 = tpu.memref_squeeze %dma_start3A_69 : memref<1x128x128xf32, #tpu.memory_space<hbm>> -> memref<128x128xf32, #tpu.memory_space<hbm>>
      tpu.enqueue_dma source(%arg6 : memref<128x128xf32, #tpu.memory_space<vmem>>) target(%dma_start3A_70 : memref<128x128xf32, #tpu.memory_space<hbm>>) target_semaphore(%run_scoped3A : memref<!tpu.dma_semaphore, #tpu.memory_space<semaphore_mem>>)
      %dma_wait3A = arith.constant 0 : i32
      %dma_wait3A_71 = tpu.memref_slice %arg3[%arg0, %add3A_49, %dma_wait3A] : memref<2x10240x128xf32, #tpu.memory_space<hbm>> -> memref<1x128x128xf32, #tpu.memory_space<hbm>>
      %dma_wait3A_72 = tpu.memref_squeeze %dma_wait3A_71 : memref<1x128x128xf32, #tpu.memory_space<hbm>> -> memref<128x128xf32, #tpu.memory_space<hbm>>
      %dma_wait3A_73 = arith.constant 0 : i32
      %dma_wait3A_74 = tpu.memref_slice %arg3[%arg0, %add3A_49, %dma_wait3A_73] : memref<2x10240x128xf32, #tpu.memory_space<hbm>> -> memref<1x128x128xf32, #tpu.memory_space<hbm>>
      %dma_wait3A_75 = tpu.memref_squeeze %dma_wait3A_74 : memref<1x128x128xf32, #tpu.memory_space<hbm>> -> memref<128x128xf32, #tpu.memory_space<hbm>>
      tpu.wait_dma2 semaphore(%run_scoped3A : memref<!tpu.dma_semaphore, #tpu.memory_space<semaphore_mem>>) src(%arg6 : memref<128x128xf32, #tpu.memory_space<vmem>>) dst(%dma_wait3A_75 : memref<128x128xf32, #tpu.memory_space<hbm>>)
      tpu.yield
    }) : () -> ()
    %add3A_50 = arith.constant 128 : i32
    %add3A_51 = arith.addi %mul3A_45, %add3A_50 : i32
    "tpu.region"() ({
      %run_scoped3A = tpu.sem_alloc : memref<!tpu.dma_semaphore, #tpu.memory_space<semaphore_mem>>
      %dma_start3A = arith.constant 0 : i32
      %dma_start3A_66 = tpu.memref_slice %arg4[%add3A_51, %dma_start3A] : memref<10240x128xf32, #tpu.memory_space<vmem_shared>> -> memref<128x128xf32, #tpu.memory_space<vmem_shared>>
      %dma_start3A_67 = arith.constant 0 : i32
      %dma_start3A_68 = tpu.memref_slice %arg4[%add3A_51, %dma_start3A_67] : memref<10240x128xf32, #tpu.memory_space<vmem_shared>> -> memref<128x128xf32, #tpu.memory_space<vmem_shared>>
      tpu.enqueue_dma source(%dma_start3A_68 : memref<128x128xf32, #tpu.memory_space<vmem_shared>>) target(%arg6 : memref<128x128xf32, #tpu.memory_space<vmem>>) target_semaphore(%run_scoped3A : memref<!tpu.dma_semaphore, #tpu.memory_space<semaphore_mem>>)
      %dma_wait3A = arith.constant 0 : i32
      %dma_wait3A_69 = tpu.memref_slice %arg4[%add3A_51, %dma_wait3A] : memref<10240x128xf32, #tpu.memory_space<vmem_shared>> -> memref<128x128xf32, #tpu.memory_space<vmem_shared>>
      %dma_wait3A_70 = arith.constant 0 : i32
      %dma_wait3A_71 = tpu.memref_slice %arg4[%add3A_51, %dma_wait3A_70] : memref<10240x128xf32, #tpu.memory_space<vmem_shared>> -> memref<128x128xf32, #tpu.memory_space<vmem_shared>>
      tpu.wait_dma2 semaphore(%run_scoped3A : memref<!tpu.dma_semaphore, #tpu.memory_space<semaphore_mem>>) src(%dma_wait3A_71 : memref<128x128xf32, #tpu.memory_space<vmem_shared>>) dst(%arg6 : memref<128x128xf32, #tpu.memory_space<vmem>>)
      tpu.yield
    }) : () -> ()
    %add3A_52 = arith.constant 128 : i32
    %add3A_53 = arith.addi %mul3A_45, %add3A_52 : i32
    "tpu.region"() ({
      %run_scoped3A = tpu.sem_alloc : memref<!tpu.dma_semaphore, #tpu.memory_space<semaphore_mem>>
      %dma_start3A = arith.constant 0 : i32
      %dma_start3A_66 = tpu.memref_slice %arg3[%arg0, %add3A_53, %dma_start3A] : memref<2x10240x128xf32, #tpu.memory_space<hbm>> -> memref<1x128x128xf32, #tpu.memory_space<hbm>>
      %dma_start3A_67 = tpu.memref_squeeze %dma_start3A_66 : memref<1x128x128xf32, #tpu.memory_space<hbm>> -> memref<128x128xf32, #tpu.memory_space<hbm>>
      %dma_start3A_68 = arith.constant 0 : i32
      %dma_start3A_69 = tpu.memref_slice %arg3[%arg0, %add3A_53, %dma_start3A_68] : memref<2x10240x128xf32, #tpu.memory_space<hbm>> -> memref<1x128x128xf32, #tpu.memory_space<hbm>>
      %dma_start3A_70 = tpu.memref_squeeze %dma_start3A_69 : memref<1x128x128xf32, #tpu.memory_space<hbm>> -> memref<128x128xf32, #tpu.memory_space<hbm>>
      tpu.enqueue_dma source(%arg6 : memref<128x128xf32, #tpu.memory_space<vmem>>) target(%dma_start3A_70 : memref<128x128xf32, #tpu.memory_space<hbm>>) target_semaphore(%run_scoped3A : memref<!tpu.dma_semaphore, #tpu.memory_space<semaphore_mem>>)
      %dma_wait3A = arith.constant 0 : i32
      %dma_wait3A_71 = tpu.memref_slice %arg3[%arg0, %add3A_53, %dma_wait3A] : memref<2x10240x128xf32, #tpu.memory_space<hbm>> -> memref<1x128x128xf32, #tpu.memory_space<hbm>>
      %dma_wait3A_72 = tpu.memref_squeeze %dma_wait3A_71 : memref<1x128x128xf32, #tpu.memory_space<hbm>> -> memref<128x128xf32, #tpu.memory_space<hbm>>
      %dma_wait3A_73 = arith.constant 0 : i32
      %dma_wait3A_74 = tpu.memref_slice %arg3[%arg0, %add3A_53, %dma_wait3A_73] : memref<2x10240x128xf32, #tpu.memory_space<hbm>> -> memref<1x128x128xf32, #tpu.memory_space<hbm>>
      %dma_wait3A_75 = tpu.memref_squeeze %dma_wait3A_74 : memref<1x128x128xf32, #tpu.memory_space<hbm>> -> memref<128x128xf32, #tpu.memory_space<hbm>>
      tpu.wait_dma2 semaphore(%run_scoped3A : memref<!tpu.dma_semaphore, #tpu.memory_space<semaphore_mem>>) src(%arg6 : memref<128x128xf32, #tpu.memory_space<vmem>>) dst(%dma_wait3A_75 : memref<128x128xf32, #tpu.memory_space<hbm>>)
      tpu.yield
    }) : () -> ()
    %add3A_54 = arith.constant 256 : i32
    %add3A_55 = arith.addi %mul3A_45, %add3A_54 : i32
    "tpu.region"() ({
      %run_scoped3A = tpu.sem_alloc : memref<!tpu.dma_semaphore, #tpu.memory_space<semaphore_mem>>
      %dma_start3A = arith.constant 0 : i32
      %dma_start3A_66 = tpu.memref_slice %arg4[%add3A_55, %dma_start3A] : memref<10240x128xf32, #tpu.memory_space<vmem_shared>> -> memref<128x128xf32, #tpu.memory_space<vmem_shared>>
      %dma_start3A_67 = arith.constant 0 : i32
      %dma_start3A_68 = tpu.memref_slice %arg4[%add3A_55, %dma_start3A_67] : memref<10240x128xf32, #tpu.memory_space<vmem_shared>> -> memref<128x128xf32, #tpu.memory_space<vmem_shared>>
      tpu.enqueue_dma source(%dma_start3A_68 : memref<128x128xf32, #tpu.memory_space<vmem_shared>>) target(%arg6 : memref<128x128xf32, #tpu.memory_space<vmem>>) target_semaphore(%run_scoped3A : memref<!tpu.dma_semaphore, #tpu.memory_space<semaphore_mem>>)
      %dma_wait3A = arith.constant 0 : i32
      %dma_wait3A_69 = tpu.memref_slice %arg4[%add3A_55, %dma_wait3A] : memref<10240x128xf32, #tpu.memory_space<vmem_shared>> -> memref<128x128xf32, #tpu.memory_space<vmem_shared>>
      %dma_wait3A_70 = arith.constant 0 : i32
      %dma_wait3A_71 = tpu.memref_slice %arg4[%add3A_55, %dma_wait3A_70] : memref<10240x128xf32, #tpu.memory_space<vmem_shared>> -> memref<128x128xf32, #tpu.memory_space<vmem_shared>>
      tpu.wait_dma2 semaphore(%run_scoped3A : memref<!tpu.dma_semaphore, #tpu.memory_space<semaphore_mem>>) src(%dma_wait3A_71 : memref<128x128xf32, #tpu.memory_space<vmem_shared>>) dst(%arg6 : memref<128x128xf32, #tpu.memory_space<vmem>>)
      tpu.yield
    }) : () -> ()
    %add3A_56 = arith.constant 256 : i32
    %add3A_57 = arith.addi %mul3A_45, %add3A_56 : i32
    "tpu.region"() ({
      %run_scoped3A = tpu.sem_alloc : memref<!tpu.dma_semaphore, #tpu.memory_space<semaphore_mem>>
      %dma_start3A = arith.constant 0 : i32
      %dma_start3A_66 = tpu.memref_slice %arg3[%arg0, %add3A_57, %dma_start3A] : memref<2x10240x128xf32, #tpu.memory_space<hbm>> -> memref<1x128x128xf32, #tpu.memory_space<hbm>>
      %dma_start3A_67 = tpu.memref_squeeze %dma_start3A_66 : memref<1x128x128xf32, #tpu.memory_space<hbm>> -> memref<128x128xf32, #tpu.memory_space<hbm>>
      %dma_start3A_68 = arith.constant 0 : i32
      %dma_start3A_69 = tpu.memref_slice %arg3[%arg0, %add3A_57, %dma_start3A_68] : memref<2x10240x128xf32, #tpu.memory_space<hbm>> -> memref<1x128x128xf32, #tpu.memory_space<hbm>>
      %dma_start3A_70 = tpu.memref_squeeze %dma_start3A_69 : memref<1x128x128xf32, #tpu.memory_space<hbm>> -> memref<128x128xf32, #tpu.memory_space<hbm>>
      tpu.enqueue_dma source(%arg6 : memref<128x128xf32, #tpu.memory_space<vmem>>) target(%dma_start3A_70 : memref<128x128xf32, #tpu.memory_space<hbm>>) target_semaphore(%run_scoped3A : memref<!tpu.dma_semaphore, #tpu.memory_space<semaphore_mem>>)
      %dma_wait3A = arith.constant 0 : i32
      %dma_wait3A_71 = tpu.memref_slice %arg3[%arg0, %add3A_57, %dma_wait3A] : memref<2x10240x128xf32, #tpu.memory_space<hbm>> -> memref<1x128x128xf32, #tpu.memory_space<hbm>>
      %dma_wait3A_72 = tpu.memref_squeeze %dma_wait3A_71 : memref<1x128x128xf32, #tpu.memory_space<hbm>> -> memref<128x128xf32, #tpu.memory_space<hbm>>
      %dma_wait3A_73 = arith.constant 0 : i32
      %dma_wait3A_74 = tpu.memref_slice %arg3[%arg0, %add3A_57, %dma_wait3A_73] : memref<2x10240x128xf32, #tpu.memory_space<hbm>> -> memref<1x128x128xf32, #tpu.memory_space<hbm>>
      %dma_wait3A_75 = tpu.memref_squeeze %dma_wait3A_74 : memref<1x128x128xf32, #tpu.memory_space<hbm>> -> memref<128x128xf32, #tpu.memory_space<hbm>>
      tpu.wait_dma2 semaphore(%run_scoped3A : memref<!tpu.dma_semaphore, #tpu.memory_space<semaphore_mem>>) src(%arg6 : memref<128x128xf32, #tpu.memory_space<vmem>>) dst(%dma_wait3A_75 : memref<128x128xf32, #tpu.memory_space<hbm>>)
      tpu.yield
    }) : () -> ()
    %add3A_58 = arith.constant 384 : i32
    %add3A_59 = arith.addi %mul3A_45, %add3A_58 : i32
    "tpu.region"() ({
      %run_scoped3A = tpu.sem_alloc : memref<!tpu.dma_semaphore, #tpu.memory_space<semaphore_mem>>
      %dma_start3A = arith.constant 0 : i32
      %dma_start3A_66 = tpu.memref_slice %arg4[%add3A_59, %dma_start3A] : memref<10240x128xf32, #tpu.memory_space<vmem_shared>> -> memref<128x128xf32, #tpu.memory_space<vmem_shared>>
      %dma_start3A_67 = arith.constant 0 : i32
      %dma_start3A_68 = tpu.memref_slice %arg4[%add3A_59, %dma_start3A_67] : memref<10240x128xf32, #tpu.memory_space<vmem_shared>> -> memref<128x128xf32, #tpu.memory_space<vmem_shared>>
      tpu.enqueue_dma source(%dma_start3A_68 : memref<128x128xf32, #tpu.memory_space<vmem_shared>>) target(%arg6 : memref<128x128xf32, #tpu.memory_space<vmem>>) target_semaphore(%run_scoped3A : memref<!tpu.dma_semaphore, #tpu.memory_space<semaphore_mem>>)
      %dma_wait3A = arith.constant 0 : i32
      %dma_wait3A_69 = tpu.memref_slice %arg4[%add3A_59, %dma_wait3A] : memref<10240x128xf32, #tpu.memory_space<vmem_shared>> -> memref<128x128xf32, #tpu.memory_space<vmem_shared>>
      %dma_wait3A_70 = arith.constant 0 : i32
      %dma_wait3A_71 = tpu.memref_slice %arg4[%add3A_59, %dma_wait3A_70] : memref<10240x128xf32, #tpu.memory_space<vmem_shared>> -> memref<128x128xf32, #tpu.memory_space<vmem_shared>>
      tpu.wait_dma2 semaphore(%run_scoped3A : memref<!tpu.dma_semaphore, #tpu.memory_space<semaphore_mem>>) src(%dma_wait3A_71 : memref<128x128xf32, #tpu.memory_space<vmem_shared>>) dst(%arg6 : memref<128x128xf32, #tpu.memory_space<vmem>>)
      tpu.yield
    }) : () -> ()
    %add3A_60 = arith.constant 384 : i32
    %add3A_61 = arith.addi %mul3A_45, %add3A_60 : i32
    "tpu.region"() ({
      %run_scoped3A = tpu.sem_alloc : memref<!tpu.dma_semaphore, #tpu.memory_space<semaphore_mem>>
      %dma_start3A = arith.constant 0 : i32
      %dma_start3A_66 = tpu.memref_slice %arg3[%arg0, %add3A_61, %dma_start3A] : memref<2x10240x128xf32, #tpu.memory_space<hbm>> -> memref<1x128x128xf32, #tpu.memory_space<hbm>>
      %dma_start3A_67 = tpu.memref_squeeze %dma_start3A_66 : memref<1x128x128xf32, #tpu.memory_space<hbm>> -> memref<128x128xf32, #tpu.memory_space<hbm>>
      %dma_start3A_68 = arith.constant 0 : i32
      %dma_start3A_69 = tpu.memref_slice %arg3[%arg0, %add3A_61, %dma_start3A_68] : memref<2x10240x128xf32, #tpu.memory_space<hbm>> -> memref<1x128x128xf32, #tpu.memory_space<hbm>>
      %dma_start3A_70 = tpu.memref_squeeze %dma_start3A_69 : memref<1x128x128xf32, #tpu.memory_space<hbm>> -> memref<128x128xf32, #tpu.memory_space<hbm>>
      tpu.enqueue_dma source(%arg6 : memref<128x128xf32, #tpu.memory_space<vmem>>) target(%dma_start3A_70 : memref<128x128xf32, #tpu.memory_space<hbm>>) target_semaphore(%run_scoped3A : memref<!tpu.dma_semaphore, #tpu.memory_space<semaphore_mem>>)
      %dma_wait3A = arith.constant 0 : i32
      %dma_wait3A_71 = tpu.memref_slice %arg3[%arg0, %add3A_61, %dma_wait3A] : memref<2x10240x128xf32, #tpu.memory_space<hbm>> -> memref<1x128x128xf32, #tpu.memory_space<hbm>>
      %dma_wait3A_72 = tpu.memref_squeeze %dma_wait3A_71 : memref<1x128x128xf32, #tpu.memory_space<hbm>> -> memref<128x128xf32, #tpu.memory_space<hbm>>
      %dma_wait3A_73 = arith.constant 0 : i32
      %dma_wait3A_74 = tpu.memref_slice %arg3[%arg0, %add3A_61, %dma_wait3A_73] : memref<2x10240x128xf32, #tpu.memory_space<hbm>> -> memref<1x128x128xf32, #tpu.memory_space<hbm>>
      %dma_wait3A_75 = tpu.memref_squeeze %dma_wait3A_74 : memref<1x128x128xf32, #tpu.memory_space<hbm>> -> memref<128x128xf32, #tpu.memory_space<hbm>>
      tpu.wait_dma2 semaphore(%run_scoped3A : memref<!tpu.dma_semaphore, #tpu.memory_space<semaphore_mem>>) src(%arg6 : memref<128x128xf32, #tpu.memory_space<vmem>>) dst(%dma_wait3A_75 : memref<128x128xf32, #tpu.memory_space<hbm>>)
      tpu.yield
    }) : () -> ()
    %add3A_62 = arith.constant 512 : i32
    %add3A_63 = arith.addi %mul3A_45, %add3A_62 : i32
    "tpu.region"() ({
      %run_scoped3A = tpu.sem_alloc : memref<!tpu.dma_semaphore, #tpu.memory_space<semaphore_mem>>
      %dma_start3A = arith.constant 0 : i32
      %dma_start3A_66 = tpu.memref_slice %arg4[%add3A_63, %dma_start3A] : memref<10240x128xf32, #tpu.memory_space<vmem_shared>> -> memref<128x128xf32, #tpu.memory_space<vmem_shared>>
      %dma_start3A_67 = arith.constant 0 : i32
      %dma_start3A_68 = tpu.memref_slice %arg4[%add3A_63, %dma_start3A_67] : memref<10240x128xf32, #tpu.memory_space<vmem_shared>> -> memref<128x128xf32, #tpu.memory_space<vmem_shared>>
      tpu.enqueue_dma source(%dma_start3A_68 : memref<128x128xf32, #tpu.memory_space<vmem_shared>>) target(%arg6 : memref<128x128xf32, #tpu.memory_space<vmem>>) target_semaphore(%run_scoped3A : memref<!tpu.dma_semaphore, #tpu.memory_space<semaphore_mem>>)
      %dma_wait3A = arith.constant 0 : i32
      %dma_wait3A_69 = tpu.memref_slice %arg4[%add3A_63, %dma_wait3A] : memref<10240x128xf32, #tpu.memory_space<vmem_shared>> -> memref<128x128xf32, #tpu.memory_space<vmem_shared>>
      %dma_wait3A_70 = arith.constant 0 : i32
      %dma_wait3A_71 = tpu.memref_slice %arg4[%add3A_63, %dma_wait3A_70] : memref<10240x128xf32, #tpu.memory_space<vmem_shared>> -> memref<128x128xf32, #tpu.memory_space<vmem_shared>>
      tpu.wait_dma2 semaphore(%run_scoped3A : memref<!tpu.dma_semaphore, #tpu.memory_space<semaphore_mem>>) src(%dma_wait3A_71 : memref<128x128xf32, #tpu.memory_space<vmem_shared>>) dst(%arg6 : memref<128x128xf32, #tpu.memory_space<vmem>>)
      tpu.yield
    }) : () -> ()
    %add3A_64 = arith.constant 512 : i32
    %add3A_65 = arith.addi %mul3A_45, %add3A_64 : i32
    "tpu.region"() ({
      %run_scoped3A = tpu.sem_alloc : memref<!tpu.dma_semaphore, #tpu.memory_space<semaphore_mem>>
      %dma_start3A = arith.constant 0 : i32
      %dma_start3A_66 = tpu.memref_slice %arg3[%arg0, %add3A_65, %dma_start3A] : memref<2x10240x128xf32, #tpu.memory_space<hbm>> -> memref<1x128x128xf32, #tpu.memory_space<hbm>>
      %dma_start3A_67 = tpu.memref_squeeze %dma_start3A_66 : memref<1x128x128xf32, #tpu.memory_space<hbm>> -> memref<128x128xf32, #tpu.memory_space<hbm>>
      %dma_start3A_68 = arith.constant 0 : i32
      %dma_start3A_69 = tpu.memref_slice %arg3[%arg0, %add3A_65, %dma_start3A_68] : memref<2x10240x128xf32, #tpu.memory_space<hbm>> -> memref<1x128x128xf32, #tpu.memory_space<hbm>>
      %dma_start3A_70 = tpu.memref_squeeze %dma_start3A_69 : memref<1x128x128xf32, #tpu.memory_space<hbm>> -> memref<128x128xf32, #tpu.memory_space<hbm>>
      tpu.enqueue_dma source(%arg6 : memref<128x128xf32, #tpu.memory_space<vmem>>) target(%dma_start3A_70 : memref<128x128xf32, #tpu.memory_space<hbm>>) target_semaphore(%run_scoped3A : memref<!tpu.dma_semaphore, #tpu.memory_space<semaphore_mem>>)
      %dma_wait3A = arith.constant 0 : i32
      %dma_wait3A_71 = tpu.memref_slice %arg3[%arg0, %add3A_65, %dma_wait3A] : memref<2x10240x128xf32, #tpu.memory_space<hbm>> -> memref<1x128x128xf32, #tpu.memory_space<hbm>>
      %dma_wait3A_72 = tpu.memref_squeeze %dma_wait3A_71 : memref<1x128x128xf32, #tpu.memory_space<hbm>> -> memref<128x128xf32, #tpu.memory_space<hbm>>
      %dma_wait3A_73 = arith.constant 0 : i32
      %dma_wait3A_74 = tpu.memref_slice %arg3[%arg0, %add3A_65, %dma_wait3A_73] : memref<2x10240x128xf32, #tpu.memory_space<hbm>> -> memref<1x128x128xf32, #tpu.memory_space<hbm>>
      %dma_wait3A_75 = tpu.memref_squeeze %dma_wait3A_74 : memref<1x128x128xf32, #tpu.memory_space<hbm>> -> memref<128x128xf32, #tpu.memory_space<hbm>>
      tpu.wait_dma2 semaphore(%run_scoped3A : memref<!tpu.dma_semaphore, #tpu.memory_space<semaphore_mem>>) src(%arg6 : memref<128x128xf32, #tpu.memory_space<vmem>>) dst(%dma_wait3A_75 : memref<128x128xf32, #tpu.memory_space<hbm>>)
      tpu.yield
    }) : () -> ()
    return
  }
}

#map = affine_map<(d0, d1) -> (0, 0)>
#map1 = affine_map<(d0, d1) -> (0, 0, 0)>
module attributes {stable_mosaic.version = 14 : i64} {
  func.func @_scat_body(%arg0: i32, %arg1: i32, %arg2: memref<20480x128xf32, #tpu.memory_space<hbm>>, %arg3: memref<1280x128xi32, #tpu.memory_space<hbm>>, %arg4: memref<1280x128xi32, #tpu.memory_space<hbm>>, %arg5: memref<2x10240x128xf32, #tpu.memory_space<hbm>>, %arg6: memref<10240x128xf32, #tpu.memory_space<vmem_shared>>, %arg7: memref<2x128x128xf32, #tpu.memory_space<vmem>>, %arg8: memref<40x128xi32, #tpu.memory_space<vmem>>, %arg9: memref<40x128xi32, #tpu.memory_space<vmem>>, %arg10: memref<2x!tpu.dma_semaphore, #tpu.memory_space<semaphore_mem>>, %arg11: memref<2x!tpu.dma_semaphore, #tpu.memory_space<semaphore_mem>>) attributes {dimension_semantics = [#tpu.dimension_semantics<core_parallel>, #tpu.dimension_semantics<subcore_parallel>], iteration_bounds = array<i64: 2, 16>, scalar_prefetch = 0 : i64, scratch_operands = 6 : i64, tpu.core_type = #tpu.core_type<sc_vector_subcore>, window_params = [{transform_indices = #map}, {transform_indices = #map}, {transform_indices = #map}, {transform_indices = #map1}]} {
    %mul3A = arith.constant 10240 : i32
    %mul3A_0 = arith.muli %arg0, %mul3A : i32
    %mul3A_1 = arith.constant 80 : i32
    %mul3A_2 = arith.muli %arg1, %mul3A_1 : i32
    %add3A = arith.constant 0 : i32
    %add3A_3 = arith.addi %mul3A_2, %add3A : i32
    "tpu.region"() ({
      %run_scoped3A_290 = tpu.sem_alloc : memref<!tpu.dma_semaphore, #tpu.memory_space<semaphore_mem>>
      %dma_start3A_291 = arith.constant 0 : i32
      %dma_start3A_292 = tpu.memref_slice %arg3[%add3A_3, %dma_start3A_291] : memref<1280x128xi32, #tpu.memory_space<hbm>> -> memref<40x128xi32, #tpu.memory_space<hbm>>
      %dma_start3A_293 = arith.constant 0 : i32
      %dma_start3A_294 = tpu.memref_slice %arg3[%add3A_3, %dma_start3A_293] : memref<1280x128xi32, #tpu.memory_space<hbm>> -> memref<40x128xi32, #tpu.memory_space<hbm>>
      tpu.enqueue_dma source(%dma_start3A_294 : memref<40x128xi32, #tpu.memory_space<hbm>>) target(%arg8 : memref<40x128xi32, #tpu.memory_space<vmem>>) target_semaphore(%run_scoped3A_290 : memref<!tpu.dma_semaphore, #tpu.memory_space<semaphore_mem>>)
      %dma_wait3A_295 = arith.constant 0 : i32
      %dma_wait3A_296 = tpu.memref_slice %arg3[%add3A_3, %dma_wait3A_295] : memref<1280x128xi32, #tpu.memory_space<hbm>> -> memref<40x128xi32, #tpu.memory_space<hbm>>
      %dma_wait3A_297 = arith.constant 0 : i32
      %dma_wait3A_298 = tpu.memref_slice %arg3[%add3A_3, %dma_wait3A_297] : memref<1280x128xi32, #tpu.memory_space<hbm>> -> memref<40x128xi32, #tpu.memory_space<hbm>>
      tpu.wait_dma2 semaphore(%run_scoped3A_290 : memref<!tpu.dma_semaphore, #tpu.memory_space<semaphore_mem>>) src(%dma_wait3A_298 : memref<40x128xi32, #tpu.memory_space<hbm>>) dst(%arg8 : memref<40x128xi32, #tpu.memory_space<vmem>>)
      tpu.yield
    }) : () -> ()
    "tpu.region"() ({
      %run_scoped3A_290 = tpu.sem_alloc : memref<!tpu.dma_semaphore, #tpu.memory_space<semaphore_mem>>
      %dma_start3A_291 = arith.constant 0 : i32
      %dma_start3A_292 = tpu.memref_slice %arg4[%add3A_3, %dma_start3A_291] : memref<1280x128xi32, #tpu.memory_space<hbm>> -> memref<40x128xi32, #tpu.memory_space<hbm>>
      %dma_start3A_293 = arith.constant 0 : i32
      %dma_start3A_294 = tpu.memref_slice %arg4[%add3A_3, %dma_start3A_293] : memref<1280x128xi32, #tpu.memory_space<hbm>> -> memref<40x128xi32, #tpu.memory_space<hbm>>
      tpu.enqueue_dma source(%dma_start3A_294 : memref<40x128xi32, #tpu.memory_space<hbm>>) target(%arg9 : memref<40x128xi32, #tpu.memory_space<vmem>>) target_semaphore(%run_scoped3A_290 : memref<!tpu.dma_semaphore, #tpu.memory_space<semaphore_mem>>)
      %dma_wait3A_295 = arith.constant 0 : i32
      %dma_wait3A_296 = tpu.memref_slice %arg4[%add3A_3, %dma_wait3A_295] : memref<1280x128xi32, #tpu.memory_space<hbm>> -> memref<40x128xi32, #tpu.memory_space<hbm>>
      %dma_wait3A_297 = arith.constant 0 : i32
      %dma_wait3A_298 = tpu.memref_slice %arg4[%add3A_3, %dma_wait3A_297] : memref<1280x128xi32, #tpu.memory_space<hbm>> -> memref<40x128xi32, #tpu.memory_space<hbm>>
      tpu.wait_dma2 semaphore(%run_scoped3A_290 : memref<!tpu.dma_semaphore, #tpu.memory_space<semaphore_mem>>) src(%dma_wait3A_298 : memref<40x128xi32, #tpu.memory_space<hbm>>) dst(%arg9 : memref<40x128xi32, #tpu.memory_space<vmem>>)
      tpu.yield
    }) : () -> ()
    %scan3A = arith.constant 0 : i32
    %scan3A_4 = arith.constant 0 : i32
    %scan3A_5 = arith.constant 320 : i32
    %scan3A_6 = arith.addi %scan3A_4, %scan3A_5 : i32
    %scan3A_7 = arith.constant 1 : i32
    %scan3A_8 = scf.for %scan3A_290 = %scan3A_4 to %scan3A_6 step %scan3A_7 iter_args(%scan3A_291 = %scan3A) -> (i32)  : i32 {
      %jit3A = arith.constant 8 : i32
      %div3A = arith.divsi %scan3A_290, %jit3A : i32
      %sign3A = arith.constant 0 : i32
      %sign3A_292 = arith.cmpi sgt, %scan3A_290, %sign3A : i32
      %sign3A_293 = arith.extui %sign3A_292 : i1 to i32
      %sign3A_294 = arith.constant 0 : i32
      %sign3A_295 = arith.cmpi slt, %scan3A_290, %sign3A_294 : i32
      %sign3A_296 = arith.extui %sign3A_295 : i1 to i32
      %sign3A_297 = arith.subi %sign3A_293, %sign3A_296 : i32
      %sign3A_298 = arith.constant 0 : i32
      %sign3A_299 = arith.cmpi sgt, %jit3A, %sign3A_298 : i32
      %sign3A_300 = arith.extui %sign3A_299 : i1 to i32
      %sign3A_301 = arith.constant 0 : i32
      %sign3A_302 = arith.cmpi slt, %jit3A, %sign3A_301 : i32
      %sign3A_303 = arith.extui %sign3A_302 : i1 to i32
      %sign3A_304 = arith.subi %sign3A_300, %sign3A_303 : i32
      %ne3A = arith.cmpi ne, %sign3A_297, %sign3A_304 : i32
      %rem3A = arith.remsi %scan3A_290, %jit3A : i32
      %ne3A_305 = arith.constant 0 : i32
      %ne3A_306 = arith.cmpi ne, %rem3A, %ne3A_305 : i32
      %and3A = arith.andi %ne3A, %ne3A_306 : i1
      %sub3A = arith.constant 1 : i32
      %sub3A_307 = arith.subi %div3A, %sub3A : i32
      %select_n3A = arith.select %and3A, %sub3A_307, %div3A : i32
      %mul3A_308 = arith.constant 8 : i32
      %mul3A_309 = arith.muli %select_n3A, %mul3A_308 : i32
      %sub3A_310 = arith.subi %scan3A_290, %mul3A_309 : i32
      %mul3A_311 = arith.constant 16 : i32
      %mul3A_312 = arith.muli %sub3A_310, %mul3A_311 : i32
      %get3A = arith.index_cast %select_n3A : i32 to index
      %get3A_313 = arith.index_cast %mul3A_312 : i32 to index
      %get3A_314 = tpu.vector_load %arg8[%get3A, %get3A_313] {strides = array<i32>} : memref<40x128xi32, #tpu.memory_space<vmem>>, vector<1x16xi32>,
      %get3A_315 = vector.shape_cast %get3A_314 : vector<1x16xi32> to vector<16xi32>
      %add3A_316 = vector.broadcast %mul3A_0 : i32 to vector<16xi32>
      %add3A_317 = arith.addi %get3A_315, %add3A_316 : vector<16xi32>
      %swap3A = arith.index_cast %select_n3A : i32 to index
      %swap3A_318 = arith.index_cast %mul3A_312 : i32 to index
      %swap3A_319 = tpu.vector_load %arg8[%swap3A, %swap3A_318] {strides = array<i32>} : memref<40x128xi32, #tpu.memory_space<vmem>>, vector<1x16xi32>,
      %swap3A_320 = vector.shape_cast %swap3A_319 : vector<1x16xi32> to vector<16xi32>
      %swap3A_321 = vector.shape_cast %add3A_317 : vector<16xi32> to vector<1x16xi32>
      tpu.vector_store %arg8[%swap3A, %swap3A_318], %swap3A_321 {strides = array<i32>} : memref<40x128xi32, #tpu.memory_space<vmem>>, vector<1x16xi32>,
      %scan3A_322 = arith.constant 0 : i32
      scf.yield %scan3A_322 : i32
    }
    %scan3A_9 = arith.constant 320 : i32
    %dma_start3A = arith.constant 0 : i32
    %dma_start3A_10 = arith.constant 0 : i32
    %dma_start3A_11 = arith.constant 0 : i32
    %dma_start3A_12 = arith.constant 0 : i32
    %dma_start3A_13 = arith.constant 0 : i32
    %dma_start3A_14 = tpu.memref_slice %arg7[%dma_start3A_10, %dma_start3A_12, %dma_start3A_13] : memref<2x128x128xf32, #tpu.memory_space<vmem>> -> memref<1x128x128xf32, #tpu.memory_space<vmem>>
    %dma_start3A_15 = tpu.memref_squeeze %dma_start3A_14 : memref<1x128x128xf32, #tpu.memory_space<vmem>> -> memref<128x128xf32, #tpu.memory_space<vmem>>
    %dma_start3A_16 = arith.constant 0 : i32
    %dma_start3A_17 = tpu.memref_slice %arg8[%dma_start3A, %dma_start3A_16] : memref<40x128xi32, #tpu.memory_space<vmem>> -> memref<1x128xi32, #tpu.memory_space<vmem>>
    %dma_start3A_18 = tpu.memref_squeeze %dma_start3A_17 : memref<1x128xi32, #tpu.memory_space<vmem>> -> memref<128xi32, #tpu.memory_space<vmem>>
    %dma_start3A_19 = arith.constant 0 : i32
    %dma_start3A_20 = arith.constant 0 : i32
    %dma_start3A_21 = tpu.memref_slice %arg2[%dma_start3A_19, %dma_start3A_20] : memref<20480x128xf32, #tpu.memory_space<hbm>> -> memref<20480x128xf32, #tpu.memory_space<hbm>>
    %dma_start3A_22 = tpu.memref_slice %arg10[%dma_start3A_11] : memref<2x!tpu.dma_semaphore, #tpu.memory_space<semaphore_mem>> -> memref<1x!tpu.dma_semaphore, #tpu.memory_space<semaphore_mem>>
    %dma_start3A_23 = tpu.memref_squeeze %dma_start3A_22 : memref<1x!tpu.dma_semaphore, #tpu.memory_space<semaphore_mem>> -> memref<!tpu.dma_semaphore, #tpu.memory_space<semaphore_mem>>
    tpu.enqueue_indirect_dma source(%dma_start3A_21 : memref<20480x128xf32, #tpu.memory_space<hbm>>) target(%dma_start3A_15 : memref<128x128xf32, #tpu.memory_space<vmem>>) offsets(%dma_start3A_18 : memref<128xi32, #tpu.memory_space<vmem>>) semaphore(%dma_start3A_23 : memref<!tpu.dma_semaphore, #tpu.memory_space<semaphore_mem>>)
    %scan3A_24 = arith.constant 0 : i32
    %scan3A_25 = arith.constant 0 : i32
    %scan3A_26 = arith.constant 1024 : i32
    %scan3A_27 = arith.addi %scan3A_25, %scan3A_26 : i32
    %scan3A_28 = arith.constant 1 : i32
    %scan3A_29 = scf.for %scan3A_290 = %scan3A_25 to %scan3A_27 step %scan3A_28 iter_args(%scan3A_291 = %scan3A_24) -> (i32)  : i32 {
      %jit3A = arith.constant 8 : i32
      %div3A = arith.divsi %scan3A_290, %jit3A : i32
      %sign3A = arith.constant 0 : i32
      %sign3A_292 = arith.cmpi sgt, %scan3A_290, %sign3A : i32
      %sign3A_293 = arith.extui %sign3A_292 : i1 to i32
      %sign3A_294 = arith.constant 0 : i32
      %sign3A_295 = arith.cmpi slt, %scan3A_290, %sign3A_294 : i32
      %sign3A_296 = arith.extui %sign3A_295 : i1 to i32
      %sign3A_297 = arith.subi %sign3A_293, %sign3A_296 : i32
      %sign3A_298 = arith.constant 0 : i32
      %sign3A_299 = arith.cmpi sgt, %jit3A, %sign3A_298 : i32
      %sign3A_300 = arith.extui %sign3A_299 : i1 to i32
      %sign3A_301 = arith.constant 0 : i32
      %sign3A_302 = arith.cmpi slt, %jit3A, %sign3A_301 : i32
      %sign3A_303 = arith.extui %sign3A_302 : i1 to i32
      %sign3A_304 = arith.subi %sign3A_300, %sign3A_303 : i32
      %ne3A = arith.cmpi ne, %sign3A_297, %sign3A_304 : i32
      %rem3A = arith.remsi %scan3A_290, %jit3A : i32
      %ne3A_305 = arith.constant 0 : i32
      %ne3A_306 = arith.cmpi ne, %rem3A, %ne3A_305 : i32
      %and3A = arith.andi %ne3A, %ne3A_306 : i1
      %sub3A = arith.constant 1 : i32
      %sub3A_307 = arith.subi %div3A, %sub3A : i32
      %select_n3A = arith.select %and3A, %sub3A_307, %div3A : i32
      %mul3A_308 = arith.constant 8 : i32
      %mul3A_309 = arith.muli %select_n3A, %mul3A_308 : i32
      %sub3A_310 = arith.subi %scan3A_290, %mul3A_309 : i32
      %broadcast_in_dim3A = arith.constant 0.000000e+00 : f32
      %broadcast_in_dim3A_311 = vector.broadcast %broadcast_in_dim3A : f32 to vector<16xf32>
      %mul3A_312 = arith.constant 16 : i32
      %mul3A_313 = arith.muli %sub3A_310, %mul3A_312 : i32
      %swap3A = arith.constant 1 : i32
      %swap3A_314 = arith.index_cast %swap3A : i32 to index
      %swap3A_315 = arith.index_cast %select_n3A : i32 to index
      %swap3A_316 = arith.index_cast %mul3A_313 : i32 to index
      %swap3A_317 = tpu.vector_load %arg7[%swap3A_314, %swap3A_315, %swap3A_316] {strides = array<i32>} : memref<2x128x128xf32, #tpu.memory_space<vmem>>, vector<1x1x16xf32>,
      %swap3A_318 = vector.shape_cast %swap3A_317 : vector<1x1x16xf32> to vector<16xf32>
      %swap3A_319 = vector.shape_cast %broadcast_in_dim3A_311 : vector<16xf32> to vector<1x1x16xf32>
      tpu.vector_store %arg7[%swap3A_314, %swap3A_315, %swap3A_316], %swap3A_319 {strides = array<i32>} : memref<2x128x128xf32, #tpu.memory_space<vmem>>, vector<1x1x16xf32>,
      %scan3A_320 = arith.constant 0 : i32
      scf.yield %scan3A_320 : i32
    }
    %scan3A_30 = arith.constant 1024 : i32
    %mul3A_31 = arith.constant 640 : i32
    %mul3A_32 = arith.muli %arg1, %mul3A_31 : i32
    %add3A_33 = arith.constant 0 : i32
    %add3A_34 = arith.addi %mul3A_32, %add3A_33 : i32
    %run_scoped3A = arith.constant 1 : i32
    "tpu.region"() ({
      %run_scoped3A_290 = tpu.sem_alloc : memref<!tpu.dma_semaphore, #tpu.memory_space<semaphore_mem>>
      %dma_start3A_291 = arith.constant 0 : i32
      %dma_start3A_292 = arith.constant 0 : i32
      %dma_start3A_293 = tpu.memref_slice %arg7[%run_scoped3A, %dma_start3A_291, %dma_start3A_292] : memref<2x128x128xf32, #tpu.memory_space<vmem>> -> memref<1x128x128xf32, #tpu.memory_space<vmem>>
      %dma_start3A_294 = tpu.memref_squeeze %dma_start3A_293 : memref<1x128x128xf32, #tpu.memory_space<vmem>> -> memref<128x128xf32, #tpu.memory_space<vmem>>
      %dma_start3A_295 = arith.constant 0 : i32
      %dma_start3A_296 = tpu.memref_slice %arg6[%add3A_34, %dma_start3A_295] : memref<10240x128xf32, #tpu.memory_space<vmem_shared>> -> memref<128x128xf32, #tpu.memory_space<vmem_shared>>
      %dma_start3A_297 = arith.constant 0 : i32
      %dma_start3A_298 = tpu.memref_slice %arg6[%add3A_34, %dma_start3A_297] : memref<10240x128xf32, #tpu.memory_space<vmem_shared>> -> memref<128x128xf32, #tpu.memory_space<vmem_shared>>
      %dma_start3A_299 = arith.constant 0 : i32
      %dma_start3A_300 = arith.constant 0 : i32
      %dma_start3A_301 = tpu.memref_slice %arg7[%run_scoped3A, %dma_start3A_299, %dma_start3A_300] : memref<2x128x128xf32, #tpu.memory_space<vmem>> -> memref<1x128x128xf32, #tpu.memory_space<vmem>>
      %dma_start3A_302 = tpu.memref_squeeze %dma_start3A_301 : memref<1x128x128xf32, #tpu.memory_space<vmem>> -> memref<128x128xf32, #tpu.memory_space<vmem>>
      tpu.enqueue_dma source(%dma_start3A_302 : memref<128x128xf32, #tpu.memory_space<vmem>>) target(%dma_start3A_298 : memref<128x128xf32, #tpu.memory_space<vmem_shared>>) target_semaphore(%run_scoped3A_290 : memref<!tpu.dma_semaphore, #tpu.memory_space<semaphore_mem>>)
      %dma_wait3A_303 = arith.constant 0 : i32
      %dma_wait3A_304 = arith.constant 0 : i32
      %dma_wait3A_305 = tpu.memref_slice %arg7[%run_scoped3A, %dma_wait3A_303, %dma_wait3A_304] : memref<2x128x128xf32, #tpu.memory_space<vmem>> -> memref<1x128x128xf32, #tpu.memory_space<vmem>>
      %dma_wait3A_306 = tpu.memref_squeeze %dma_wait3A_305 : memref<1x128x128xf32, #tpu.memory_space<vmem>> -> memref<128x128xf32, #tpu.memory_space<vmem>>
      %dma_wait3A_307 = arith.constant 0 : i32
      %dma_wait3A_308 = tpu.memref_slice %arg6[%add3A_34, %dma_wait3A_307] : memref<10240x128xf32, #tpu.memory_space<vmem_shared>> -> memref<128x128xf32, #tpu.memory_space<vmem_shared>>
      %dma_wait3A_309 = arith.constant 0 : i32
      %dma_wait3A_310 = tpu.memref_slice %arg6[%add3A_34, %dma_wait3A_309] : memref<10240x128xf32, #tpu.memory_space<vmem_shared>> -> memref<128x128xf32, #tpu.memory_space<vmem_shared>>
      %dma_wait3A_311 = arith.constant 0 : i32
      %dma_wait3A_312 = arith.constant 0 : i32
      %dma_wait3A_313 = tpu.memref_slice %arg7[%run_scoped3A, %dma_wait3A_311, %dma_wait3A_312] : memref<2x128x128xf32, #tpu.memory_space<vmem>> -> memref<1x128x128xf32, #tpu.memory_space<vmem>>
      %dma_wait3A_314 = tpu.memref_squeeze %dma_wait3A_313 : memref<1x128x128xf32, #tpu.memory_space<vmem>> -> memref<128x128xf32, #tpu.memory_space<vmem>>
      tpu.wait_dma2 semaphore(%run_scoped3A_290 : memref<!tpu.dma_semaphore, #tpu.memory_space<semaphore_mem>>) src(%dma_wait3A_314 : memref<128x128xf32, #tpu.memory_space<vmem>>) dst(%dma_wait3A_310 : memref<128x128xf32, #tpu.memory_space<vmem_shared>>)
      tpu.yield
    }) : () -> ()
    %mul3A_35 = arith.constant 640 : i32
    %mul3A_36 = arith.muli %arg1, %mul3A_35 : i32
    %add3A_37 = arith.constant 128 : i32
    %add3A_38 = arith.addi %mul3A_36, %add3A_37 : i32
    %run_scoped3A_39 = arith.constant 1 : i32
    "tpu.region"() ({
      %run_scoped3A_290 = tpu.sem_alloc : memref<!tpu.dma_semaphore, #tpu.memory_space<semaphore_mem>>
      %dma_start3A_291 = arith.constant 0 : i32
      %dma_start3A_292 = arith.constant 0 : i32
      %dma_start3A_293 = tpu.memref_slice %arg7[%run_scoped3A_39, %dma_start3A_291, %dma_start3A_292] : memref<2x128x128xf32, #tpu.memory_space<vmem>> -> memref<1x128x128xf32, #tpu.memory_space<vmem>>
      %dma_start3A_294 = tpu.memref_squeeze %dma_start3A_293 : memref<1x128x128xf32, #tpu.memory_space<vmem>> -> memref<128x128xf32, #tpu.memory_space<vmem>>
      %dma_start3A_295 = arith.constant 0 : i32
      %dma_start3A_296 = tpu.memref_slice %arg6[%add3A_38, %dma_start3A_295] : memref<10240x128xf32, #tpu.memory_space<vmem_shared>> -> memref<128x128xf32, #tpu.memory_space<vmem_shared>>
      %dma_start3A_297 = arith.constant 0 : i32
      %dma_start3A_298 = tpu.memref_slice %arg6[%add3A_38, %dma_start3A_297] : memref<10240x128xf32, #tpu.memory_space<vmem_shared>> -> memref<128x128xf32, #tpu.memory_space<vmem_shared>>
      %dma_start3A_299 = arith.constant 0 : i32
      %dma_start3A_300 = arith.constant 0 : i32
      %dma_start3A_301 = tpu.memref_slice %arg7[%run_scoped3A_39, %dma_start3A_299, %dma_start3A_300] : memref<2x128x128xf32, #tpu.memory_space<vmem>> -> memref<1x128x128xf32, #tpu.memory_space<vmem>>
      %dma_start3A_302 = tpu.memref_squeeze %dma_start3A_301 : memref<1x128x128xf32, #tpu.memory_space<vmem>> -> memref<128x128xf32, #tpu.memory_space<vmem>>
      tpu.enqueue_dma source(%dma_start3A_302 : memref<128x128xf32, #tpu.memory_space<vmem>>) target(%dma_start3A_298 : memref<128x128xf32, #tpu.memory_space<vmem_shared>>) target_semaphore(%run_scoped3A_290 : memref<!tpu.dma_semaphore, #tpu.memory_space<semaphore_mem>>)
      %dma_wait3A_303 = arith.constant 0 : i32
      %dma_wait3A_304 = arith.constant 0 : i32
      %dma_wait3A_305 = tpu.memref_slice %arg7[%run_scoped3A_39, %dma_wait3A_303, %dma_wait3A_304] : memref<2x128x128xf32, #tpu.memory_space<vmem>> -> memref<1x128x128xf32, #tpu.memory_space<vmem>>
      %dma_wait3A_306 = tpu.memref_squeeze %dma_wait3A_305 : memref<1x128x128xf32, #tpu.memory_space<vmem>> -> memref<128x128xf32, #tpu.memory_space<vmem>>
      %dma_wait3A_307 = arith.constant 0 : i32
      %dma_wait3A_308 = tpu.memref_slice %arg6[%add3A_38, %dma_wait3A_307] : memref<10240x128xf32, #tpu.memory_space<vmem_shared>> -> memref<128x128xf32, #tpu.memory_space<vmem_shared>>
      %dma_wait3A_309 = arith.constant 0 : i32
      %dma_wait3A_310 = tpu.memref_slice %arg6[%add3A_38, %dma_wait3A_309] : memref<10240x128xf32, #tpu.memory_space<vmem_shared>> -> memref<128x128xf32, #tpu.memory_space<vmem_shared>>
      %dma_wait3A_311 = arith.constant 0 : i32
      %dma_wait3A_312 = arith.constant 0 : i32
      %dma_wait3A_313 = tpu.memref_slice %arg7[%run_scoped3A_39, %dma_wait3A_311, %dma_wait3A_312] : memref<2x128x128xf32, #tpu.memory_space<vmem>> -> memref<1x128x128xf32, #tpu.memory_space<vmem>>
      %dma_wait3A_314 = tpu.memref_squeeze %dma_wait3A_313 : memref<1x128x128xf32, #tpu.memory_space<vmem>> -> memref<128x128xf32, #tpu.memory_space<vmem>>
      tpu.wait_dma2 semaphore(%run_scoped3A_290 : memref<!tpu.dma_semaphore, #tpu.memory_space<semaphore_mem>>) src(%dma_wait3A_314 : memref<128x128xf32, #tpu.memory_space<vmem>>) dst(%dma_wait3A_310 : memref<128x128xf32, #tpu.memory_space<vmem_shared>>)
      tpu.yield
    }) : () -> ()
    %mul3A_40 = arith.constant 640 : i32
    %mul3A_41 = arith.muli %arg1, %mul3A_40 : i32
    %add3A_42 = arith.constant 256 : i32
    %add3A_43 = arith.addi %mul3A_41, %add3A_42 : i32
    %run_scoped3A_44 = arith.constant 1 : i32
    "tpu.region"() ({
      %run_scoped3A_290 = tpu.sem_alloc : memref<!tpu.dma_semaphore, #tpu.memory_space<semaphore_mem>>
      %dma_start3A_291 = arith.constant 0 : i32
      %dma_start3A_292 = arith.constant 0 : i32
      %dma_start3A_293 = tpu.memref_slice %arg7[%run_scoped3A_44, %dma_start3A_291, %dma_start3A_292] : memref<2x128x128xf32, #tpu.memory_space<vmem>> -> memref<1x128x128xf32, #tpu.memory_space<vmem>>
      %dma_start3A_294 = tpu.memref_squeeze %dma_start3A_293 : memref<1x128x128xf32, #tpu.memory_space<vmem>> -> memref<128x128xf32, #tpu.memory_space<vmem>>
      %dma_start3A_295 = arith.constant 0 : i32
      %dma_start3A_296 = tpu.memref_slice %arg6[%add3A_43, %dma_start3A_295] : memref<10240x128xf32, #tpu.memory_space<vmem_shared>> -> memref<128x128xf32, #tpu.memory_space<vmem_shared>>
      %dma_start3A_297 = arith.constant 0 : i32
      %dma_start3A_298 = tpu.memref_slice %arg6[%add3A_43, %dma_start3A_297] : memref<10240x128xf32, #tpu.memory_space<vmem_shared>> -> memref<128x128xf32, #tpu.memory_space<vmem_shared>>
      %dma_start3A_299 = arith.constant 0 : i32
      %dma_start3A_300 = arith.constant 0 : i32
      %dma_start3A_301 = tpu.memref_slice %arg7[%run_scoped3A_44, %dma_start3A_299, %dma_start3A_300] : memref<2x128x128xf32, #tpu.memory_space<vmem>> -> memref<1x128x128xf32, #tpu.memory_space<vmem>>
      %dma_start3A_302 = tpu.memref_squeeze %dma_start3A_301 : memref<1x128x128xf32, #tpu.memory_space<vmem>> -> memref<128x128xf32, #tpu.memory_space<vmem>>
      tpu.enqueue_dma source(%dma_start3A_302 : memref<128x128xf32, #tpu.memory_space<vmem>>) target(%dma_start3A_298 : memref<128x128xf32, #tpu.memory_space<vmem_shared>>) target_semaphore(%run_scoped3A_290 : memref<!tpu.dma_semaphore, #tpu.memory_space<semaphore_mem>>)
      %dma_wait3A_303 = arith.constant 0 : i32
      %dma_wait3A_304 = arith.constant 0 : i32
      %dma_wait3A_305 = tpu.memref_slice %arg7[%run_scoped3A_44, %dma_wait3A_303, %dma_wait3A_304] : memref<2x128x128xf32, #tpu.memory_space<vmem>> -> memref<1x128x128xf32, #tpu.memory_space<vmem>>
      %dma_wait3A_306 = tpu.memref_squeeze %dma_wait3A_305 : memref<1x128x128xf32, #tpu.memory_space<vmem>> -> memref<128x128xf32, #tpu.memory_space<vmem>>
      %dma_wait3A_307 = arith.constant 0 : i32
      %dma_wait3A_308 = tpu.memref_slice %arg6[%add3A_43, %dma_wait3A_307] : memref<10240x128xf32, #tpu.memory_space<vmem_shared>> -> memref<128x128xf32, #tpu.memory_space<vmem_shared>>
      %dma_wait3A_309 = arith.constant 0 : i32
      %dma_wait3A_310 = tpu.memref_slice %arg6[%add3A_43, %dma_wait3A_309] : memref<10240x128xf32, #tpu.memory_space<vmem_shared>> -> memref<128x128xf32, #tpu.memory_space<vmem_shared>>
      %dma_wait3A_311 = arith.constant 0 : i32
      %dma_wait3A_312 = arith.constant 0 : i32
      %dma_wait3A_313 = tpu.memref_slice %arg7[%run_scoped3A_44, %dma_wait3A_311, %dma_wait3A_312] : memref<2x128x128xf32, #tpu.memory_space<vmem>> -> memref<1x128x128xf32, #tpu.memory_space<vmem>>
      %dma_wait3A_314 = tpu.memref_squeeze %dma_wait3A_313 : memref<1x128x128xf32, #tpu.memory_space<vmem>> -> memref<128x128xf32, #tpu.memory_space<vmem>>
      tpu.wait_dma2 semaphore(%run_scoped3A_290 : memref<!tpu.dma_semaphore, #tpu.memory_space<semaphore_mem>>) src(%dma_wait3A_314 : memref<128x128xf32, #tpu.memory_space<vmem>>) dst(%dma_wait3A_310 : memref<128x128xf32, #tpu.memory_space<vmem_shared>>)
      tpu.yield
    }) : () -> ()
    %mul3A_45 = arith.constant 640 : i32
    %mul3A_46 = arith.muli %arg1, %mul3A_45 : i32
    %add3A_47 = arith.constant 384 : i32
    %add3A_48 = arith.addi %mul3A_46, %add3A_47 : i32
    %run_scoped3A_49 = arith.constant 1 : i32
    "tpu.region"() ({
      %run_scoped3A_290 = tpu.sem_alloc : memref<!tpu.dma_semaphore, #tpu.memory_space<semaphore_mem>>
      %dma_start3A_291 = arith.constant 0 : i32
      %dma_start3A_292 = arith.constant 0 : i32
      %dma_start3A_293 = tpu.memref_slice %arg7[%run_scoped3A_49, %dma_start3A_291, %dma_start3A_292] : memref<2x128x128xf32, #tpu.memory_space<vmem>> -> memref<1x128x128xf32, #tpu.memory_space<vmem>>
      %dma_start3A_294 = tpu.memref_squeeze %dma_start3A_293 : memref<1x128x128xf32, #tpu.memory_space<vmem>> -> memref<128x128xf32, #tpu.memory_space<vmem>>
      %dma_start3A_295 = arith.constant 0 : i32
      %dma_start3A_296 = tpu.memref_slice %arg6[%add3A_48, %dma_start3A_295] : memref<10240x128xf32, #tpu.memory_space<vmem_shared>> -> memref<128x128xf32, #tpu.memory_space<vmem_shared>>
      %dma_start3A_297 = arith.constant 0 : i32
      %dma_start3A_298 = tpu.memref_slice %arg6[%add3A_48, %dma_start3A_297] : memref<10240x128xf32, #tpu.memory_space<vmem_shared>> -> memref<128x128xf32, #tpu.memory_space<vmem_shared>>
      %dma_start3A_299 = arith.constant 0 : i32
      %dma_start3A_300 = arith.constant 0 : i32
      %dma_start3A_301 = tpu.memref_slice %arg7[%run_scoped3A_49, %dma_start3A_299, %dma_start3A_300] : memref<2x128x128xf32, #tpu.memory_space<vmem>> -> memref<1x128x128xf32, #tpu.memory_space<vmem>>
      %dma_start3A_302 = tpu.memref_squeeze %dma_start3A_301 : memref<1x128x128xf32, #tpu.memory_space<vmem>> -> memref<128x128xf32, #tpu.memory_space<vmem>>
      tpu.enqueue_dma source(%dma_start3A_302 : memref<128x128xf32, #tpu.memory_space<vmem>>) target(%dma_start3A_298 : memref<128x128xf32, #tpu.memory_space<vmem_shared>>) target_semaphore(%run_scoped3A_290 : memref<!tpu.dma_semaphore, #tpu.memory_space<semaphore_mem>>)
      %dma_wait3A_303 = arith.constant 0 : i32
      %dma_wait3A_304 = arith.constant 0 : i32
      %dma_wait3A_305 = tpu.memref_slice %arg7[%run_scoped3A_49, %dma_wait3A_303, %dma_wait3A_304] : memref<2x128x128xf32, #tpu.memory_space<vmem>> -> memref<1x128x128xf32, #tpu.memory_space<vmem>>
      %dma_wait3A_306 = tpu.memref_squeeze %dma_wait3A_305 : memref<1x128x128xf32, #tpu.memory_space<vmem>> -> memref<128x128xf32, #tpu.memory_space<vmem>>
      %dma_wait3A_307 = arith.constant 0 : i32
      %dma_wait3A_308 = tpu.memref_slice %arg6[%add3A_48, %dma_wait3A_307] : memref<10240x128xf32, #tpu.memory_space<vmem_shared>> -> memref<128x128xf32, #tpu.memory_space<vmem_shared>>
      %dma_wait3A_309 = arith.constant 0 : i32
      %dma_wait3A_310 = tpu.memref_slice %arg6[%add3A_48, %dma_wait3A_309] : memref<10240x128xf32, #tpu.memory_space<vmem_shared>> -> memref<128x128xf32, #tpu.memory_space<vmem_shared>>
      %dma_wait3A_311 = arith.constant 0 : i32
      %dma_wait3A_312 = arith.constant 0 : i32
      %dma_wait3A_313 = tpu.memref_slice %arg7[%run_scoped3A_49, %dma_wait3A_311, %dma_wait3A_312] : memref<2x128x128xf32, #tpu.memory_space<vmem>> -> memref<1x128x128xf32, #tpu.memory_space<vmem>>
      %dma_wait3A_314 = tpu.memref_squeeze %dma_wait3A_313 : memref<1x128x128xf32, #tpu.memory_space<vmem>> -> memref<128x128xf32, #tpu.memory_space<vmem>>
      tpu.wait_dma2 semaphore(%run_scoped3A_290 : memref<!tpu.dma_semaphore, #tpu.memory_space<semaphore_mem>>) src(%dma_wait3A_314 : memref<128x128xf32, #tpu.memory_space<vmem>>) dst(%dma_wait3A_310 : memref<128x128xf32, #tpu.memory_space<vmem_shared>>)
      tpu.yield
    }) : () -> ()
    %mul3A_50 = arith.constant 640 : i32
    %mul3A_51 = arith.muli %arg1, %mul3A_50 : i32
    %add3A_52 = arith.constant 512 : i32
    %add3A_53 = arith.addi %mul3A_51, %add3A_52 : i32
    %run_scoped3A_54 = arith.constant 1 : i32
    "tpu.region"() ({
      %run_scoped3A_290 = tpu.sem_alloc : memref<!tpu.dma_semaphore, #tpu.memory_space<semaphore_mem>>
      %dma_start3A_291 = arith.constant 0 : i32
      %dma_start3A_292 = arith.constant 0 : i32
      %dma_start3A_293 = tpu.memref_slice %arg7[%run_scoped3A_54, %dma_start3A_291, %dma_start3A_292] : memref<2x128x128xf32, #tpu.memory_space<vmem>> -> memref<1x128x128xf32, #tpu.memory_space<vmem>>
      %dma_start3A_294 = tpu.memref_squeeze %dma_start3A_293 : memref<1x128x128xf32, #tpu.memory_space<vmem>> -> memref<128x128xf32, #tpu.memory_space<vmem>>
      %dma_start3A_295 = arith.constant 0 : i32
      %dma_start3A_296 = tpu.memref_slice %arg6[%add3A_53, %dma_start3A_295] : memref<10240x128xf32, #tpu.memory_space<vmem_shared>> -> memref<128x128xf32, #tpu.memory_space<vmem_shared>>
      %dma_start3A_297 = arith.constant 0 : i32
      %dma_start3A_298 = tpu.memref_slice %arg6[%add3A_53, %dma_start3A_297] : memref<10240x128xf32, #tpu.memory_space<vmem_shared>> -> memref<128x128xf32, #tpu.memory_space<vmem_shared>>
      %dma_start3A_299 = arith.constant 0 : i32
      %dma_start3A_300 = arith.constant 0 : i32
      %dma_start3A_301 = tpu.memref_slice %arg7[%run_scoped3A_54, %dma_start3A_299, %dma_start3A_300] : memref<2x128x128xf32, #tpu.memory_space<vmem>> -> memref<1x128x128xf32, #tpu.memory_space<vmem>>
      %dma_start3A_302 = tpu.memref_squeeze %dma_start3A_301 : memref<1x128x128xf32, #tpu.memory_space<vmem>> -> memref<128x128xf32, #tpu.memory_space<vmem>>
      tpu.enqueue_dma source(%dma_start3A_302 : memref<128x128xf32, #tpu.memory_space<vmem>>) target(%dma_start3A_298 : memref<128x128xf32, #tpu.memory_space<vmem_shared>>) target_semaphore(%run_scoped3A_290 : memref<!tpu.dma_semaphore, #tpu.memory_space<semaphore_mem>>)
      %dma_wait3A_303 = arith.constant 0 : i32
      %dma_wait3A_304 = arith.constant 0 : i32
      %dma_wait3A_305 = tpu.memref_slice %arg7[%run_scoped3A_54, %dma_wait3A_303, %dma_wait3A_304] : memref<2x128x128xf32, #tpu.memory_space<vmem>> -> memref<1x128x128xf32, #tpu.memory_space<vmem>>
      %dma_wait3A_306 = tpu.memref_squeeze %dma_wait3A_305 : memref<1x128x128xf32, #tpu.memory_space<vmem>> -> memref<128x128xf32, #tpu.memory_space<vmem>>
      %dma_wait3A_307 = arith.constant 0 : i32
      %dma_wait3A_308 = tpu.memref_slice %arg6[%add3A_53, %dma_wait3A_307] : memref<10240x128xf32, #tpu.memory_space<vmem_shared>> -> memref<128x128xf32, #tpu.memory_space<vmem_shared>>
      %dma_wait3A_309 = arith.constant 0 : i32
      %dma_wait3A_310 = tpu.memref_slice %arg6[%add3A_53, %dma_wait3A_309] : memref<10240x128xf32, #tpu.memory_space<vmem_shared>> -> memref<128x128xf32, #tpu.memory_space<vmem_shared>>
      %dma_wait3A_311 = arith.constant 0 : i32
      %dma_wait3A_312 = arith.constant 0 : i32
      %dma_wait3A_313 = tpu.memref_slice %arg7[%run_scoped3A_54, %dma_wait3A_311, %dma_wait3A_312] : memref<2x128x128xf32, #tpu.memory_space<vmem>> -> memref<1x128x128xf32, #tpu.memory_space<vmem>>
      %dma_wait3A_314 = tpu.memref_squeeze %dma_wait3A_313 : memref<1x128x128xf32, #tpu.memory_space<vmem>> -> memref<128x128xf32, #tpu.memory_space<vmem>>
      tpu.wait_dma2 semaphore(%run_scoped3A_290 : memref<!tpu.dma_semaphore, #tpu.memory_space<semaphore_mem>>) src(%dma_wait3A_314 : memref<128x128xf32, #tpu.memory_space<vmem>>) dst(%dma_wait3A_310 : memref<128x128xf32, #tpu.memory_space<vmem_shared>>)
      tpu.yield
    }) : () -> ()
    %barrier3A = arith.constant 0 : index
    tpu.barrier barrier_id(%barrier3A)
    %scan3A_55 = arith.constant 0 : i32
    %scan3A_56 = arith.constant 0 : i32
    %scan3A_57 = arith.constant 40 : i32
    %scan3A_58 = arith.addi %scan3A_56, %scan3A_57 : i32
    %scan3A_59 = arith.constant 1 : i32
    %scan3A_60 = scf.for %scan3A_290 = %scan3A_56 to %scan3A_58 step %scan3A_59 iter_args(%scan3A_291 = %scan3A_55) -> (i32)  : i32 {
      %rem3A = arith.constant 2 : i32
      %rem3A_292 = arith.remsi %scan3A_290, %rem3A : i32
      %add3A_293 = arith.constant 1 : i32
      %add3A_294 = arith.addi %scan3A_290, %add3A_293 : i32
      %rem3A_295 = arith.constant 2 : i32
      %rem3A_296 = arith.remsi %add3A_294, %rem3A_295 : i32
      %add3A_297 = arith.constant 1 : i32
      %add3A_298 = arith.addi %scan3A_290, %add3A_297 : i32
      %lt3A = arith.constant 40 : i32
      %lt3A_299 = arith.cmpi slt, %add3A_298, %lt3A : i32
      %convert_element_type3A = arith.extui %lt3A_299 : i1 to i32
      %cond3A = arith.constant 0 : i32
      %cond3A_300 = arith.cmpi ne, %convert_element_type3A, %cond3A : i32
      scf.if %cond3A_300 {
        %add3A_338 = arith.constant 1 : i32
        %add3A_339 = arith.addi %scan3A_290, %add3A_338 : i32
        %dma_start3A_340 = arith.constant 0 : i32
        %dma_start3A_341 = arith.constant 0 : i32
        %dma_start3A_342 = tpu.memref_slice %arg7[%rem3A_296, %dma_start3A_340, %dma_start3A_341] : memref<2x128x128xf32, #tpu.memory_space<vmem>> -> memref<1x128x128xf32, #tpu.memory_space<vmem>>
        %dma_start3A_343 = tpu.memref_squeeze %dma_start3A_342 : memref<1x128x128xf32, #tpu.memory_space<vmem>> -> memref<128x128xf32, #tpu.memory_space<vmem>>
        %dma_start3A_344 = arith.constant 0 : i32
        %dma_start3A_345 = tpu.memref_slice %arg8[%add3A_339, %dma_start3A_344] : memref<40x128xi32, #tpu.memory_space<vmem>> -> memref<1x128xi32, #tpu.memory_space<vmem>>
        %dma_start3A_346 = tpu.memref_squeeze %dma_start3A_345 : memref<1x128xi32, #tpu.memory_space<vmem>> -> memref<128xi32, #tpu.memory_space<vmem>>
        %dma_start3A_347 = arith.constant 0 : i32
        %dma_start3A_348 = arith.constant 0 : i32
        %dma_start3A_349 = tpu.memref_slice %arg2[%dma_start3A_347, %dma_start3A_348] : memref<20480x128xf32, #tpu.memory_space<hbm>> -> memref<20480x128xf32, #tpu.memory_space<hbm>>
        %dma_start3A_350 = tpu.memref_slice %arg10[%rem3A_296] : memref<2x!tpu.dma_semaphore, #tpu.memory_space<semaphore_mem>> -> memref<1x!tpu.dma_semaphore, #tpu.memory_space<semaphore_mem>>
        %dma_start3A_351 = tpu.memref_squeeze %dma_start3A_350 : memref<1x!tpu.dma_semaphore, #tpu.memory_space<semaphore_mem>> -> memref<!tpu.dma_semaphore, #tpu.memory_space<semaphore_mem>>
        tpu.enqueue_indirect_dma source(%dma_start3A_349 : memref<20480x128xf32, #tpu.memory_space<hbm>>) target(%dma_start3A_343 : memref<128x128xf32, #tpu.memory_space<vmem>>) offsets(%dma_start3A_346 : memref<128xi32, #tpu.memory_space<vmem>>) semaphore(%dma_start3A_351 : memref<!tpu.dma_semaphore, #tpu.memory_space<semaphore_mem>>)
      } else {
      }
      %dma_wait3A_301 = arith.constant 0 : i32
      %dma_wait3A_302 = arith.constant 0 : i32
      %dma_wait3A_303 = tpu.memref_slice %arg7[%rem3A_292, %dma_wait3A_301, %dma_wait3A_302] : memref<2x128x128xf32, #tpu.memory_space<vmem>> -> memref<1x128x128xf32, #tpu.memory_space<vmem>>
      %dma_wait3A_304 = tpu.memref_squeeze %dma_wait3A_303 : memref<1x128x128xf32, #tpu.memory_space<vmem>> -> memref<128x128xf32, #tpu.memory_space<vmem>>
      %dma_wait3A_305 = arith.constant 0 : i32
      %dma_wait3A_306 = tpu.memref_slice %arg8[%scan3A_290, %dma_wait3A_305] : memref<40x128xi32, #tpu.memory_space<vmem>> -> memref<1x128xi32, #tpu.memory_space<vmem>>
      %dma_wait3A_307 = tpu.memref_squeeze %dma_wait3A_306 : memref<1x128xi32, #tpu.memory_space<vmem>> -> memref<128xi32, #tpu.memory_space<vmem>>
      %dma_wait3A_308 = arith.constant 0 : i32
      %dma_wait3A_309 = arith.constant 0 : i32
      %dma_wait3A_310 = tpu.memref_slice %arg2[%dma_wait3A_308, %dma_wait3A_309] : memref<20480x128xf32, #tpu.memory_space<hbm>> -> memref<20480x128xf32, #tpu.memory_space<hbm>>
      %dma_wait3A_311 = tpu.memref_slice %arg10[%rem3A_292] : memref<2x!tpu.dma_semaphore, #tpu.memory_space<semaphore_mem>> -> memref<1x!tpu.dma_semaphore, #tpu.memory_space<semaphore_mem>>
      %dma_wait3A_312 = tpu.memref_squeeze %dma_wait3A_311 : memref<1x!tpu.dma_semaphore, #tpu.memory_space<semaphore_mem>> -> memref<!tpu.dma_semaphore, #tpu.memory_space<semaphore_mem>>
      tpu.wait_indirect_dma semaphore(%dma_wait3A_312 : memref<!tpu.dma_semaphore, #tpu.memory_space<semaphore_mem>>) src(%dma_wait3A_310 : memref<20480x128xf32, #tpu.memory_space<hbm>>) dst(%dma_wait3A_304 : memref<128x128xf32, #tpu.memory_space<vmem>>)
      %dma_start3A_313 = arith.constant 0 : i32
      %dma_start3A_314 = arith.constant 0 : i32
      %dma_start3A_315 = tpu.memref_slice %arg7[%rem3A_292, %dma_start3A_313, %dma_start3A_314] : memref<2x128x128xf32, #tpu.memory_space<vmem>> -> memref<1x128x128xf32, #tpu.memory_space<vmem>>
      %dma_start3A_316 = tpu.memref_squeeze %dma_start3A_315 : memref<1x128x128xf32, #tpu.memory_space<vmem>> -> memref<128x128xf32, #tpu.memory_space<vmem>>
      %dma_start3A_317 = arith.constant 0 : i32
      %dma_start3A_318 = tpu.memref_slice %arg9[%scan3A_290, %dma_start3A_317] : memref<40x128xi32, #tpu.memory_space<vmem>> -> memref<1x128xi32, #tpu.memory_space<vmem>>
      %dma_start3A_319 = tpu.memref_squeeze %dma_start3A_318 : memref<1x128xi32, #tpu.memory_space<vmem>> -> memref<128xi32, #tpu.memory_space<vmem>>
      %dma_start3A_320 = arith.constant 0 : i32
      %dma_start3A_321 = arith.constant 0 : i32
      %dma_start3A_322 = tpu.memref_slice %arg6[%dma_start3A_320, %dma_start3A_321] : memref<10240x128xf32, #tpu.memory_space<vmem_shared>> -> memref<10240x128xf32, #tpu.memory_space<vmem_shared>>
      %dma_start3A_323 = tpu.memref_slice %arg11[%rem3A_292] : memref<2x!tpu.dma_semaphore, #tpu.memory_space<semaphore_mem>> -> memref<1x!tpu.dma_semaphore, #tpu.memory_space<semaphore_mem>>
      %dma_start3A_324 = tpu.memref_squeeze %dma_start3A_323 : memref<1x!tpu.dma_semaphore, #tpu.memory_space<semaphore_mem>> -> memref<!tpu.dma_semaphore, #tpu.memory_space<semaphore_mem>>
      tpu.enqueue_indirect_dma source(%dma_start3A_316 : memref<128x128xf32, #tpu.memory_space<vmem>>) target(%dma_start3A_322 : memref<10240x128xf32, #tpu.memory_space<vmem_shared>>) offsets(%dma_start3A_319 : memref<128xi32, #tpu.memory_space<vmem>>) semaphore(%dma_start3A_324 : memref<!tpu.dma_semaphore, #tpu.memory_space<semaphore_mem>>) {add = true}
      %dma_wait3A_325 = arith.constant 0 : i32
      %dma_wait3A_326 = arith.constant 0 : i32
      %dma_wait3A_327 = tpu.memref_slice %arg7[%rem3A_292, %dma_wait3A_325, %dma_wait3A_326] : memref<2x128x128xf32, #tpu.memory_space<vmem>> -> memref<1x128x128xf32, #tpu.memory_space<vmem>>
      %dma_wait3A_328 = tpu.memref_squeeze %dma_wait3A_327 : memref<1x128x128xf32, #tpu.memory_space<vmem>> -> memref<128x128xf32, #tpu.memory_space<vmem>>
      %dma_wait3A_329 = arith.constant 0 : i32
      %dma_wait3A_330 = tpu.memref_slice %arg9[%scan3A_290, %dma_wait3A_329] : memref<40x128xi32, #tpu.memory_space<vmem>> -> memref<1x128xi32, #tpu.memory_space<vmem>>
      %dma_wait3A_331 = tpu.memref_squeeze %dma_wait3A_330 : memref<1x128xi32, #tpu.memory_space<vmem>> -> memref<128xi32, #tpu.memory_space<vmem>>
      %dma_wait3A_332 = arith.constant 0 : i32
      %dma_wait3A_333 = arith.constant 0 : i32
      %dma_wait3A_334 = tpu.memref_slice %arg6[%dma_wait3A_332, %dma_wait3A_333] : memref<10240x128xf32, #tpu.memory_space<vmem_shared>> -> memref<10240x128xf32, #tpu.memory_space<vmem_shared>>
      %dma_wait3A_335 = tpu.memref_slice %arg11[%rem3A_292] : memref<2x!tpu.dma_semaphore, #tpu.memory_space<semaphore_mem>> -> memref<1x!tpu.dma_semaphore, #tpu.memory_space<semaphore_mem>>
      %dma_wait3A_336 = tpu.memref_squeeze %dma_wait3A_335 : memref<1x!tpu.dma_semaphore, #tpu.memory_space<semaphore_mem>> -> memref<!tpu.dma_semaphore, #tpu.memory_space<semaphore_mem>>
      tpu.wait_indirect_dma semaphore(%dma_wait3A_336 : memref<!tpu.dma_semaphore, #tpu.memory_space<semaphore_mem>>) src(%dma_wait3A_328 : memref<128x128xf32, #tpu.memory_space<vmem>>) dst(%dma_wait3A_334 : memref<10240x128xf32, #tpu.memory_space<vmem_shared>>)
      %scan3A_337 = arith.constant 0 : i32
      scf.yield %scan3A_337 : i32
    }
    %scan3A_61 = arith.constant 40 : i32
    %mul3A_62 = arith.constant 80 : i32
    %mul3A_63 = arith.muli %arg1, %mul3A_62 : i32
    %add3A_64 = arith.constant 40 : i32
    %add3A_65 = arith.addi %mul3A_63, %add3A_64 : i32
    "tpu.region"() ({
      %run_scoped3A_290 = tpu.sem_alloc : memref<!tpu.dma_semaphore, #tpu.memory_space<semaphore_mem>>
      %dma_start3A_291 = arith.constant 0 : i32
      %dma_start3A_292 = tpu.memref_slice %arg3[%add3A_65, %dma_start3A_291] : memref<1280x128xi32, #tpu.memory_space<hbm>> -> memref<40x128xi32, #tpu.memory_space<hbm>>
      %dma_start3A_293 = arith.constant 0 : i32
      %dma_start3A_294 = tpu.memref_slice %arg3[%add3A_65, %dma_start3A_293] : memref<1280x128xi32, #tpu.memory_space<hbm>> -> memref<40x128xi32, #tpu.memory_space<hbm>>
      tpu.enqueue_dma source(%dma_start3A_294 : memref<40x128xi32, #tpu.memory_space<hbm>>) target(%arg8 : memref<40x128xi32, #tpu.memory_space<vmem>>) target_semaphore(%run_scoped3A_290 : memref<!tpu.dma_semaphore, #tpu.memory_space<semaphore_mem>>)
      %dma_wait3A_295 = arith.constant 0 : i32
      %dma_wait3A_296 = tpu.memref_slice %arg3[%add3A_65, %dma_wait3A_295] : memref<1280x128xi32, #tpu.memory_space<hbm>> -> memref<40x128xi32, #tpu.memory_space<hbm>>
      %dma_wait3A_297 = arith.constant 0 : i32
      %dma_wait3A_298 = tpu.memref_slice %arg3[%add3A_65, %dma_wait3A_297] : memref<1280x128xi32, #tpu.memory_space<hbm>> -> memref<40x128xi32, #tpu.memory_space<hbm>>
      tpu.wait_dma2 semaphore(%run_scoped3A_290 : memref<!tpu.dma_semaphore, #tpu.memory_space<semaphore_mem>>) src(%dma_wait3A_298 : memref<40x128xi32, #tpu.memory_space<hbm>>) dst(%arg8 : memref<40x128xi32, #tpu.memory_space<vmem>>)
      tpu.yield
    }) : () -> ()
    "tpu.region"() ({
      %run_scoped3A_290 = tpu.sem_alloc : memref<!tpu.dma_semaphore, #tpu.memory_space<semaphore_mem>>
      %dma_start3A_291 = arith.constant 0 : i32
      %dma_start3A_292 = tpu.memref_slice %arg4[%add3A_65, %dma_start3A_291] : memref<1280x128xi32, #tpu.memory_space<hbm>> -> memref<40x128xi32, #tpu.memory_space<hbm>>
      %dma_start3A_293 = arith.constant 0 : i32
      %dma_start3A_294 = tpu.memref_slice %arg4[%add3A_65, %dma_start3A_293] : memref<1280x128xi32, #tpu.memory_space<hbm>> -> memref<40x128xi32, #tpu.memory_space<hbm>>
      tpu.enqueue_dma source(%dma_start3A_294 : memref<40x128xi32, #tpu.memory_space<hbm>>) target(%arg9 : memref<40x128xi32, #tpu.memory_space<vmem>>) target_semaphore(%run_scoped3A_290 : memref<!tpu.dma_semaphore, #tpu.memory_space<semaphore_mem>>)
      %dma_wait3A_295 = arith.constant 0 : i32
      %dma_wait3A_296 = tpu.memref_slice %arg4[%add3A_65, %dma_wait3A_295] : memref<1280x128xi32, #tpu.memory_space<hbm>> -> memref<40x128xi32, #tpu.memory_space<hbm>>
      %dma_wait3A_297 = arith.constant 0 : i32
      %dma_wait3A_298 = tpu.memref_slice %arg4[%add3A_65, %dma_wait3A_297] : memref<1280x128xi32, #tpu.memory_space<hbm>> -> memref<40x128xi32, #tpu.memory_space<hbm>>
      tpu.wait_dma2 semaphore(%run_scoped3A_290 : memref<!tpu.dma_semaphore, #tpu.memory_space<semaphore_mem>>) src(%dma_wait3A_298 : memref<40x128xi32, #tpu.memory_space<hbm>>) dst(%arg9 : memref<40x128xi32, #tpu.memory_space<vmem>>)
      tpu.yield
    }) : () -> ()
    %scan3A_66 = arith.constant 0 : i32
    %scan3A_67 = arith.constant 0 : i32
    %scan3A_68 = arith.constant 320 : i32
    %scan3A_69 = arith.addi %scan3A_67, %scan3A_68 : i32
    %scan3A_70 = arith.constant 1 : i32
    %scan3A_71 = scf.for %scan3A_290 = %scan3A_67 to %scan3A_69 step %scan3A_70 iter_args(%scan3A_291 = %scan3A_66) -> (i32)  : i32 {
      %jit3A = arith.constant 8 : i32
      %div3A = arith.divsi %scan3A_290, %jit3A : i32
      %sign3A = arith.constant 0 : i32
      %sign3A_292 = arith.cmpi sgt, %scan3A_290, %sign3A : i32
      %sign3A_293 = arith.extui %sign3A_292 : i1 to i32
      %sign3A_294 = arith.constant 0 : i32
      %sign3A_295 = arith.cmpi slt, %scan3A_290, %sign3A_294 : i32
      %sign3A_296 = arith.extui %sign3A_295 : i1 to i32
      %sign3A_297 = arith.subi %sign3A_293, %sign3A_296 : i32
      %sign3A_298 = arith.constant 0 : i32
      %sign3A_299 = arith.cmpi sgt, %jit3A, %sign3A_298 : i32
      %sign3A_300 = arith.extui %sign3A_299 : i1 to i32
      %sign3A_301 = arith.constant 0 : i32
      %sign3A_302 = arith.cmpi slt, %jit3A, %sign3A_301 : i32
      %sign3A_303 = arith.extui %sign3A_302 : i1 to i32
      %sign3A_304 = arith.subi %sign3A_300, %sign3A_303 : i32
      %ne3A = arith.cmpi ne, %sign3A_297, %sign3A_304 : i32
      %rem3A = arith.remsi %scan3A_290, %jit3A : i32
      %ne3A_305 = arith.constant 0 : i32
      %ne3A_306 = arith.cmpi ne, %rem3A, %ne3A_305 : i32
      %and3A = arith.andi %ne3A, %ne3A_306 : i1
      %sub3A = arith.constant 1 : i32
      %sub3A_307 = arith.subi %div3A, %sub3A : i32
      %select_n3A = arith.select %and3A, %sub3A_307, %div3A : i32
      %mul3A_308 = arith.constant 8 : i32
      %mul3A_309 = arith.muli %select_n3A, %mul3A_308 : i32
      %sub3A_310 = arith.subi %scan3A_290, %mul3A_309 : i32
      %mul3A_311 = arith.constant 16 : i32
      %mul3A_312 = arith.muli %sub3A_310, %mul3A_311 : i32
      %get3A = arith.index_cast %select_n3A : i32 to index
      %get3A_313 = arith.index_cast %mul3A_312 : i32 to index
      %get3A_314 = tpu.vector_load %arg8[%get3A, %get3A_313] {strides = array<i32>} : memref<40x128xi32, #tpu.memory_space<vmem>>, vector<1x16xi32>,
      %get3A_315 = vector.shape_cast %get3A_314 : vector<1x16xi32> to vector<16xi32>
      %add3A_316 = vector.broadcast %mul3A_0 : i32 to vector<16xi32>
      %add3A_317 = arith.addi %get3A_315, %add3A_316 : vector<16xi32>
      %swap3A = arith.index_cast %select_n3A : i32 to index
      %swap3A_318 = arith.index_cast %mul3A_312 : i32 to index
      %swap3A_319 = tpu.vector_load %arg8[%swap3A, %swap3A_318] {strides = array<i32>} : memref<40x128xi32, #tpu.memory_space<vmem>>, vector<1x16xi32>,
      %swap3A_320 = vector.shape_cast %swap3A_319 : vector<1x16xi32> to vector<16xi32>
      %swap3A_321 = vector.shape_cast %add3A_317 : vector<16xi32> to vector<1x16xi32>
      tpu.vector_store %arg8[%swap3A, %swap3A_318], %swap3A_321 {strides = array<i32>} : memref<40x128xi32, #tpu.memory_space<vmem>>, vector<1x16xi32>,
      %scan3A_322 = arith.constant 0 : i32
      scf.yield %scan3A_322 : i32
    }
    %scan3A_72 = arith.constant 320 : i32
    %dma_start3A_73 = arith.constant 0 : i32
    %dma_start3A_74 = arith.constant 0 : i32
    %dma_start3A_75 = arith.constant 0 : i32
    %dma_start3A_76 = arith.constant 0 : i32
    %dma_start3A_77 = arith.constant 0 : i32
    %dma_start3A_78 = tpu.memref_slice %arg7[%dma_start3A_74, %dma_start3A_76, %dma_start3A_77] : memref<2x128x128xf32, #tpu.memory_space<vmem>> -> memref<1x128x128xf32, #tpu.memory_space<vmem>>
    %dma_start3A_79 = tpu.memref_squeeze %dma_start3A_78 : memref<1x128x128xf32, #tpu.memory_space<vmem>> -> memref<128x128xf32, #tpu.memory_space<vmem>>
    %dma_start3A_80 = arith.constant 0 : i32
    %dma_start3A_81 = tpu.memref_slice %arg8[%dma_start3A_73, %dma_start3A_80] : memref<40x128xi32, #tpu.memory_space<vmem>> -> memref<1x128xi32, #tpu.memory_space<vmem>>
    %dma_start3A_82 = tpu.memref_squeeze %dma_start3A_81 : memref<1x128xi32, #tpu.memory_space<vmem>> -> memref<128xi32, #tpu.memory_space<vmem>>
    %dma_start3A_83 = arith.constant 0 : i32
    %dma_start3A_84 = arith.constant 0 : i32
    %dma_start3A_85 = tpu.memref_slice %arg2[%dma_start3A_83, %dma_start3A_84] : memref<20480x128xf32, #tpu.memory_space<hbm>> -> memref<20480x128xf32, #tpu.memory_space<hbm>>
    %dma_start3A_86 = tpu.memref_slice %arg10[%dma_start3A_75] : memref<2x!tpu.dma_semaphore, #tpu.memory_space<semaphore_mem>> -> memref<1x!tpu.dma_semaphore, #tpu.memory_space<semaphore_mem>>
    %dma_start3A_87 = tpu.memref_squeeze %dma_start3A_86 : memref<1x!tpu.dma_semaphore, #tpu.memory_space<semaphore_mem>> -> memref<!tpu.dma_semaphore, #tpu.memory_space<semaphore_mem>>
    tpu.enqueue_indirect_dma source(%dma_start3A_85 : memref<20480x128xf32, #tpu.memory_space<hbm>>) target(%dma_start3A_79 : memref<128x128xf32, #tpu.memory_space<vmem>>) offsets(%dma_start3A_82 : memref<128xi32, #tpu.memory_space<vmem>>) semaphore(%dma_start3A_87 : memref<!tpu.dma_semaphore, #tpu.memory_space<semaphore_mem>>)
    %scan3A_88 = arith.constant 0 : i32
    %scan3A_89 = arith.constant 0 : i32
    %scan3A_90 = arith.constant 40 : i32
    %scan3A_91 = arith.addi %scan3A_89, %scan3A_90 : i32
    %scan3A_92 = arith.constant 1 : i32
    %scan3A_93 = scf.for %scan3A_290 = %scan3A_89 to %scan3A_91 step %scan3A_92 iter_args(%scan3A_291 = %scan3A_88) -> (i32)  : i32 {
      %rem3A = arith.constant 2 : i32
      %rem3A_292 = arith.remsi %scan3A_290, %rem3A : i32
      %add3A_293 = arith.constant 1 : i32
      %add3A_294 = arith.addi %scan3A_290, %add3A_293 : i32
      %rem3A_295 = arith.constant 2 : i32
      %rem3A_296 = arith.remsi %add3A_294, %rem3A_295 : i32
      %add3A_297 = arith.constant 1 : i32
      %add3A_298 = arith.addi %scan3A_290, %add3A_297 : i32
      %lt3A = arith.constant 40 : i32
      %lt3A_299 = arith.cmpi slt, %add3A_298, %lt3A : i32
      %convert_element_type3A = arith.extui %lt3A_299 : i1 to i32
      %cond3A = arith.constant 0 : i32
      %cond3A_300 = arith.cmpi ne, %convert_element_type3A, %cond3A : i32
      scf.if %cond3A_300 {
        %add3A_338 = arith.constant 1 : i32
        %add3A_339 = arith.addi %scan3A_290, %add3A_338 : i32
        %dma_start3A_340 = arith.constant 0 : i32
        %dma_start3A_341 = arith.constant 0 : i32
        %dma_start3A_342 = tpu.memref_slice %arg7[%rem3A_296, %dma_start3A_340, %dma_start3A_341] : memref<2x128x128xf32, #tpu.memory_space<vmem>> -> memref<1x128x128xf32, #tpu.memory_space<vmem>>
        %dma_start3A_343 = tpu.memref_squeeze %dma_start3A_342 : memref<1x128x128xf32, #tpu.memory_space<vmem>> -> memref<128x128xf32, #tpu.memory_space<vmem>>
        %dma_start3A_344 = arith.constant 0 : i32
        %dma_start3A_345 = tpu.memref_slice %arg8[%add3A_339, %dma_start3A_344] : memref<40x128xi32, #tpu.memory_space<vmem>> -> memref<1x128xi32, #tpu.memory_space<vmem>>
        %dma_start3A_346 = tpu.memref_squeeze %dma_start3A_345 : memref<1x128xi32, #tpu.memory_space<vmem>> -> memref<128xi32, #tpu.memory_space<vmem>>
        %dma_start3A_347 = arith.constant 0 : i32
        %dma_start3A_348 = arith.constant 0 : i32
        %dma_start3A_349 = tpu.memref_slice %arg2[%dma_start3A_347, %dma_start3A_348] : memref<20480x128xf32, #tpu.memory_space<hbm>> -> memref<20480x128xf32, #tpu.memory_space<hbm>>
        %dma_start3A_350 = tpu.memref_slice %arg10[%rem3A_296] : memref<2x!tpu.dma_semaphore, #tpu.memory_space<semaphore_mem>> -> memref<1x!tpu.dma_semaphore, #tpu.memory_space<semaphore_mem>>
        %dma_start3A_351 = tpu.memref_squeeze %dma_start3A_350 : memref<1x!tpu.dma_semaphore, #tpu.memory_space<semaphore_mem>> -> memref<!tpu.dma_semaphore, #tpu.memory_space<semaphore_mem>>
        tpu.enqueue_indirect_dma source(%dma_start3A_349 : memref<20480x128xf32, #tpu.memory_space<hbm>>) target(%dma_start3A_343 : memref<128x128xf32, #tpu.memory_space<vmem>>) offsets(%dma_start3A_346 : memref<128xi32, #tpu.memory_space<vmem>>) semaphore(%dma_start3A_351 : memref<!tpu.dma_semaphore, #tpu.memory_space<semaphore_mem>>)
      } else {
      }
      %dma_wait3A_301 = arith.constant 0 : i32
      %dma_wait3A_302 = arith.constant 0 : i32
      %dma_wait3A_303 = tpu.memref_slice %arg7[%rem3A_292, %dma_wait3A_301, %dma_wait3A_302] : memref<2x128x128xf32, #tpu.memory_space<vmem>> -> memref<1x128x128xf32, #tpu.memory_space<vmem>>
      %dma_wait3A_304 = tpu.memref_squeeze %dma_wait3A_303 : memref<1x128x128xf32, #tpu.memory_space<vmem>> -> memref<128x128xf32, #tpu.memory_space<vmem>>
      %dma_wait3A_305 = arith.constant 0 : i32
      %dma_wait3A_306 = tpu.memref_slice %arg8[%scan3A_290, %dma_wait3A_305] : memref<40x128xi32, #tpu.memory_space<vmem>> -> memref<1x128xi32, #tpu.memory_space<vmem>>
      %dma_wait3A_307 = tpu.memref_squeeze %dma_wait3A_306 : memref<1x128xi32, #tpu.memory_space<vmem>> -> memref<128xi32, #tpu.memory_space<vmem>>
      %dma_wait3A_308 = arith.constant 0 : i32
      %dma_wait3A_309 = arith.constant 0 : i32
      %dma_wait3A_310 = tpu.memref_slice %arg2[%dma_wait3A_308, %dma_wait3A_309] : memref<20480x128xf32, #tpu.memory_space<hbm>> -> memref<20480x128xf32, #tpu.memory_space<hbm>>
      %dma_wait3A_311 = tpu.memref_slice %arg10[%rem3A_292] : memref<2x!tpu.dma_semaphore, #tpu.memory_space<semaphore_mem>> -> memref<1x!tpu.dma_semaphore, #tpu.memory_space<semaphore_mem>>
      %dma_wait3A_312 = tpu.memref_squeeze %dma_wait3A_311 : memref<1x!tpu.dma_semaphore, #tpu.memory_space<semaphore_mem>> -> memref<!tpu.dma_semaphore, #tpu.memory_space<semaphore_mem>>
      tpu.wait_indirect_dma semaphore(%dma_wait3A_312 : memref<!tpu.dma_semaphore, #tpu.memory_space<semaphore_mem>>) src(%dma_wait3A_310 : memref<20480x128xf32, #tpu.memory_space<hbm>>) dst(%dma_wait3A_304 : memref<128x128xf32, #tpu.memory_space<vmem>>)
      %dma_start3A_313 = arith.constant 0 : i32
      %dma_start3A_314 = arith.constant 0 : i32
      %dma_start3A_315 = tpu.memref_slice %arg7[%rem3A_292, %dma_start3A_313, %dma_start3A_314] : memref<2x128x128xf32, #tpu.memory_space<vmem>> -> memref<1x128x128xf32, #tpu.memory_space<vmem>>
      %dma_start3A_316 = tpu.memref_squeeze %dma_start3A_315 : memref<1x128x128xf32, #tpu.memory_space<vmem>> -> memref<128x128xf32, #tpu.memory_space<vmem>>
      %dma_start3A_317 = arith.constant 0 : i32
      %dma_start3A_318 = tpu.memref_slice %arg9[%scan3A_290, %dma_start3A_317] : memref<40x128xi32, #tpu.memory_space<vmem>> -> memref<1x128xi32, #tpu.memory_space<vmem>>
      %dma_start3A_319 = tpu.memref_squeeze %dma_start3A_318 : memref<1x128xi32, #tpu.memory_space<vmem>> -> memref<128xi32, #tpu.memory_space<vmem>>
      %dma_start3A_320 = arith.constant 0 : i32
      %dma_start3A_321 = arith.constant 0 : i32
      %dma_start3A_322 = tpu.memref_slice %arg6[%dma_start3A_320, %dma_start3A_321] : memref<10240x128xf32, #tpu.memory_space<vmem_shared>> -> memref<10240x128xf32, #tpu.memory_space<vmem_shared>>
      %dma_start3A_323 = tpu.memref_slice %arg11[%rem3A_292] : memref<2x!tpu.dma_semaphore, #tpu.memory_space<semaphore_mem>> -> memref<1x!tpu.dma_semaphore, #tpu.memory_space<semaphore_mem>>
      %dma_start3A_324 = tpu.memref_squeeze %dma_start3A_323 : memref<1x!tpu.dma_semaphore, #tpu.memory_space<semaphore_mem>> -> memref<!tpu.dma_semaphore, #tpu.memory_space<semaphore_mem>>
      tpu.enqueue_indirect_dma source(%dma_start3A_316 : memref<128x128xf32, #tpu.memory_space<vmem>>) target(%dma_start3A_322 : memref<10240x128xf32, #tpu.memory_space<vmem_shared>>) offsets(%dma_start3A_319 : memref<128xi32, #tpu.memory_space<vmem>>) semaphore(%dma_start3A_324 : memref<!tpu.dma_semaphore, #tpu.memory_space<semaphore_mem>>) {add = true}
      %dma_wait3A_325 = arith.constant 0 : i32
      %dma_wait3A_326 = arith.constant 0 : i32
      %dma_wait3A_327 = tpu.memref_slice %arg7[%rem3A_292, %dma_wait3A_325, %dma_wait3A_326] : memref<2x128x128xf32, #tpu.memory_space<vmem>> -> memref<1x128x128xf32, #tpu.memory_space<vmem>>
      %dma_wait3A_328 = tpu.memref_squeeze %dma_wait3A_327 : memref<1x128x128xf32, #tpu.memory_space<vmem>> -> memref<128x128xf32, #tpu.memory_space<vmem>>
      %dma_wait3A_329 = arith.constant 0 : i32
      %dma_wait3A_330 = tpu.memref_slice %arg9[%scan3A_290, %dma_wait3A_329] : memref<40x128xi32, #tpu.memory_space<vmem>> -> memref<1x128xi32, #tpu.memory_space<vmem>>
      %dma_wait3A_331 = tpu.memref_squeeze %dma_wait3A_330 : memref<1x128xi32, #tpu.memory_space<vmem>> -> memref<128xi32, #tpu.memory_space<vmem>>
      %dma_wait3A_332 = arith.constant 0 : i32
      %dma_wait3A_333 = arith.constant 0 : i32
      %dma_wait3A_334 = tpu.memref_slice %arg6[%dma_wait3A_332, %dma_wait3A_333] : memref<10240x128xf32, #tpu.memory_space<vmem_shared>> -> memref<10240x128xf32, #tpu.memory_space<vmem_shared>>
      %dma_wait3A_335 = tpu.memref_slice %arg11[%rem3A_292] : memref<2x!tpu.dma_semaphore, #tpu.memory_space<semaphore_mem>> -> memref<1x!tpu.dma_semaphore, #tpu.memory_space<semaphore_mem>>
      %dma_wait3A_336 = tpu.memref_squeeze %dma_wait3A_335 : memref<1x!tpu.dma_semaphore, #tpu.memory_space<semaphore_mem>> -> memref<!tpu.dma_semaphore, #tpu.memory_space<semaphore_mem>>
      tpu.wait_indirect_dma semaphore(%dma_wait3A_336 : memref<!tpu.dma_semaphore, #tpu.memory_space<semaphore_mem>>) src(%dma_wait3A_328 : memref<128x128xf32, #tpu.memory_space<vmem>>) dst(%dma_wait3A_334 : memref<10240x128xf32, #tpu.memory_space<vmem_shared>>)
      %scan3A_337 = arith.constant 0 : i32
      scf.yield %scan3A_337 : i32
    }
    %scan3A_94 = arith.constant 40 : i32
    %barrier3A_95 = arith.constant 0 : index
    tpu.barrier barrier_id(%barrier3A_95)
    %mul3A_96 = arith.constant 640 : i32
    %mul3A_97 = arith.muli %arg1, %mul3A_96 : i32
    %dma_start3A_98 = arith.constant 0 : i32
    %dma_start3A_99 = arith.constant 0 : i32
    %dma_start3A_100 = arith.constant 0 : i32
    %dma_start3A_101 = arith.constant 0 : i32
    %dma_start3A_102 = tpu.memref_slice %arg7[%dma_start3A_98, %dma_start3A_100, %dma_start3A_101] : memref<2x128x128xf32, #tpu.memory_space<vmem>> -> memref<1x128x128xf32, #tpu.memory_space<vmem>>
    %dma_start3A_103 = tpu.memref_squeeze %dma_start3A_102 : memref<1x128x128xf32, #tpu.memory_space<vmem>> -> memref<128x128xf32, #tpu.memory_space<vmem>>
    %dma_start3A_104 = arith.constant 0 : i32
    %dma_start3A_105 = tpu.memref_slice %arg6[%mul3A_97, %dma_start3A_104] : memref<10240x128xf32, #tpu.memory_space<vmem_shared>> -> memref<128x128xf32, #tpu.memory_space<vmem_shared>>
    %dma_start3A_106 = tpu.memref_slice %arg10[%dma_start3A_99] : memref<2x!tpu.dma_semaphore, #tpu.memory_space<semaphore_mem>> -> memref<1x!tpu.dma_semaphore, #tpu.memory_space<semaphore_mem>>
    %dma_start3A_107 = tpu.memref_squeeze %dma_start3A_106 : memref<1x!tpu.dma_semaphore, #tpu.memory_space<semaphore_mem>> -> memref<!tpu.dma_semaphore, #tpu.memory_space<semaphore_mem>>
    %dma_start3A_108 = arith.constant 0 : i32
    %dma_start3A_109 = arith.constant 0 : i32
    %dma_start3A_110 = tpu.memref_slice %arg7[%dma_start3A_98, %dma_start3A_108, %dma_start3A_109] : memref<2x128x128xf32, #tpu.memory_space<vmem>> -> memref<1x128x128xf32, #tpu.memory_space<vmem>>
    %dma_start3A_111 = tpu.memref_squeeze %dma_start3A_110 : memref<1x128x128xf32, #tpu.memory_space<vmem>> -> memref<128x128xf32, #tpu.memory_space<vmem>>
    %dma_start3A_112 = arith.constant 0 : i32
    %dma_start3A_113 = tpu.memref_slice %arg6[%mul3A_97, %dma_start3A_112] : memref<10240x128xf32, #tpu.memory_space<vmem_shared>> -> memref<128x128xf32, #tpu.memory_space<vmem_shared>>
    tpu.enqueue_dma source(%dma_start3A_113 : memref<128x128xf32, #tpu.memory_space<vmem_shared>>) target(%dma_start3A_111 : memref<128x128xf32, #tpu.memory_space<vmem>>) target_semaphore(%dma_start3A_107 : memref<!tpu.dma_semaphore, #tpu.memory_space<semaphore_mem>>)
    %add3A_114 = arith.constant 0 : i32
    %add3A_115 = arith.addi %mul3A_97, %add3A_114 : i32
    %dma_wait3A = arith.constant 0 : i32
    %dma_wait3A_116 = arith.constant 0 : i32
    %dma_wait3A_117 = arith.constant 0 : i32
    %dma_wait3A_118 = arith.constant 0 : i32
    %dma_wait3A_119 = tpu.memref_slice %arg7[%dma_wait3A, %dma_wait3A_117, %dma_wait3A_118] : memref<2x128x128xf32, #tpu.memory_space<vmem>> -> memref<1x128x128xf32, #tpu.memory_space<vmem>>
    %dma_wait3A_120 = tpu.memref_squeeze %dma_wait3A_119 : memref<1x128x128xf32, #tpu.memory_space<vmem>> -> memref<128x128xf32, #tpu.memory_space<vmem>>
    %dma_wait3A_121 = arith.constant 0 : i32
    %dma_wait3A_122 = tpu.memref_slice %arg6[%add3A_115, %dma_wait3A_121] : memref<10240x128xf32, #tpu.memory_space<vmem_shared>> -> memref<128x128xf32, #tpu.memory_space<vmem_shared>>
    %dma_wait3A_123 = tpu.memref_slice %arg10[%dma_wait3A_116] : memref<2x!tpu.dma_semaphore, #tpu.memory_space<semaphore_mem>> -> memref<1x!tpu.dma_semaphore, #tpu.memory_space<semaphore_mem>>
    %dma_wait3A_124 = tpu.memref_squeeze %dma_wait3A_123 : memref<1x!tpu.dma_semaphore, #tpu.memory_space<semaphore_mem>> -> memref<!tpu.dma_semaphore, #tpu.memory_space<semaphore_mem>>
    %dma_wait3A_125 = arith.constant 0 : i32
    %dma_wait3A_126 = arith.constant 0 : i32
    %dma_wait3A_127 = tpu.memref_slice %arg7[%dma_wait3A, %dma_wait3A_125, %dma_wait3A_126] : memref<2x128x128xf32, #tpu.memory_space<vmem>> -> memref<1x128x128xf32, #tpu.memory_space<vmem>>
    %dma_wait3A_128 = tpu.memref_squeeze %dma_wait3A_127 : memref<1x128x128xf32, #tpu.memory_space<vmem>> -> memref<128x128xf32, #tpu.memory_space<vmem>>
    %dma_wait3A_129 = arith.constant 0 : i32
    %dma_wait3A_130 = tpu.memref_slice %arg6[%add3A_115, %dma_wait3A_129] : memref<10240x128xf32, #tpu.memory_space<vmem_shared>> -> memref<128x128xf32, #tpu.memory_space<vmem_shared>>
    tpu.wait_dma2 semaphore(%dma_wait3A_124 : memref<!tpu.dma_semaphore, #tpu.memory_space<semaphore_mem>>) src(%dma_wait3A_130 : memref<128x128xf32, #tpu.memory_space<vmem_shared>>) dst(%dma_wait3A_128 : memref<128x128xf32, #tpu.memory_space<vmem>>)
    %add3A_131 = arith.constant 128 : i32
    %add3A_132 = arith.addi %mul3A_97, %add3A_131 : i32
    %dma_start3A_133 = arith.constant 1 : i32
    %dma_start3A_134 = arith.constant 1 : i32
    %dma_start3A_135 = arith.constant 0 : i32
    %dma_start3A_136 = arith.constant 0 : i32
    %dma_start3A_137 = tpu.memref_slice %arg7[%dma_start3A_133, %dma_start3A_135, %dma_start3A_136] : memref<2x128x128xf32, #tpu.memory_space<vmem>> -> memref<1x128x128xf32, #tpu.memory_space<vmem>>
    %dma_start3A_138 = tpu.memref_squeeze %dma_start3A_137 : memref<1x128x128xf32, #tpu.memory_space<vmem>> -> memref<128x128xf32, #tpu.memory_space<vmem>>
    %dma_start3A_139 = arith.constant 0 : i32
    %dma_start3A_140 = tpu.memref_slice %arg6[%add3A_132, %dma_start3A_139] : memref<10240x128xf32, #tpu.memory_space<vmem_shared>> -> memref<128x128xf32, #tpu.memory_space<vmem_shared>>
    %dma_start3A_141 = tpu.memref_slice %arg10[%dma_start3A_134] : memref<2x!tpu.dma_semaphore, #tpu.memory_space<semaphore_mem>> -> memref<1x!tpu.dma_semaphore, #tpu.memory_space<semaphore_mem>>
    %dma_start3A_142 = tpu.memref_squeeze %dma_start3A_141 : memref<1x!tpu.dma_semaphore, #tpu.memory_space<semaphore_mem>> -> memref<!tpu.dma_semaphore, #tpu.memory_space<semaphore_mem>>
    %dma_start3A_143 = arith.constant 0 : i32
    %dma_start3A_144 = arith.constant 0 : i32
    %dma_start3A_145 = tpu.memref_slice %arg7[%dma_start3A_133, %dma_start3A_143, %dma_start3A_144] : memref<2x128x128xf32, #tpu.memory_space<vmem>> -> memref<1x128x128xf32, #tpu.memory_space<vmem>>
    %dma_start3A_146 = tpu.memref_squeeze %dma_start3A_145 : memref<1x128x128xf32, #tpu.memory_space<vmem>> -> memref<128x128xf32, #tpu.memory_space<vmem>>
    %dma_start3A_147 = arith.constant 0 : i32
    %dma_start3A_148 = tpu.memref_slice %arg6[%add3A_132, %dma_start3A_147] : memref<10240x128xf32, #tpu.memory_space<vmem_shared>> -> memref<128x128xf32, #tpu.memory_space<vmem_shared>>
    tpu.enqueue_dma source(%dma_start3A_148 : memref<128x128xf32, #tpu.memory_space<vmem_shared>>) target(%dma_start3A_146 : memref<128x128xf32, #tpu.memory_space<vmem>>) target_semaphore(%dma_start3A_142 : memref<!tpu.dma_semaphore, #tpu.memory_space<semaphore_mem>>)
    %add3A_149 = arith.constant 0 : i32
    %add3A_150 = arith.addi %mul3A_97, %add3A_149 : i32
    %run_scoped3A_151 = arith.constant 0 : i32
    "tpu.region"() ({
      %run_scoped3A_290 = tpu.sem_alloc : memref<!tpu.dma_semaphore, #tpu.memory_space<semaphore_mem>>
      %dma_start3A_291 = arith.constant 0 : i32
      %dma_start3A_292 = arith.constant 0 : i32
      %dma_start3A_293 = tpu.memref_slice %arg7[%run_scoped3A_151, %dma_start3A_291, %dma_start3A_292] : memref<2x128x128xf32, #tpu.memory_space<vmem>> -> memref<1x128x128xf32, #tpu.memory_space<vmem>>
      %dma_start3A_294 = tpu.memref_squeeze %dma_start3A_293 : memref<1x128x128xf32, #tpu.memory_space<vmem>> -> memref<128x128xf32, #tpu.memory_space<vmem>>
      %dma_start3A_295 = arith.constant 0 : i32
      %dma_start3A_296 = tpu.memref_slice %arg5[%arg0, %add3A_150, %dma_start3A_295] : memref<2x10240x128xf32, #tpu.memory_space<hbm>> -> memref<1x128x128xf32, #tpu.memory_space<hbm>>
      %dma_start3A_297 = tpu.memref_squeeze %dma_start3A_296 : memref<1x128x128xf32, #tpu.memory_space<hbm>> -> memref<128x128xf32, #tpu.memory_space<hbm>>
      %dma_start3A_298 = arith.constant 0 : i32
      %dma_start3A_299 = tpu.memref_slice %arg5[%arg0, %add3A_150, %dma_start3A_298] : memref<2x10240x128xf32, #tpu.memory_space<hbm>> -> memref<1x128x128xf32, #tpu.memory_space<hbm>>
      %dma_start3A_300 = tpu.memref_squeeze %dma_start3A_299 : memref<1x128x128xf32, #tpu.memory_space<hbm>> -> memref<128x128xf32, #tpu.memory_space<hbm>>
      %dma_start3A_301 = arith.constant 0 : i32
      %dma_start3A_302 = arith.constant 0 : i32
      %dma_start3A_303 = tpu.memref_slice %arg7[%run_scoped3A_151, %dma_start3A_301, %dma_start3A_302] : memref<2x128x128xf32, #tpu.memory_space<vmem>> -> memref<1x128x128xf32, #tpu.memory_space<vmem>>
      %dma_start3A_304 = tpu.memref_squeeze %dma_start3A_303 : memref<1x128x128xf32, #tpu.memory_space<vmem>> -> memref<128x128xf32, #tpu.memory_space<vmem>>
      tpu.enqueue_dma source(%dma_start3A_304 : memref<128x128xf32, #tpu.memory_space<vmem>>) target(%dma_start3A_300 : memref<128x128xf32, #tpu.memory_space<hbm>>) target_semaphore(%run_scoped3A_290 : memref<!tpu.dma_semaphore, #tpu.memory_space<semaphore_mem>>)
      %dma_wait3A_305 = arith.constant 0 : i32
      %dma_wait3A_306 = arith.constant 0 : i32
      %dma_wait3A_307 = tpu.memref_slice %arg7[%run_scoped3A_151, %dma_wait3A_305, %dma_wait3A_306] : memref<2x128x128xf32, #tpu.memory_space<vmem>> -> memref<1x128x128xf32, #tpu.memory_space<vmem>>
      %dma_wait3A_308 = tpu.memref_squeeze %dma_wait3A_307 : memref<1x128x128xf32, #tpu.memory_space<vmem>> -> memref<128x128xf32, #tpu.memory_space<vmem>>
      %dma_wait3A_309 = arith.constant 0 : i32
      %dma_wait3A_310 = tpu.memref_slice %arg5[%arg0, %add3A_150, %dma_wait3A_309] : memref<2x10240x128xf32, #tpu.memory_space<hbm>> -> memref<1x128x128xf32, #tpu.memory_space<hbm>>
      %dma_wait3A_311 = tpu.memref_squeeze %dma_wait3A_310 : memref<1x128x128xf32, #tpu.memory_space<hbm>> -> memref<128x128xf32, #tpu.memory_space<hbm>>
      %dma_wait3A_312 = arith.constant 0 : i32
      %dma_wait3A_313 = tpu.memref_slice %arg5[%arg0, %add3A_150, %dma_wait3A_312] : memref<2x10240x128xf32, #tpu.memory_space<hbm>> -> memref<1x128x128xf32, #tpu.memory_space<hbm>>
      %dma_wait3A_314 = tpu.memref_squeeze %dma_wait3A_313 : memref<1x128x128xf32, #tpu.memory_space<hbm>> -> memref<128x128xf32, #tpu.memory_space<hbm>>
      %dma_wait3A_315 = arith.constant 0 : i32
      %dma_wait3A_316 = arith.constant 0 : i32
      %dma_wait3A_317 = tpu.memref_slice %arg7[%run_scoped3A_151, %dma_wait3A_315, %dma_wait3A_316] : memref<2x128x128xf32, #tpu.memory_space<vmem>> -> memref<1x128x128xf32, #tpu.memory_space<vmem>>
      %dma_wait3A_318 = tpu.memref_squeeze %dma_wait3A_317 : memref<1x128x128xf32, #tpu.memory_space<vmem>> -> memref<128x128xf32, #tpu.memory_space<vmem>>
      tpu.wait_dma2 semaphore(%run_scoped3A_290 : memref<!tpu.dma_semaphore, #tpu.memory_space<semaphore_mem>>) src(%dma_wait3A_318 : memref<128x128xf32, #tpu.memory_space<vmem>>) dst(%dma_wait3A_314 : memref<128x128xf32, #tpu.memory_space<hbm>>)
      tpu.yield
    }) : () -> ()
    %add3A_152 = arith.constant 128 : i32
    %add3A_153 = arith.addi %mul3A_97, %add3A_152 : i32
    %dma_wait3A_154 = arith.constant 1 : i32
    %dma_wait3A_155 = arith.constant 1 : i32
    %dma_wait3A_156 = arith.constant 0 : i32
    %dma_wait3A_157 = arith.constant 0 : i32
    %dma_wait3A_158 = tpu.memref_slice %arg7[%dma_wait3A_154, %dma_wait3A_156, %dma_wait3A_157] : memref<2x128x128xf32, #tpu.memory_space<vmem>> -> memref<1x128x128xf32, #tpu.memory_space<vmem>>
    %dma_wait3A_159 = tpu.memref_squeeze %dma_wait3A_158 : memref<1x128x128xf32, #tpu.memory_space<vmem>> -> memref<128x128xf32, #tpu.memory_space<vmem>>
    %dma_wait3A_160 = arith.constant 0 : i32
    %dma_wait3A_161 = tpu.memref_slice %arg6[%add3A_153, %dma_wait3A_160] : memref<10240x128xf32, #tpu.memory_space<vmem_shared>> -> memref<128x128xf32, #tpu.memory_space<vmem_shared>>
    %dma_wait3A_162 = tpu.memref_slice %arg10[%dma_wait3A_155] : memref<2x!tpu.dma_semaphore, #tpu.memory_space<semaphore_mem>> -> memref<1x!tpu.dma_semaphore, #tpu.memory_space<semaphore_mem>>
    %dma_wait3A_163 = tpu.memref_squeeze %dma_wait3A_162 : memref<1x!tpu.dma_semaphore, #tpu.memory_space<semaphore_mem>> -> memref<!tpu.dma_semaphore, #tpu.memory_space<semaphore_mem>>
    %dma_wait3A_164 = arith.constant 0 : i32
    %dma_wait3A_165 = arith.constant 0 : i32
    %dma_wait3A_166 = tpu.memref_slice %arg7[%dma_wait3A_154, %dma_wait3A_164, %dma_wait3A_165] : memref<2x128x128xf32, #tpu.memory_space<vmem>> -> memref<1x128x128xf32, #tpu.memory_space<vmem>>
    %dma_wait3A_167 = tpu.memref_squeeze %dma_wait3A_166 : memref<1x128x128xf32, #tpu.memory_space<vmem>> -> memref<128x128xf32, #tpu.memory_space<vmem>>
    %dma_wait3A_168 = arith.constant 0 : i32
    %dma_wait3A_169 = tpu.memref_slice %arg6[%add3A_153, %dma_wait3A_168] : memref<10240x128xf32, #tpu.memory_space<vmem_shared>> -> memref<128x128xf32, #tpu.memory_space<vmem_shared>>
    tpu.wait_dma2 semaphore(%dma_wait3A_163 : memref<!tpu.dma_semaphore, #tpu.memory_space<semaphore_mem>>) src(%dma_wait3A_169 : memref<128x128xf32, #tpu.memory_space<vmem_shared>>) dst(%dma_wait3A_167 : memref<128x128xf32, #tpu.memory_space<vmem>>)
    %add3A_170 = arith.constant 256 : i32
    %add3A_171 = arith.addi %mul3A_97, %add3A_170 : i32
    %dma_start3A_172 = arith.constant 0 : i32
    %dma_start3A_173 = arith.constant 0 : i32
    %dma_start3A_174 = arith.constant 0 : i32
    %dma_start3A_175 = arith.constant 0 : i32
    %dma_start3A_176 = tpu.memref_slice %arg7[%dma_start3A_172, %dma_start3A_174, %dma_start3A_175] : memref<2x128x128xf32, #tpu.memory_space<vmem>> -> memref<1x128x128xf32, #tpu.memory_space<vmem>>
    %dma_start3A_177 = tpu.memref_squeeze %dma_start3A_176 : memref<1x128x128xf32, #tpu.memory_space<vmem>> -> memref<128x128xf32, #tpu.memory_space<vmem>>
    %dma_start3A_178 = arith.constant 0 : i32
    %dma_start3A_179 = tpu.memref_slice %arg6[%add3A_171, %dma_start3A_178] : memref<10240x128xf32, #tpu.memory_space<vmem_shared>> -> memref<128x128xf32, #tpu.memory_space<vmem_shared>>
    %dma_start3A_180 = tpu.memref_slice %arg10[%dma_start3A_173] : memref<2x!tpu.dma_semaphore, #tpu.memory_space<semaphore_mem>> -> memref<1x!tpu.dma_semaphore, #tpu.memory_space<semaphore_mem>>
    %dma_start3A_181 = tpu.memref_squeeze %dma_start3A_180 : memref<1x!tpu.dma_semaphore, #tpu.memory_space<semaphore_mem>> -> memref<!tpu.dma_semaphore, #tpu.memory_space<semaphore_mem>>
    %dma_start3A_182 = arith.constant 0 : i32
    %dma_start3A_183 = arith.constant 0 : i32
    %dma_start3A_184 = tpu.memref_slice %arg7[%dma_start3A_172, %dma_start3A_182, %dma_start3A_183] : memref<2x128x128xf32, #tpu.memory_space<vmem>> -> memref<1x128x128xf32, #tpu.memory_space<vmem>>
    %dma_start3A_185 = tpu.memref_squeeze %dma_start3A_184 : memref<1x128x128xf32, #tpu.memory_space<vmem>> -> memref<128x128xf32, #tpu.memory_space<vmem>>
    %dma_start3A_186 = arith.constant 0 : i32
    %dma_start3A_187 = tpu.memref_slice %arg6[%add3A_171, %dma_start3A_186] : memref<10240x128xf32, #tpu.memory_space<vmem_shared>> -> memref<128x128xf32, #tpu.memory_space<vmem_shared>>
    tpu.enqueue_dma source(%dma_start3A_187 : memref<128x128xf32, #tpu.memory_space<vmem_shared>>) target(%dma_start3A_185 : memref<128x128xf32, #tpu.memory_space<vmem>>) target_semaphore(%dma_start3A_181 : memref<!tpu.dma_semaphore, #tpu.memory_space<semaphore_mem>>)
    %add3A_188 = arith.constant 128 : i32
    %add3A_189 = arith.addi %mul3A_97, %add3A_188 : i32
    %run_scoped3A_190 = arith.constant 1 : i32
    "tpu.region"() ({
      %run_scoped3A_290 = tpu.sem_alloc : memref<!tpu.dma_semaphore, #tpu.memory_space<semaphore_mem>>
      %dma_start3A_291 = arith.constant 0 : i32
      %dma_start3A_292 = arith.constant 0 : i32
      %dma_start3A_293 = tpu.memref_slice %arg7[%run_scoped3A_190, %dma_start3A_291, %dma_start3A_292] : memref<2x128x128xf32, #tpu.memory_space<vmem>> -> memref<1x128x128xf32, #tpu.memory_space<vmem>>
      %dma_start3A_294 = tpu.memref_squeeze %dma_start3A_293 : memref<1x128x128xf32, #tpu.memory_space<vmem>> -> memref<128x128xf32, #tpu.memory_space<vmem>>
      %dma_start3A_295 = arith.constant 0 : i32
      %dma_start3A_296 = tpu.memref_slice %arg5[%arg0, %add3A_189, %dma_start3A_295] : memref<2x10240x128xf32, #tpu.memory_space<hbm>> -> memref<1x128x128xf32, #tpu.memory_space<hbm>>
      %dma_start3A_297 = tpu.memref_squeeze %dma_start3A_296 : memref<1x128x128xf32, #tpu.memory_space<hbm>> -> memref<128x128xf32, #tpu.memory_space<hbm>>
      %dma_start3A_298 = arith.constant 0 : i32
      %dma_start3A_299 = tpu.memref_slice %arg5[%arg0, %add3A_189, %dma_start3A_298] : memref<2x10240x128xf32, #tpu.memory_space<hbm>> -> memref<1x128x128xf32, #tpu.memory_space<hbm>>
      %dma_start3A_300 = tpu.memref_squeeze %dma_start3A_299 : memref<1x128x128xf32, #tpu.memory_space<hbm>> -> memref<128x128xf32, #tpu.memory_space<hbm>>
      %dma_start3A_301 = arith.constant 0 : i32
      %dma_start3A_302 = arith.constant 0 : i32
      %dma_start3A_303 = tpu.memref_slice %arg7[%run_scoped3A_190, %dma_start3A_301, %dma_start3A_302] : memref<2x128x128xf32, #tpu.memory_space<vmem>> -> memref<1x128x128xf32, #tpu.memory_space<vmem>>
      %dma_start3A_304 = tpu.memref_squeeze %dma_start3A_303 : memref<1x128x128xf32, #tpu.memory_space<vmem>> -> memref<128x128xf32, #tpu.memory_space<vmem>>
      tpu.enqueue_dma source(%dma_start3A_304 : memref<128x128xf32, #tpu.memory_space<vmem>>) target(%dma_start3A_300 : memref<128x128xf32, #tpu.memory_space<hbm>>) target_semaphore(%run_scoped3A_290 : memref<!tpu.dma_semaphore, #tpu.memory_space<semaphore_mem>>)
      %dma_wait3A_305 = arith.constant 0 : i32
      %dma_wait3A_306 = arith.constant 0 : i32
      %dma_wait3A_307 = tpu.memref_slice %arg7[%run_scoped3A_190, %dma_wait3A_305, %dma_wait3A_306] : memref<2x128x128xf32, #tpu.memory_space<vmem>> -> memref<1x128x128xf32, #tpu.memory_space<vmem>>
      %dma_wait3A_308 = tpu.memref_squeeze %dma_wait3A_307 : memref<1x128x128xf32, #tpu.memory_space<vmem>> -> memref<128x128xf32, #tpu.memory_space<vmem>>
      %dma_wait3A_309 = arith.constant 0 : i32
      %dma_wait3A_310 = tpu.memref_slice %arg5[%arg0, %add3A_189, %dma_wait3A_309] : memref<2x10240x128xf32, #tpu.memory_space<hbm>> -> memref<1x128x128xf32, #tpu.memory_space<hbm>>
      %dma_wait3A_311 = tpu.memref_squeeze %dma_wait3A_310 : memref<1x128x128xf32, #tpu.memory_space<hbm>> -> memref<128x128xf32, #tpu.memory_space<hbm>>
      %dma_wait3A_312 = arith.constant 0 : i32
      %dma_wait3A_313 = tpu.memref_slice %arg5[%arg0, %add3A_189, %dma_wait3A_312] : memref<2x10240x128xf32, #tpu.memory_space<hbm>> -> memref<1x128x128xf32, #tpu.memory_space<hbm>>
      %dma_wait3A_314 = tpu.memref_squeeze %dma_wait3A_313 : memref<1x128x128xf32, #tpu.memory_space<hbm>> -> memref<128x128xf32, #tpu.memory_space<hbm>>
      %dma_wait3A_315 = arith.constant 0 : i32
      %dma_wait3A_316 = arith.constant 0 : i32
      %dma_wait3A_317 = tpu.memref_slice %arg7[%run_scoped3A_190, %dma_wait3A_315, %dma_wait3A_316] : memref<2x128x128xf32, #tpu.memory_space<vmem>> -> memref<1x128x128xf32, #tpu.memory_space<vmem>>
      %dma_wait3A_318 = tpu.memref_squeeze %dma_wait3A_317 : memref<1x128x128xf32, #tpu.memory_space<vmem>> -> memref<128x128xf32, #tpu.memory_space<vmem>>
      tpu.wait_dma2 semaphore(%run_scoped3A_290 : memref<!tpu.dma_semaphore, #tpu.memory_space<semaphore_mem>>) src(%dma_wait3A_318 : memref<128x128xf32, #tpu.memory_space<vmem>>) dst(%dma_wait3A_314 : memref<128x128xf32, #tpu.memory_space<hbm>>)
      tpu.yield
    }) : () -> ()
    %add3A_191 = arith.constant 256 : i32
    %add3A_192 = arith.addi %mul3A_97, %add3A_191 : i32
    %dma_wait3A_193 = arith.constant 0 : i32
    %dma_wait3A_194 = arith.constant 0 : i32
    %dma_wait3A_195 = arith.constant 0 : i32
    %dma_wait3A_196 = arith.constant 0 : i32
    %dma_wait3A_197 = tpu.memref_slice %arg7[%dma_wait3A_193, %dma_wait3A_195, %dma_wait3A_196] : memref<2x128x128xf32, #tpu.memory_space<vmem>> -> memref<1x128x128xf32, #tpu.memory_space<vmem>>
    %dma_wait3A_198 = tpu.memref_squeeze %dma_wait3A_197 : memref<1x128x128xf32, #tpu.memory_space<vmem>> -> memref<128x128xf32, #tpu.memory_space<vmem>>
    %dma_wait3A_199 = arith.constant 0 : i32
    %dma_wait3A_200 = tpu.memref_slice %arg6[%add3A_192, %dma_wait3A_199] : memref<10240x128xf32, #tpu.memory_space<vmem_shared>> -> memref<128x128xf32, #tpu.memory_space<vmem_shared>>
    %dma_wait3A_201 = tpu.memref_slice %arg10[%dma_wait3A_194] : memref<2x!tpu.dma_semaphore, #tpu.memory_space<semaphore_mem>> -> memref<1x!tpu.dma_semaphore, #tpu.memory_space<semaphore_mem>>
    %dma_wait3A_202 = tpu.memref_squeeze %dma_wait3A_201 : memref<1x!tpu.dma_semaphore, #tpu.memory_space<semaphore_mem>> -> memref<!tpu.dma_semaphore, #tpu.memory_space<semaphore_mem>>
    %dma_wait3A_203 = arith.constant 0 : i32
    %dma_wait3A_204 = arith.constant 0 : i32
    %dma_wait3A_205 = tpu.memref_slice %arg7[%dma_wait3A_193, %dma_wait3A_203, %dma_wait3A_204] : memref<2x128x128xf32, #tpu.memory_space<vmem>> -> memref<1x128x128xf32, #tpu.memory_space<vmem>>
    %dma_wait3A_206 = tpu.memref_squeeze %dma_wait3A_205 : memref<1x128x128xf32, #tpu.memory_space<vmem>> -> memref<128x128xf32, #tpu.memory_space<vmem>>
    %dma_wait3A_207 = arith.constant 0 : i32
    %dma_wait3A_208 = tpu.memref_slice %arg6[%add3A_192, %dma_wait3A_207] : memref<10240x128xf32, #tpu.memory_space<vmem_shared>> -> memref<128x128xf32, #tpu.memory_space<vmem_shared>>
    tpu.wait_dma2 semaphore(%dma_wait3A_202 : memref<!tpu.dma_semaphore, #tpu.memory_space<semaphore_mem>>) src(%dma_wait3A_208 : memref<128x128xf32, #tpu.memory_space<vmem_shared>>) dst(%dma_wait3A_206 : memref<128x128xf32, #tpu.memory_space<vmem>>)
    %add3A_209 = arith.constant 384 : i32
    %add3A_210 = arith.addi %mul3A_97, %add3A_209 : i32
    %dma_start3A_211 = arith.constant 1 : i32
    %dma_start3A_212 = arith.constant 1 : i32
    %dma_start3A_213 = arith.constant 0 : i32
    %dma_start3A_214 = arith.constant 0 : i32
    %dma_start3A_215 = tpu.memref_slice %arg7[%dma_start3A_211, %dma_start3A_213, %dma_start3A_214] : memref<2x128x128xf32, #tpu.memory_space<vmem>> -> memref<1x128x128xf32, #tpu.memory_space<vmem>>
    %dma_start3A_216 = tpu.memref_squeeze %dma_start3A_215 : memref<1x128x128xf32, #tpu.memory_space<vmem>> -> memref<128x128xf32, #tpu.memory_space<vmem>>
    %dma_start3A_217 = arith.constant 0 : i32
    %dma_start3A_218 = tpu.memref_slice %arg6[%add3A_210, %dma_start3A_217] : memref<10240x128xf32, #tpu.memory_space<vmem_shared>> -> memref<128x128xf32, #tpu.memory_space<vmem_shared>>
    %dma_start3A_219 = tpu.memref_slice %arg10[%dma_start3A_212] : memref<2x!tpu.dma_semaphore, #tpu.memory_space<semaphore_mem>> -> memref<1x!tpu.dma_semaphore, #tpu.memory_space<semaphore_mem>>
    %dma_start3A_220 = tpu.memref_squeeze %dma_start3A_219 : memref<1x!tpu.dma_semaphore, #tpu.memory_space<semaphore_mem>> -> memref<!tpu.dma_semaphore, #tpu.memory_space<semaphore_mem>>
    %dma_start3A_221 = arith.constant 0 : i32
    %dma_start3A_222 = arith.constant 0 : i32
    %dma_start3A_223 = tpu.memref_slice %arg7[%dma_start3A_211, %dma_start3A_221, %dma_start3A_222] : memref<2x128x128xf32, #tpu.memory_space<vmem>> -> memref<1x128x128xf32, #tpu.memory_space<vmem>>
    %dma_start3A_224 = tpu.memref_squeeze %dma_start3A_223 : memref<1x128x128xf32, #tpu.memory_space<vmem>> -> memref<128x128xf32, #tpu.memory_space<vmem>>
    %dma_start3A_225 = arith.constant 0 : i32
    %dma_start3A_226 = tpu.memref_slice %arg6[%add3A_210, %dma_start3A_225] : memref<10240x128xf32, #tpu.memory_space<vmem_shared>> -> memref<128x128xf32, #tpu.memory_space<vmem_shared>>
    tpu.enqueue_dma source(%dma_start3A_226 : memref<128x128xf32, #tpu.memory_space<vmem_shared>>) target(%dma_start3A_224 : memref<128x128xf32, #tpu.memory_space<vmem>>) target_semaphore(%dma_start3A_220 : memref<!tpu.dma_semaphore, #tpu.memory_space<semaphore_mem>>)
    %add3A_227 = arith.constant 256 : i32
    %add3A_228 = arith.addi %mul3A_97, %add3A_227 : i32
    %run_scoped3A_229 = arith.constant 0 : i32
    "tpu.region"() ({
      %run_scoped3A_290 = tpu.sem_alloc : memref<!tpu.dma_semaphore, #tpu.memory_space<semaphore_mem>>
      %dma_start3A_291 = arith.constant 0 : i32
      %dma_start3A_292 = arith.constant 0 : i32
      %dma_start3A_293 = tpu.memref_slice %arg7[%run_scoped3A_229, %dma_start3A_291, %dma_start3A_292] : memref<2x128x128xf32, #tpu.memory_space<vmem>> -> memref<1x128x128xf32, #tpu.memory_space<vmem>>
      %dma_start3A_294 = tpu.memref_squeeze %dma_start3A_293 : memref<1x128x128xf32, #tpu.memory_space<vmem>> -> memref<128x128xf32, #tpu.memory_space<vmem>>
      %dma_start3A_295 = arith.constant 0 : i32
      %dma_start3A_296 = tpu.memref_slice %arg5[%arg0, %add3A_228, %dma_start3A_295] : memref<2x10240x128xf32, #tpu.memory_space<hbm>> -> memref<1x128x128xf32, #tpu.memory_space<hbm>>
      %dma_start3A_297 = tpu.memref_squeeze %dma_start3A_296 : memref<1x128x128xf32, #tpu.memory_space<hbm>> -> memref<128x128xf32, #tpu.memory_space<hbm>>
      %dma_start3A_298 = arith.constant 0 : i32
      %dma_start3A_299 = tpu.memref_slice %arg5[%arg0, %add3A_228, %dma_start3A_298] : memref<2x10240x128xf32, #tpu.memory_space<hbm>> -> memref<1x128x128xf32, #tpu.memory_space<hbm>>
      %dma_start3A_300 = tpu.memref_squeeze %dma_start3A_299 : memref<1x128x128xf32, #tpu.memory_space<hbm>> -> memref<128x128xf32, #tpu.memory_space<hbm>>
      %dma_start3A_301 = arith.constant 0 : i32
      %dma_start3A_302 = arith.constant 0 : i32
      %dma_start3A_303 = tpu.memref_slice %arg7[%run_scoped3A_229, %dma_start3A_301, %dma_start3A_302] : memref<2x128x128xf32, #tpu.memory_space<vmem>> -> memref<1x128x128xf32, #tpu.memory_space<vmem>>
      %dma_start3A_304 = tpu.memref_squeeze %dma_start3A_303 : memref<1x128x128xf32, #tpu.memory_space<vmem>> -> memref<128x128xf32, #tpu.memory_space<vmem>>
      tpu.enqueue_dma source(%dma_start3A_304 : memref<128x128xf32, #tpu.memory_space<vmem>>) target(%dma_start3A_300 : memref<128x128xf32, #tpu.memory_space<hbm>>) target_semaphore(%run_scoped3A_290 : memref<!tpu.dma_semaphore, #tpu.memory_space<semaphore_mem>>)
      %dma_wait3A_305 = arith.constant 0 : i32
      %dma_wait3A_306 = arith.constant 0 : i32
      %dma_wait3A_307 = tpu.memref_slice %arg7[%run_scoped3A_229, %dma_wait3A_305, %dma_wait3A_306] : memref<2x128x128xf32, #tpu.memory_space<vmem>> -> memref<1x128x128xf32, #tpu.memory_space<vmem>>
      %dma_wait3A_308 = tpu.memref_squeeze %dma_wait3A_307 : memref<1x128x128xf32, #tpu.memory_space<vmem>> -> memref<128x128xf32, #tpu.memory_space<vmem>>
      %dma_wait3A_309 = arith.constant 0 : i32
      %dma_wait3A_310 = tpu.memref_slice %arg5[%arg0, %add3A_228, %dma_wait3A_309] : memref<2x10240x128xf32, #tpu.memory_space<hbm>> -> memref<1x128x128xf32, #tpu.memory_space<hbm>>
      %dma_wait3A_311 = tpu.memref_squeeze %dma_wait3A_310 : memref<1x128x128xf32, #tpu.memory_space<hbm>> -> memref<128x128xf32, #tpu.memory_space<hbm>>
      %dma_wait3A_312 = arith.constant 0 : i32
      %dma_wait3A_313 = tpu.memref_slice %arg5[%arg0, %add3A_228, %dma_wait3A_312] : memref<2x10240x128xf32, #tpu.memory_space<hbm>> -> memref<1x128x128xf32, #tpu.memory_space<hbm>>
      %dma_wait3A_314 = tpu.memref_squeeze %dma_wait3A_313 : memref<1x128x128xf32, #tpu.memory_space<hbm>> -> memref<128x128xf32, #tpu.memory_space<hbm>>
      %dma_wait3A_315 = arith.constant 0 : i32
      %dma_wait3A_316 = arith.constant 0 : i32
      %dma_wait3A_317 = tpu.memref_slice %arg7[%run_scoped3A_229, %dma_wait3A_315, %dma_wait3A_316] : memref<2x128x128xf32, #tpu.memory_space<vmem>> -> memref<1x128x128xf32, #tpu.memory_space<vmem>>
      %dma_wait3A_318 = tpu.memref_squeeze %dma_wait3A_317 : memref<1x128x128xf32, #tpu.memory_space<vmem>> -> memref<128x128xf32, #tpu.memory_space<vmem>>
      tpu.wait_dma2 semaphore(%run_scoped3A_290 : memref<!tpu.dma_semaphore, #tpu.memory_space<semaphore_mem>>) src(%dma_wait3A_318 : memref<128x128xf32, #tpu.memory_space<vmem>>) dst(%dma_wait3A_314 : memref<128x128xf32, #tpu.memory_space<hbm>>)
      tpu.yield
    }) : () -> ()
    %add3A_230 = arith.constant 384 : i32
    %add3A_231 = arith.addi %mul3A_97, %add3A_230 : i32
    %dma_wait3A_232 = arith.constant 1 : i32
    %dma_wait3A_233 = arith.constant 1 : i32
    %dma_wait3A_234 = arith.constant 0 : i32
    %dma_wait3A_235 = arith.constant 0 : i32
    %dma_wait3A_236 = tpu.memref_slice %arg7[%dma_wait3A_232, %dma_wait3A_234, %dma_wait3A_235] : memref<2x128x128xf32, #tpu.memory_space<vmem>> -> memref<1x128x128xf32, #tpu.memory_space<vmem>>
    %dma_wait3A_237 = tpu.memref_squeeze %dma_wait3A_236 : memref<1x128x128xf32, #tpu.memory_space<vmem>> -> memref<128x128xf32, #tpu.memory_space<vmem>>
    %dma_wait3A_238 = arith.constant 0 : i32
    %dma_wait3A_239 = tpu.memref_slice %arg6[%add3A_231, %dma_wait3A_238] : memref<10240x128xf32, #tpu.memory_space<vmem_shared>> -> memref<128x128xf32, #tpu.memory_space<vmem_shared>>
    %dma_wait3A_240 = tpu.memref_slice %arg10[%dma_wait3A_233] : memref<2x!tpu.dma_semaphore, #tpu.memory_space<semaphore_mem>> -> memref<1x!tpu.dma_semaphore, #tpu.memory_space<semaphore_mem>>
    %dma_wait3A_241 = tpu.memref_squeeze %dma_wait3A_240 : memref<1x!tpu.dma_semaphore, #tpu.memory_space<semaphore_mem>> -> memref<!tpu.dma_semaphore, #tpu.memory_space<semaphore_mem>>
    %dma_wait3A_242 = arith.constant 0 : i32
    %dma_wait3A_243 = arith.constant 0 : i32
    %dma_wait3A_244 = tpu.memref_slice %arg7[%dma_wait3A_232, %dma_wait3A_242, %dma_wait3A_243] : memref<2x128x128xf32, #tpu.memory_space<vmem>> -> memref<1x128x128xf32, #tpu.memory_space<vmem>>
    %dma_wait3A_245 = tpu.memref_squeeze %dma_wait3A_244 : memref<1x128x128xf32, #tpu.memory_space<vmem>> -> memref<128x128xf32, #tpu.memory_space<vmem>>
    %dma_wait3A_246 = arith.constant 0 : i32
    %dma_wait3A_247 = tpu.memref_slice %arg6[%add3A_231, %dma_wait3A_246] : memref<10240x128xf32, #tpu.memory_space<vmem_shared>> -> memref<128x128xf32, #tpu.memory_space<vmem_shared>>
    tpu.wait_dma2 semaphore(%dma_wait3A_241 : memref<!tpu.dma_semaphore, #tpu.memory_space<semaphore_mem>>) src(%dma_wait3A_247 : memref<128x128xf32, #tpu.memory_space<vmem_shared>>) dst(%dma_wait3A_245 : memref<128x128xf32, #tpu.memory_space<vmem>>)
    %add3A_248 = arith.constant 512 : i32
    %add3A_249 = arith.addi %mul3A_97, %add3A_248 : i32
    %dma_start3A_250 = arith.constant 0 : i32
    %dma_start3A_251 = arith.constant 0 : i32
    %dma_start3A_252 = arith.constant 0 : i32
    %dma_start3A_253 = arith.constant 0 : i32
    %dma_start3A_254 = tpu.memref_slice %arg7[%dma_start3A_250, %dma_start3A_252, %dma_start3A_253] : memref<2x128x128xf32, #tpu.memory_space<vmem>> -> memref<1x128x128xf32, #tpu.memory_space<vmem>>
    %dma_start3A_255 = tpu.memref_squeeze %dma_start3A_254 : memref<1x128x128xf32, #tpu.memory_space<vmem>> -> memref<128x128xf32, #tpu.memory_space<vmem>>
    %dma_start3A_256 = arith.constant 0 : i32
    %dma_start3A_257 = tpu.memref_slice %arg6[%add3A_249, %dma_start3A_256] : memref<10240x128xf32, #tpu.memory_space<vmem_shared>> -> memref<128x128xf32, #tpu.memory_space<vmem_shared>>
    %dma_start3A_258 = tpu.memref_slice %arg10[%dma_start3A_251] : memref<2x!tpu.dma_semaphore, #tpu.memory_space<semaphore_mem>> -> memref<1x!tpu.dma_semaphore, #tpu.memory_space<semaphore_mem>>
    %dma_start3A_259 = tpu.memref_squeeze %dma_start3A_258 : memref<1x!tpu.dma_semaphore, #tpu.memory_space<semaphore_mem>> -> memref<!tpu.dma_semaphore, #tpu.memory_space<semaphore_mem>>
    %dma_start3A_260 = arith.constant 0 : i32
    %dma_start3A_261 = arith.constant 0 : i32
    %dma_start3A_262 = tpu.memref_slice %arg7[%dma_start3A_250, %dma_start3A_260, %dma_start3A_261] : memref<2x128x128xf32, #tpu.memory_space<vmem>> -> memref<1x128x128xf32, #tpu.memory_space<vmem>>
    %dma_start3A_263 = tpu.memref_squeeze %dma_start3A_262 : memref<1x128x128xf32, #tpu.memory_space<vmem>> -> memref<128x128xf32, #tpu.memory_space<vmem>>
    %dma_start3A_264 = arith.constant 0 : i32
    %dma_start3A_265 = tpu.memref_slice %arg6[%add3A_249, %dma_start3A_264] : memref<10240x128xf32, #tpu.memory_space<vmem_shared>> -> memref<128x128xf32, #tpu.memory_space<vmem_shared>>
    tpu.enqueue_dma source(%dma_start3A_265 : memref<128x128xf32, #tpu.memory_space<vmem_shared>>) target(%dma_start3A_263 : memref<128x128xf32, #tpu.memory_space<vmem>>) target_semaphore(%dma_start3A_259 : memref<!tpu.dma_semaphore, #tpu.memory_space<semaphore_mem>>)
    %add3A_266 = arith.constant 384 : i32
    %add3A_267 = arith.addi %mul3A_97, %add3A_266 : i32
    %run_scoped3A_268 = arith.constant 1 : i32
    "tpu.region"() ({
      %run_scoped3A_290 = tpu.sem_alloc : memref<!tpu.dma_semaphore, #tpu.memory_space<semaphore_mem>>
      %dma_start3A_291 = arith.constant 0 : i32
      %dma_start3A_292 = arith.constant 0 : i32
      %dma_start3A_293 = tpu.memref_slice %arg7[%run_scoped3A_268, %dma_start3A_291, %dma_start3A_292] : memref<2x128x128xf32, #tpu.memory_space<vmem>> -> memref<1x128x128xf32, #tpu.memory_space<vmem>>
      %dma_start3A_294 = tpu.memref_squeeze %dma_start3A_293 : memref<1x128x128xf32, #tpu.memory_space<vmem>> -> memref<128x128xf32, #tpu.memory_space<vmem>>
      %dma_start3A_295 = arith.constant 0 : i32
      %dma_start3A_296 = tpu.memref_slice %arg5[%arg0, %add3A_267, %dma_start3A_295] : memref<2x10240x128xf32, #tpu.memory_space<hbm>> -> memref<1x128x128xf32, #tpu.memory_space<hbm>>
      %dma_start3A_297 = tpu.memref_squeeze %dma_start3A_296 : memref<1x128x128xf32, #tpu.memory_space<hbm>> -> memref<128x128xf32, #tpu.memory_space<hbm>>
      %dma_start3A_298 = arith.constant 0 : i32
      %dma_start3A_299 = tpu.memref_slice %arg5[%arg0, %add3A_267, %dma_start3A_298] : memref<2x10240x128xf32, #tpu.memory_space<hbm>> -> memref<1x128x128xf32, #tpu.memory_space<hbm>>
      %dma_start3A_300 = tpu.memref_squeeze %dma_start3A_299 : memref<1x128x128xf32, #tpu.memory_space<hbm>> -> memref<128x128xf32, #tpu.memory_space<hbm>>
      %dma_start3A_301 = arith.constant 0 : i32
      %dma_start3A_302 = arith.constant 0 : i32
      %dma_start3A_303 = tpu.memref_slice %arg7[%run_scoped3A_268, %dma_start3A_301, %dma_start3A_302] : memref<2x128x128xf32, #tpu.memory_space<vmem>> -> memref<1x128x128xf32, #tpu.memory_space<vmem>>
      %dma_start3A_304 = tpu.memref_squeeze %dma_start3A_303 : memref<1x128x128xf32, #tpu.memory_space<vmem>> -> memref<128x128xf32, #tpu.memory_space<vmem>>
      tpu.enqueue_dma source(%dma_start3A_304 : memref<128x128xf32, #tpu.memory_space<vmem>>) target(%dma_start3A_300 : memref<128x128xf32, #tpu.memory_space<hbm>>) target_semaphore(%run_scoped3A_290 : memref<!tpu.dma_semaphore, #tpu.memory_space<semaphore_mem>>)
      %dma_wait3A_305 = arith.constant 0 : i32
      %dma_wait3A_306 = arith.constant 0 : i32
      %dma_wait3A_307 = tpu.memref_slice %arg7[%run_scoped3A_268, %dma_wait3A_305, %dma_wait3A_306] : memref<2x128x128xf32, #tpu.memory_space<vmem>> -> memref<1x128x128xf32, #tpu.memory_space<vmem>>
      %dma_wait3A_308 = tpu.memref_squeeze %dma_wait3A_307 : memref<1x128x128xf32, #tpu.memory_space<vmem>> -> memref<128x128xf32, #tpu.memory_space<vmem>>
      %dma_wait3A_309 = arith.constant 0 : i32
      %dma_wait3A_310 = tpu.memref_slice %arg5[%arg0, %add3A_267, %dma_wait3A_309] : memref<2x10240x128xf32, #tpu.memory_space<hbm>> -> memref<1x128x128xf32, #tpu.memory_space<hbm>>
      %dma_wait3A_311 = tpu.memref_squeeze %dma_wait3A_310 : memref<1x128x128xf32, #tpu.memory_space<hbm>> -> memref<128x128xf32, #tpu.memory_space<hbm>>
      %dma_wait3A_312 = arith.constant 0 : i32
      %dma_wait3A_313 = tpu.memref_slice %arg5[%arg0, %add3A_267, %dma_wait3A_312] : memref<2x10240x128xf32, #tpu.memory_space<hbm>> -> memref<1x128x128xf32, #tpu.memory_space<hbm>>
      %dma_wait3A_314 = tpu.memref_squeeze %dma_wait3A_313 : memref<1x128x128xf32, #tpu.memory_space<hbm>> -> memref<128x128xf32, #tpu.memory_space<hbm>>
      %dma_wait3A_315 = arith.constant 0 : i32
      %dma_wait3A_316 = arith.constant 0 : i32
      %dma_wait3A_317 = tpu.memref_slice %arg7[%run_scoped3A_268, %dma_wait3A_315, %dma_wait3A_316] : memref<2x128x128xf32, #tpu.memory_space<vmem>> -> memref<1x128x128xf32, #tpu.memory_space<vmem>>
      %dma_wait3A_318 = tpu.memref_squeeze %dma_wait3A_317 : memref<1x128x128xf32, #tpu.memory_space<vmem>> -> memref<128x128xf32, #tpu.memory_space<vmem>>
      tpu.wait_dma2 semaphore(%run_scoped3A_290 : memref<!tpu.dma_semaphore, #tpu.memory_space<semaphore_mem>>) src(%dma_wait3A_318 : memref<128x128xf32, #tpu.memory_space<vmem>>) dst(%dma_wait3A_314 : memref<128x128xf32, #tpu.memory_space<hbm>>)
      tpu.yield
    }) : () -> ()
    %add3A_269 = arith.constant 512 : i32
    %add3A_270 = arith.addi %mul3A_97, %add3A_269 : i32
    %dma_wait3A_271 = arith.constant 0 : i32
    %dma_wait3A_272 = arith.constant 0 : i32
    %dma_wait3A_273 = arith.constant 0 : i32
    %dma_wait3A_274 = arith.constant 0 : i32
    %dma_wait3A_275 = tpu.memref_slice %arg7[%dma_wait3A_271, %dma_wait3A_273, %dma_wait3A_274] : memref<2x128x128xf32, #tpu.memory_space<vmem>> -> memref<1x128x128xf32, #tpu.memory_space<vmem>>
    %dma_wait3A_276 = tpu.memref_squeeze %dma_wait3A_275 : memref<1x128x128xf32, #tpu.memory_space<vmem>> -> memref<128x128xf32, #tpu.memory_space<vmem>>
    %dma_wait3A_277 = arith.constant 0 : i32
    %dma_wait3A_278 = tpu.memref_slice %arg6[%add3A_270, %dma_wait3A_277] : memref<10240x128xf32, #tpu.memory_space<vmem_shared>> -> memref<128x128xf32, #tpu.memory_space<vmem_shared>>
    %dma_wait3A_279 = tpu.memref_slice %arg10[%dma_wait3A_272] : memref<2x!tpu.dma_semaphore, #tpu.memory_space<semaphore_mem>> -> memref<1x!tpu.dma_semaphore, #tpu.memory_space<semaphore_mem>>
    %dma_wait3A_280 = tpu.memref_squeeze %dma_wait3A_279 : memref<1x!tpu.dma_semaphore, #tpu.memory_space<semaphore_mem>> -> memref<!tpu.dma_semaphore, #tpu.memory_space<semaphore_mem>>
    %dma_wait3A_281 = arith.constant 0 : i32
    %dma_wait3A_282 = arith.constant 0 : i32
    %dma_wait3A_283 = tpu.memref_slice %arg7[%dma_wait3A_271, %dma_wait3A_281, %dma_wait3A_282] : memref<2x128x128xf32, #tpu.memory_space<vmem>> -> memref<1x128x128xf32, #tpu.memory_space<vmem>>
    %dma_wait3A_284 = tpu.memref_squeeze %dma_wait3A_283 : memref<1x128x128xf32, #tpu.memory_space<vmem>> -> memref<128x128xf32, #tpu.memory_space<vmem>>
    %dma_wait3A_285 = arith.constant 0 : i32
    %dma_wait3A_286 = tpu.memref_slice %arg6[%add3A_270, %dma_wait3A_285] : memref<10240x128xf32, #tpu.memory_space<vmem_shared>> -> memref<128x128xf32, #tpu.memory_space<vmem_shared>>
    tpu.wait_dma2 semaphore(%dma_wait3A_280 : memref<!tpu.dma_semaphore, #tpu.memory_space<semaphore_mem>>) src(%dma_wait3A_286 : memref<128x128xf32, #tpu.memory_space<vmem_shared>>) dst(%dma_wait3A_284 : memref<128x128xf32, #tpu.memory_space<vmem>>)
    %add3A_287 = arith.constant 512 : i32
    %add3A_288 = arith.addi %mul3A_97, %add3A_287 : i32
    %run_scoped3A_289 = arith.constant 0 : i32
    "tpu.region"() ({
      %run_scoped3A_290 = tpu.sem_alloc : memref<!tpu.dma_semaphore, #tpu.memory_space<semaphore_mem>>
      %dma_start3A_291 = arith.constant 0 : i32
      %dma_start3A_292 = arith.constant 0 : i32
      %dma_start3A_293 = tpu.memref_slice %arg7[%run_scoped3A_289, %dma_start3A_291, %dma_start3A_292] : memref<2x128x128xf32, #tpu.memory_space<vmem>> -> memref<1x128x128xf32, #tpu.memory_space<vmem>>
      %dma_start3A_294 = tpu.memref_squeeze %dma_start3A_293 : memref<1x128x128xf32, #tpu.memory_space<vmem>> -> memref<128x128xf32, #tpu.memory_space<vmem>>
      %dma_start3A_295 = arith.constant 0 : i32
      %dma_start3A_296 = tpu.memref_slice %arg5[%arg0, %add3A_288, %dma_start3A_295] : memref<2x10240x128xf32, #tpu.memory_space<hbm>> -> memref<1x128x128xf32, #tpu.memory_space<hbm>>
      %dma_start3A_297 = tpu.memref_squeeze %dma_start3A_296 : memref<1x128x128xf32, #tpu.memory_space<hbm>> -> memref<128x128xf32, #tpu.memory_space<hbm>>
      %dma_start3A_298 = arith.constant 0 : i32
      %dma_start3A_299 = tpu.memref_slice %arg5[%arg0, %add3A_288, %dma_start3A_298] : memref<2x10240x128xf32, #tpu.memory_space<hbm>> -> memref<1x128x128xf32, #tpu.memory_space<hbm>>
      %dma_start3A_300 = tpu.memref_squeeze %dma_start3A_299 : memref<1x128x128xf32, #tpu.memory_space<hbm>> -> memref<128x128xf32, #tpu.memory_space<hbm>>
      %dma_start3A_301 = arith.constant 0 : i32
      %dma_start3A_302 = arith.constant 0 : i32
      %dma_start3A_303 = tpu.memref_slice %arg7[%run_scoped3A_289, %dma_start3A_301, %dma_start3A_302] : memref<2x128x128xf32, #tpu.memory_space<vmem>> -> memref<1x128x128xf32, #tpu.memory_space<vmem>>
      %dma_start3A_304 = tpu.memref_squeeze %dma_start3A_303 : memref<1x128x128xf32, #tpu.memory_space<vmem>> -> memref<128x128xf32, #tpu.memory_space<vmem>>
      tpu.enqueue_dma source(%dma_start3A_304 : memref<128x128xf32, #tpu.memory_space<vmem>>) target(%dma_start3A_300 : memref<128x128xf32, #tpu.memory_space<hbm>>) target_semaphore(%run_scoped3A_290 : memref<!tpu.dma_semaphore, #tpu.memory_space<semaphore_mem>>)
      %dma_wait3A_305 = arith.constant 0 : i32
      %dma_wait3A_306 = arith.constant 0 : i32
      %dma_wait3A_307 = tpu.memref_slice %arg7[%run_scoped3A_289, %dma_wait3A_305, %dma_wait3A_306] : memref<2x128x128xf32, #tpu.memory_space<vmem>> -> memref<1x128x128xf32, #tpu.memory_space<vmem>>
      %dma_wait3A_308 = tpu.memref_squeeze %dma_wait3A_307 : memref<1x128x128xf32, #tpu.memory_space<vmem>> -> memref<128x128xf32, #tpu.memory_space<vmem>>
      %dma_wait3A_309 = arith.constant 0 : i32
      %dma_wait3A_310 = tpu.memref_slice %arg5[%arg0, %add3A_288, %dma_wait3A_309] : memref<2x10240x128xf32, #tpu.memory_space<hbm>> -> memref<1x128x128xf32, #tpu.memory_space<hbm>>
      %dma_wait3A_311 = tpu.memref_squeeze %dma_wait3A_310 : memref<1x128x128xf32, #tpu.memory_space<hbm>> -> memref<128x128xf32, #tpu.memory_space<hbm>>
      %dma_wait3A_312 = arith.constant 0 : i32
      %dma_wait3A_313 = tpu.memref_slice %arg5[%arg0, %add3A_288, %dma_wait3A_312] : memref<2x10240x128xf32, #tpu.memory_space<hbm>> -> memref<1x128x128xf32, #tpu.memory_space<hbm>>
      %dma_wait3A_314 = tpu.memref_squeeze %dma_wait3A_313 : memref<1x128x128xf32, #tpu.memory_space<hbm>> -> memref<128x128xf32, #tpu.memory_space<hbm>>
      %dma_wait3A_315 = arith.constant 0 : i32
      %dma_wait3A_316 = arith.constant 0 : i32
      %dma_wait3A_317 = tpu.memref_slice %arg7[%run_scoped3A_289, %dma_wait3A_315, %dma_wait3A_316] : memref<2x128x128xf32, #tpu.memory_space<vmem>> -> memref<1x128x128xf32, #tpu.memory_space<vmem>>
      %dma_wait3A_318 = tpu.memref_squeeze %dma_wait3A_317 : memref<1x128x128xf32, #tpu.memory_space<vmem>> -> memref<128x128xf32, #tpu.memory_space<vmem>>
      tpu.wait_dma2 semaphore(%run_scoped3A_290 : memref<!tpu.dma_semaphore, #tpu.memory_space<semaphore_mem>>) src(%dma_wait3A_318 : memref<128x128xf32, #tpu.memory_space<vmem>>) dst(%dma_wait3A_314 : memref<128x128xf32, #tpu.memory_space<hbm>>)
      tpu.yield
    }) : () -> ()
    return
  }
}

#map = affine_map<(d0, d1) -> (0, 0)>
#map1 = affine_map<(d0, d1) -> (0, 0, 0)>
module attributes {stable_mosaic.version = 14 : i64} {
  func.func @_scat_body(%arg0: i32, %arg1: i32, %arg2: memref<20480x128xf32, #tpu.memory_space<hbm>>, %arg3: memref<1280x128xi32, #tpu.memory_space<hbm>>, %arg4: memref<1280x128xi32, #tpu.memory_space<hbm>>, %arg5: memref<2x10240x128xf32, #tpu.memory_space<hbm>>, %arg6: memref<10240x128xf32, #tpu.memory_space<vmem_shared>>, %arg7: memref<2x128x128xf32, #tpu.memory_space<vmem>>, %arg8: memref<40x128xi32, #tpu.memory_space<vmem>>, %arg9: memref<40x128xi32, #tpu.memory_space<vmem>>, %arg10: memref<2x!tpu.dma_semaphore, #tpu.memory_space<semaphore_mem>>, %arg11: memref<2x!tpu.dma_semaphore, #tpu.memory_space<semaphore_mem>>) attributes {dimension_semantics = [#tpu.dimension_semantics<core_parallel>, #tpu.dimension_semantics<subcore_parallel>], iteration_bounds = array<i64: 2, 16>, scalar_prefetch = 0 : i64, scratch_operands = 6 : i64, tpu.core_type = #tpu.core_type<sc_vector_subcore>, window_params = [{transform_indices = #map}, {transform_indices = #map}, {transform_indices = #map}, {transform_indices = #map1}]} {
    %mul3A = arith.constant 10240 : i32
    %mul3A_0 = arith.muli %arg0, %mul3A : i32
    %mul3A_1 = arith.constant 80 : i32
    %mul3A_2 = arith.muli %arg1, %mul3A_1 : i32
    %add3A = arith.constant 0 : i32
    %add3A_3 = arith.addi %mul3A_2, %add3A : i32
    "tpu.region"() ({
      %run_scoped3A_290 = tpu.sem_alloc : memref<!tpu.dma_semaphore, #tpu.memory_space<semaphore_mem>>
      %dma_start3A_291 = arith.constant 0 : i32
      %dma_start3A_292 = tpu.memref_slice %arg3[%add3A_3, %dma_start3A_291] : memref<1280x128xi32, #tpu.memory_space<hbm>> -> memref<40x128xi32, #tpu.memory_space<hbm>>
      %dma_start3A_293 = arith.constant 0 : i32
      %dma_start3A_294 = tpu.memref_slice %arg3[%add3A_3, %dma_start3A_293] : memref<1280x128xi32, #tpu.memory_space<hbm>> -> memref<40x128xi32, #tpu.memory_space<hbm>>
      tpu.enqueue_dma source(%dma_start3A_294 : memref<40x128xi32, #tpu.memory_space<hbm>>) target(%arg8 : memref<40x128xi32, #tpu.memory_space<vmem>>) target_semaphore(%run_scoped3A_290 : memref<!tpu.dma_semaphore, #tpu.memory_space<semaphore_mem>>)
      %dma_wait3A_295 = arith.constant 0 : i32
      %dma_wait3A_296 = tpu.memref_slice %arg3[%add3A_3, %dma_wait3A_295] : memref<1280x128xi32, #tpu.memory_space<hbm>> -> memref<40x128xi32, #tpu.memory_space<hbm>>
      %dma_wait3A_297 = arith.constant 0 : i32
      %dma_wait3A_298 = tpu.memref_slice %arg3[%add3A_3, %dma_wait3A_297] : memref<1280x128xi32, #tpu.memory_space<hbm>> -> memref<40x128xi32, #tpu.memory_space<hbm>>
      tpu.wait_dma2 semaphore(%run_scoped3A_290 : memref<!tpu.dma_semaphore, #tpu.memory_space<semaphore_mem>>) src(%dma_wait3A_298 : memref<40x128xi32, #tpu.memory_space<hbm>>) dst(%arg8 : memref<40x128xi32, #tpu.memory_space<vmem>>)
      tpu.yield
    }) : () -> ()
    "tpu.region"() ({
      %run_scoped3A_290 = tpu.sem_alloc : memref<!tpu.dma_semaphore, #tpu.memory_space<semaphore_mem>>
      %dma_start3A_291 = arith.constant 0 : i32
      %dma_start3A_292 = tpu.memref_slice %arg4[%add3A_3, %dma_start3A_291] : memref<1280x128xi32, #tpu.memory_space<hbm>> -> memref<40x128xi32, #tpu.memory_space<hbm>>
      %dma_start3A_293 = arith.constant 0 : i32
      %dma_start3A_294 = tpu.memref_slice %arg4[%add3A_3, %dma_start3A_293] : memref<1280x128xi32, #tpu.memory_space<hbm>> -> memref<40x128xi32, #tpu.memory_space<hbm>>
      tpu.enqueue_dma source(%dma_start3A_294 : memref<40x128xi32, #tpu.memory_space<hbm>>) target(%arg9 : memref<40x128xi32, #tpu.memory_space<vmem>>) target_semaphore(%run_scoped3A_290 : memref<!tpu.dma_semaphore, #tpu.memory_space<semaphore_mem>>)
      %dma_wait3A_295 = arith.constant 0 : i32
      %dma_wait3A_296 = tpu.memref_slice %arg4[%add3A_3, %dma_wait3A_295] : memref<1280x128xi32, #tpu.memory_space<hbm>> -> memref<40x128xi32, #tpu.memory_space<hbm>>
      %dma_wait3A_297 = arith.constant 0 : i32
      %dma_wait3A_298 = tpu.memref_slice %arg4[%add3A_3, %dma_wait3A_297] : memref<1280x128xi32, #tpu.memory_space<hbm>> -> memref<40x128xi32, #tpu.memory_space<hbm>>
      tpu.wait_dma2 semaphore(%run_scoped3A_290 : memref<!tpu.dma_semaphore, #tpu.memory_space<semaphore_mem>>) src(%dma_wait3A_298 : memref<40x128xi32, #tpu.memory_space<hbm>>) dst(%arg9 : memref<40x128xi32, #tpu.memory_space<vmem>>)
      tpu.yield
    }) : () -> ()
    %scan3A = arith.constant 0 : i32
    %scan3A_4 = arith.constant 0 : i32
    %scan3A_5 = arith.constant 320 : i32
    %scan3A_6 = arith.addi %scan3A_4, %scan3A_5 : i32
    %scan3A_7 = arith.constant 1 : i32
    %scan3A_8 = scf.for %scan3A_290 = %scan3A_4 to %scan3A_6 step %scan3A_7 iter_args(%scan3A_291 = %scan3A) -> (i32)  : i32 {
      %jit3A = arith.constant 8 : i32
      %div3A = arith.divsi %scan3A_290, %jit3A : i32
      %sign3A = arith.constant 0 : i32
      %sign3A_292 = arith.cmpi sgt, %scan3A_290, %sign3A : i32
      %sign3A_293 = arith.extui %sign3A_292 : i1 to i32
      %sign3A_294 = arith.constant 0 : i32
      %sign3A_295 = arith.cmpi slt, %scan3A_290, %sign3A_294 : i32
      %sign3A_296 = arith.extui %sign3A_295 : i1 to i32
      %sign3A_297 = arith.subi %sign3A_293, %sign3A_296 : i32
      %sign3A_298 = arith.constant 0 : i32
      %sign3A_299 = arith.cmpi sgt, %jit3A, %sign3A_298 : i32
      %sign3A_300 = arith.extui %sign3A_299 : i1 to i32
      %sign3A_301 = arith.constant 0 : i32
      %sign3A_302 = arith.cmpi slt, %jit3A, %sign3A_301 : i32
      %sign3A_303 = arith.extui %sign3A_302 : i1 to i32
      %sign3A_304 = arith.subi %sign3A_300, %sign3A_303 : i32
      %ne3A = arith.cmpi ne, %sign3A_297, %sign3A_304 : i32
      %rem3A = arith.remsi %scan3A_290, %jit3A : i32
      %ne3A_305 = arith.constant 0 : i32
      %ne3A_306 = arith.cmpi ne, %rem3A, %ne3A_305 : i32
      %and3A = arith.andi %ne3A, %ne3A_306 : i1
      %sub3A = arith.constant 1 : i32
      %sub3A_307 = arith.subi %div3A, %sub3A : i32
      %select_n3A = arith.select %and3A, %sub3A_307, %div3A : i32
      %mul3A_308 = arith.constant 8 : i32
      %mul3A_309 = arith.muli %select_n3A, %mul3A_308 : i32
      %sub3A_310 = arith.subi %scan3A_290, %mul3A_309 : i32
      %mul3A_311 = arith.constant 16 : i32
      %mul3A_312 = arith.muli %sub3A_310, %mul3A_311 : i32
      %get3A = arith.index_cast %select_n3A : i32 to index
      %get3A_313 = arith.index_cast %mul3A_312 : i32 to index
      %get3A_314 = tpu.vector_load %arg8[%get3A, %get3A_313] {strides = array<i32>} : memref<40x128xi32, #tpu.memory_space<vmem>>, vector<1x16xi32>,
      %get3A_315 = vector.shape_cast %get3A_314 : vector<1x16xi32> to vector<16xi32>
      %add3A_316 = vector.broadcast %mul3A_0 : i32 to vector<16xi32>
      %add3A_317 = arith.addi %get3A_315, %add3A_316 : vector<16xi32>
      %swap3A = arith.index_cast %select_n3A : i32 to index
      %swap3A_318 = arith.index_cast %mul3A_312 : i32 to index
      %swap3A_319 = tpu.vector_load %arg8[%swap3A, %swap3A_318] {strides = array<i32>} : memref<40x128xi32, #tpu.memory_space<vmem>>, vector<1x16xi32>,
      %swap3A_320 = vector.shape_cast %swap3A_319 : vector<1x16xi32> to vector<16xi32>
      %swap3A_321 = vector.shape_cast %add3A_317 : vector<16xi32> to vector<1x16xi32>
      tpu.vector_store %arg8[%swap3A, %swap3A_318], %swap3A_321 {strides = array<i32>} : memref<40x128xi32, #tpu.memory_space<vmem>>, vector<1x16xi32>,
      %scan3A_322 = arith.constant 0 : i32
      scf.yield %scan3A_322 : i32
    }
    %scan3A_9 = arith.constant 320 : i32
    %dma_start3A = arith.constant 0 : i32
    %dma_start3A_10 = arith.constant 0 : i32
    %dma_start3A_11 = arith.constant 0 : i32
    %dma_start3A_12 = arith.constant 0 : i32
    %dma_start3A_13 = arith.constant 0 : i32
    %dma_start3A_14 = tpu.memref_slice %arg7[%dma_start3A_10, %dma_start3A_12, %dma_start3A_13] : memref<2x128x128xf32, #tpu.memory_space<vmem>> -> memref<1x128x128xf32, #tpu.memory_space<vmem>>
    %dma_start3A_15 = tpu.memref_squeeze %dma_start3A_14 : memref<1x128x128xf32, #tpu.memory_space<vmem>> -> memref<128x128xf32, #tpu.memory_space<vmem>>
    %dma_start3A_16 = arith.constant 0 : i32
    %dma_start3A_17 = tpu.memref_slice %arg8[%dma_start3A, %dma_start3A_16] : memref<40x128xi32, #tpu.memory_space<vmem>> -> memref<1x128xi32, #tpu.memory_space<vmem>>
    %dma_start3A_18 = tpu.memref_squeeze %dma_start3A_17 : memref<1x128xi32, #tpu.memory_space<vmem>> -> memref<128xi32, #tpu.memory_space<vmem>>
    %dma_start3A_19 = arith.constant 0 : i32
    %dma_start3A_20 = arith.constant 0 : i32
    %dma_start3A_21 = tpu.memref_slice %arg2[%dma_start3A_19, %dma_start3A_20] : memref<20480x128xf32, #tpu.memory_space<hbm>> -> memref<20480x128xf32, #tpu.memory_space<hbm>>
    %dma_start3A_22 = tpu.memref_slice %arg10[%dma_start3A_11] : memref<2x!tpu.dma_semaphore, #tpu.memory_space<semaphore_mem>> -> memref<1x!tpu.dma_semaphore, #tpu.memory_space<semaphore_mem>>
    %dma_start3A_23 = tpu.memref_squeeze %dma_start3A_22 : memref<1x!tpu.dma_semaphore, #tpu.memory_space<semaphore_mem>> -> memref<!tpu.dma_semaphore, #tpu.memory_space<semaphore_mem>>
    tpu.enqueue_indirect_dma source(%dma_start3A_21 : memref<20480x128xf32, #tpu.memory_space<hbm>>) target(%dma_start3A_15 : memref<128x128xf32, #tpu.memory_space<vmem>>) offsets(%dma_start3A_18 : memref<128xi32, #tpu.memory_space<vmem>>) semaphore(%dma_start3A_23 : memref<!tpu.dma_semaphore, #tpu.memory_space<semaphore_mem>>)
    %scan3A_24 = arith.constant 0 : i32
    %scan3A_25 = arith.constant 0 : i32
    %scan3A_26 = arith.constant 1024 : i32
    %scan3A_27 = arith.addi %scan3A_25, %scan3A_26 : i32
    %scan3A_28 = arith.constant 1 : i32
    %scan3A_29 = scf.for %scan3A_290 = %scan3A_25 to %scan3A_27 step %scan3A_28 iter_args(%scan3A_291 = %scan3A_24) -> (i32)  : i32 {
      %jit3A = arith.constant 8 : i32
      %div3A = arith.divsi %scan3A_290, %jit3A : i32
      %sign3A = arith.constant 0 : i32
      %sign3A_292 = arith.cmpi sgt, %scan3A_290, %sign3A : i32
      %sign3A_293 = arith.extui %sign3A_292 : i1 to i32
      %sign3A_294 = arith.constant 0 : i32
      %sign3A_295 = arith.cmpi slt, %scan3A_290, %sign3A_294 : i32
      %sign3A_296 = arith.extui %sign3A_295 : i1 to i32
      %sign3A_297 = arith.subi %sign3A_293, %sign3A_296 : i32
      %sign3A_298 = arith.constant 0 : i32
      %sign3A_299 = arith.cmpi sgt, %jit3A, %sign3A_298 : i32
      %sign3A_300 = arith.extui %sign3A_299 : i1 to i32
      %sign3A_301 = arith.constant 0 : i32
      %sign3A_302 = arith.cmpi slt, %jit3A, %sign3A_301 : i32
      %sign3A_303 = arith.extui %sign3A_302 : i1 to i32
      %sign3A_304 = arith.subi %sign3A_300, %sign3A_303 : i32
      %ne3A = arith.cmpi ne, %sign3A_297, %sign3A_304 : i32
      %rem3A = arith.remsi %scan3A_290, %jit3A : i32
      %ne3A_305 = arith.constant 0 : i32
      %ne3A_306 = arith.cmpi ne, %rem3A, %ne3A_305 : i32
      %and3A = arith.andi %ne3A, %ne3A_306 : i1
      %sub3A = arith.constant 1 : i32
      %sub3A_307 = arith.subi %div3A, %sub3A : i32
      %select_n3A = arith.select %and3A, %sub3A_307, %div3A : i32
      %mul3A_308 = arith.constant 8 : i32
      %mul3A_309 = arith.muli %select_n3A, %mul3A_308 : i32
      %sub3A_310 = arith.subi %scan3A_290, %mul3A_309 : i32
      %broadcast_in_dim3A = arith.constant 0.000000e+00 : f32
      %broadcast_in_dim3A_311 = vector.broadcast %broadcast_in_dim3A : f32 to vector<16xf32>
      %mul3A_312 = arith.constant 16 : i32
      %mul3A_313 = arith.muli %sub3A_310, %mul3A_312 : i32
      %swap3A = arith.constant 1 : i32
      %swap3A_314 = arith.index_cast %swap3A : i32 to index
      %swap3A_315 = arith.index_cast %select_n3A : i32 to index
      %swap3A_316 = arith.index_cast %mul3A_313 : i32 to index
      %swap3A_317 = tpu.vector_load %arg7[%swap3A_314, %swap3A_315, %swap3A_316] {strides = array<i32>} : memref<2x128x128xf32, #tpu.memory_space<vmem>>, vector<1x1x16xf32>,
      %swap3A_318 = vector.shape_cast %swap3A_317 : vector<1x1x16xf32> to vector<16xf32>
      %swap3A_319 = vector.shape_cast %broadcast_in_dim3A_311 : vector<16xf32> to vector<1x1x16xf32>
      tpu.vector_store %arg7[%swap3A_314, %swap3A_315, %swap3A_316], %swap3A_319 {strides = array<i32>} : memref<2x128x128xf32, #tpu.memory_space<vmem>>, vector<1x1x16xf32>,
      %scan3A_320 = arith.constant 0 : i32
      scf.yield %scan3A_320 : i32
    }
    %scan3A_30 = arith.constant 1024 : i32
    %mul3A_31 = arith.constant 640 : i32
    %mul3A_32 = arith.muli %arg1, %mul3A_31 : i32
    %add3A_33 = arith.constant 0 : i32
    %add3A_34 = arith.addi %mul3A_32, %add3A_33 : i32
    %run_scoped3A = arith.constant 1 : i32
    "tpu.region"() ({
      %run_scoped3A_290 = tpu.sem_alloc : memref<!tpu.dma_semaphore, #tpu.memory_space<semaphore_mem>>
      %dma_start3A_291 = arith.constant 0 : i32
      %dma_start3A_292 = arith.constant 0 : i32
      %dma_start3A_293 = tpu.memref_slice %arg7[%run_scoped3A, %dma_start3A_291, %dma_start3A_292] : memref<2x128x128xf32, #tpu.memory_space<vmem>> -> memref<1x128x128xf32, #tpu.memory_space<vmem>>
      %dma_start3A_294 = tpu.memref_squeeze %dma_start3A_293 : memref<1x128x128xf32, #tpu.memory_space<vmem>> -> memref<128x128xf32, #tpu.memory_space<vmem>>
      %dma_start3A_295 = arith.constant 0 : i32
      %dma_start3A_296 = tpu.memref_slice %arg6[%add3A_34, %dma_start3A_295] : memref<10240x128xf32, #tpu.memory_space<vmem_shared>> -> memref<128x128xf32, #tpu.memory_space<vmem_shared>>
      %dma_start3A_297 = arith.constant 0 : i32
      %dma_start3A_298 = tpu.memref_slice %arg6[%add3A_34, %dma_start3A_297] : memref<10240x128xf32, #tpu.memory_space<vmem_shared>> -> memref<128x128xf32, #tpu.memory_space<vmem_shared>>
      %dma_start3A_299 = arith.constant 0 : i32
      %dma_start3A_300 = arith.constant 0 : i32
      %dma_start3A_301 = tpu.memref_slice %arg7[%run_scoped3A, %dma_start3A_299, %dma_start3A_300] : memref<2x128x128xf32, #tpu.memory_space<vmem>> -> memref<1x128x128xf32, #tpu.memory_space<vmem>>
      %dma_start3A_302 = tpu.memref_squeeze %dma_start3A_301 : memref<1x128x128xf32, #tpu.memory_space<vmem>> -> memref<128x128xf32, #tpu.memory_space<vmem>>
      tpu.enqueue_dma source(%dma_start3A_302 : memref<128x128xf32, #tpu.memory_space<vmem>>) target(%dma_start3A_298 : memref<128x128xf32, #tpu.memory_space<vmem_shared>>) target_semaphore(%run_scoped3A_290 : memref<!tpu.dma_semaphore, #tpu.memory_space<semaphore_mem>>)
      %dma_wait3A_303 = arith.constant 0 : i32
      %dma_wait3A_304 = arith.constant 0 : i32
      %dma_wait3A_305 = tpu.memref_slice %arg7[%run_scoped3A, %dma_wait3A_303, %dma_wait3A_304] : memref<2x128x128xf32, #tpu.memory_space<vmem>> -> memref<1x128x128xf32, #tpu.memory_space<vmem>>
      %dma_wait3A_306 = tpu.memref_squeeze %dma_wait3A_305 : memref<1x128x128xf32, #tpu.memory_space<vmem>> -> memref<128x128xf32, #tpu.memory_space<vmem>>
      %dma_wait3A_307 = arith.constant 0 : i32
      %dma_wait3A_308 = tpu.memref_slice %arg6[%add3A_34, %dma_wait3A_307] : memref<10240x128xf32, #tpu.memory_space<vmem_shared>> -> memref<128x128xf32, #tpu.memory_space<vmem_shared>>
      %dma_wait3A_309 = arith.constant 0 : i32
      %dma_wait3A_310 = tpu.memref_slice %arg6[%add3A_34, %dma_wait3A_309] : memref<10240x128xf32, #tpu.memory_space<vmem_shared>> -> memref<128x128xf32, #tpu.memory_space<vmem_shared>>
      %dma_wait3A_311 = arith.constant 0 : i32
      %dma_wait3A_312 = arith.constant 0 : i32
      %dma_wait3A_313 = tpu.memref_slice %arg7[%run_scoped3A, %dma_wait3A_311, %dma_wait3A_312] : memref<2x128x128xf32, #tpu.memory_space<vmem>> -> memref<1x128x128xf32, #tpu.memory_space<vmem>>
      %dma_wait3A_314 = tpu.memref_squeeze %dma_wait3A_313 : memref<1x128x128xf32, #tpu.memory_space<vmem>> -> memref<128x128xf32, #tpu.memory_space<vmem>>
      tpu.wait_dma2 semaphore(%run_scoped3A_290 : memref<!tpu.dma_semaphore, #tpu.memory_space<semaphore_mem>>) src(%dma_wait3A_314 : memref<128x128xf32, #tpu.memory_space<vmem>>) dst(%dma_wait3A_310 : memref<128x128xf32, #tpu.memory_space<vmem_shared>>)
      tpu.yield
    }) : () -> ()
    %mul3A_35 = arith.constant 640 : i32
    %mul3A_36 = arith.muli %arg1, %mul3A_35 : i32
    %add3A_37 = arith.constant 128 : i32
    %add3A_38 = arith.addi %mul3A_36, %add3A_37 : i32
    %run_scoped3A_39 = arith.constant 1 : i32
    "tpu.region"() ({
      %run_scoped3A_290 = tpu.sem_alloc : memref<!tpu.dma_semaphore, #tpu.memory_space<semaphore_mem>>
      %dma_start3A_291 = arith.constant 0 : i32
      %dma_start3A_292 = arith.constant 0 : i32
      %dma_start3A_293 = tpu.memref_slice %arg7[%run_scoped3A_39, %dma_start3A_291, %dma_start3A_292] : memref<2x128x128xf32, #tpu.memory_space<vmem>> -> memref<1x128x128xf32, #tpu.memory_space<vmem>>
      %dma_start3A_294 = tpu.memref_squeeze %dma_start3A_293 : memref<1x128x128xf32, #tpu.memory_space<vmem>> -> memref<128x128xf32, #tpu.memory_space<vmem>>
      %dma_start3A_295 = arith.constant 0 : i32
      %dma_start3A_296 = tpu.memref_slice %arg6[%add3A_38, %dma_start3A_295] : memref<10240x128xf32, #tpu.memory_space<vmem_shared>> -> memref<128x128xf32, #tpu.memory_space<vmem_shared>>
      %dma_start3A_297 = arith.constant 0 : i32
      %dma_start3A_298 = tpu.memref_slice %arg6[%add3A_38, %dma_start3A_297] : memref<10240x128xf32, #tpu.memory_space<vmem_shared>> -> memref<128x128xf32, #tpu.memory_space<vmem_shared>>
      %dma_start3A_299 = arith.constant 0 : i32
      %dma_start3A_300 = arith.constant 0 : i32
      %dma_start3A_301 = tpu.memref_slice %arg7[%run_scoped3A_39, %dma_start3A_299, %dma_start3A_300] : memref<2x128x128xf32, #tpu.memory_space<vmem>> -> memref<1x128x128xf32, #tpu.memory_space<vmem>>
      %dma_start3A_302 = tpu.memref_squeeze %dma_start3A_301 : memref<1x128x128xf32, #tpu.memory_space<vmem>> -> memref<128x128xf32, #tpu.memory_space<vmem>>
      tpu.enqueue_dma source(%dma_start3A_302 : memref<128x128xf32, #tpu.memory_space<vmem>>) target(%dma_start3A_298 : memref<128x128xf32, #tpu.memory_space<vmem_shared>>) target_semaphore(%run_scoped3A_290 : memref<!tpu.dma_semaphore, #tpu.memory_space<semaphore_mem>>)
      %dma_wait3A_303 = arith.constant 0 : i32
      %dma_wait3A_304 = arith.constant 0 : i32
      %dma_wait3A_305 = tpu.memref_slice %arg7[%run_scoped3A_39, %dma_wait3A_303, %dma_wait3A_304] : memref<2x128x128xf32, #tpu.memory_space<vmem>> -> memref<1x128x128xf32, #tpu.memory_space<vmem>>
      %dma_wait3A_306 = tpu.memref_squeeze %dma_wait3A_305 : memref<1x128x128xf32, #tpu.memory_space<vmem>> -> memref<128x128xf32, #tpu.memory_space<vmem>>
      %dma_wait3A_307 = arith.constant 0 : i32
      %dma_wait3A_308 = tpu.memref_slice %arg6[%add3A_38, %dma_wait3A_307] : memref<10240x128xf32, #tpu.memory_space<vmem_shared>> -> memref<128x128xf32, #tpu.memory_space<vmem_shared>>
      %dma_wait3A_309 = arith.constant 0 : i32
      %dma_wait3A_310 = tpu.memref_slice %arg6[%add3A_38, %dma_wait3A_309] : memref<10240x128xf32, #tpu.memory_space<vmem_shared>> -> memref<128x128xf32, #tpu.memory_space<vmem_shared>>
      %dma_wait3A_311 = arith.constant 0 : i32
      %dma_wait3A_312 = arith.constant 0 : i32
      %dma_wait3A_313 = tpu.memref_slice %arg7[%run_scoped3A_39, %dma_wait3A_311, %dma_wait3A_312] : memref<2x128x128xf32, #tpu.memory_space<vmem>> -> memref<1x128x128xf32, #tpu.memory_space<vmem>>
      %dma_wait3A_314 = tpu.memref_squeeze %dma_wait3A_313 : memref<1x128x128xf32, #tpu.memory_space<vmem>> -> memref<128x128xf32, #tpu.memory_space<vmem>>
      tpu.wait_dma2 semaphore(%run_scoped3A_290 : memref<!tpu.dma_semaphore, #tpu.memory_space<semaphore_mem>>) src(%dma_wait3A_314 : memref<128x128xf32, #tpu.memory_space<vmem>>) dst(%dma_wait3A_310 : memref<128x128xf32, #tpu.memory_space<vmem_shared>>)
      tpu.yield
    }) : () -> ()
    %mul3A_40 = arith.constant 640 : i32
    %mul3A_41 = arith.muli %arg1, %mul3A_40 : i32
    %add3A_42 = arith.constant 256 : i32
    %add3A_43 = arith.addi %mul3A_41, %add3A_42 : i32
    %run_scoped3A_44 = arith.constant 1 : i32
    "tpu.region"() ({
      %run_scoped3A_290 = tpu.sem_alloc : memref<!tpu.dma_semaphore, #tpu.memory_space<semaphore_mem>>
      %dma_start3A_291 = arith.constant 0 : i32
      %dma_start3A_292 = arith.constant 0 : i32
      %dma_start3A_293 = tpu.memref_slice %arg7[%run_scoped3A_44, %dma_start3A_291, %dma_start3A_292] : memref<2x128x128xf32, #tpu.memory_space<vmem>> -> memref<1x128x128xf32, #tpu.memory_space<vmem>>
      %dma_start3A_294 = tpu.memref_squeeze %dma_start3A_293 : memref<1x128x128xf32, #tpu.memory_space<vmem>> -> memref<128x128xf32, #tpu.memory_space<vmem>>
      %dma_start3A_295 = arith.constant 0 : i32
      %dma_start3A_296 = tpu.memref_slice %arg6[%add3A_43, %dma_start3A_295] : memref<10240x128xf32, #tpu.memory_space<vmem_shared>> -> memref<128x128xf32, #tpu.memory_space<vmem_shared>>
      %dma_start3A_297 = arith.constant 0 : i32
      %dma_start3A_298 = tpu.memref_slice %arg6[%add3A_43, %dma_start3A_297] : memref<10240x128xf32, #tpu.memory_space<vmem_shared>> -> memref<128x128xf32, #tpu.memory_space<vmem_shared>>
      %dma_start3A_299 = arith.constant 0 : i32
      %dma_start3A_300 = arith.constant 0 : i32
      %dma_start3A_301 = tpu.memref_slice %arg7[%run_scoped3A_44, %dma_start3A_299, %dma_start3A_300] : memref<2x128x128xf32, #tpu.memory_space<vmem>> -> memref<1x128x128xf32, #tpu.memory_space<vmem>>
      %dma_start3A_302 = tpu.memref_squeeze %dma_start3A_301 : memref<1x128x128xf32, #tpu.memory_space<vmem>> -> memref<128x128xf32, #tpu.memory_space<vmem>>
      tpu.enqueue_dma source(%dma_start3A_302 : memref<128x128xf32, #tpu.memory_space<vmem>>) target(%dma_start3A_298 : memref<128x128xf32, #tpu.memory_space<vmem_shared>>) target_semaphore(%run_scoped3A_290 : memref<!tpu.dma_semaphore, #tpu.memory_space<semaphore_mem>>)
      %dma_wait3A_303 = arith.constant 0 : i32
      %dma_wait3A_304 = arith.constant 0 : i32
      %dma_wait3A_305 = tpu.memref_slice %arg7[%run_scoped3A_44, %dma_wait3A_303, %dma_wait3A_304] : memref<2x128x128xf32, #tpu.memory_space<vmem>> -> memref<1x128x128xf32, #tpu.memory_space<vmem>>
      %dma_wait3A_306 = tpu.memref_squeeze %dma_wait3A_305 : memref<1x128x128xf32, #tpu.memory_space<vmem>> -> memref<128x128xf32, #tpu.memory_space<vmem>>
      %dma_wait3A_307 = arith.constant 0 : i32
      %dma_wait3A_308 = tpu.memref_slice %arg6[%add3A_43, %dma_wait3A_307] : memref<10240x128xf32, #tpu.memory_space<vmem_shared>> -> memref<128x128xf32, #tpu.memory_space<vmem_shared>>
      %dma_wait3A_309 = arith.constant 0 : i32
      %dma_wait3A_310 = tpu.memref_slice %arg6[%add3A_43, %dma_wait3A_309] : memref<10240x128xf32, #tpu.memory_space<vmem_shared>> -> memref<128x128xf32, #tpu.memory_space<vmem_shared>>
      %dma_wait3A_311 = arith.constant 0 : i32
      %dma_wait3A_312 = arith.constant 0 : i32
      %dma_wait3A_313 = tpu.memref_slice %arg7[%run_scoped3A_44, %dma_wait3A_311, %dma_wait3A_312] : memref<2x128x128xf32, #tpu.memory_space<vmem>> -> memref<1x128x128xf32, #tpu.memory_space<vmem>>
      %dma_wait3A_314 = tpu.memref_squeeze %dma_wait3A_313 : memref<1x128x128xf32, #tpu.memory_space<vmem>> -> memref<128x128xf32, #tpu.memory_space<vmem>>
      tpu.wait_dma2 semaphore(%run_scoped3A_290 : memref<!tpu.dma_semaphore, #tpu.memory_space<semaphore_mem>>) src(%dma_wait3A_314 : memref<128x128xf32, #tpu.memory_space<vmem>>) dst(%dma_wait3A_310 : memref<128x128xf32, #tpu.memory_space<vmem_shared>>)
      tpu.yield
    }) : () -> ()
    %mul3A_45 = arith.constant 640 : i32
    %mul3A_46 = arith.muli %arg1, %mul3A_45 : i32
    %add3A_47 = arith.constant 384 : i32
    %add3A_48 = arith.addi %mul3A_46, %add3A_47 : i32
    %run_scoped3A_49 = arith.constant 1 : i32
    "tpu.region"() ({
      %run_scoped3A_290 = tpu.sem_alloc : memref<!tpu.dma_semaphore, #tpu.memory_space<semaphore_mem>>
      %dma_start3A_291 = arith.constant 0 : i32
      %dma_start3A_292 = arith.constant 0 : i32
      %dma_start3A_293 = tpu.memref_slice %arg7[%run_scoped3A_49, %dma_start3A_291, %dma_start3A_292] : memref<2x128x128xf32, #tpu.memory_space<vmem>> -> memref<1x128x128xf32, #tpu.memory_space<vmem>>
      %dma_start3A_294 = tpu.memref_squeeze %dma_start3A_293 : memref<1x128x128xf32, #tpu.memory_space<vmem>> -> memref<128x128xf32, #tpu.memory_space<vmem>>
      %dma_start3A_295 = arith.constant 0 : i32
      %dma_start3A_296 = tpu.memref_slice %arg6[%add3A_48, %dma_start3A_295] : memref<10240x128xf32, #tpu.memory_space<vmem_shared>> -> memref<128x128xf32, #tpu.memory_space<vmem_shared>>
      %dma_start3A_297 = arith.constant 0 : i32
      %dma_start3A_298 = tpu.memref_slice %arg6[%add3A_48, %dma_start3A_297] : memref<10240x128xf32, #tpu.memory_space<vmem_shared>> -> memref<128x128xf32, #tpu.memory_space<vmem_shared>>
      %dma_start3A_299 = arith.constant 0 : i32
      %dma_start3A_300 = arith.constant 0 : i32
      %dma_start3A_301 = tpu.memref_slice %arg7[%run_scoped3A_49, %dma_start3A_299, %dma_start3A_300] : memref<2x128x128xf32, #tpu.memory_space<vmem>> -> memref<1x128x128xf32, #tpu.memory_space<vmem>>
      %dma_start3A_302 = tpu.memref_squeeze %dma_start3A_301 : memref<1x128x128xf32, #tpu.memory_space<vmem>> -> memref<128x128xf32, #tpu.memory_space<vmem>>
      tpu.enqueue_dma source(%dma_start3A_302 : memref<128x128xf32, #tpu.memory_space<vmem>>) target(%dma_start3A_298 : memref<128x128xf32, #tpu.memory_space<vmem_shared>>) target_semaphore(%run_scoped3A_290 : memref<!tpu.dma_semaphore, #tpu.memory_space<semaphore_mem>>)
      %dma_wait3A_303 = arith.constant 0 : i32
      %dma_wait3A_304 = arith.constant 0 : i32
      %dma_wait3A_305 = tpu.memref_slice %arg7[%run_scoped3A_49, %dma_wait3A_303, %dma_wait3A_304] : memref<2x128x128xf32, #tpu.memory_space<vmem>> -> memref<1x128x128xf32, #tpu.memory_space<vmem>>
      %dma_wait3A_306 = tpu.memref_squeeze %dma_wait3A_305 : memref<1x128x128xf32, #tpu.memory_space<vmem>> -> memref<128x128xf32, #tpu.memory_space<vmem>>
      %dma_wait3A_307 = arith.constant 0 : i32
      %dma_wait3A_308 = tpu.memref_slice %arg6[%add3A_48, %dma_wait3A_307] : memref<10240x128xf32, #tpu.memory_space<vmem_shared>> -> memref<128x128xf32, #tpu.memory_space<vmem_shared>>
      %dma_wait3A_309 = arith.constant 0 : i32
      %dma_wait3A_310 = tpu.memref_slice %arg6[%add3A_48, %dma_wait3A_309] : memref<10240x128xf32, #tpu.memory_space<vmem_shared>> -> memref<128x128xf32, #tpu.memory_space<vmem_shared>>
      %dma_wait3A_311 = arith.constant 0 : i32
      %dma_wait3A_312 = arith.constant 0 : i32
      %dma_wait3A_313 = tpu.memref_slice %arg7[%run_scoped3A_49, %dma_wait3A_311, %dma_wait3A_312] : memref<2x128x128xf32, #tpu.memory_space<vmem>> -> memref<1x128x128xf32, #tpu.memory_space<vmem>>
      %dma_wait3A_314 = tpu.memref_squeeze %dma_wait3A_313 : memref<1x128x128xf32, #tpu.memory_space<vmem>> -> memref<128x128xf32, #tpu.memory_space<vmem>>
      tpu.wait_dma2 semaphore(%run_scoped3A_290 : memref<!tpu.dma_semaphore, #tpu.memory_space<semaphore_mem>>) src(%dma_wait3A_314 : memref<128x128xf32, #tpu.memory_space<vmem>>) dst(%dma_wait3A_310 : memref<128x128xf32, #tpu.memory_space<vmem_shared>>)
      tpu.yield
    }) : () -> ()
    %mul3A_50 = arith.constant 640 : i32
    %mul3A_51 = arith.muli %arg1, %mul3A_50 : i32
    %add3A_52 = arith.constant 512 : i32
    %add3A_53 = arith.addi %mul3A_51, %add3A_52 : i32
    %run_scoped3A_54 = arith.constant 1 : i32
    "tpu.region"() ({
      %run_scoped3A_290 = tpu.sem_alloc : memref<!tpu.dma_semaphore, #tpu.memory_space<semaphore_mem>>
      %dma_start3A_291 = arith.constant 0 : i32
      %dma_start3A_292 = arith.constant 0 : i32
      %dma_start3A_293 = tpu.memref_slice %arg7[%run_scoped3A_54, %dma_start3A_291, %dma_start3A_292] : memref<2x128x128xf32, #tpu.memory_space<vmem>> -> memref<1x128x128xf32, #tpu.memory_space<vmem>>
      %dma_start3A_294 = tpu.memref_squeeze %dma_start3A_293 : memref<1x128x128xf32, #tpu.memory_space<vmem>> -> memref<128x128xf32, #tpu.memory_space<vmem>>
      %dma_start3A_295 = arith.constant 0 : i32
      %dma_start3A_296 = tpu.memref_slice %arg6[%add3A_53, %dma_start3A_295] : memref<10240x128xf32, #tpu.memory_space<vmem_shared>> -> memref<128x128xf32, #tpu.memory_space<vmem_shared>>
      %dma_start3A_297 = arith.constant 0 : i32
      %dma_start3A_298 = tpu.memref_slice %arg6[%add3A_53, %dma_start3A_297] : memref<10240x128xf32, #tpu.memory_space<vmem_shared>> -> memref<128x128xf32, #tpu.memory_space<vmem_shared>>
      %dma_start3A_299 = arith.constant 0 : i32
      %dma_start3A_300 = arith.constant 0 : i32
      %dma_start3A_301 = tpu.memref_slice %arg7[%run_scoped3A_54, %dma_start3A_299, %dma_start3A_300] : memref<2x128x128xf32, #tpu.memory_space<vmem>> -> memref<1x128x128xf32, #tpu.memory_space<vmem>>
      %dma_start3A_302 = tpu.memref_squeeze %dma_start3A_301 : memref<1x128x128xf32, #tpu.memory_space<vmem>> -> memref<128x128xf32, #tpu.memory_space<vmem>>
      tpu.enqueue_dma source(%dma_start3A_302 : memref<128x128xf32, #tpu.memory_space<vmem>>) target(%dma_start3A_298 : memref<128x128xf32, #tpu.memory_space<vmem_shared>>) target_semaphore(%run_scoped3A_290 : memref<!tpu.dma_semaphore, #tpu.memory_space<semaphore_mem>>)
      %dma_wait3A_303 = arith.constant 0 : i32
      %dma_wait3A_304 = arith.constant 0 : i32
      %dma_wait3A_305 = tpu.memref_slice %arg7[%run_scoped3A_54, %dma_wait3A_303, %dma_wait3A_304] : memref<2x128x128xf32, #tpu.memory_space<vmem>> -> memref<1x128x128xf32, #tpu.memory_space<vmem>>
      %dma_wait3A_306 = tpu.memref_squeeze %dma_wait3A_305 : memref<1x128x128xf32, #tpu.memory_space<vmem>> -> memref<128x128xf32, #tpu.memory_space<vmem>>
      %dma_wait3A_307 = arith.constant 0 : i32
      %dma_wait3A_308 = tpu.memref_slice %arg6[%add3A_53, %dma_wait3A_307] : memref<10240x128xf32, #tpu.memory_space<vmem_shared>> -> memref<128x128xf32, #tpu.memory_space<vmem_shared>>
      %dma_wait3A_309 = arith.constant 0 : i32
      %dma_wait3A_310 = tpu.memref_slice %arg6[%add3A_53, %dma_wait3A_309] : memref<10240x128xf32, #tpu.memory_space<vmem_shared>> -> memref<128x128xf32, #tpu.memory_space<vmem_shared>>
      %dma_wait3A_311 = arith.constant 0 : i32
      %dma_wait3A_312 = arith.constant 0 : i32
      %dma_wait3A_313 = tpu.memref_slice %arg7[%run_scoped3A_54, %dma_wait3A_311, %dma_wait3A_312] : memref<2x128x128xf32, #tpu.memory_space<vmem>> -> memref<1x128x128xf32, #tpu.memory_space<vmem>>
      %dma_wait3A_314 = tpu.memref_squeeze %dma_wait3A_313 : memref<1x128x128xf32, #tpu.memory_space<vmem>> -> memref<128x128xf32, #tpu.memory_space<vmem>>
      tpu.wait_dma2 semaphore(%run_scoped3A_290 : memref<!tpu.dma_semaphore, #tpu.memory_space<semaphore_mem>>) src(%dma_wait3A_314 : memref<128x128xf32, #tpu.memory_space<vmem>>) dst(%dma_wait3A_310 : memref<128x128xf32, #tpu.memory_space<vmem_shared>>)
      tpu.yield
    }) : () -> ()
    %barrier3A = arith.constant 0 : index
    tpu.barrier barrier_id(%barrier3A)
    %scan3A_55 = arith.constant 0 : i32
    %scan3A_56 = arith.constant 0 : i32
    %scan3A_57 = arith.constant 40 : i32
    %scan3A_58 = arith.addi %scan3A_56, %scan3A_57 : i32
    %scan3A_59 = arith.constant 1 : i32
    %scan3A_60 = scf.for %scan3A_290 = %scan3A_56 to %scan3A_58 step %scan3A_59 iter_args(%scan3A_291 = %scan3A_55) -> (i32)  : i32 {
      %rem3A = arith.constant 2 : i32
      %rem3A_292 = arith.remsi %scan3A_290, %rem3A : i32
      %add3A_293 = arith.constant 1 : i32
      %add3A_294 = arith.addi %scan3A_290, %add3A_293 : i32
      %rem3A_295 = arith.constant 2 : i32
      %rem3A_296 = arith.remsi %add3A_294, %rem3A_295 : i32
      %add3A_297 = arith.constant 1 : i32
      %add3A_298 = arith.addi %scan3A_290, %add3A_297 : i32
      %lt3A = arith.constant 40 : i32
      %lt3A_299 = arith.cmpi slt, %add3A_298, %lt3A : i32
      %convert_element_type3A = arith.extui %lt3A_299 : i1 to i32
      %cond3A = arith.constant 0 : i32
      %cond3A_300 = arith.cmpi ne, %convert_element_type3A, %cond3A : i32
      scf.if %cond3A_300 {
        %add3A_338 = arith.constant 1 : i32
        %add3A_339 = arith.addi %scan3A_290, %add3A_338 : i32
        %dma_start3A_340 = arith.constant 0 : i32
        %dma_start3A_341 = arith.constant 0 : i32
        %dma_start3A_342 = tpu.memref_slice %arg7[%rem3A_296, %dma_start3A_340, %dma_start3A_341] : memref<2x128x128xf32, #tpu.memory_space<vmem>> -> memref<1x128x128xf32, #tpu.memory_space<vmem>>
        %dma_start3A_343 = tpu.memref_squeeze %dma_start3A_342 : memref<1x128x128xf32, #tpu.memory_space<vmem>> -> memref<128x128xf32, #tpu.memory_space<vmem>>
        %dma_start3A_344 = arith.constant 0 : i32
        %dma_start3A_345 = tpu.memref_slice %arg8[%add3A_339, %dma_start3A_344] : memref<40x128xi32, #tpu.memory_space<vmem>> -> memref<1x128xi32, #tpu.memory_space<vmem>>
        %dma_start3A_346 = tpu.memref_squeeze %dma_start3A_345 : memref<1x128xi32, #tpu.memory_space<vmem>> -> memref<128xi32, #tpu.memory_space<vmem>>
        %dma_start3A_347 = arith.constant 0 : i32
        %dma_start3A_348 = arith.constant 0 : i32
        %dma_start3A_349 = tpu.memref_slice %arg2[%dma_start3A_347, %dma_start3A_348] : memref<20480x128xf32, #tpu.memory_space<hbm>> -> memref<20480x128xf32, #tpu.memory_space<hbm>>
        %dma_start3A_350 = tpu.memref_slice %arg10[%rem3A_296] : memref<2x!tpu.dma_semaphore, #tpu.memory_space<semaphore_mem>> -> memref<1x!tpu.dma_semaphore, #tpu.memory_space<semaphore_mem>>
        %dma_start3A_351 = tpu.memref_squeeze %dma_start3A_350 : memref<1x!tpu.dma_semaphore, #tpu.memory_space<semaphore_mem>> -> memref<!tpu.dma_semaphore, #tpu.memory_space<semaphore_mem>>
        tpu.enqueue_indirect_dma source(%dma_start3A_349 : memref<20480x128xf32, #tpu.memory_space<hbm>>) target(%dma_start3A_343 : memref<128x128xf32, #tpu.memory_space<vmem>>) offsets(%dma_start3A_346 : memref<128xi32, #tpu.memory_space<vmem>>) semaphore(%dma_start3A_351 : memref<!tpu.dma_semaphore, #tpu.memory_space<semaphore_mem>>)
      } else {
      }
      %dma_wait3A_301 = arith.constant 0 : i32
      %dma_wait3A_302 = arith.constant 0 : i32
      %dma_wait3A_303 = tpu.memref_slice %arg7[%rem3A_292, %dma_wait3A_301, %dma_wait3A_302] : memref<2x128x128xf32, #tpu.memory_space<vmem>> -> memref<1x128x128xf32, #tpu.memory_space<vmem>>
      %dma_wait3A_304 = tpu.memref_squeeze %dma_wait3A_303 : memref<1x128x128xf32, #tpu.memory_space<vmem>> -> memref<128x128xf32, #tpu.memory_space<vmem>>
      %dma_wait3A_305 = arith.constant 0 : i32
      %dma_wait3A_306 = tpu.memref_slice %arg8[%scan3A_290, %dma_wait3A_305] : memref<40x128xi32, #tpu.memory_space<vmem>> -> memref<1x128xi32, #tpu.memory_space<vmem>>
      %dma_wait3A_307 = tpu.memref_squeeze %dma_wait3A_306 : memref<1x128xi32, #tpu.memory_space<vmem>> -> memref<128xi32, #tpu.memory_space<vmem>>
      %dma_wait3A_308 = arith.constant 0 : i32
      %dma_wait3A_309 = arith.constant 0 : i32
      %dma_wait3A_310 = tpu.memref_slice %arg2[%dma_wait3A_308, %dma_wait3A_309] : memref<20480x128xf32, #tpu.memory_space<hbm>> -> memref<20480x128xf32, #tpu.memory_space<hbm>>
      %dma_wait3A_311 = tpu.memref_slice %arg10[%rem3A_292] : memref<2x!tpu.dma_semaphore, #tpu.memory_space<semaphore_mem>> -> memref<1x!tpu.dma_semaphore, #tpu.memory_space<semaphore_mem>>
      %dma_wait3A_312 = tpu.memref_squeeze %dma_wait3A_311 : memref<1x!tpu.dma_semaphore, #tpu.memory_space<semaphore_mem>> -> memref<!tpu.dma_semaphore, #tpu.memory_space<semaphore_mem>>
      tpu.wait_indirect_dma semaphore(%dma_wait3A_312 : memref<!tpu.dma_semaphore, #tpu.memory_space<semaphore_mem>>) src(%dma_wait3A_310 : memref<20480x128xf32, #tpu.memory_space<hbm>>) dst(%dma_wait3A_304 : memref<128x128xf32, #tpu.memory_space<vmem>>)
      %dma_start3A_313 = arith.constant 0 : i32
      %dma_start3A_314 = arith.constant 0 : i32
      %dma_start3A_315 = tpu.memref_slice %arg7[%rem3A_292, %dma_start3A_313, %dma_start3A_314] : memref<2x128x128xf32, #tpu.memory_space<vmem>> -> memref<1x128x128xf32, #tpu.memory_space<vmem>>
      %dma_start3A_316 = tpu.memref_squeeze %dma_start3A_315 : memref<1x128x128xf32, #tpu.memory_space<vmem>> -> memref<128x128xf32, #tpu.memory_space<vmem>>
      %dma_start3A_317 = arith.constant 0 : i32
      %dma_start3A_318 = tpu.memref_slice %arg9[%scan3A_290, %dma_start3A_317] : memref<40x128xi32, #tpu.memory_space<vmem>> -> memref<1x128xi32, #tpu.memory_space<vmem>>
      %dma_start3A_319 = tpu.memref_squeeze %dma_start3A_318 : memref<1x128xi32, #tpu.memory_space<vmem>> -> memref<128xi32, #tpu.memory_space<vmem>>
      %dma_start3A_320 = arith.constant 0 : i32
      %dma_start3A_321 = arith.constant 0 : i32
      %dma_start3A_322 = tpu.memref_slice %arg6[%dma_start3A_320, %dma_start3A_321] : memref<10240x128xf32, #tpu.memory_space<vmem_shared>> -> memref<10240x128xf32, #tpu.memory_space<vmem_shared>>
      %dma_start3A_323 = tpu.memref_slice %arg11[%rem3A_292] : memref<2x!tpu.dma_semaphore, #tpu.memory_space<semaphore_mem>> -> memref<1x!tpu.dma_semaphore, #tpu.memory_space<semaphore_mem>>
      %dma_start3A_324 = tpu.memref_squeeze %dma_start3A_323 : memref<1x!tpu.dma_semaphore, #tpu.memory_space<semaphore_mem>> -> memref<!tpu.dma_semaphore, #tpu.memory_space<semaphore_mem>>
      tpu.enqueue_indirect_dma source(%dma_start3A_316 : memref<128x128xf32, #tpu.memory_space<vmem>>) target(%dma_start3A_322 : memref<10240x128xf32, #tpu.memory_space<vmem_shared>>) offsets(%dma_start3A_319 : memref<128xi32, #tpu.memory_space<vmem>>) semaphore(%dma_start3A_324 : memref<!tpu.dma_semaphore, #tpu.memory_space<semaphore_mem>>) {add = true}
      %dma_wait3A_325 = arith.constant 0 : i32
      %dma_wait3A_326 = arith.constant 0 : i32
      %dma_wait3A_327 = tpu.memref_slice %arg7[%rem3A_292, %dma_wait3A_325, %dma_wait3A_326] : memref<2x128x128xf32, #tpu.memory_space<vmem>> -> memref<1x128x128xf32, #tpu.memory_space<vmem>>
      %dma_wait3A_328 = tpu.memref_squeeze %dma_wait3A_327 : memref<1x128x128xf32, #tpu.memory_space<vmem>> -> memref<128x128xf32, #tpu.memory_space<vmem>>
      %dma_wait3A_329 = arith.constant 0 : i32
      %dma_wait3A_330 = tpu.memref_slice %arg9[%scan3A_290, %dma_wait3A_329] : memref<40x128xi32, #tpu.memory_space<vmem>> -> memref<1x128xi32, #tpu.memory_space<vmem>>
      %dma_wait3A_331 = tpu.memref_squeeze %dma_wait3A_330 : memref<1x128xi32, #tpu.memory_space<vmem>> -> memref<128xi32, #tpu.memory_space<vmem>>
      %dma_wait3A_332 = arith.constant 0 : i32
      %dma_wait3A_333 = arith.constant 0 : i32
      %dma_wait3A_334 = tpu.memref_slice %arg6[%dma_wait3A_332, %dma_wait3A_333] : memref<10240x128xf32, #tpu.memory_space<vmem_shared>> -> memref<10240x128xf32, #tpu.memory_space<vmem_shared>>
      %dma_wait3A_335 = tpu.memref_slice %arg11[%rem3A_292] : memref<2x!tpu.dma_semaphore, #tpu.memory_space<semaphore_mem>> -> memref<1x!tpu.dma_semaphore, #tpu.memory_space<semaphore_mem>>
      %dma_wait3A_336 = tpu.memref_squeeze %dma_wait3A_335 : memref<1x!tpu.dma_semaphore, #tpu.memory_space<semaphore_mem>> -> memref<!tpu.dma_semaphore, #tpu.memory_space<semaphore_mem>>
      tpu.wait_indirect_dma semaphore(%dma_wait3A_336 : memref<!tpu.dma_semaphore, #tpu.memory_space<semaphore_mem>>) src(%dma_wait3A_328 : memref<128x128xf32, #tpu.memory_space<vmem>>) dst(%dma_wait3A_334 : memref<10240x128xf32, #tpu.memory_space<vmem_shared>>)
      %scan3A_337 = arith.constant 0 : i32
      scf.yield %scan3A_337 : i32
    }
    %scan3A_61 = arith.constant 40 : i32
    %mul3A_62 = arith.constant 80 : i32
    %mul3A_63 = arith.muli %arg1, %mul3A_62 : i32
    %add3A_64 = arith.constant 40 : i32
    %add3A_65 = arith.addi %mul3A_63, %add3A_64 : i32
    "tpu.region"() ({
      %run_scoped3A_290 = tpu.sem_alloc : memref<!tpu.dma_semaphore, #tpu.memory_space<semaphore_mem>>
      %dma_start3A_291 = arith.constant 0 : i32
      %dma_start3A_292 = tpu.memref_slice %arg3[%add3A_65, %dma_start3A_291] : memref<1280x128xi32, #tpu.memory_space<hbm>> -> memref<40x128xi32, #tpu.memory_space<hbm>>
      %dma_start3A_293 = arith.constant 0 : i32
      %dma_start3A_294 = tpu.memref_slice %arg3[%add3A_65, %dma_start3A_293] : memref<1280x128xi32, #tpu.memory_space<hbm>> -> memref<40x128xi32, #tpu.memory_space<hbm>>
      tpu.enqueue_dma source(%dma_start3A_294 : memref<40x128xi32, #tpu.memory_space<hbm>>) target(%arg8 : memref<40x128xi32, #tpu.memory_space<vmem>>) target_semaphore(%run_scoped3A_290 : memref<!tpu.dma_semaphore, #tpu.memory_space<semaphore_mem>>)
      %dma_wait3A_295 = arith.constant 0 : i32
      %dma_wait3A_296 = tpu.memref_slice %arg3[%add3A_65, %dma_wait3A_295] : memref<1280x128xi32, #tpu.memory_space<hbm>> -> memref<40x128xi32, #tpu.memory_space<hbm>>
      %dma_wait3A_297 = arith.constant 0 : i32
      %dma_wait3A_298 = tpu.memref_slice %arg3[%add3A_65, %dma_wait3A_297] : memref<1280x128xi32, #tpu.memory_space<hbm>> -> memref<40x128xi32, #tpu.memory_space<hbm>>
      tpu.wait_dma2 semaphore(%run_scoped3A_290 : memref<!tpu.dma_semaphore, #tpu.memory_space<semaphore_mem>>) src(%dma_wait3A_298 : memref<40x128xi32, #tpu.memory_space<hbm>>) dst(%arg8 : memref<40x128xi32, #tpu.memory_space<vmem>>)
      tpu.yield
    }) : () -> ()
    "tpu.region"() ({
      %run_scoped3A_290 = tpu.sem_alloc : memref<!tpu.dma_semaphore, #tpu.memory_space<semaphore_mem>>
      %dma_start3A_291 = arith.constant 0 : i32
      %dma_start3A_292 = tpu.memref_slice %arg4[%add3A_65, %dma_start3A_291] : memref<1280x128xi32, #tpu.memory_space<hbm>> -> memref<40x128xi32, #tpu.memory_space<hbm>>
      %dma_start3A_293 = arith.constant 0 : i32
      %dma_start3A_294 = tpu.memref_slice %arg4[%add3A_65, %dma_start3A_293] : memref<1280x128xi32, #tpu.memory_space<hbm>> -> memref<40x128xi32, #tpu.memory_space<hbm>>
      tpu.enqueue_dma source(%dma_start3A_294 : memref<40x128xi32, #tpu.memory_space<hbm>>) target(%arg9 : memref<40x128xi32, #tpu.memory_space<vmem>>) target_semaphore(%run_scoped3A_290 : memref<!tpu.dma_semaphore, #tpu.memory_space<semaphore_mem>>)
      %dma_wait3A_295 = arith.constant 0 : i32
      %dma_wait3A_296 = tpu.memref_slice %arg4[%add3A_65, %dma_wait3A_295] : memref<1280x128xi32, #tpu.memory_space<hbm>> -> memref<40x128xi32, #tpu.memory_space<hbm>>
      %dma_wait3A_297 = arith.constant 0 : i32
      %dma_wait3A_298 = tpu.memref_slice %arg4[%add3A_65, %dma_wait3A_297] : memref<1280x128xi32, #tpu.memory_space<hbm>> -> memref<40x128xi32, #tpu.memory_space<hbm>>
      tpu.wait_dma2 semaphore(%run_scoped3A_290 : memref<!tpu.dma_semaphore, #tpu.memory_space<semaphore_mem>>) src(%dma_wait3A_298 : memref<40x128xi32, #tpu.memory_space<hbm>>) dst(%arg9 : memref<40x128xi32, #tpu.memory_space<vmem>>)
      tpu.yield
    }) : () -> ()
    %scan3A_66 = arith.constant 0 : i32
    %scan3A_67 = arith.constant 0 : i32
    %scan3A_68 = arith.constant 320 : i32
    %scan3A_69 = arith.addi %scan3A_67, %scan3A_68 : i32
    %scan3A_70 = arith.constant 1 : i32
    %scan3A_71 = scf.for %scan3A_290 = %scan3A_67 to %scan3A_69 step %scan3A_70 iter_args(%scan3A_291 = %scan3A_66) -> (i32)  : i32 {
      %jit3A = arith.constant 8 : i32
      %div3A = arith.divsi %scan3A_290, %jit3A : i32
      %sign3A = arith.constant 0 : i32
      %sign3A_292 = arith.cmpi sgt, %scan3A_290, %sign3A : i32
      %sign3A_293 = arith.extui %sign3A_292 : i1 to i32
      %sign3A_294 = arith.constant 0 : i32
      %sign3A_295 = arith.cmpi slt, %scan3A_290, %sign3A_294 : i32
      %sign3A_296 = arith.extui %sign3A_295 : i1 to i32
      %sign3A_297 = arith.subi %sign3A_293, %sign3A_296 : i32
      %sign3A_298 = arith.constant 0 : i32
      %sign3A_299 = arith.cmpi sgt, %jit3A, %sign3A_298 : i32
      %sign3A_300 = arith.extui %sign3A_299 : i1 to i32
      %sign3A_301 = arith.constant 0 : i32
      %sign3A_302 = arith.cmpi slt, %jit3A, %sign3A_301 : i32
      %sign3A_303 = arith.extui %sign3A_302 : i1 to i32
      %sign3A_304 = arith.subi %sign3A_300, %sign3A_303 : i32
      %ne3A = arith.cmpi ne, %sign3A_297, %sign3A_304 : i32
      %rem3A = arith.remsi %scan3A_290, %jit3A : i32
      %ne3A_305 = arith.constant 0 : i32
      %ne3A_306 = arith.cmpi ne, %rem3A, %ne3A_305 : i32
      %and3A = arith.andi %ne3A, %ne3A_306 : i1
      %sub3A = arith.constant 1 : i32
      %sub3A_307 = arith.subi %div3A, %sub3A : i32
      %select_n3A = arith.select %and3A, %sub3A_307, %div3A : i32
      %mul3A_308 = arith.constant 8 : i32
      %mul3A_309 = arith.muli %select_n3A, %mul3A_308 : i32
      %sub3A_310 = arith.subi %scan3A_290, %mul3A_309 : i32
      %mul3A_311 = arith.constant 16 : i32
      %mul3A_312 = arith.muli %sub3A_310, %mul3A_311 : i32
      %get3A = arith.index_cast %select_n3A : i32 to index
      %get3A_313 = arith.index_cast %mul3A_312 : i32 to index
      %get3A_314 = tpu.vector_load %arg8[%get3A, %get3A_313] {strides = array<i32>} : memref<40x128xi32, #tpu.memory_space<vmem>>, vector<1x16xi32>,
      %get3A_315 = vector.shape_cast %get3A_314 : vector<1x16xi32> to vector<16xi32>
      %add3A_316 = vector.broadcast %mul3A_0 : i32 to vector<16xi32>
      %add3A_317 = arith.addi %get3A_315, %add3A_316 : vector<16xi32>
      %swap3A = arith.index_cast %select_n3A : i32 to index
      %swap3A_318 = arith.index_cast %mul3A_312 : i32 to index
      %swap3A_319 = tpu.vector_load %arg8[%swap3A, %swap3A_318] {strides = array<i32>} : memref<40x128xi32, #tpu.memory_space<vmem>>, vector<1x16xi32>,
      %swap3A_320 = vector.shape_cast %swap3A_319 : vector<1x16xi32> to vector<16xi32>
      %swap3A_321 = vector.shape_cast %add3A_317 : vector<16xi32> to vector<1x16xi32>
      tpu.vector_store %arg8[%swap3A, %swap3A_318], %swap3A_321 {strides = array<i32>} : memref<40x128xi32, #tpu.memory_space<vmem>>, vector<1x16xi32>,
      %scan3A_322 = arith.constant 0 : i32
      scf.yield %scan3A_322 : i32
    }
    %scan3A_72 = arith.constant 320 : i32
    %dma_start3A_73 = arith.constant 0 : i32
    %dma_start3A_74 = arith.constant 0 : i32
    %dma_start3A_75 = arith.constant 0 : i32
    %dma_start3A_76 = arith.constant 0 : i32
    %dma_start3A_77 = arith.constant 0 : i32
    %dma_start3A_78 = tpu.memref_slice %arg7[%dma_start3A_74, %dma_start3A_76, %dma_start3A_77] : memref<2x128x128xf32, #tpu.memory_space<vmem>> -> memref<1x128x128xf32, #tpu.memory_space<vmem>>
    %dma_start3A_79 = tpu.memref_squeeze %dma_start3A_78 : memref<1x128x128xf32, #tpu.memory_space<vmem>> -> memref<128x128xf32, #tpu.memory_space<vmem>>
    %dma_start3A_80 = arith.constant 0 : i32
    %dma_start3A_81 = tpu.memref_slice %arg8[%dma_start3A_73, %dma_start3A_80] : memref<40x128xi32, #tpu.memory_space<vmem>> -> memref<1x128xi32, #tpu.memory_space<vmem>>
    %dma_start3A_82 = tpu.memref_squeeze %dma_start3A_81 : memref<1x128xi32, #tpu.memory_space<vmem>> -> memref<128xi32, #tpu.memory_space<vmem>>
    %dma_start3A_83 = arith.constant 0 : i32
    %dma_start3A_84 = arith.constant 0 : i32
    %dma_start3A_85 = tpu.memref_slice %arg2[%dma_start3A_83, %dma_start3A_84] : memref<20480x128xf32, #tpu.memory_space<hbm>> -> memref<20480x128xf32, #tpu.memory_space<hbm>>
    %dma_start3A_86 = tpu.memref_slice %arg10[%dma_start3A_75] : memref<2x!tpu.dma_semaphore, #tpu.memory_space<semaphore_mem>> -> memref<1x!tpu.dma_semaphore, #tpu.memory_space<semaphore_mem>>
    %dma_start3A_87 = tpu.memref_squeeze %dma_start3A_86 : memref<1x!tpu.dma_semaphore, #tpu.memory_space<semaphore_mem>> -> memref<!tpu.dma_semaphore, #tpu.memory_space<semaphore_mem>>
    tpu.enqueue_indirect_dma source(%dma_start3A_85 : memref<20480x128xf32, #tpu.memory_space<hbm>>) target(%dma_start3A_79 : memref<128x128xf32, #tpu.memory_space<vmem>>) offsets(%dma_start3A_82 : memref<128xi32, #tpu.memory_space<vmem>>) semaphore(%dma_start3A_87 : memref<!tpu.dma_semaphore, #tpu.memory_space<semaphore_mem>>)
    %scan3A_88 = arith.constant 0 : i32
    %scan3A_89 = arith.constant 0 : i32
    %scan3A_90 = arith.constant 40 : i32
    %scan3A_91 = arith.addi %scan3A_89, %scan3A_90 : i32
    %scan3A_92 = arith.constant 1 : i32
    %scan3A_93 = scf.for %scan3A_290 = %scan3A_89 to %scan3A_91 step %scan3A_92 iter_args(%scan3A_291 = %scan3A_88) -> (i32)  : i32 {
      %rem3A = arith.constant 2 : i32
      %rem3A_292 = arith.remsi %scan3A_290, %rem3A : i32
      %add3A_293 = arith.constant 1 : i32
      %add3A_294 = arith.addi %scan3A_290, %add3A_293 : i32
      %rem3A_295 = arith.constant 2 : i32
      %rem3A_296 = arith.remsi %add3A_294, %rem3A_295 : i32
      %add3A_297 = arith.constant 1 : i32
      %add3A_298 = arith.addi %scan3A_290, %add3A_297 : i32
      %lt3A = arith.constant 40 : i32
      %lt3A_299 = arith.cmpi slt, %add3A_298, %lt3A : i32
      %convert_element_type3A = arith.extui %lt3A_299 : i1 to i32
      %cond3A = arith.constant 0 : i32
      %cond3A_300 = arith.cmpi ne, %convert_element_type3A, %cond3A : i32
      scf.if %cond3A_300 {
        %add3A_338 = arith.constant 1 : i32
        %add3A_339 = arith.addi %scan3A_290, %add3A_338 : i32
        %dma_start3A_340 = arith.constant 0 : i32
        %dma_start3A_341 = arith.constant 0 : i32
        %dma_start3A_342 = tpu.memref_slice %arg7[%rem3A_296, %dma_start3A_340, %dma_start3A_341] : memref<2x128x128xf32, #tpu.memory_space<vmem>> -> memref<1x128x128xf32, #tpu.memory_space<vmem>>
        %dma_start3A_343 = tpu.memref_squeeze %dma_start3A_342 : memref<1x128x128xf32, #tpu.memory_space<vmem>> -> memref<128x128xf32, #tpu.memory_space<vmem>>
        %dma_start3A_344 = arith.constant 0 : i32
        %dma_start3A_345 = tpu.memref_slice %arg8[%add3A_339, %dma_start3A_344] : memref<40x128xi32, #tpu.memory_space<vmem>> -> memref<1x128xi32, #tpu.memory_space<vmem>>
        %dma_start3A_346 = tpu.memref_squeeze %dma_start3A_345 : memref<1x128xi32, #tpu.memory_space<vmem>> -> memref<128xi32, #tpu.memory_space<vmem>>
        %dma_start3A_347 = arith.constant 0 : i32
        %dma_start3A_348 = arith.constant 0 : i32
        %dma_start3A_349 = tpu.memref_slice %arg2[%dma_start3A_347, %dma_start3A_348] : memref<20480x128xf32, #tpu.memory_space<hbm>> -> memref<20480x128xf32, #tpu.memory_space<hbm>>
        %dma_start3A_350 = tpu.memref_slice %arg10[%rem3A_296] : memref<2x!tpu.dma_semaphore, #tpu.memory_space<semaphore_mem>> -> memref<1x!tpu.dma_semaphore, #tpu.memory_space<semaphore_mem>>
        %dma_start3A_351 = tpu.memref_squeeze %dma_start3A_350 : memref<1x!tpu.dma_semaphore, #tpu.memory_space<semaphore_mem>> -> memref<!tpu.dma_semaphore, #tpu.memory_space<semaphore_mem>>
        tpu.enqueue_indirect_dma source(%dma_start3A_349 : memref<20480x128xf32, #tpu.memory_space<hbm>>) target(%dma_start3A_343 : memref<128x128xf32, #tpu.memory_space<vmem>>) offsets(%dma_start3A_346 : memref<128xi32, #tpu.memory_space<vmem>>) semaphore(%dma_start3A_351 : memref<!tpu.dma_semaphore, #tpu.memory_space<semaphore_mem>>)
      } else {
      }
      %dma_wait3A_301 = arith.constant 0 : i32
      %dma_wait3A_302 = arith.constant 0 : i32
      %dma_wait3A_303 = tpu.memref_slice %arg7[%rem3A_292, %dma_wait3A_301, %dma_wait3A_302] : memref<2x128x128xf32, #tpu.memory_space<vmem>> -> memref<1x128x128xf32, #tpu.memory_space<vmem>>
      %dma_wait3A_304 = tpu.memref_squeeze %dma_wait3A_303 : memref<1x128x128xf32, #tpu.memory_space<vmem>> -> memref<128x128xf32, #tpu.memory_space<vmem>>
      %dma_wait3A_305 = arith.constant 0 : i32
      %dma_wait3A_306 = tpu.memref_slice %arg8[%scan3A_290, %dma_wait3A_305] : memref<40x128xi32, #tpu.memory_space<vmem>> -> memref<1x128xi32, #tpu.memory_space<vmem>>
      %dma_wait3A_307 = tpu.memref_squeeze %dma_wait3A_306 : memref<1x128xi32, #tpu.memory_space<vmem>> -> memref<128xi32, #tpu.memory_space<vmem>>
      %dma_wait3A_308 = arith.constant 0 : i32
      %dma_wait3A_309 = arith.constant 0 : i32
      %dma_wait3A_310 = tpu.memref_slice %arg2[%dma_wait3A_308, %dma_wait3A_309] : memref<20480x128xf32, #tpu.memory_space<hbm>> -> memref<20480x128xf32, #tpu.memory_space<hbm>>
      %dma_wait3A_311 = tpu.memref_slice %arg10[%rem3A_292] : memref<2x!tpu.dma_semaphore, #tpu.memory_space<semaphore_mem>> -> memref<1x!tpu.dma_semaphore, #tpu.memory_space<semaphore_mem>>
      %dma_wait3A_312 = tpu.memref_squeeze %dma_wait3A_311 : memref<1x!tpu.dma_semaphore, #tpu.memory_space<semaphore_mem>> -> memref<!tpu.dma_semaphore, #tpu.memory_space<semaphore_mem>>
      tpu.wait_indirect_dma semaphore(%dma_wait3A_312 : memref<!tpu.dma_semaphore, #tpu.memory_space<semaphore_mem>>) src(%dma_wait3A_310 : memref<20480x128xf32, #tpu.memory_space<hbm>>) dst(%dma_wait3A_304 : memref<128x128xf32, #tpu.memory_space<vmem>>)
      %dma_start3A_313 = arith.constant 0 : i32
      %dma_start3A_314 = arith.constant 0 : i32
      %dma_start3A_315 = tpu.memref_slice %arg7[%rem3A_292, %dma_start3A_313, %dma_start3A_314] : memref<2x128x128xf32, #tpu.memory_space<vmem>> -> memref<1x128x128xf32, #tpu.memory_space<vmem>>
      %dma_start3A_316 = tpu.memref_squeeze %dma_start3A_315 : memref<1x128x128xf32, #tpu.memory_space<vmem>> -> memref<128x128xf32, #tpu.memory_space<vmem>>
      %dma_start3A_317 = arith.constant 0 : i32
      %dma_start3A_318 = tpu.memref_slice %arg9[%scan3A_290, %dma_start3A_317] : memref<40x128xi32, #tpu.memory_space<vmem>> -> memref<1x128xi32, #tpu.memory_space<vmem>>
      %dma_start3A_319 = tpu.memref_squeeze %dma_start3A_318 : memref<1x128xi32, #tpu.memory_space<vmem>> -> memref<128xi32, #tpu.memory_space<vmem>>
      %dma_start3A_320 = arith.constant 0 : i32
      %dma_start3A_321 = arith.constant 0 : i32
      %dma_start3A_322 = tpu.memref_slice %arg6[%dma_start3A_320, %dma_start3A_321] : memref<10240x128xf32, #tpu.memory_space<vmem_shared>> -> memref<10240x128xf32, #tpu.memory_space<vmem_shared>>
      %dma_start3A_323 = tpu.memref_slice %arg11[%rem3A_292] : memref<2x!tpu.dma_semaphore, #tpu.memory_space<semaphore_mem>> -> memref<1x!tpu.dma_semaphore, #tpu.memory_space<semaphore_mem>>
      %dma_start3A_324 = tpu.memref_squeeze %dma_start3A_323 : memref<1x!tpu.dma_semaphore, #tpu.memory_space<semaphore_mem>> -> memref<!tpu.dma_semaphore, #tpu.memory_space<semaphore_mem>>
      tpu.enqueue_indirect_dma source(%dma_start3A_316 : memref<128x128xf32, #tpu.memory_space<vmem>>) target(%dma_start3A_322 : memref<10240x128xf32, #tpu.memory_space<vmem_shared>>) offsets(%dma_start3A_319 : memref<128xi32, #tpu.memory_space<vmem>>) semaphore(%dma_start3A_324 : memref<!tpu.dma_semaphore, #tpu.memory_space<semaphore_mem>>) {add = true}
      %dma_wait3A_325 = arith.constant 0 : i32
      %dma_wait3A_326 = arith.constant 0 : i32
      %dma_wait3A_327 = tpu.memref_slice %arg7[%rem3A_292, %dma_wait3A_325, %dma_wait3A_326] : memref<2x128x128xf32, #tpu.memory_space<vmem>> -> memref<1x128x128xf32, #tpu.memory_space<vmem>>
      %dma_wait3A_328 = tpu.memref_squeeze %dma_wait3A_327 : memref<1x128x128xf32, #tpu.memory_space<vmem>> -> memref<128x128xf32, #tpu.memory_space<vmem>>
      %dma_wait3A_329 = arith.constant 0 : i32
      %dma_wait3A_330 = tpu.memref_slice %arg9[%scan3A_290, %dma_wait3A_329] : memref<40x128xi32, #tpu.memory_space<vmem>> -> memref<1x128xi32, #tpu.memory_space<vmem>>
      %dma_wait3A_331 = tpu.memref_squeeze %dma_wait3A_330 : memref<1x128xi32, #tpu.memory_space<vmem>> -> memref<128xi32, #tpu.memory_space<vmem>>
      %dma_wait3A_332 = arith.constant 0 : i32
      %dma_wait3A_333 = arith.constant 0 : i32
      %dma_wait3A_334 = tpu.memref_slice %arg6[%dma_wait3A_332, %dma_wait3A_333] : memref<10240x128xf32, #tpu.memory_space<vmem_shared>> -> memref<10240x128xf32, #tpu.memory_space<vmem_shared>>
      %dma_wait3A_335 = tpu.memref_slice %arg11[%rem3A_292] : memref<2x!tpu.dma_semaphore, #tpu.memory_space<semaphore_mem>> -> memref<1x!tpu.dma_semaphore, #tpu.memory_space<semaphore_mem>>
      %dma_wait3A_336 = tpu.memref_squeeze %dma_wait3A_335 : memref<1x!tpu.dma_semaphore, #tpu.memory_space<semaphore_mem>> -> memref<!tpu.dma_semaphore, #tpu.memory_space<semaphore_mem>>
      tpu.wait_indirect_dma semaphore(%dma_wait3A_336 : memref<!tpu.dma_semaphore, #tpu.memory_space<semaphore_mem>>) src(%dma_wait3A_328 : memref<128x128xf32, #tpu.memory_space<vmem>>) dst(%dma_wait3A_334 : memref<10240x128xf32, #tpu.memory_space<vmem_shared>>)
      %scan3A_337 = arith.constant 0 : i32
      scf.yield %scan3A_337 : i32
    }
    %scan3A_94 = arith.constant 40 : i32
    %barrier3A_95 = arith.constant 0 : index
    tpu.barrier barrier_id(%barrier3A_95)
    %mul3A_96 = arith.constant 640 : i32
    %mul3A_97 = arith.muli %arg1, %mul3A_96 : i32
    %dma_start3A_98 = arith.constant 0 : i32
    %dma_start3A_99 = arith.constant 0 : i32
    %dma_start3A_100 = arith.constant 0 : i32
    %dma_start3A_101 = arith.constant 0 : i32
    %dma_start3A_102 = tpu.memref_slice %arg7[%dma_start3A_98, %dma_start3A_100, %dma_start3A_101] : memref<2x128x128xf32, #tpu.memory_space<vmem>> -> memref<1x128x128xf32, #tpu.memory_space<vmem>>
    %dma_start3A_103 = tpu.memref_squeeze %dma_start3A_102 : memref<1x128x128xf32, #tpu.memory_space<vmem>> -> memref<128x128xf32, #tpu.memory_space<vmem>>
    %dma_start3A_104 = arith.constant 0 : i32
    %dma_start3A_105 = tpu.memref_slice %arg6[%mul3A_97, %dma_start3A_104] : memref<10240x128xf32, #tpu.memory_space<vmem_shared>> -> memref<128x128xf32, #tpu.memory_space<vmem_shared>>
    %dma_start3A_106 = tpu.memref_slice %arg10[%dma_start3A_99] : memref<2x!tpu.dma_semaphore, #tpu.memory_space<semaphore_mem>> -> memref<1x!tpu.dma_semaphore, #tpu.memory_space<semaphore_mem>>
    %dma_start3A_107 = tpu.memref_squeeze %dma_start3A_106 : memref<1x!tpu.dma_semaphore, #tpu.memory_space<semaphore_mem>> -> memref<!tpu.dma_semaphore, #tpu.memory_space<semaphore_mem>>
    %dma_start3A_108 = arith.constant 0 : i32
    %dma_start3A_109 = arith.constant 0 : i32
    %dma_start3A_110 = tpu.memref_slice %arg7[%dma_start3A_98, %dma_start3A_108, %dma_start3A_109] : memref<2x128x128xf32, #tpu.memory_space<vmem>> -> memref<1x128x128xf32, #tpu.memory_space<vmem>>
    %dma_start3A_111 = tpu.memref_squeeze %dma_start3A_110 : memref<1x128x128xf32, #tpu.memory_space<vmem>> -> memref<128x128xf32, #tpu.memory_space<vmem>>
    %dma_start3A_112 = arith.constant 0 : i32
    %dma_start3A_113 = tpu.memref_slice %arg6[%mul3A_97, %dma_start3A_112] : memref<10240x128xf32, #tpu.memory_space<vmem_shared>> -> memref<128x128xf32, #tpu.memory_space<vmem_shared>>
    tpu.enqueue_dma source(%dma_start3A_113 : memref<128x128xf32, #tpu.memory_space<vmem_shared>>) target(%dma_start3A_111 : memref<128x128xf32, #tpu.memory_space<vmem>>) target_semaphore(%dma_start3A_107 : memref<!tpu.dma_semaphore, #tpu.memory_space<semaphore_mem>>)
    %add3A_114 = arith.constant 0 : i32
    %add3A_115 = arith.addi %mul3A_97, %add3A_114 : i32
    %dma_wait3A = arith.constant 0 : i32
    %dma_wait3A_116 = arith.constant 0 : i32
    %dma_wait3A_117 = arith.constant 0 : i32
    %dma_wait3A_118 = arith.constant 0 : i32
    %dma_wait3A_119 = tpu.memref_slice %arg7[%dma_wait3A, %dma_wait3A_117, %dma_wait3A_118] : memref<2x128x128xf32, #tpu.memory_space<vmem>> -> memref<1x128x128xf32, #tpu.memory_space<vmem>>
    %dma_wait3A_120 = tpu.memref_squeeze %dma_wait3A_119 : memref<1x128x128xf32, #tpu.memory_space<vmem>> -> memref<128x128xf32, #tpu.memory_space<vmem>>
    %dma_wait3A_121 = arith.constant 0 : i32
    %dma_wait3A_122 = tpu.memref_slice %arg6[%add3A_115, %dma_wait3A_121] : memref<10240x128xf32, #tpu.memory_space<vmem_shared>> -> memref<128x128xf32, #tpu.memory_space<vmem_shared>>
    %dma_wait3A_123 = tpu.memref_slice %arg10[%dma_wait3A_116] : memref<2x!tpu.dma_semaphore, #tpu.memory_space<semaphore_mem>> -> memref<1x!tpu.dma_semaphore, #tpu.memory_space<semaphore_mem>>
    %dma_wait3A_124 = tpu.memref_squeeze %dma_wait3A_123 : memref<1x!tpu.dma_semaphore, #tpu.memory_space<semaphore_mem>> -> memref<!tpu.dma_semaphore, #tpu.memory_space<semaphore_mem>>
    %dma_wait3A_125 = arith.constant 0 : i32
    %dma_wait3A_126 = arith.constant 0 : i32
    %dma_wait3A_127 = tpu.memref_slice %arg7[%dma_wait3A, %dma_wait3A_125, %dma_wait3A_126] : memref<2x128x128xf32, #tpu.memory_space<vmem>> -> memref<1x128x128xf32, #tpu.memory_space<vmem>>
    %dma_wait3A_128 = tpu.memref_squeeze %dma_wait3A_127 : memref<1x128x128xf32, #tpu.memory_space<vmem>> -> memref<128x128xf32, #tpu.memory_space<vmem>>
    %dma_wait3A_129 = arith.constant 0 : i32
    %dma_wait3A_130 = tpu.memref_slice %arg6[%add3A_115, %dma_wait3A_129] : memref<10240x128xf32, #tpu.memory_space<vmem_shared>> -> memref<128x128xf32, #tpu.memory_space<vmem_shared>>
    tpu.wait_dma2 semaphore(%dma_wait3A_124 : memref<!tpu.dma_semaphore, #tpu.memory_space<semaphore_mem>>) src(%dma_wait3A_130 : memref<128x128xf32, #tpu.memory_space<vmem_shared>>) dst(%dma_wait3A_128 : memref<128x128xf32, #tpu.memory_space<vmem>>)
    %add3A_131 = arith.constant 128 : i32
    %add3A_132 = arith.addi %mul3A_97, %add3A_131 : i32
    %dma_start3A_133 = arith.constant 1 : i32
    %dma_start3A_134 = arith.constant 1 : i32
    %dma_start3A_135 = arith.constant 0 : i32
    %dma_start3A_136 = arith.constant 0 : i32
    %dma_start3A_137 = tpu.memref_slice %arg7[%dma_start3A_133, %dma_start3A_135, %dma_start3A_136] : memref<2x128x128xf32, #tpu.memory_space<vmem>> -> memref<1x128x128xf32, #tpu.memory_space<vmem>>
    %dma_start3A_138 = tpu.memref_squeeze %dma_start3A_137 : memref<1x128x128xf32, #tpu.memory_space<vmem>> -> memref<128x128xf32, #tpu.memory_space<vmem>>
    %dma_start3A_139 = arith.constant 0 : i32
    %dma_start3A_140 = tpu.memref_slice %arg6[%add3A_132, %dma_start3A_139] : memref<10240x128xf32, #tpu.memory_space<vmem_shared>> -> memref<128x128xf32, #tpu.memory_space<vmem_shared>>
    %dma_start3A_141 = tpu.memref_slice %arg10[%dma_start3A_134] : memref<2x!tpu.dma_semaphore, #tpu.memory_space<semaphore_mem>> -> memref<1x!tpu.dma_semaphore, #tpu.memory_space<semaphore_mem>>
    %dma_start3A_142 = tpu.memref_squeeze %dma_start3A_141 : memref<1x!tpu.dma_semaphore, #tpu.memory_space<semaphore_mem>> -> memref<!tpu.dma_semaphore, #tpu.memory_space<semaphore_mem>>
    %dma_start3A_143 = arith.constant 0 : i32
    %dma_start3A_144 = arith.constant 0 : i32
    %dma_start3A_145 = tpu.memref_slice %arg7[%dma_start3A_133, %dma_start3A_143, %dma_start3A_144] : memref<2x128x128xf32, #tpu.memory_space<vmem>> -> memref<1x128x128xf32, #tpu.memory_space<vmem>>
    %dma_start3A_146 = tpu.memref_squeeze %dma_start3A_145 : memref<1x128x128xf32, #tpu.memory_space<vmem>> -> memref<128x128xf32, #tpu.memory_space<vmem>>
    %dma_start3A_147 = arith.constant 0 : i32
    %dma_start3A_148 = tpu.memref_slice %arg6[%add3A_132, %dma_start3A_147] : memref<10240x128xf32, #tpu.memory_space<vmem_shared>> -> memref<128x128xf32, #tpu.memory_space<vmem_shared>>
    tpu.enqueue_dma source(%dma_start3A_148 : memref<128x128xf32, #tpu.memory_space<vmem_shared>>) target(%dma_start3A_146 : memref<128x128xf32, #tpu.memory_space<vmem>>) target_semaphore(%dma_start3A_142 : memref<!tpu.dma_semaphore, #tpu.memory_space<semaphore_mem>>)
    %add3A_149 = arith.constant 0 : i32
    %add3A_150 = arith.addi %mul3A_97, %add3A_149 : i32
    %run_scoped3A_151 = arith.constant 0 : i32
    "tpu.region"() ({
      %run_scoped3A_290 = tpu.sem_alloc : memref<!tpu.dma_semaphore, #tpu.memory_space<semaphore_mem>>
      %dma_start3A_291 = arith.constant 0 : i32
      %dma_start3A_292 = arith.constant 0 : i32
      %dma_start3A_293 = tpu.memref_slice %arg7[%run_scoped3A_151, %dma_start3A_291, %dma_start3A_292] : memref<2x128x128xf32, #tpu.memory_space<vmem>> -> memref<1x128x128xf32, #tpu.memory_space<vmem>>
      %dma_start3A_294 = tpu.memref_squeeze %dma_start3A_293 : memref<1x128x128xf32, #tpu.memory_space<vmem>> -> memref<128x128xf32, #tpu.memory_space<vmem>>
      %dma_start3A_295 = arith.constant 0 : i32
      %dma_start3A_296 = tpu.memref_slice %arg5[%arg0, %add3A_150, %dma_start3A_295] : memref<2x10240x128xf32, #tpu.memory_space<hbm>> -> memref<1x128x128xf32, #tpu.memory_space<hbm>>
      %dma_start3A_297 = tpu.memref_squeeze %dma_start3A_296 : memref<1x128x128xf32, #tpu.memory_space<hbm>> -> memref<128x128xf32, #tpu.memory_space<hbm>>
      %dma_start3A_298 = arith.constant 0 : i32
      %dma_start3A_299 = tpu.memref_slice %arg5[%arg0, %add3A_150, %dma_start3A_298] : memref<2x10240x128xf32, #tpu.memory_space<hbm>> -> memref<1x128x128xf32, #tpu.memory_space<hbm>>
      %dma_start3A_300 = tpu.memref_squeeze %dma_start3A_299 : memref<1x128x128xf32, #tpu.memory_space<hbm>> -> memref<128x128xf32, #tpu.memory_space<hbm>>
      %dma_start3A_301 = arith.constant 0 : i32
      %dma_start3A_302 = arith.constant 0 : i32
      %dma_start3A_303 = tpu.memref_slice %arg7[%run_scoped3A_151, %dma_start3A_301, %dma_start3A_302] : memref<2x128x128xf32, #tpu.memory_space<vmem>> -> memref<1x128x128xf32, #tpu.memory_space<vmem>>
      %dma_start3A_304 = tpu.memref_squeeze %dma_start3A_303 : memref<1x128x128xf32, #tpu.memory_space<vmem>> -> memref<128x128xf32, #tpu.memory_space<vmem>>
      tpu.enqueue_dma source(%dma_start3A_304 : memref<128x128xf32, #tpu.memory_space<vmem>>) target(%dma_start3A_300 : memref<128x128xf32, #tpu.memory_space<hbm>>) target_semaphore(%run_scoped3A_290 : memref<!tpu.dma_semaphore, #tpu.memory_space<semaphore_mem>>)
      %dma_wait3A_305 = arith.constant 0 : i32
      %dma_wait3A_306 = arith.constant 0 : i32
      %dma_wait3A_307 = tpu.memref_slice %arg7[%run_scoped3A_151, %dma_wait3A_305, %dma_wait3A_306] : memref<2x128x128xf32, #tpu.memory_space<vmem>> -> memref<1x128x128xf32, #tpu.memory_space<vmem>>
      %dma_wait3A_308 = tpu.memref_squeeze %dma_wait3A_307 : memref<1x128x128xf32, #tpu.memory_space<vmem>> -> memref<128x128xf32, #tpu.memory_space<vmem>>
      %dma_wait3A_309 = arith.constant 0 : i32
      %dma_wait3A_310 = tpu.memref_slice %arg5[%arg0, %add3A_150, %dma_wait3A_309] : memref<2x10240x128xf32, #tpu.memory_space<hbm>> -> memref<1x128x128xf32, #tpu.memory_space<hbm>>
      %dma_wait3A_311 = tpu.memref_squeeze %dma_wait3A_310 : memref<1x128x128xf32, #tpu.memory_space<hbm>> -> memref<128x128xf32, #tpu.memory_space<hbm>>
      %dma_wait3A_312 = arith.constant 0 : i32
      %dma_wait3A_313 = tpu.memref_slice %arg5[%arg0, %add3A_150, %dma_wait3A_312] : memref<2x10240x128xf32, #tpu.memory_space<hbm>> -> memref<1x128x128xf32, #tpu.memory_space<hbm>>
      %dma_wait3A_314 = tpu.memref_squeeze %dma_wait3A_313 : memref<1x128x128xf32, #tpu.memory_space<hbm>> -> memref<128x128xf32, #tpu.memory_space<hbm>>
      %dma_wait3A_315 = arith.constant 0 : i32
      %dma_wait3A_316 = arith.constant 0 : i32
      %dma_wait3A_317 = tpu.memref_slice %arg7[%run_scoped3A_151, %dma_wait3A_315, %dma_wait3A_316] : memref<2x128x128xf32, #tpu.memory_space<vmem>> -> memref<1x128x128xf32, #tpu.memory_space<vmem>>
      %dma_wait3A_318 = tpu.memref_squeeze %dma_wait3A_317 : memref<1x128x128xf32, #tpu.memory_space<vmem>> -> memref<128x128xf32, #tpu.memory_space<vmem>>
      tpu.wait_dma2 semaphore(%run_scoped3A_290 : memref<!tpu.dma_semaphore, #tpu.memory_space<semaphore_mem>>) src(%dma_wait3A_318 : memref<128x128xf32, #tpu.memory_space<vmem>>) dst(%dma_wait3A_314 : memref<128x128xf32, #tpu.memory_space<hbm>>)
      tpu.yield
    }) : () -> ()
    %add3A_152 = arith.constant 128 : i32
    %add3A_153 = arith.addi %mul3A_97, %add3A_152 : i32
    %dma_wait3A_154 = arith.constant 1 : i32
    %dma_wait3A_155 = arith.constant 1 : i32
    %dma_wait3A_156 = arith.constant 0 : i32
    %dma_wait3A_157 = arith.constant 0 : i32
    %dma_wait3A_158 = tpu.memref_slice %arg7[%dma_wait3A_154, %dma_wait3A_156, %dma_wait3A_157] : memref<2x128x128xf32, #tpu.memory_space<vmem>> -> memref<1x128x128xf32, #tpu.memory_space<vmem>>
    %dma_wait3A_159 = tpu.memref_squeeze %dma_wait3A_158 : memref<1x128x128xf32, #tpu.memory_space<vmem>> -> memref<128x128xf32, #tpu.memory_space<vmem>>
    %dma_wait3A_160 = arith.constant 0 : i32
    %dma_wait3A_161 = tpu.memref_slice %arg6[%add3A_153, %dma_wait3A_160] : memref<10240x128xf32, #tpu.memory_space<vmem_shared>> -> memref<128x128xf32, #tpu.memory_space<vmem_shared>>
    %dma_wait3A_162 = tpu.memref_slice %arg10[%dma_wait3A_155] : memref<2x!tpu.dma_semaphore, #tpu.memory_space<semaphore_mem>> -> memref<1x!tpu.dma_semaphore, #tpu.memory_space<semaphore_mem>>
    %dma_wait3A_163 = tpu.memref_squeeze %dma_wait3A_162 : memref<1x!tpu.dma_semaphore, #tpu.memory_space<semaphore_mem>> -> memref<!tpu.dma_semaphore, #tpu.memory_space<semaphore_mem>>
    %dma_wait3A_164 = arith.constant 0 : i32
    %dma_wait3A_165 = arith.constant 0 : i32
    %dma_wait3A_166 = tpu.memref_slice %arg7[%dma_wait3A_154, %dma_wait3A_164, %dma_wait3A_165] : memref<2x128x128xf32, #tpu.memory_space<vmem>> -> memref<1x128x128xf32, #tpu.memory_space<vmem>>
    %dma_wait3A_167 = tpu.memref_squeeze %dma_wait3A_166 : memref<1x128x128xf32, #tpu.memory_space<vmem>> -> memref<128x128xf32, #tpu.memory_space<vmem>>
    %dma_wait3A_168 = arith.constant 0 : i32
    %dma_wait3A_169 = tpu.memref_slice %arg6[%add3A_153, %dma_wait3A_168] : memref<10240x128xf32, #tpu.memory_space<vmem_shared>> -> memref<128x128xf32, #tpu.memory_space<vmem_shared>>
    tpu.wait_dma2 semaphore(%dma_wait3A_163 : memref<!tpu.dma_semaphore, #tpu.memory_space<semaphore_mem>>) src(%dma_wait3A_169 : memref<128x128xf32, #tpu.memory_space<vmem_shared>>) dst(%dma_wait3A_167 : memref<128x128xf32, #tpu.memory_space<vmem>>)
    %add3A_170 = arith.constant 256 : i32
    %add3A_171 = arith.addi %mul3A_97, %add3A_170 : i32
    %dma_start3A_172 = arith.constant 0 : i32
    %dma_start3A_173 = arith.constant 0 : i32
    %dma_start3A_174 = arith.constant 0 : i32
    %dma_start3A_175 = arith.constant 0 : i32
    %dma_start3A_176 = tpu.memref_slice %arg7[%dma_start3A_172, %dma_start3A_174, %dma_start3A_175] : memref<2x128x128xf32, #tpu.memory_space<vmem>> -> memref<1x128x128xf32, #tpu.memory_space<vmem>>
    %dma_start3A_177 = tpu.memref_squeeze %dma_start3A_176 : memref<1x128x128xf32, #tpu.memory_space<vmem>> -> memref<128x128xf32, #tpu.memory_space<vmem>>
    %dma_start3A_178 = arith.constant 0 : i32
    %dma_start3A_179 = tpu.memref_slice %arg6[%add3A_171, %dma_start3A_178] : memref<10240x128xf32, #tpu.memory_space<vmem_shared>> -> memref<128x128xf32, #tpu.memory_space<vmem_shared>>
    %dma_start3A_180 = tpu.memref_slice %arg10[%dma_start3A_173] : memref<2x!tpu.dma_semaphore, #tpu.memory_space<semaphore_mem>> -> memref<1x!tpu.dma_semaphore, #tpu.memory_space<semaphore_mem>>
    %dma_start3A_181 = tpu.memref_squeeze %dma_start3A_180 : memref<1x!tpu.dma_semaphore, #tpu.memory_space<semaphore_mem>> -> memref<!tpu.dma_semaphore, #tpu.memory_space<semaphore_mem>>
    %dma_start3A_182 = arith.constant 0 : i32
    %dma_start3A_183 = arith.constant 0 : i32
    %dma_start3A_184 = tpu.memref_slice %arg7[%dma_start3A_172, %dma_start3A_182, %dma_start3A_183] : memref<2x128x128xf32, #tpu.memory_space<vmem>> -> memref<1x128x128xf32, #tpu.memory_space<vmem>>
    %dma_start3A_185 = tpu.memref_squeeze %dma_start3A_184 : memref<1x128x128xf32, #tpu.memory_space<vmem>> -> memref<128x128xf32, #tpu.memory_space<vmem>>
    %dma_start3A_186 = arith.constant 0 : i32
    %dma_start3A_187 = tpu.memref_slice %arg6[%add3A_171, %dma_start3A_186] : memref<10240x128xf32, #tpu.memory_space<vmem_shared>> -> memref<128x128xf32, #tpu.memory_space<vmem_shared>>
    tpu.enqueue_dma source(%dma_start3A_187 : memref<128x128xf32, #tpu.memory_space<vmem_shared>>) target(%dma_start3A_185 : memref<128x128xf32, #tpu.memory_space<vmem>>) target_semaphore(%dma_start3A_181 : memref<!tpu.dma_semaphore, #tpu.memory_space<semaphore_mem>>)
    %add3A_188 = arith.constant 128 : i32
    %add3A_189 = arith.addi %mul3A_97, %add3A_188 : i32
    %run_scoped3A_190 = arith.constant 1 : i32
    "tpu.region"() ({
      %run_scoped3A_290 = tpu.sem_alloc : memref<!tpu.dma_semaphore, #tpu.memory_space<semaphore_mem>>
      %dma_start3A_291 = arith.constant 0 : i32
      %dma_start3A_292 = arith.constant 0 : i32
      %dma_start3A_293 = tpu.memref_slice %arg7[%run_scoped3A_190, %dma_start3A_291, %dma_start3A_292] : memref<2x128x128xf32, #tpu.memory_space<vmem>> -> memref<1x128x128xf32, #tpu.memory_space<vmem>>
      %dma_start3A_294 = tpu.memref_squeeze %dma_start3A_293 : memref<1x128x128xf32, #tpu.memory_space<vmem>> -> memref<128x128xf32, #tpu.memory_space<vmem>>
      %dma_start3A_295 = arith.constant 0 : i32
      %dma_start3A_296 = tpu.memref_slice %arg5[%arg0, %add3A_189, %dma_start3A_295] : memref<2x10240x128xf32, #tpu.memory_space<hbm>> -> memref<1x128x128xf32, #tpu.memory_space<hbm>>
      %dma_start3A_297 = tpu.memref_squeeze %dma_start3A_296 : memref<1x128x128xf32, #tpu.memory_space<hbm>> -> memref<128x128xf32, #tpu.memory_space<hbm>>
      %dma_start3A_298 = arith.constant 0 : i32
      %dma_start3A_299 = tpu.memref_slice %arg5[%arg0, %add3A_189, %dma_start3A_298] : memref<2x10240x128xf32, #tpu.memory_space<hbm>> -> memref<1x128x128xf32, #tpu.memory_space<hbm>>
      %dma_start3A_300 = tpu.memref_squeeze %dma_start3A_299 : memref<1x128x128xf32, #tpu.memory_space<hbm>> -> memref<128x128xf32, #tpu.memory_space<hbm>>
      %dma_start3A_301 = arith.constant 0 : i32
      %dma_start3A_302 = arith.constant 0 : i32
      %dma_start3A_303 = tpu.memref_slice %arg7[%run_scoped3A_190, %dma_start3A_301, %dma_start3A_302] : memref<2x128x128xf32, #tpu.memory_space<vmem>> -> memref<1x128x128xf32, #tpu.memory_space<vmem>>
      %dma_start3A_304 = tpu.memref_squeeze %dma_start3A_303 : memref<1x128x128xf32, #tpu.memory_space<vmem>> -> memref<128x128xf32, #tpu.memory_space<vmem>>
      tpu.enqueue_dma source(%dma_start3A_304 : memref<128x128xf32, #tpu.memory_space<vmem>>) target(%dma_start3A_300 : memref<128x128xf32, #tpu.memory_space<hbm>>) target_semaphore(%run_scoped3A_290 : memref<!tpu.dma_semaphore, #tpu.memory_space<semaphore_mem>>)
      %dma_wait3A_305 = arith.constant 0 : i32
      %dma_wait3A_306 = arith.constant 0 : i32
      %dma_wait3A_307 = tpu.memref_slice %arg7[%run_scoped3A_190, %dma_wait3A_305, %dma_wait3A_306] : memref<2x128x128xf32, #tpu.memory_space<vmem>> -> memref<1x128x128xf32, #tpu.memory_space<vmem>>
      %dma_wait3A_308 = tpu.memref_squeeze %dma_wait3A_307 : memref<1x128x128xf32, #tpu.memory_space<vmem>> -> memref<128x128xf32, #tpu.memory_space<vmem>>
      %dma_wait3A_309 = arith.constant 0 : i32
      %dma_wait3A_310 = tpu.memref_slice %arg5[%arg0, %add3A_189, %dma_wait3A_309] : memref<2x10240x128xf32, #tpu.memory_space<hbm>> -> memref<1x128x128xf32, #tpu.memory_space<hbm>>
      %dma_wait3A_311 = tpu.memref_squeeze %dma_wait3A_310 : memref<1x128x128xf32, #tpu.memory_space<hbm>> -> memref<128x128xf32, #tpu.memory_space<hbm>>
      %dma_wait3A_312 = arith.constant 0 : i32
      %dma_wait3A_313 = tpu.memref_slice %arg5[%arg0, %add3A_189, %dma_wait3A_312] : memref<2x10240x128xf32, #tpu.memory_space<hbm>> -> memref<1x128x128xf32, #tpu.memory_space<hbm>>
      %dma_wait3A_314 = tpu.memref_squeeze %dma_wait3A_313 : memref<1x128x128xf32, #tpu.memory_space<hbm>> -> memref<128x128xf32, #tpu.memory_space<hbm>>
      %dma_wait3A_315 = arith.constant 0 : i32
      %dma_wait3A_316 = arith.constant 0 : i32
      %dma_wait3A_317 = tpu.memref_slice %arg7[%run_scoped3A_190, %dma_wait3A_315, %dma_wait3A_316] : memref<2x128x128xf32, #tpu.memory_space<vmem>> -> memref<1x128x128xf32, #tpu.memory_space<vmem>>
      %dma_wait3A_318 = tpu.memref_squeeze %dma_wait3A_317 : memref<1x128x128xf32, #tpu.memory_space<vmem>> -> memref<128x128xf32, #tpu.memory_space<vmem>>
      tpu.wait_dma2 semaphore(%run_scoped3A_290 : memref<!tpu.dma_semaphore, #tpu.memory_space<semaphore_mem>>) src(%dma_wait3A_318 : memref<128x128xf32, #tpu.memory_space<vmem>>) dst(%dma_wait3A_314 : memref<128x128xf32, #tpu.memory_space<hbm>>)
      tpu.yield
    }) : () -> ()
    %add3A_191 = arith.constant 256 : i32
    %add3A_192 = arith.addi %mul3A_97, %add3A_191 : i32
    %dma_wait3A_193 = arith.constant 0 : i32
    %dma_wait3A_194 = arith.constant 0 : i32
    %dma_wait3A_195 = arith.constant 0 : i32
    %dma_wait3A_196 = arith.constant 0 : i32
    %dma_wait3A_197 = tpu.memref_slice %arg7[%dma_wait3A_193, %dma_wait3A_195, %dma_wait3A_196] : memref<2x128x128xf32, #tpu.memory_space<vmem>> -> memref<1x128x128xf32, #tpu.memory_space<vmem>>
    %dma_wait3A_198 = tpu.memref_squeeze %dma_wait3A_197 : memref<1x128x128xf32, #tpu.memory_space<vmem>> -> memref<128x128xf32, #tpu.memory_space<vmem>>
    %dma_wait3A_199 = arith.constant 0 : i32
    %dma_wait3A_200 = tpu.memref_slice %arg6[%add3A_192, %dma_wait3A_199] : memref<10240x128xf32, #tpu.memory_space<vmem_shared>> -> memref<128x128xf32, #tpu.memory_space<vmem_shared>>
    %dma_wait3A_201 = tpu.memref_slice %arg10[%dma_wait3A_194] : memref<2x!tpu.dma_semaphore, #tpu.memory_space<semaphore_mem>> -> memref<1x!tpu.dma_semaphore, #tpu.memory_space<semaphore_mem>>
    %dma_wait3A_202 = tpu.memref_squeeze %dma_wait3A_201 : memref<1x!tpu.dma_semaphore, #tpu.memory_space<semaphore_mem>> -> memref<!tpu.dma_semaphore, #tpu.memory_space<semaphore_mem>>
    %dma_wait3A_203 = arith.constant 0 : i32
    %dma_wait3A_204 = arith.constant 0 : i32
    %dma_wait3A_205 = tpu.memref_slice %arg7[%dma_wait3A_193, %dma_wait3A_203, %dma_wait3A_204] : memref<2x128x128xf32, #tpu.memory_space<vmem>> -> memref<1x128x128xf32, #tpu.memory_space<vmem>>
    %dma_wait3A_206 = tpu.memref_squeeze %dma_wait3A_205 : memref<1x128x128xf32, #tpu.memory_space<vmem>> -> memref<128x128xf32, #tpu.memory_space<vmem>>
    %dma_wait3A_207 = arith.constant 0 : i32
    %dma_wait3A_208 = tpu.memref_slice %arg6[%add3A_192, %dma_wait3A_207] : memref<10240x128xf32, #tpu.memory_space<vmem_shared>> -> memref<128x128xf32, #tpu.memory_space<vmem_shared>>
    tpu.wait_dma2 semaphore(%dma_wait3A_202 : memref<!tpu.dma_semaphore, #tpu.memory_space<semaphore_mem>>) src(%dma_wait3A_208 : memref<128x128xf32, #tpu.memory_space<vmem_shared>>) dst(%dma_wait3A_206 : memref<128x128xf32, #tpu.memory_space<vmem>>)
    %add3A_209 = arith.constant 384 : i32
    %add3A_210 = arith.addi %mul3A_97, %add3A_209 : i32
    %dma_start3A_211 = arith.constant 1 : i32
    %dma_start3A_212 = arith.constant 1 : i32
    %dma_start3A_213 = arith.constant 0 : i32
    %dma_start3A_214 = arith.constant 0 : i32
    %dma_start3A_215 = tpu.memref_slice %arg7[%dma_start3A_211, %dma_start3A_213, %dma_start3A_214] : memref<2x128x128xf32, #tpu.memory_space<vmem>> -> memref<1x128x128xf32, #tpu.memory_space<vmem>>
    %dma_start3A_216 = tpu.memref_squeeze %dma_start3A_215 : memref<1x128x128xf32, #tpu.memory_space<vmem>> -> memref<128x128xf32, #tpu.memory_space<vmem>>
    %dma_start3A_217 = arith.constant 0 : i32
    %dma_start3A_218 = tpu.memref_slice %arg6[%add3A_210, %dma_start3A_217] : memref<10240x128xf32, #tpu.memory_space<vmem_shared>> -> memref<128x128xf32, #tpu.memory_space<vmem_shared>>
    %dma_start3A_219 = tpu.memref_slice %arg10[%dma_start3A_212] : memref<2x!tpu.dma_semaphore, #tpu.memory_space<semaphore_mem>> -> memref<1x!tpu.dma_semaphore, #tpu.memory_space<semaphore_mem>>
    %dma_start3A_220 = tpu.memref_squeeze %dma_start3A_219 : memref<1x!tpu.dma_semaphore, #tpu.memory_space<semaphore_mem>> -> memref<!tpu.dma_semaphore, #tpu.memory_space<semaphore_mem>>
    %dma_start3A_221 = arith.constant 0 : i32
    %dma_start3A_222 = arith.constant 0 : i32
    %dma_start3A_223 = tpu.memref_slice %arg7[%dma_start3A_211, %dma_start3A_221, %dma_start3A_222] : memref<2x128x128xf32, #tpu.memory_space<vmem>> -> memref<1x128x128xf32, #tpu.memory_space<vmem>>
    %dma_start3A_224 = tpu.memref_squeeze %dma_start3A_223 : memref<1x128x128xf32, #tpu.memory_space<vmem>> -> memref<128x128xf32, #tpu.memory_space<vmem>>
    %dma_start3A_225 = arith.constant 0 : i32
    %dma_start3A_226 = tpu.memref_slice %arg6[%add3A_210, %dma_start3A_225] : memref<10240x128xf32, #tpu.memory_space<vmem_shared>> -> memref<128x128xf32, #tpu.memory_space<vmem_shared>>
    tpu.enqueue_dma source(%dma_start3A_226 : memref<128x128xf32, #tpu.memory_space<vmem_shared>>) target(%dma_start3A_224 : memref<128x128xf32, #tpu.memory_space<vmem>>) target_semaphore(%dma_start3A_220 : memref<!tpu.dma_semaphore, #tpu.memory_space<semaphore_mem>>)
    %add3A_227 = arith.constant 256 : i32
    %add3A_228 = arith.addi %mul3A_97, %add3A_227 : i32
    %run_scoped3A_229 = arith.constant 0 : i32
    "tpu.region"() ({
      %run_scoped3A_290 = tpu.sem_alloc : memref<!tpu.dma_semaphore, #tpu.memory_space<semaphore_mem>>
      %dma_start3A_291 = arith.constant 0 : i32
      %dma_start3A_292 = arith.constant 0 : i32
      %dma_start3A_293 = tpu.memref_slice %arg7[%run_scoped3A_229, %dma_start3A_291, %dma_start3A_292] : memref<2x128x128xf32, #tpu.memory_space<vmem>> -> memref<1x128x128xf32, #tpu.memory_space<vmem>>
      %dma_start3A_294 = tpu.memref_squeeze %dma_start3A_293 : memref<1x128x128xf32, #tpu.memory_space<vmem>> -> memref<128x128xf32, #tpu.memory_space<vmem>>
      %dma_start3A_295 = arith.constant 0 : i32
      %dma_start3A_296 = tpu.memref_slice %arg5[%arg0, %add3A_228, %dma_start3A_295] : memref<2x10240x128xf32, #tpu.memory_space<hbm>> -> memref<1x128x128xf32, #tpu.memory_space<hbm>>
      %dma_start3A_297 = tpu.memref_squeeze %dma_start3A_296 : memref<1x128x128xf32, #tpu.memory_space<hbm>> -> memref<128x128xf32, #tpu.memory_space<hbm>>
      %dma_start3A_298 = arith.constant 0 : i32
      %dma_start3A_299 = tpu.memref_slice %arg5[%arg0, %add3A_228, %dma_start3A_298] : memref<2x10240x128xf32, #tpu.memory_space<hbm>> -> memref<1x128x128xf32, #tpu.memory_space<hbm>>
      %dma_start3A_300 = tpu.memref_squeeze %dma_start3A_299 : memref<1x128x128xf32, #tpu.memory_space<hbm>> -> memref<128x128xf32, #tpu.memory_space<hbm>>
      %dma_start3A_301 = arith.constant 0 : i32
      %dma_start3A_302 = arith.constant 0 : i32
      %dma_start3A_303 = tpu.memref_slice %arg7[%run_scoped3A_229, %dma_start3A_301, %dma_start3A_302] : memref<2x128x128xf32, #tpu.memory_space<vmem>> -> memref<1x128x128xf32, #tpu.memory_space<vmem>>
      %dma_start3A_304 = tpu.memref_squeeze %dma_start3A_303 : memref<1x128x128xf32, #tpu.memory_space<vmem>> -> memref<128x128xf32, #tpu.memory_space<vmem>>
      tpu.enqueue_dma source(%dma_start3A_304 : memref<128x128xf32, #tpu.memory_space<vmem>>) target(%dma_start3A_300 : memref<128x128xf32, #tpu.memory_space<hbm>>) target_semaphore(%run_scoped3A_290 : memref<!tpu.dma_semaphore, #tpu.memory_space<semaphore_mem>>)
      %dma_wait3A_305 = arith.constant 0 : i32
      %dma_wait3A_306 = arith.constant 0 : i32
      %dma_wait3A_307 = tpu.memref_slice %arg7[%run_scoped3A_229, %dma_wait3A_305, %dma_wait3A_306] : memref<2x128x128xf32, #tpu.memory_space<vmem>> -> memref<1x128x128xf32, #tpu.memory_space<vmem>>
      %dma_wait3A_308 = tpu.memref_squeeze %dma_wait3A_307 : memref<1x128x128xf32, #tpu.memory_space<vmem>> -> memref<128x128xf32, #tpu.memory_space<vmem>>
      %dma_wait3A_309 = arith.constant 0 : i32
      %dma_wait3A_310 = tpu.memref_slice %arg5[%arg0, %add3A_228, %dma_wait3A_309] : memref<2x10240x128xf32, #tpu.memory_space<hbm>> -> memref<1x128x128xf32, #tpu.memory_space<hbm>>
      %dma_wait3A_311 = tpu.memref_squeeze %dma_wait3A_310 : memref<1x128x128xf32, #tpu.memory_space<hbm>> -> memref<128x128xf32, #tpu.memory_space<hbm>>
      %dma_wait3A_312 = arith.constant 0 : i32
      %dma_wait3A_313 = tpu.memref_slice %arg5[%arg0, %add3A_228, %dma_wait3A_312] : memref<2x10240x128xf32, #tpu.memory_space<hbm>> -> memref<1x128x128xf32, #tpu.memory_space<hbm>>
      %dma_wait3A_314 = tpu.memref_squeeze %dma_wait3A_313 : memref<1x128x128xf32, #tpu.memory_space<hbm>> -> memref<128x128xf32, #tpu.memory_space<hbm>>
      %dma_wait3A_315 = arith.constant 0 : i32
      %dma_wait3A_316 = arith.constant 0 : i32
      %dma_wait3A_317 = tpu.memref_slice %arg7[%run_scoped3A_229, %dma_wait3A_315, %dma_wait3A_316] : memref<2x128x128xf32, #tpu.memory_space<vmem>> -> memref<1x128x128xf32, #tpu.memory_space<vmem>>
      %dma_wait3A_318 = tpu.memref_squeeze %dma_wait3A_317 : memref<1x128x128xf32, #tpu.memory_space<vmem>> -> memref<128x128xf32, #tpu.memory_space<vmem>>
      tpu.wait_dma2 semaphore(%run_scoped3A_290 : memref<!tpu.dma_semaphore, #tpu.memory_space<semaphore_mem>>) src(%dma_wait3A_318 : memref<128x128xf32, #tpu.memory_space<vmem>>) dst(%dma_wait3A_314 : memref<128x128xf32, #tpu.memory_space<hbm>>)
      tpu.yield
    }) : () -> ()
    %add3A_230 = arith.constant 384 : i32
    %add3A_231 = arith.addi %mul3A_97, %add3A_230 : i32
    %dma_wait3A_232 = arith.constant 1 : i32
    %dma_wait3A_233 = arith.constant 1 : i32
    %dma_wait3A_234 = arith.constant 0 : i32
    %dma_wait3A_235 = arith.constant 0 : i32
    %dma_wait3A_236 = tpu.memref_slice %arg7[%dma_wait3A_232, %dma_wait3A_234, %dma_wait3A_235] : memref<2x128x128xf32, #tpu.memory_space<vmem>> -> memref<1x128x128xf32, #tpu.memory_space<vmem>>
    %dma_wait3A_237 = tpu.memref_squeeze %dma_wait3A_236 : memref<1x128x128xf32, #tpu.memory_space<vmem>> -> memref<128x128xf32, #tpu.memory_space<vmem>>
    %dma_wait3A_238 = arith.constant 0 : i32
    %dma_wait3A_239 = tpu.memref_slice %arg6[%add3A_231, %dma_wait3A_238] : memref<10240x128xf32, #tpu.memory_space<vmem_shared>> -> memref<128x128xf32, #tpu.memory_space<vmem_shared>>
    %dma_wait3A_240 = tpu.memref_slice %arg10[%dma_wait3A_233] : memref<2x!tpu.dma_semaphore, #tpu.memory_space<semaphore_mem>> -> memref<1x!tpu.dma_semaphore, #tpu.memory_space<semaphore_mem>>
    %dma_wait3A_241 = tpu.memref_squeeze %dma_wait3A_240 : memref<1x!tpu.dma_semaphore, #tpu.memory_space<semaphore_mem>> -> memref<!tpu.dma_semaphore, #tpu.memory_space<semaphore_mem>>
    %dma_wait3A_242 = arith.constant 0 : i32
    %dma_wait3A_243 = arith.constant 0 : i32
    %dma_wait3A_244 = tpu.memref_slice %arg7[%dma_wait3A_232, %dma_wait3A_242, %dma_wait3A_243] : memref<2x128x128xf32, #tpu.memory_space<vmem>> -> memref<1x128x128xf32, #tpu.memory_space<vmem>>
    %dma_wait3A_245 = tpu.memref_squeeze %dma_wait3A_244 : memref<1x128x128xf32, #tpu.memory_space<vmem>> -> memref<128x128xf32, #tpu.memory_space<vmem>>
    %dma_wait3A_246 = arith.constant 0 : i32
    %dma_wait3A_247 = tpu.memref_slice %arg6[%add3A_231, %dma_wait3A_246] : memref<10240x128xf32, #tpu.memory_space<vmem_shared>> -> memref<128x128xf32, #tpu.memory_space<vmem_shared>>
    tpu.wait_dma2 semaphore(%dma_wait3A_241 : memref<!tpu.dma_semaphore, #tpu.memory_space<semaphore_mem>>) src(%dma_wait3A_247 : memref<128x128xf32, #tpu.memory_space<vmem_shared>>) dst(%dma_wait3A_245 : memref<128x128xf32, #tpu.memory_space<vmem>>)
    %add3A_248 = arith.constant 512 : i32
    %add3A_249 = arith.addi %mul3A_97, %add3A_248 : i32
    %dma_start3A_250 = arith.constant 0 : i32
    %dma_start3A_251 = arith.constant 0 : i32
    %dma_start3A_252 = arith.constant 0 : i32
    %dma_start3A_253 = arith.constant 0 : i32
    %dma_start3A_254 = tpu.memref_slice %arg7[%dma_start3A_250, %dma_start3A_252, %dma_start3A_253] : memref<2x128x128xf32, #tpu.memory_space<vmem>> -> memref<1x128x128xf32, #tpu.memory_space<vmem>>
    %dma_start3A_255 = tpu.memref_squeeze %dma_start3A_254 : memref<1x128x128xf32, #tpu.memory_space<vmem>> -> memref<128x128xf32, #tpu.memory_space<vmem>>
    %dma_start3A_256 = arith.constant 0 : i32
    %dma_start3A_257 = tpu.memref_slice %arg6[%add3A_249, %dma_start3A_256] : memref<10240x128xf32, #tpu.memory_space<vmem_shared>> -> memref<128x128xf32, #tpu.memory_space<vmem_shared>>
    %dma_start3A_258 = tpu.memref_slice %arg10[%dma_start3A_251] : memref<2x!tpu.dma_semaphore, #tpu.memory_space<semaphore_mem>> -> memref<1x!tpu.dma_semaphore, #tpu.memory_space<semaphore_mem>>
    %dma_start3A_259 = tpu.memref_squeeze %dma_start3A_258 : memref<1x!tpu.dma_semaphore, #tpu.memory_space<semaphore_mem>> -> memref<!tpu.dma_semaphore, #tpu.memory_space<semaphore_mem>>
    %dma_start3A_260 = arith.constant 0 : i32
    %dma_start3A_261 = arith.constant 0 : i32
    %dma_start3A_262 = tpu.memref_slice %arg7[%dma_start3A_250, %dma_start3A_260, %dma_start3A_261] : memref<2x128x128xf32, #tpu.memory_space<vmem>> -> memref<1x128x128xf32, #tpu.memory_space<vmem>>
    %dma_start3A_263 = tpu.memref_squeeze %dma_start3A_262 : memref<1x128x128xf32, #tpu.memory_space<vmem>> -> memref<128x128xf32, #tpu.memory_space<vmem>>
    %dma_start3A_264 = arith.constant 0 : i32
    %dma_start3A_265 = tpu.memref_slice %arg6[%add3A_249, %dma_start3A_264] : memref<10240x128xf32, #tpu.memory_space<vmem_shared>> -> memref<128x128xf32, #tpu.memory_space<vmem_shared>>
    tpu.enqueue_dma source(%dma_start3A_265 : memref<128x128xf32, #tpu.memory_space<vmem_shared>>) target(%dma_start3A_263 : memref<128x128xf32, #tpu.memory_space<vmem>>) target_semaphore(%dma_start3A_259 : memref<!tpu.dma_semaphore, #tpu.memory_space<semaphore_mem>>)
    %add3A_266 = arith.constant 384 : i32
    %add3A_267 = arith.addi %mul3A_97, %add3A_266 : i32
    %run_scoped3A_268 = arith.constant 1 : i32
    "tpu.region"() ({
      %run_scoped3A_290 = tpu.sem_alloc : memref<!tpu.dma_semaphore, #tpu.memory_space<semaphore_mem>>
      %dma_start3A_291 = arith.constant 0 : i32
      %dma_start3A_292 = arith.constant 0 : i32
      %dma_start3A_293 = tpu.memref_slice %arg7[%run_scoped3A_268, %dma_start3A_291, %dma_start3A_292] : memref<2x128x128xf32, #tpu.memory_space<vmem>> -> memref<1x128x128xf32, #tpu.memory_space<vmem>>
      %dma_start3A_294 = tpu.memref_squeeze %dma_start3A_293 : memref<1x128x128xf32, #tpu.memory_space<vmem>> -> memref<128x128xf32, #tpu.memory_space<vmem>>
      %dma_start3A_295 = arith.constant 0 : i32
      %dma_start3A_296 = tpu.memref_slice %arg5[%arg0, %add3A_267, %dma_start3A_295] : memref<2x10240x128xf32, #tpu.memory_space<hbm>> -> memref<1x128x128xf32, #tpu.memory_space<hbm>>
      %dma_start3A_297 = tpu.memref_squeeze %dma_start3A_296 : memref<1x128x128xf32, #tpu.memory_space<hbm>> -> memref<128x128xf32, #tpu.memory_space<hbm>>
      %dma_start3A_298 = arith.constant 0 : i32
      %dma_start3A_299 = tpu.memref_slice %arg5[%arg0, %add3A_267, %dma_start3A_298] : memref<2x10240x128xf32, #tpu.memory_space<hbm>> -> memref<1x128x128xf32, #tpu.memory_space<hbm>>
      %dma_start3A_300 = tpu.memref_squeeze %dma_start3A_299 : memref<1x128x128xf32, #tpu.memory_space<hbm>> -> memref<128x128xf32, #tpu.memory_space<hbm>>
      %dma_start3A_301 = arith.constant 0 : i32
      %dma_start3A_302 = arith.constant 0 : i32
      %dma_start3A_303 = tpu.memref_slice %arg7[%run_scoped3A_268, %dma_start3A_301, %dma_start3A_302] : memref<2x128x128xf32, #tpu.memory_space<vmem>> -> memref<1x128x128xf32, #tpu.memory_space<vmem>>
      %dma_start3A_304 = tpu.memref_squeeze %dma_start3A_303 : memref<1x128x128xf32, #tpu.memory_space<vmem>> -> memref<128x128xf32, #tpu.memory_space<vmem>>
      tpu.enqueue_dma source(%dma_start3A_304 : memref<128x128xf32, #tpu.memory_space<vmem>>) target(%dma_start3A_300 : memref<128x128xf32, #tpu.memory_space<hbm>>) target_semaphore(%run_scoped3A_290 : memref<!tpu.dma_semaphore, #tpu.memory_space<semaphore_mem>>)
      %dma_wait3A_305 = arith.constant 0 : i32
      %dma_wait3A_306 = arith.constant 0 : i32
      %dma_wait3A_307 = tpu.memref_slice %arg7[%run_scoped3A_268, %dma_wait3A_305, %dma_wait3A_306] : memref<2x128x128xf32, #tpu.memory_space<vmem>> -> memref<1x128x128xf32, #tpu.memory_space<vmem>>
      %dma_wait3A_308 = tpu.memref_squeeze %dma_wait3A_307 : memref<1x128x128xf32, #tpu.memory_space<vmem>> -> memref<128x128xf32, #tpu.memory_space<vmem>>
      %dma_wait3A_309 = arith.constant 0 : i32
      %dma_wait3A_310 = tpu.memref_slice %arg5[%arg0, %add3A_267, %dma_wait3A_309] : memref<2x10240x128xf32, #tpu.memory_space<hbm>> -> memref<1x128x128xf32, #tpu.memory_space<hbm>>
      %dma_wait3A_311 = tpu.memref_squeeze %dma_wait3A_310 : memref<1x128x128xf32, #tpu.memory_space<hbm>> -> memref<128x128xf32, #tpu.memory_space<hbm>>
      %dma_wait3A_312 = arith.constant 0 : i32
      %dma_wait3A_313 = tpu.memref_slice %arg5[%arg0, %add3A_267, %dma_wait3A_312] : memref<2x10240x128xf32, #tpu.memory_space<hbm>> -> memref<1x128x128xf32, #tpu.memory_space<hbm>>
      %dma_wait3A_314 = tpu.memref_squeeze %dma_wait3A_313 : memref<1x128x128xf32, #tpu.memory_space<hbm>> -> memref<128x128xf32, #tpu.memory_space<hbm>>
      %dma_wait3A_315 = arith.constant 0 : i32
      %dma_wait3A_316 = arith.constant 0 : i32
      %dma_wait3A_317 = tpu.memref_slice %arg7[%run_scoped3A_268, %dma_wait3A_315, %dma_wait3A_316] : memref<2x128x128xf32, #tpu.memory_space<vmem>> -> memref<1x128x128xf32, #tpu.memory_space<vmem>>
      %dma_wait3A_318 = tpu.memref_squeeze %dma_wait3A_317 : memref<1x128x128xf32, #tpu.memory_space<vmem>> -> memref<128x128xf32, #tpu.memory_space<vmem>>
      tpu.wait_dma2 semaphore(%run_scoped3A_290 : memref<!tpu.dma_semaphore, #tpu.memory_space<semaphore_mem>>) src(%dma_wait3A_318 : memref<128x128xf32, #tpu.memory_space<vmem>>) dst(%dma_wait3A_314 : memref<128x128xf32, #tpu.memory_space<hbm>>)
      tpu.yield
    }) : () -> ()
    %add3A_269 = arith.constant 512 : i32
    %add3A_270 = arith.addi %mul3A_97, %add3A_269 : i32
    %dma_wait3A_271 = arith.constant 0 : i32
    %dma_wait3A_272 = arith.constant 0 : i32
    %dma_wait3A_273 = arith.constant 0 : i32
    %dma_wait3A_274 = arith.constant 0 : i32
    %dma_wait3A_275 = tpu.memref_slice %arg7[%dma_wait3A_271, %dma_wait3A_273, %dma_wait3A_274] : memref<2x128x128xf32, #tpu.memory_space<vmem>> -> memref<1x128x128xf32, #tpu.memory_space<vmem>>
    %dma_wait3A_276 = tpu.memref_squeeze %dma_wait3A_275 : memref<1x128x128xf32, #tpu.memory_space<vmem>> -> memref<128x128xf32, #tpu.memory_space<vmem>>
    %dma_wait3A_277 = arith.constant 0 : i32
    %dma_wait3A_278 = tpu.memref_slice %arg6[%add3A_270, %dma_wait3A_277] : memref<10240x128xf32, #tpu.memory_space<vmem_shared>> -> memref<128x128xf32, #tpu.memory_space<vmem_shared>>
    %dma_wait3A_279 = tpu.memref_slice %arg10[%dma_wait3A_272] : memref<2x!tpu.dma_semaphore, #tpu.memory_space<semaphore_mem>> -> memref<1x!tpu.dma_semaphore, #tpu.memory_space<semaphore_mem>>
    %dma_wait3A_280 = tpu.memref_squeeze %dma_wait3A_279 : memref<1x!tpu.dma_semaphore, #tpu.memory_space<semaphore_mem>> -> memref<!tpu.dma_semaphore, #tpu.memory_space<semaphore_mem>>
    %dma_wait3A_281 = arith.constant 0 : i32
    %dma_wait3A_282 = arith.constant 0 : i32
    %dma_wait3A_283 = tpu.memref_slice %arg7[%dma_wait3A_271, %dma_wait3A_281, %dma_wait3A_282] : memref<2x128x128xf32, #tpu.memory_space<vmem>> -> memref<1x128x128xf32, #tpu.memory_space<vmem>>
    %dma_wait3A_284 = tpu.memref_squeeze %dma_wait3A_283 : memref<1x128x128xf32, #tpu.memory_space<vmem>> -> memref<128x128xf32, #tpu.memory_space<vmem>>
    %dma_wait3A_285 = arith.constant 0 : i32
    %dma_wait3A_286 = tpu.memref_slice %arg6[%add3A_270, %dma_wait3A_285] : memref<10240x128xf32, #tpu.memory_space<vmem_shared>> -> memref<128x128xf32, #tpu.memory_space<vmem_shared>>
    tpu.wait_dma2 semaphore(%dma_wait3A_280 : memref<!tpu.dma_semaphore, #tpu.memory_space<semaphore_mem>>) src(%dma_wait3A_286 : memref<128x128xf32, #tpu.memory_space<vmem_shared>>) dst(%dma_wait3A_284 : memref<128x128xf32, #tpu.memory_space<vmem>>)
    %add3A_287 = arith.constant 512 : i32
    %add3A_288 = arith.addi %mul3A_97, %add3A_287 : i32
    %run_scoped3A_289 = arith.constant 0 : i32
    "tpu.region"() ({
      %run_scoped3A_290 = tpu.sem_alloc : memref<!tpu.dma_semaphore, #tpu.memory_space<semaphore_mem>>
      %dma_start3A_291 = arith.constant 0 : i32
      %dma_start3A_292 = arith.constant 0 : i32
      %dma_start3A_293 = tpu.memref_slice %arg7[%run_scoped3A_289, %dma_start3A_291, %dma_start3A_292] : memref<2x128x128xf32, #tpu.memory_space<vmem>> -> memref<1x128x128xf32, #tpu.memory_space<vmem>>
      %dma_start3A_294 = tpu.memref_squeeze %dma_start3A_293 : memref<1x128x128xf32, #tpu.memory_space<vmem>> -> memref<128x128xf32, #tpu.memory_space<vmem>>
      %dma_start3A_295 = arith.constant 0 : i32
      %dma_start3A_296 = tpu.memref_slice %arg5[%arg0, %add3A_288, %dma_start3A_295] : memref<2x10240x128xf32, #tpu.memory_space<hbm>> -> memref<1x128x128xf32, #tpu.memory_space<hbm>>
      %dma_start3A_297 = tpu.memref_squeeze %dma_start3A_296 : memref<1x128x128xf32, #tpu.memory_space<hbm>> -> memref<128x128xf32, #tpu.memory_space<hbm>>
      %dma_start3A_298 = arith.constant 0 : i32
      %dma_start3A_299 = tpu.memref_slice %arg5[%arg0, %add3A_288, %dma_start3A_298] : memref<2x10240x128xf32, #tpu.memory_space<hbm>> -> memref<1x128x128xf32, #tpu.memory_space<hbm>>
      %dma_start3A_300 = tpu.memref_squeeze %dma_start3A_299 : memref<1x128x128xf32, #tpu.memory_space<hbm>> -> memref<128x128xf32, #tpu.memory_space<hbm>>
      %dma_start3A_301 = arith.constant 0 : i32
      %dma_start3A_302 = arith.constant 0 : i32
      %dma_start3A_303 = tpu.memref_slice %arg7[%run_scoped3A_289, %dma_start3A_301, %dma_start3A_302] : memref<2x128x128xf32, #tpu.memory_space<vmem>> -> memref<1x128x128xf32, #tpu.memory_space<vmem>>
      %dma_start3A_304 = tpu.memref_squeeze %dma_start3A_303 : memref<1x128x128xf32, #tpu.memory_space<vmem>> -> memref<128x128xf32, #tpu.memory_space<vmem>>
      tpu.enqueue_dma source(%dma_start3A_304 : memref<128x128xf32, #tpu.memory_space<vmem>>) target(%dma_start3A_300 : memref<128x128xf32, #tpu.memory_space<hbm>>) target_semaphore(%run_scoped3A_290 : memref<!tpu.dma_semaphore, #tpu.memory_space<semaphore_mem>>)
      %dma_wait3A_305 = arith.constant 0 : i32
      %dma_wait3A_306 = arith.constant 0 : i32
      %dma_wait3A_307 = tpu.memref_slice %arg7[%run_scoped3A_289, %dma_wait3A_305, %dma_wait3A_306] : memref<2x128x128xf32, #tpu.memory_space<vmem>> -> memref<1x128x128xf32, #tpu.memory_space<vmem>>
      %dma_wait3A_308 = tpu.memref_squeeze %dma_wait3A_307 : memref<1x128x128xf32, #tpu.memory_space<vmem>> -> memref<128x128xf32, #tpu.memory_space<vmem>>
      %dma_wait3A_309 = arith.constant 0 : i32
      %dma_wait3A_310 = tpu.memref_slice %arg5[%arg0, %add3A_288, %dma_wait3A_309] : memref<2x10240x128xf32, #tpu.memory_space<hbm>> -> memref<1x128x128xf32, #tpu.memory_space<hbm>>
      %dma_wait3A_311 = tpu.memref_squeeze %dma_wait3A_310 : memref<1x128x128xf32, #tpu.memory_space<hbm>> -> memref<128x128xf32, #tpu.memory_space<hbm>>
      %dma_wait3A_312 = arith.constant 0 : i32
      %dma_wait3A_313 = tpu.memref_slice %arg5[%arg0, %add3A_288, %dma_wait3A_312] : memref<2x10240x128xf32, #tpu.memory_space<hbm>> -> memref<1x128x128xf32, #tpu.memory_space<hbm>>
      %dma_wait3A_314 = tpu.memref_squeeze %dma_wait3A_313 : memref<1x128x128xf32, #tpu.memory_space<hbm>> -> memref<128x128xf32, #tpu.memory_space<hbm>>
      %dma_wait3A_315 = arith.constant 0 : i32
      %dma_wait3A_316 = arith.constant 0 : i32
      %dma_wait3A_317 = tpu.memref_slice %arg7[%run_scoped3A_289, %dma_wait3A_315, %dma_wait3A_316] : memref<2x128x128xf32, #tpu.memory_space<vmem>> -> memref<1x128x128xf32, #tpu.memory_space<vmem>>
      %dma_wait3A_318 = tpu.memref_squeeze %dma_wait3A_317 : memref<1x128x128xf32, #tpu.memory_space<vmem>> -> memref<128x128xf32, #tpu.memory_space<vmem>>
      tpu.wait_dma2 semaphore(%run_scoped3A_290 : memref<!tpu.dma_semaphore, #tpu.memory_space<semaphore_mem>>) src(%dma_wait3A_318 : memref<128x128xf32, #tpu.memory_space<vmem>>) dst(%dma_wait3A_314 : memref<128x128xf32, #tpu.memory_space<hbm>>)
      tpu.yield
    }) : () -> ()
    return
  }
}

module attributes {stable_mosaic.version = 14 : i64} {
  func.func @_mm1_body(%arg0: i32, %arg1: memref<512x256xf32, #tpu.memory_space<vmem>>, %arg2: memref<256x256xf32, #tpu.memory_space<vmem>>, %arg3: memref<2x512x128xf32, #tpu.memory_space<vmem>>, %arg4: memref<512x256xf32, #tpu.memory_space<vmem>>, %arg5: memref<2x512x128xf32, #tpu.memory_space<vmem>>) attributes {dimension_semantics = [#tpu.dimension_semantics<arbitrary>], iteration_bounds = array<i64: 20>, scalar_prefetch = 0 : i64, scratch_operands = 0 : i64, tpu.core_type = #tpu.core_type<tc>, window_params = [{transform_indices = @transform_0, window_bounds = array<i64: 512, 256>}, {pipeline_mode = #tpu.pipeline_mode<synchronous>, transform_indices = @transform_1, window_bounds = array<i64: 256, 256>}, {transform_indices = @transform_2, window_bounds = array<i64: 2, 512, 128>}, {transform_indices = @transform_3, window_bounds = array<i64: 512, 256>}, {transform_indices = @transform_4, window_bounds = array<i64: 2, 512, 128>}]} {
    %get3A = arith.constant 0 : index
    %get3A_0 = arith.constant 0 : index
    %get3A_1 = arith.constant 0 : index
    %get3A_2 = vector.load %arg3[%get3A, %get3A_0, %get3A_1] : memref<2x512x128xf32, #tpu.memory_space<vmem>>, vector<1x512x1xf32>
    %get3A_3 = vector.shape_cast %get3A_2 : vector<1x512x1xf32> to vector<512x1xf32>
    %get3A_4 = arith.constant 1 : index
    %get3A_5 = arith.constant 0 : index
    %get3A_6 = arith.constant 0 : index
    %get3A_7 = vector.load %arg3[%get3A_4, %get3A_5, %get3A_6] : memref<2x512x128xf32, #tpu.memory_space<vmem>>, vector<1x512x1xf32>
    %get3A_8 = vector.shape_cast %get3A_7 : vector<1x512x1xf32> to vector<512x1xf32>
    %add3A = arith.addf %get3A_3, %get3A_8 : vector<512x1xf32>
    %add3A_9 = arith.constant 1.000000e+00 : f32
    %add3A_10 = vector.broadcast %add3A_9 : f32 to vector<512x1xf32>
    %add3A_11 = arith.addf %add3A, %add3A_10 : vector<512x1xf32>
    %rsqrt3A = math.rsqrt %add3A_11 : vector<512x1xf32>
    %get3A_12 = arith.constant 0 : index
    %get3A_13 = arith.constant 0 : index
    %get3A_14 = vector.load %arg1[%get3A_12, %get3A_13] : memref<512x256xf32, #tpu.memory_space<vmem>>, vector<512x256xf32>
    %get3A_15 = arith.constant 0 : index
    %get3A_16 = arith.constant 0 : index
    %get3A_17 = vector.load %arg2[%get3A_15, %get3A_16] : memref<256x256xf32, #tpu.memory_space<vmem>>, vector<256x256xf32>
    %dot_general3A = arith.constant dense<0.000000e+00> : vector<512x256xf32>
    %dot_general3A_18 = tpu.matmul %get3A_14, %get3A_17, %dot_general3A {dimension_numbers = #tpu.dot_dimension_numbers<[1], [0], [0], [1], [0, 0, 1, 1], [], []>, transpose_lhs_hint = false} : vector<512x256xf32>, vector<256x256xf32>, vector<512x256xf32> -> vector<512x256xf32>
    %swap3A = arith.constant 0 : index
    %swap3A_19 = arith.constant 0 : index
    %swap3A_20 = vector.load %arg4[%swap3A, %swap3A_19] : memref<512x256xf32, #tpu.memory_space<vmem>>, vector<512x256xf32>
    tpu.vector_store %arg4[%swap3A, %swap3A_19], %dot_general3A_18 {strides = array<i32>} : memref<512x256xf32, #tpu.memory_space<vmem>>, vector<512x256xf32>,
    %mul3A = vector.broadcast %rsqrt3A : vector<512x1xf32> to vector<512x256xf32>
    %mul3A_21 = arith.mulf %dot_general3A_18, %mul3A : vector<512x256xf32>
    %slice3A = vector.extract_strided_slice %mul3A_21 {offsets = [0, 0], sizes = [512, 128], strides = [1, 1]} : vector<512x256xf32> to vector<512x128xf32>
    %swap3A_22 = arith.constant 0 : index
    %swap3A_23 = arith.constant 0 : index
    %swap3A_24 = arith.constant 0 : index
    %swap3A_25 = vector.load %arg5[%swap3A_22, %swap3A_23, %swap3A_24] : memref<2x512x128xf32, #tpu.memory_space<vmem>>, vector<1x512x128xf32>
    %swap3A_26 = vector.shape_cast %swap3A_25 : vector<1x512x128xf32> to vector<512x128xf32>
    %swap3A_27 = vector.shape_cast %slice3A : vector<512x128xf32> to vector<1x512x128xf32>
    tpu.vector_store %arg5[%swap3A_22, %swap3A_23, %swap3A_24], %swap3A_27 {strides = array<i32>} : memref<2x512x128xf32, #tpu.memory_space<vmem>>, vector<1x512x128xf32>,
    %slice3A_28 = vector.extract_strided_slice %mul3A_21 {offsets = [0, 128], sizes = [512, 128], strides = [1, 1]} : vector<512x256xf32> to vector<512x128xf32>
    %swap3A_29 = arith.constant 1 : index
    %swap3A_30 = arith.constant 0 : index
    %swap3A_31 = arith.constant 0 : index
    %swap3A_32 = vector.load %arg5[%swap3A_29, %swap3A_30, %swap3A_31] : memref<2x512x128xf32, #tpu.memory_space<vmem>>, vector<1x512x128xf32>
    %swap3A_33 = vector.shape_cast %swap3A_32 : vector<1x512x128xf32> to vector<512x128xf32>
    %swap3A_34 = vector.shape_cast %slice3A_28 : vector<512x128xf32> to vector<1x512x128xf32>
    tpu.vector_store %arg5[%swap3A_29, %swap3A_30, %swap3A_31], %swap3A_34 {strides = array<i32>} : memref<2x512x128xf32, #tpu.memory_space<vmem>>, vector<1x512x128xf32>,
    return
  }
  func.func @transform_0(%arg0: i32) -> (i32, i32) {
    %c0_i32 = arith.constant 0 : i32
    %c0_i32_0 = arith.constant 0 : i32
    return %arg0, %c0_i32 : i32, i32
  }
  func.func @transform_1(%arg0: i32) -> (i32, i32) {
    %c0_i32 = arith.constant 0 : i32
    %c0_i32_0 = arith.constant 0 : i32
    %c0_i32_1 = arith.constant 0 : i32
    return %c0_i32, %c0_i32_0 : i32, i32
  }
  func.func @transform_2(%arg0: i32) -> (i32, i32, i32) {
    %c0_i32 = arith.constant 0 : i32
    %c0_i32_0 = arith.constant 0 : i32
    %c0_i32_1 = arith.constant 0 : i32
    return %c0_i32, %arg0, %c0_i32_0 : i32, i32, i32
  }
  func.func @transform_3(%arg0: i32) -> (i32, i32) {
    %c0_i32 = arith.constant 0 : i32
    %c0_i32_0 = arith.constant 0 : i32
    return %arg0, %c0_i32 : i32, i32
  }
  func.func @transform_4(%arg0: i32) -> (i32, i32, i32) {
    %c0_i32 = arith.constant 0 : i32
    %c0_i32_0 = arith.constant 0 : i32
    %c0_i32_1 = arith.constant 0 : i32
    return %c0_i32, %arg0, %c0_i32_0 : i32, i32, i32
  }
}

module attributes {stable_mosaic.version = 14 : i64} {
  func.func @_pm_body(%arg0: i32, %arg1: memref<2x512x128xf32, #tpu.memory_space<vmem>>, %arg2: memref<512x256xf32, #tpu.memory_space<vmem>>, %arg3: memref<2x512x128xf32, #tpu.memory_space<vmem>>, %arg4: memref<8x256xf32, #tpu.memory_space<vmem>>, %arg5: memref<8x256xf32, #tpu.memory_space<vmem>>, %arg6: memref<8x256xf32, #tpu.memory_space<vmem>>, %arg7: memref<256x256xf32, #tpu.memory_space<vmem>>, %arg8: memref<512x256xf32, #tpu.memory_space<vmem>>, %arg9: memref<2x512x128xf32, #tpu.memory_space<vmem>>, %arg10: memref<10240x256xf32, #tpu.memory_space<vmem>>, %arg11: memref<8x256xf32, #tpu.memory_space<vmem>>) attributes {dimension_semantics = [#tpu.dimension_semantics<arbitrary>], iteration_bounds = array<i64: 40>, scalar_prefetch = 0 : i64, scratch_operands = 2 : i64, tpu.core_type = #tpu.core_type<tc>, window_params = [{transform_indices = @transform_0, window_bounds = array<i64: 2, 512, 128>}, {transform_indices = @transform_1, window_bounds = array<i64: 512, 256>}, {transform_indices = @transform_2, window_bounds = array<i64: 2, 512, 128>}, {pipeline_mode = #tpu.pipeline_mode<synchronous>, transform_indices = @transform_3, window_bounds = array<i64: 8, 256>}, {pipeline_mode = #tpu.pipeline_mode<synchronous>, transform_indices = @transform_4, window_bounds = array<i64: 8, 256>}, {pipeline_mode = #tpu.pipeline_mode<synchronous>, transform_indices = @transform_5, window_bounds = array<i64: 8, 256>}, {pipeline_mode = #tpu.pipeline_mode<synchronous>, transform_indices = @transform_6, window_bounds = array<i64: 256, 256>}, {transform_indices = @transform_7, window_bounds = array<i64: 512, 256>}, {transform_indices = @transform_8, window_bounds = array<i64: 2, 512, 128>}]} {
    %lt3A = arith.constant 20 : i32
    %lt3A_0 = arith.cmpi slt, %arg0, %lt3A : i32
    %convert_element_type3A = arith.extui %lt3A_0 : i1 to i32
    %cond3A = arith.constant 0 : i32
    %cond3A_1 = arith.cmpi ne, %convert_element_type3A, %cond3A : i32
    scf.if %cond3A_1 {
      %eq3A = arith.constant 0 : i32
      %eq3A_6 = arith.cmpi eq, %arg0, %eq3A : i32
      %convert_element_type3A_7 = arith.extui %eq3A_6 : i1 to i32
      %cond3A_8 = arith.constant 0 : i32
      %cond3A_9 = arith.cmpi ne, %convert_element_type3A_7, %cond3A_8 : i32
      scf.if %cond3A_9 {
        %broadcast_in_dim3A_78 = arith.constant 0.000000e+00 : f32
        %broadcast_in_dim3A_79 = vector.broadcast %broadcast_in_dim3A_78 : f32 to vector<8x256xf32>
        %swap3A_80 = arith.constant 0 : index
        %swap3A_81 = arith.constant 0 : index
        %swap3A_82 = vector.load %arg11[%swap3A_80, %swap3A_81] : memref<8x256xf32, #tpu.memory_space<vmem>>, vector<8x256xf32>
        tpu.vector_store %arg11[%swap3A_80, %swap3A_81], %broadcast_in_dim3A_79 {strides = array<i32>} : memref<8x256xf32, #tpu.memory_space<vmem>>, vector<8x256xf32>,
      } else {
      }
      %get3A = arith.constant 0 : index
      %get3A_10 = arith.constant 0 : index
      %get3A_11 = arith.constant 0 : index
      %get3A_12 = vector.load %arg3[%get3A, %get3A_10, %get3A_11] : memref<2x512x128xf32, #tpu.memory_space<vmem>>, vector<1x512x1xf32>
      %get3A_13 = vector.shape_cast %get3A_12 : vector<1x512x1xf32> to vector<512x1xf32>
      %get3A_14 = arith.constant 1 : index
      %get3A_15 = arith.constant 0 : index
      %get3A_16 = arith.constant 0 : index
      %get3A_17 = vector.load %arg3[%get3A_14, %get3A_15, %get3A_16] : memref<2x512x128xf32, #tpu.memory_space<vmem>>, vector<1x512x1xf32>
      %get3A_18 = vector.shape_cast %get3A_17 : vector<1x512x1xf32> to vector<512x1xf32>
      %add3A = arith.addf %get3A_13, %get3A_18 : vector<512x1xf32>
      %add3A_19 = arith.constant 1.000000e+00 : f32
      %add3A_20 = vector.broadcast %add3A_19 : f32 to vector<512x1xf32>
      %add3A_21 = arith.addf %add3A, %add3A_20 : vector<512x1xf32>
      %rsqrt3A = math.rsqrt %add3A_21 : vector<512x1xf32>
      %get3A_22 = arith.constant 0 : index
      %get3A_23 = arith.constant 0 : index
      %get3A_24 = arith.constant 0 : index
      %get3A_25 = vector.load %arg1[%get3A_22, %get3A_23, %get3A_24] : memref<2x512x128xf32, #tpu.memory_space<vmem>>, vector<1x512x128xf32>
      %get3A_26 = vector.shape_cast %get3A_25 : vector<1x512x128xf32> to vector<512x128xf32>
      %get3A_27 = arith.constant 1 : index
      %get3A_28 = arith.constant 0 : index
      %get3A_29 = arith.constant 0 : index
      %get3A_30 = vector.load %arg1[%get3A_27, %get3A_28, %get3A_29] : memref<2x512x128xf32, #tpu.memory_space<vmem>>, vector<1x512x128xf32>
      %get3A_31 = vector.shape_cast %get3A_30 : vector<1x512x128xf32> to vector<512x128xf32>
      %concatenate3A = tpu.concatenate %get3A_26, %get3A_31 in 1 : vector<512x128xf32>, vector<512x128xf32> -> vector<512x256xf32>
      %mul3A = vector.broadcast %rsqrt3A : vector<512x1xf32> to vector<512x256xf32>
      %mul3A_32 = arith.mulf %mul3A, %concatenate3A : vector<512x256xf32>
      %get3A_33 = arith.constant 0 : index
      %get3A_34 = arith.constant 0 : index
      %get3A_35 = vector.load %arg2[%get3A_33, %get3A_34] : memref<512x256xf32, #tpu.memory_space<vmem>>, vector<512x256xf32>
      %div3A = vector.broadcast %add3A_21 : vector<512x1xf32> to vector<512x256xf32>
      %div3A_36 = arith.divf %get3A_35, %div3A : vector<512x256xf32>
      %add3A_37 = arith.addf %mul3A_32, %div3A_36 : vector<512x256xf32>
      %get3A_38 = arith.constant 0 : index
      %get3A_39 = arith.constant 0 : index
      %get3A_40 = vector.load %arg4[%get3A_38, %get3A_39] : memref<8x256xf32, #tpu.memory_space<vmem>>, vector<1x256xf32>
      %add3A_41 = vector.broadcast %get3A_40 : vector<1x256xf32> to vector<512x256xf32>
      %add3A_42 = arith.addf %add3A_37, %add3A_41 : vector<512x256xf32>
      %max3A = arith.constant 0.000000e+00 : f32
      %max3A_43 = vector.broadcast %max3A : f32 to vector<512x256xf32>
      %max3A_44 = arith.maximumf %add3A_42, %max3A_43 : vector<512x256xf32>
      %mul3A_45 = arith.constant 512 : i32
      %mul3A_46 = arith.muli %arg0, %mul3A_45 : i32
      %iota3A = tpu.iota {dimensions = array<i32: 0>} : vector<512x1xi32>
      %add3A_47 = vector.broadcast %mul3A_46 : i32 to vector<512x1xi32>
      %add3A_48 = arith.addi %add3A_47, %iota3A : vector<512x1xi32>
      %lt3A_49 = arith.constant 10000 : i32
      %lt3A_50 = vector.broadcast %lt3A_49 : i32 to vector<512x1xi32>
      %lt3A_51 = arith.cmpi slt, %add3A_48, %lt3A_50 : vector<512x1xi32>
      %jit3A = arith.constant 0.000000e+00 : f32
      %broadcast_in_dim3A = vector.shape_cast %lt3A_51 : vector<512x1xi1> to vector<512x1xi1>
      %broadcast_in_dim3A_52 = vector.broadcast %broadcast_in_dim3A : vector<512x1xi1> to vector<512x256xi1>
      %broadcast_in_dim3A_53 = vector.broadcast %jit3A : f32 to vector<512x256xf32>
      %select_n3A = arith.select %broadcast_in_dim3A_52, %max3A_44, %broadcast_in_dim3A_53 : vector<512x256xi1>, vector<512x256xf32>
      %mul3A_54 = arith.constant 512 : i32
      %mul3A_55 = arith.muli %arg0, %mul3A_54 : i32
      %swap3A = arith.index_cast %mul3A_55 : i32 to index
      %swap3A_56 = arith.constant 0 : index
      %swap3A_57 = vector.load %arg10[%swap3A, %swap3A_56] : memref<10240x256xf32, #tpu.memory_space<vmem>>, vector<512x256xf32>
      tpu.vector_store %arg10[%swap3A, %swap3A_56], %select_n3A {strides = array<i32>} : memref<10240x256xf32, #tpu.memory_space<vmem>>, vector<512x256xf32>,
      %get3A_58 = arith.constant 0 : index
      %get3A_59 = arith.constant 0 : index
      %get3A_60 = vector.load %arg11[%get3A_58, %get3A_59] : memref<8x256xf32, #tpu.memory_space<vmem>>, vector<1x256xf32>
      %reduce_sum3A = arith.constant dense<0.000000e+00> : vector<256xf32>
      %reduce_sum3A_61 = vector.multi_reduction <add>, %select_n3A, %reduce_sum3A [0] : vector<512x256xf32> to vector<256xf32>
      %broadcast_in_dim3A_62 = vector.shape_cast %reduce_sum3A_61 : vector<256xf32> to vector<1x256xf32>
      %add3A_63 = arith.addf %get3A_60, %broadcast_in_dim3A_62 : vector<1x256xf32>
      %swap3A_64 = arith.constant 0 : index
      %swap3A_65 = arith.constant 0 : index
      %swap3A_66 = vector.load %arg11[%swap3A_64, %swap3A_65] : memref<8x256xf32, #tpu.memory_space<vmem>>, vector<1x256xf32>
      tpu.vector_store %arg11[%swap3A_64, %swap3A_65], %add3A_63 {strides = array<i32>} : memref<8x256xf32, #tpu.memory_space<vmem>>, vector<1x256xf32>,
      %get3A_67 = arith.constant 1 : index
      %get3A_68 = arith.constant 0 : index
      %get3A_69 = vector.load %arg11[%get3A_67, %get3A_68] : memref<8x256xf32, #tpu.memory_space<vmem>>, vector<1x256xf32>
      %mul3A_70 = arith.mulf %select_n3A, %select_n3A : vector<512x256xf32>
      %reduce_sum3A_71 = arith.constant dense<0.000000e+00> : vector<256xf32>
      %reduce_sum3A_72 = vector.multi_reduction <add>, %mul3A_70, %reduce_sum3A_71 [0] : vector<512x256xf32> to vector<256xf32>
      %broadcast_in_dim3A_73 = vector.shape_cast %reduce_sum3A_72 : vector<256xf32> to vector<1x256xf32>
      %add3A_74 = arith.addf %get3A_69, %broadcast_in_dim3A_73 : vector<1x256xf32>
      %swap3A_75 = arith.constant 1 : index
      %swap3A_76 = arith.constant 0 : index
      %swap3A_77 = vector.load %arg11[%swap3A_75, %swap3A_76] : memref<8x256xf32, #tpu.memory_space<vmem>>, vector<1x256xf32>
      tpu.vector_store %arg11[%swap3A_75, %swap3A_76], %add3A_74 {strides = array<i32>} : memref<8x256xf32, #tpu.memory_space<vmem>>, vector<1x256xf32>,
    } else {
    }
    %ge3A = arith.constant 20 : i32
    %ge3A_2 = arith.cmpi sge, %arg0, %ge3A : i32
    %convert_element_type3A_3 = arith.extui %ge3A_2 : i1 to i32
    %cond3A_4 = arith.constant 0 : i32
    %cond3A_5 = arith.cmpi ne, %convert_element_type3A_3, %cond3A_4 : i32
    scf.if %cond3A_5 {
      %sub3A = arith.constant 20 : i32
      %sub3A_6 = arith.subi %arg0, %sub3A : i32
      %get3A = arith.constant 0 : index
      %get3A_7 = arith.constant 0 : index
      %get3A_8 = vector.load %arg11[%get3A, %get3A_7] : memref<8x256xf32, #tpu.memory_space<vmem>>, vector<1x256xf32>
      %mul3A = arith.constant 9.99999974E-5 : f32
      %mul3A_9 = vector.broadcast %mul3A : f32 to vector<1x256xf32>
      %mul3A_10 = arith.mulf %get3A_8, %mul3A_9 : vector<1x256xf32>
      %get3A_11 = arith.constant 1 : index
      %get3A_12 = arith.constant 0 : index
      %get3A_13 = vector.load %arg11[%get3A_11, %get3A_12] : memref<8x256xf32, #tpu.memory_space<vmem>>, vector<1x256xf32>
      %mul3A_14 = arith.constant 9.99999974E-5 : f32
      %mul3A_15 = vector.broadcast %mul3A_14 : f32 to vector<1x256xf32>
      %mul3A_16 = arith.mulf %get3A_13, %mul3A_15 : vector<1x256xf32>
      %mul3A_17 = arith.mulf %mul3A_10, %mul3A_10 : vector<1x256xf32>
      %sub3A_18 = arith.subf %mul3A_16, %mul3A_17 : vector<1x256xf32>
      %get3A_19 = arith.constant 0 : index
      %get3A_20 = arith.constant 0 : index
      %get3A_21 = vector.load %arg5[%get3A_19, %get3A_20] : memref<8x256xf32, #tpu.memory_space<vmem>>, vector<1x256xf32>
      %add3A = arith.constant 9.99999974E-6 : f32
      %add3A_22 = vector.broadcast %add3A : f32 to vector<1x256xf32>
      %add3A_23 = arith.addf %sub3A_18, %add3A_22 : vector<1x256xf32>
      %rsqrt3A = math.rsqrt %add3A_23 : vector<1x256xf32>
      %mul3A_24 = arith.mulf %get3A_21, %rsqrt3A : vector<1x256xf32>
      %get3A_25 = arith.constant 0 : index
      %get3A_26 = arith.constant 0 : index
      %get3A_27 = vector.load %arg6[%get3A_25, %get3A_26] : memref<8x256xf32, #tpu.memory_space<vmem>>, vector<1x256xf32>
      %mul3A_28 = arith.mulf %mul3A_10, %mul3A_24 : vector<1x256xf32>
      %sub3A_29 = arith.subf %get3A_27, %mul3A_28 : vector<1x256xf32>
      %mul3A_30 = arith.constant 512 : i32
      %mul3A_31 = arith.muli %sub3A_6, %mul3A_30 : i32
      %get3A_32 = arith.index_cast %mul3A_31 : i32 to index
      %get3A_33 = arith.constant 0 : index
      %get3A_34 = vector.load %arg10[%get3A_32, %get3A_33] : memref<10240x256xf32, #tpu.memory_space<vmem>>, vector<512x256xf32>
      %mul3A_35 = vector.broadcast %mul3A_24 : vector<1x256xf32> to vector<512x256xf32>
      %mul3A_36 = arith.mulf %get3A_34, %mul3A_35 : vector<512x256xf32>
      %add3A_37 = vector.broadcast %sub3A_29 : vector<1x256xf32> to vector<512x256xf32>
      %add3A_38 = arith.addf %mul3A_36, %add3A_37 : vector<512x256xf32>
      %get3A_39 = arith.constant 0 : index
      %get3A_40 = arith.constant 0 : index
      %get3A_41 = vector.load %arg7[%get3A_39, %get3A_40] : memref<256x256xf32, #tpu.memory_space<vmem>>, vector<256x256xf32>
      %dot_general3A = arith.constant dense<0.000000e+00> : vector<512x256xf32>
      %dot_general3A_42 = tpu.matmul %add3A_38, %get3A_41, %dot_general3A {dimension_numbers = #tpu.dot_dimension_numbers<[1], [0], [0], [1], [0, 0, 1, 1], [], []>, transpose_lhs_hint = false} : vector<512x256xf32>, vector<256x256xf32>, vector<512x256xf32> -> vector<512x256xf32>
      %swap3A = arith.constant 0 : index
      %swap3A_43 = arith.constant 0 : index
      %swap3A_44 = vector.load %arg8[%swap3A, %swap3A_43] : memref<512x256xf32, #tpu.memory_space<vmem>>, vector<512x256xf32>
      tpu.vector_store %arg8[%swap3A, %swap3A_43], %dot_general3A_42 {strides = array<i32>} : memref<512x256xf32, #tpu.memory_space<vmem>>, vector<512x256xf32>,
      %get3A_45 = arith.constant 0 : index
      %get3A_46 = arith.constant 0 : index
      %get3A_47 = arith.constant 0 : index
      %get3A_48 = vector.load %arg3[%get3A_45, %get3A_46, %get3A_47] : memref<2x512x128xf32, #tpu.memory_space<vmem>>, vector<1x512x1xf32>
      %get3A_49 = vector.shape_cast %get3A_48 : vector<1x512x1xf32> to vector<512x1xf32>
      %get3A_50 = arith.constant 1 : index
      %get3A_51 = arith.constant 0 : index
      %get3A_52 = arith.constant 0 : index
      %get3A_53 = vector.load %arg3[%get3A_50, %get3A_51, %get3A_52] : memref<2x512x128xf32, #tpu.memory_space<vmem>>, vector<1x512x1xf32>
      %get3A_54 = vector.shape_cast %get3A_53 : vector<1x512x1xf32> to vector<512x1xf32>
      %add3A_55 = arith.addf %get3A_49, %get3A_54 : vector<512x1xf32>
      %add3A_56 = arith.constant 1.000000e+00 : f32
      %add3A_57 = vector.broadcast %add3A_56 : f32 to vector<512x1xf32>
      %add3A_58 = arith.addf %add3A_55, %add3A_57 : vector<512x1xf32>
      %rsqrt3A_59 = math.rsqrt %add3A_58 : vector<512x1xf32>
      %mul3A_60 = arith.constant 512 : i32
      %mul3A_61 = arith.muli %sub3A_6, %mul3A_60 : i32
      %iota3A = tpu.iota {dimensions = array<i32: 0>} : vector<512x1xi32>
      %add3A_62 = vector.broadcast %mul3A_61 : i32 to vector<512x1xi32>
      %add3A_63 = arith.addi %add3A_62, %iota3A : vector<512x1xi32>
      %lt3A_64 = arith.constant 10000 : i32
      %lt3A_65 = vector.broadcast %lt3A_64 : i32 to vector<512x1xi32>
      %lt3A_66 = arith.cmpi slt, %add3A_63, %lt3A_65 : vector<512x1xi32>
      %mul3A_67 = vector.broadcast %rsqrt3A_59 : vector<512x1xf32> to vector<512x256xf32>
      %mul3A_68 = arith.mulf %dot_general3A_42, %mul3A_67 : vector<512x256xf32>
      %jit3A = arith.constant 0.000000e+00 : f32
      %broadcast_in_dim3A = vector.shape_cast %lt3A_66 : vector<512x1xi1> to vector<512x1xi1>
      %broadcast_in_dim3A_69 = vector.broadcast %broadcast_in_dim3A : vector<512x1xi1> to vector<512x256xi1>
      %broadcast_in_dim3A_70 = vector.broadcast %jit3A : f32 to vector<512x256xf32>
      %select_n3A = arith.select %broadcast_in_dim3A_69, %mul3A_68, %broadcast_in_dim3A_70 : vector<512x256xi1>, vector<512x256xf32>
      %slice3A = vector.extract_strided_slice %select_n3A {offsets = [0, 0], sizes = [512, 128], strides = [1, 1]} : vector<512x256xf32> to vector<512x128xf32>
      %swap3A_71 = arith.constant 0 : index
      %swap3A_72 = arith.constant 0 : index
      %swap3A_73 = arith.constant 0 : index
      %swap3A_74 = vector.load %arg9[%swap3A_71, %swap3A_72, %swap3A_73] : memref<2x512x128xf32, #tpu.memory_space<vmem>>, vector<1x512x128xf32>
      %swap3A_75 = vector.shape_cast %swap3A_74 : vector<1x512x128xf32> to vector<512x128xf32>
      %swap3A_76 = vector.shape_cast %slice3A : vector<512x128xf32> to vector<1x512x128xf32>
      tpu.vector_store %arg9[%swap3A_71, %swap3A_72, %swap3A_73], %swap3A_76 {strides = array<i32>} : memref<2x512x128xf32, #tpu.memory_space<vmem>>, vector<1x512x128xf32>,
      %slice3A_77 = vector.extract_strided_slice %select_n3A {offsets = [0, 128], sizes = [512, 128], strides = [1, 1]} : vector<512x256xf32> to vector<512x128xf32>
      %swap3A_78 = arith.constant 1 : index
      %swap3A_79 = arith.constant 0 : index
      %swap3A_80 = arith.constant 0 : index
      %swap3A_81 = vector.load %arg9[%swap3A_78, %swap3A_79, %swap3A_80] : memref<2x512x128xf32, #tpu.memory_space<vmem>>, vector<1x512x128xf32>
      %swap3A_82 = vector.shape_cast %swap3A_81 : vector<1x512x128xf32> to vector<512x128xf32>
      %swap3A_83 = vector.shape_cast %slice3A_77 : vector<512x128xf32> to vector<1x512x128xf32>
      tpu.vector_store %arg9[%swap3A_78, %swap3A_79, %swap3A_80], %swap3A_83 {strides = array<i32>} : memref<2x512x128xf32, #tpu.memory_space<vmem>>, vector<1x512x128xf32>,
    } else {
    }
    return
  }
  func.func @transform_0(%arg0: i32) -> (i32, i32, i32) {
    %lt3A = arith.constant 20 : i32
    %lt3A_0 = arith.cmpi slt, %arg0, %lt3A : i32
    %jit3A = arith.constant 0 : i32
    %select_n3A = arith.select %lt3A_0, %arg0, %jit3A : i32
    %c0_i32 = arith.constant 0 : i32
    %c0_i32_1 = arith.constant 0 : i32
    %c0_i32_2 = arith.constant 0 : i32
    return %c0_i32, %select_n3A, %c0_i32_1 : i32, i32, i32
  }
  func.func @transform_1(%arg0: i32) -> (i32, i32) {
    %lt3A = arith.constant 20 : i32
    %lt3A_0 = arith.cmpi slt, %arg0, %lt3A : i32
    %jit3A = arith.constant 0 : i32
    %select_n3A = arith.select %lt3A_0, %arg0, %jit3A : i32
    %c0_i32 = arith.constant 0 : i32
    %c0_i32_1 = arith.constant 0 : i32
    return %select_n3A, %c0_i32 : i32, i32
  }
  func.func @transform_2(%arg0: i32) -> (i32, i32, i32) {
    %lt3A = arith.constant 20 : i32
    %lt3A_0 = arith.cmpi slt, %arg0, %lt3A : i32
    %sub3A = arith.constant 20 : i32
    %sub3A_1 = arith.subi %arg0, %sub3A : i32
    %select_n3A = arith.select %lt3A_0, %arg0, %sub3A_1 : i32
    %c0_i32 = arith.constant 0 : i32
    %c0_i32_2 = arith.constant 0 : i32
    %c0_i32_3 = arith.constant 0 : i32
    return %c0_i32, %select_n3A, %c0_i32_2 : i32, i32, i32
  }
  func.func @transform_3(%arg0: i32) -> (i32, i32) {
    %c0_i32 = arith.constant 0 : i32
    %c0_i32_0 = arith.constant 0 : i32
    %c0_i32_1 = arith.constant 0 : i32
    return %c0_i32, %c0_i32_0 : i32, i32
  }
  func.func @transform_4(%arg0: i32) -> (i32, i32) {
    %c0_i32 = arith.constant 0 : i32
    %c0_i32_0 = arith.constant 0 : i32
    %c0_i32_1 = arith.constant 0 : i32
    return %c0_i32, %c0_i32_0 : i32, i32
  }
  func.func @transform_5(%arg0: i32) -> (i32, i32) {
    %c0_i32 = arith.constant 0 : i32
    %c0_i32_0 = arith.constant 0 : i32
    %c0_i32_1 = arith.constant 0 : i32
    return %c0_i32, %c0_i32_0 : i32, i32
  }
  func.func @transform_6(%arg0: i32) -> (i32, i32) {
    %c0_i32 = arith.constant 0 : i32
    %c0_i32_0 = arith.constant 0 : i32
    %c0_i32_1 = arith.constant 0 : i32
    return %c0_i32, %c0_i32_0 : i32, i32
  }
  func.func @transform_7(%arg0: i32) -> (i32, i32) {
    %lt3A = arith.constant 20 : i32
    %lt3A_0 = arith.cmpi slt, %arg0, %lt3A : i32
    %sub3A = arith.constant 20 : i32
    %sub3A_1 = arith.subi %arg0, %sub3A : i32
    %jit3A = arith.constant 0 : i32
    %select_n3A = arith.select %lt3A_0, %jit3A, %sub3A_1 : i32
    %c0_i32 = arith.constant 0 : i32
    %c0_i32_2 = arith.constant 0 : i32
    return %select_n3A, %c0_i32 : i32, i32
  }
  func.func @transform_8(%arg0: i32) -> (i32, i32, i32) {
    %lt3A = arith.constant 20 : i32
    %lt3A_0 = arith.cmpi slt, %arg0, %lt3A : i32
    %sub3A = arith.constant 20 : i32
    %sub3A_1 = arith.subi %arg0, %sub3A : i32
    %jit3A = arith.constant 0 : i32
    %select_n3A = arith.select %lt3A_0, %jit3A, %sub3A_1 : i32
    %c0_i32 = arith.constant 0 : i32
    %c0_i32_2 = arith.constant 0 : i32
    %c0_i32_3 = arith.constant 0 : i32
    return %c0_i32, %select_n3A, %c0_i32_2 : i32, i32, i32
  }
}

module attributes {stable_mosaic.version = 14 : i64} {
  func.func @_pf_body(%arg0: i32, %arg1: memref<2x512x128xf32, #tpu.memory_space<vmem>>, %arg2: memref<512x256xf32, #tpu.memory_space<vmem>>, %arg3: memref<2x512x128xf32, #tpu.memory_space<vmem>>, %arg4: memref<8x256xf32, #tpu.memory_space<vmem>>, %arg5: memref<8x256xf32, #tpu.memory_space<vmem>>, %arg6: memref<8x256xf32, #tpu.memory_space<vmem>>, %arg7: memref<400x256xf32, #tpu.memory_space<vmem>>, %arg8: memref<10240x256xf32, #tpu.memory_space<vmem>>, %arg9: memref<8x256xf32, #tpu.memory_space<vmem>>) attributes {dimension_semantics = [#tpu.dimension_semantics<arbitrary>], iteration_bounds = array<i64: 45>, scalar_prefetch = 0 : i64, scratch_operands = 2 : i64, tpu.core_type = #tpu.core_type<tc>, window_params = [{transform_indices = @transform_0, window_bounds = array<i64: 2, 512, 128>}, {transform_indices = @transform_1, window_bounds = array<i64: 512, 256>}, {transform_indices = @transform_2, window_bounds = array<i64: 2, 512, 128>}, {pipeline_mode = #tpu.pipeline_mode<synchronous>, transform_indices = @transform_3, window_bounds = array<i64: 8, 256>}, {pipeline_mode = #tpu.pipeline_mode<synchronous>, transform_indices = @transform_4, window_bounds = array<i64: 8, 256>}, {pipeline_mode = #tpu.pipeline_mode<synchronous>, transform_indices = @transform_5, window_bounds = array<i64: 8, 256>}, {transform_indices = @transform_6, window_bounds = array<i64: 400, 256>}]} {
    %lt3A = arith.constant 20 : i32
    %lt3A_0 = arith.cmpi slt, %arg0, %lt3A : i32
    %convert_element_type3A = arith.extui %lt3A_0 : i1 to i32
    %cond3A = arith.constant 0 : i32
    %cond3A_1 = arith.cmpi ne, %convert_element_type3A, %cond3A : i32
    scf.if %cond3A_1 {
      %eq3A = arith.constant 0 : i32
      %eq3A_6 = arith.cmpi eq, %arg0, %eq3A : i32
      %convert_element_type3A_7 = arith.extui %eq3A_6 : i1 to i32
      %cond3A_8 = arith.constant 0 : i32
      %cond3A_9 = arith.cmpi ne, %convert_element_type3A_7, %cond3A_8 : i32
      scf.if %cond3A_9 {
        %broadcast_in_dim3A_78 = arith.constant 0.000000e+00 : f32
        %broadcast_in_dim3A_79 = vector.broadcast %broadcast_in_dim3A_78 : f32 to vector<8x256xf32>
        %swap3A_80 = arith.constant 0 : index
        %swap3A_81 = arith.constant 0 : index
        %swap3A_82 = vector.load %arg9[%swap3A_80, %swap3A_81] : memref<8x256xf32, #tpu.memory_space<vmem>>, vector<8x256xf32>
        tpu.vector_store %arg9[%swap3A_80, %swap3A_81], %broadcast_in_dim3A_79 {strides = array<i32>} : memref<8x256xf32, #tpu.memory_space<vmem>>, vector<8x256xf32>,
      } else {
      }
      %get3A = arith.constant 0 : index
      %get3A_10 = arith.constant 0 : index
      %get3A_11 = arith.constant 0 : index
      %get3A_12 = vector.load %arg3[%get3A, %get3A_10, %get3A_11] : memref<2x512x128xf32, #tpu.memory_space<vmem>>, vector<1x512x1xf32>
      %get3A_13 = vector.shape_cast %get3A_12 : vector<1x512x1xf32> to vector<512x1xf32>
      %get3A_14 = arith.constant 1 : index
      %get3A_15 = arith.constant 0 : index
      %get3A_16 = arith.constant 0 : index
      %get3A_17 = vector.load %arg3[%get3A_14, %get3A_15, %get3A_16] : memref<2x512x128xf32, #tpu.memory_space<vmem>>, vector<1x512x1xf32>
      %get3A_18 = vector.shape_cast %get3A_17 : vector<1x512x1xf32> to vector<512x1xf32>
      %add3A = arith.addf %get3A_13, %get3A_18 : vector<512x1xf32>
      %add3A_19 = arith.constant 1.000000e+00 : f32
      %add3A_20 = vector.broadcast %add3A_19 : f32 to vector<512x1xf32>
      %add3A_21 = arith.addf %add3A, %add3A_20 : vector<512x1xf32>
      %rsqrt3A = math.rsqrt %add3A_21 : vector<512x1xf32>
      %get3A_22 = arith.constant 0 : index
      %get3A_23 = arith.constant 0 : index
      %get3A_24 = arith.constant 0 : index
      %get3A_25 = vector.load %arg1[%get3A_22, %get3A_23, %get3A_24] : memref<2x512x128xf32, #tpu.memory_space<vmem>>, vector<1x512x128xf32>
      %get3A_26 = vector.shape_cast %get3A_25 : vector<1x512x128xf32> to vector<512x128xf32>
      %get3A_27 = arith.constant 1 : index
      %get3A_28 = arith.constant 0 : index
      %get3A_29 = arith.constant 0 : index
      %get3A_30 = vector.load %arg1[%get3A_27, %get3A_28, %get3A_29] : memref<2x512x128xf32, #tpu.memory_space<vmem>>, vector<1x512x128xf32>
      %get3A_31 = vector.shape_cast %get3A_30 : vector<1x512x128xf32> to vector<512x128xf32>
      %concatenate3A = tpu.concatenate %get3A_26, %get3A_31 in 1 : vector<512x128xf32>, vector<512x128xf32> -> vector<512x256xf32>
      %mul3A = vector.broadcast %rsqrt3A : vector<512x1xf32> to vector<512x256xf32>
      %mul3A_32 = arith.mulf %mul3A, %concatenate3A : vector<512x256xf32>
      %get3A_33 = arith.constant 0 : index
      %get3A_34 = arith.constant 0 : index
      %get3A_35 = vector.load %arg2[%get3A_33, %get3A_34] : memref<512x256xf32, #tpu.memory_space<vmem>>, vector<512x256xf32>
      %div3A = vector.broadcast %add3A_21 : vector<512x1xf32> to vector<512x256xf32>
      %div3A_36 = arith.divf %get3A_35, %div3A : vector<512x256xf32>
      %add3A_37 = arith.addf %mul3A_32, %div3A_36 : vector<512x256xf32>
      %get3A_38 = arith.constant 0 : index
      %get3A_39 = arith.constant 0 : index
      %get3A_40 = vector.load %arg4[%get3A_38, %get3A_39] : memref<8x256xf32, #tpu.memory_space<vmem>>, vector<1x256xf32>
      %add3A_41 = vector.broadcast %get3A_40 : vector<1x256xf32> to vector<512x256xf32>
      %add3A_42 = arith.addf %add3A_37, %add3A_41 : vector<512x256xf32>
      %max3A = arith.constant 0.000000e+00 : f32
      %max3A_43 = vector.broadcast %max3A : f32 to vector<512x256xf32>
      %max3A_44 = arith.maximumf %add3A_42, %max3A_43 : vector<512x256xf32>
      %mul3A_45 = arith.constant 512 : i32
      %mul3A_46 = arith.muli %arg0, %mul3A_45 : i32
      %iota3A = tpu.iota {dimensions = array<i32: 0>} : vector<512x1xi32>
      %add3A_47 = vector.broadcast %mul3A_46 : i32 to vector<512x1xi32>
      %add3A_48 = arith.addi %add3A_47, %iota3A : vector<512x1xi32>
      %lt3A_49 = arith.constant 10000 : i32
      %lt3A_50 = vector.broadcast %lt3A_49 : i32 to vector<512x1xi32>
      %lt3A_51 = arith.cmpi slt, %add3A_48, %lt3A_50 : vector<512x1xi32>
      %jit3A = arith.constant 0.000000e+00 : f32
      %broadcast_in_dim3A = vector.shape_cast %lt3A_51 : vector<512x1xi1> to vector<512x1xi1>
      %broadcast_in_dim3A_52 = vector.broadcast %broadcast_in_dim3A : vector<512x1xi1> to vector<512x256xi1>
      %broadcast_in_dim3A_53 = vector.broadcast %jit3A : f32 to vector<512x256xf32>
      %select_n3A = arith.select %broadcast_in_dim3A_52, %max3A_44, %broadcast_in_dim3A_53 : vector<512x256xi1>, vector<512x256xf32>
      %mul3A_54 = arith.constant 512 : i32
      %mul3A_55 = arith.muli %arg0, %mul3A_54 : i32
      %swap3A = arith.index_cast %mul3A_55 : i32 to index
      %swap3A_56 = arith.constant 0 : index
      %swap3A_57 = vector.load %arg8[%swap3A, %swap3A_56] : memref<10240x256xf32, #tpu.memory_space<vmem>>, vector<512x256xf32>
      tpu.vector_store %arg8[%swap3A, %swap3A_56], %select_n3A {strides = array<i32>} : memref<10240x256xf32, #tpu.memory_space<vmem>>, vector<512x256xf32>,
      %get3A_58 = arith.constant 0 : index
      %get3A_59 = arith.constant 0 : index
      %get3A_60 = vector.load %arg9[%get3A_58, %get3A_59] : memref<8x256xf32, #tpu.memory_space<vmem>>, vector<1x256xf32>
      %reduce_sum3A = arith.constant dense<0.000000e+00> : vector<256xf32>
      %reduce_sum3A_61 = vector.multi_reduction <add>, %select_n3A, %reduce_sum3A [0] : vector<512x256xf32> to vector<256xf32>
      %broadcast_in_dim3A_62 = vector.shape_cast %reduce_sum3A_61 : vector<256xf32> to vector<1x256xf32>
      %add3A_63 = arith.addf %get3A_60, %broadcast_in_dim3A_62 : vector<1x256xf32>
      %swap3A_64 = arith.constant 0 : index
      %swap3A_65 = arith.constant 0 : index
      %swap3A_66 = vector.load %arg9[%swap3A_64, %swap3A_65] : memref<8x256xf32, #tpu.memory_space<vmem>>, vector<1x256xf32>
      tpu.vector_store %arg9[%swap3A_64, %swap3A_65], %add3A_63 {strides = array<i32>} : memref<8x256xf32, #tpu.memory_space<vmem>>, vector<1x256xf32>,
      %get3A_67 = arith.constant 1 : index
      %get3A_68 = arith.constant 0 : index
      %get3A_69 = vector.load %arg9[%get3A_67, %get3A_68] : memref<8x256xf32, #tpu.memory_space<vmem>>, vector<1x256xf32>
      %mul3A_70 = arith.mulf %select_n3A, %select_n3A : vector<512x256xf32>
      %reduce_sum3A_71 = arith.constant dense<0.000000e+00> : vector<256xf32>
      %reduce_sum3A_72 = vector.multi_reduction <add>, %mul3A_70, %reduce_sum3A_71 [0] : vector<512x256xf32> to vector<256xf32>
      %broadcast_in_dim3A_73 = vector.shape_cast %reduce_sum3A_72 : vector<256xf32> to vector<1x256xf32>
      %add3A_74 = arith.addf %get3A_69, %broadcast_in_dim3A_73 : vector<1x256xf32>
      %swap3A_75 = arith.constant 1 : index
      %swap3A_76 = arith.constant 0 : index
      %swap3A_77 = vector.load %arg9[%swap3A_75, %swap3A_76] : memref<8x256xf32, #tpu.memory_space<vmem>>, vector<1x256xf32>
      tpu.vector_store %arg9[%swap3A_75, %swap3A_76], %add3A_74 {strides = array<i32>} : memref<8x256xf32, #tpu.memory_space<vmem>>, vector<1x256xf32>,
    } else {
    }
    %ge3A = arith.constant 20 : i32
    %ge3A_2 = arith.cmpi sge, %arg0, %ge3A : i32
    %convert_element_type3A_3 = arith.extui %ge3A_2 : i1 to i32
    %cond3A_4 = arith.constant 0 : i32
    %cond3A_5 = arith.cmpi ne, %convert_element_type3A_3, %cond3A_4 : i32
    scf.if %cond3A_5 {
      %sub3A = arith.constant 20 : i32
      %sub3A_6 = arith.subi %arg0, %sub3A : i32
      %get3A = arith.constant 0 : index
      %get3A_7 = arith.constant 0 : index
      %get3A_8 = vector.load %arg9[%get3A, %get3A_7] : memref<8x256xf32, #tpu.memory_space<vmem>>, vector<1x256xf32>
      %mul3A = arith.constant 9.99999974E-5 : f32
      %mul3A_9 = vector.broadcast %mul3A : f32 to vector<1x256xf32>
      %mul3A_10 = arith.mulf %get3A_8, %mul3A_9 : vector<1x256xf32>
      %get3A_11 = arith.constant 1 : index
      %get3A_12 = arith.constant 0 : index
      %get3A_13 = vector.load %arg9[%get3A_11, %get3A_12] : memref<8x256xf32, #tpu.memory_space<vmem>>, vector<1x256xf32>
      %mul3A_14 = arith.constant 9.99999974E-5 : f32
      %mul3A_15 = vector.broadcast %mul3A_14 : f32 to vector<1x256xf32>
      %mul3A_16 = arith.mulf %get3A_13, %mul3A_15 : vector<1x256xf32>
      %mul3A_17 = arith.mulf %mul3A_10, %mul3A_10 : vector<1x256xf32>
      %sub3A_18 = arith.subf %mul3A_16, %mul3A_17 : vector<1x256xf32>
      %get3A_19 = arith.constant 0 : index
      %get3A_20 = arith.constant 0 : index
      %get3A_21 = vector.load %arg5[%get3A_19, %get3A_20] : memref<8x256xf32, #tpu.memory_space<vmem>>, vector<1x256xf32>
      %add3A = arith.constant 9.99999974E-6 : f32
      %add3A_22 = vector.broadcast %add3A : f32 to vector<1x256xf32>
      %add3A_23 = arith.addf %sub3A_18, %add3A_22 : vector<1x256xf32>
      %rsqrt3A = math.rsqrt %add3A_23 : vector<1x256xf32>
      %mul3A_24 = arith.mulf %get3A_21, %rsqrt3A : vector<1x256xf32>
      %get3A_25 = arith.constant 0 : index
      %get3A_26 = arith.constant 0 : index
      %get3A_27 = vector.load %arg6[%get3A_25, %get3A_26] : memref<8x256xf32, #tpu.memory_space<vmem>>, vector<1x256xf32>
      %mul3A_28 = arith.mulf %mul3A_10, %mul3A_24 : vector<1x256xf32>
      %sub3A_29 = arith.subf %get3A_27, %mul3A_28 : vector<1x256xf32>
      %mul3A_30 = arith.constant 400 : i32
      %mul3A_31 = arith.muli %sub3A_6, %mul3A_30 : i32
      %get3A_32 = arith.index_cast %mul3A_31 : i32 to index
      %get3A_33 = arith.constant 0 : index
      %get3A_34 = vector.load %arg8[%get3A_32, %get3A_33] : memref<10240x256xf32, #tpu.memory_space<vmem>>, vector<400x256xf32>
      %mul3A_35 = vector.broadcast %mul3A_24 : vector<1x256xf32> to vector<400x256xf32>
      %mul3A_36 = arith.mulf %get3A_34, %mul3A_35 : vector<400x256xf32>
      %add3A_37 = vector.broadcast %sub3A_29 : vector<1x256xf32> to vector<400x256xf32>
      %add3A_38 = arith.addf %mul3A_36, %add3A_37 : vector<400x256xf32>
      %swap3A = arith.constant 0 : index
      %swap3A_39 = arith.constant 0 : index
      %swap3A_40 = vector.load %arg7[%swap3A, %swap3A_39] : memref<400x256xf32, #tpu.memory_space<vmem>>, vector<400x256xf32>
      tpu.vector_store %arg7[%swap3A, %swap3A_39], %add3A_38 {strides = array<i32>} : memref<400x256xf32, #tpu.memory_space<vmem>>, vector<400x256xf32>,
    } else {
    }
    return
  }
  func.func @transform_0(%arg0: i32) -> (i32, i32, i32) {
    %lt3A = arith.constant 20 : i32
    %lt3A_0 = arith.cmpi slt, %arg0, %lt3A : i32
    %jit3A = arith.constant 0 : i32
    %select_n3A = arith.select %lt3A_0, %arg0, %jit3A : i32
    %c0_i32 = arith.constant 0 : i32
    %c0_i32_1 = arith.constant 0 : i32
    %c0_i32_2 = arith.constant 0 : i32
    return %c0_i32, %select_n3A, %c0_i32_1 : i32, i32, i32
  }
  func.func @transform_1(%arg0: i32) -> (i32, i32) {
    %lt3A = arith.constant 20 : i32
    %lt3A_0 = arith.cmpi slt, %arg0, %lt3A : i32
    %jit3A = arith.constant 0 : i32
    %select_n3A = arith.select %lt3A_0, %arg0, %jit3A : i32
    %c0_i32 = arith.constant 0 : i32
    %c0_i32_1 = arith.constant 0 : i32
    return %select_n3A, %c0_i32 : i32, i32
  }
  func.func @transform_2(%arg0: i32) -> (i32, i32, i32) {
    %lt3A = arith.constant 20 : i32
    %lt3A_0 = arith.cmpi slt, %arg0, %lt3A : i32
    %jit3A = arith.constant 0 : i32
    %select_n3A = arith.select %lt3A_0, %arg0, %jit3A : i32
    %c0_i32 = arith.constant 0 : i32
    %c0_i32_1 = arith.constant 0 : i32
    %c0_i32_2 = arith.constant 0 : i32
    return %c0_i32, %select_n3A, %c0_i32_1 : i32, i32, i32
  }
  func.func @transform_3(%arg0: i32) -> (i32, i32) {
    %c0_i32 = arith.constant 0 : i32
    %c0_i32_0 = arith.constant 0 : i32
    %c0_i32_1 = arith.constant 0 : i32
    return %c0_i32, %c0_i32_0 : i32, i32
  }
  func.func @transform_4(%arg0: i32) -> (i32, i32) {
    %c0_i32 = arith.constant 0 : i32
    %c0_i32_0 = arith.constant 0 : i32
    %c0_i32_1 = arith.constant 0 : i32
    return %c0_i32, %c0_i32_0 : i32, i32
  }
  func.func @transform_5(%arg0: i32) -> (i32, i32) {
    %c0_i32 = arith.constant 0 : i32
    %c0_i32_0 = arith.constant 0 : i32
    %c0_i32_1 = arith.constant 0 : i32
    return %c0_i32, %c0_i32_0 : i32, i32
  }
  func.func @transform_6(%arg0: i32) -> (i32, i32) {
    %lt3A = arith.constant 20 : i32
    %lt3A_0 = arith.cmpi slt, %arg0, %lt3A : i32
    %sub3A = arith.constant 20 : i32
    %sub3A_1 = arith.subi %arg0, %sub3A : i32
    %jit3A = arith.constant 0 : i32
    %select_n3A = arith.select %lt3A_0, %jit3A, %sub3A_1 : i32
    %c0_i32 = arith.constant 0 : i32
    %c0_i32_2 = arith.constant 0 : i32
    return %select_n3A, %c0_i32 : i32, i32
  }
}

</mosaic_0001>

<sc_bundles>
// kernel: kernel.10.cloned.1.call-start
scs
__scs_entry_jumppad:
0x0: {  	(pc) =	sbr.rel $0x88, $3  }
0x1: {  	(tag) =	ssettag $0x0;
	lr =	simm.s32 $0x1  }
0x2: {  	[smem:$0x3F93] =	sst lr;
	_ =	strace $0xD0000000  }
0x3: {  	_ = 	snop  }
0x4: {  	_ = 	snop  }
0x5: {  	_ = 	snop  }
0x6: {  	_ = 	snop  }
0x7: {  	_ = 	snop  }
__scs_overlays_trampoline_lowered:
0x8: {  	[smem:$0x3FA2] =	sst s0  }
0x9: {  	[smem:$0x3FA3] =	sst s1  }
0xa: {  	[smem:$0x3FA4] =	sst s2  }
0xb: {  	[smem:$0x3FA5] =	sst s3  }
0xc: {  	[smem:$0x3FA6] =	sst s4  }
0xd: {  	[smem:$0x3FA7] =	sst s5  }
0xe: {  	[smem:$0x3FA8] =	sst s6  }
0xf: {  	[smem:$0x3FA9] =	sst s7  }
0x10: {  	[smem:$0x3FAA] =	sst s8  }
0x11: {  	[smem:$0x3FAB] =	sst s9;
	s0 =	simm.s32 @!p0 $0x0  }
0x12: {  	s1 =	sld [smem:$0x3F91];
	s0 =	simm.s32 @p0 $0x1  }
0x13: {  	[smem:$0x3FAC] =	sst s0;
	s0 =	simm.s32 @!p1 $0x0  }
0x14: {  	s2 =	sld [smem:$0x3F90];
	s0 =	simm.s32 @p1 $0x1  }
0x15: {  	[smem:$0x3FAD] =	sst s0;
	s0 =	simm.s32 @!p2 $0x0  }
0x16: {  	s3 =	sld [smem:$0x3FDB];
	s0 =	simm.s32 @p2 $0x1  }
0x17: {  	s4 =	simm.s32 $0x1BF5;
	[smem:$0x3FAF] =	sst s0  }
0x18: {  	s0 =	sld [smem:$0x3F92];
	_ =	swait.ge [sflag:s4], $0x0  }
0x19: {  	s7 =	sld [smem:$0x3F93]  }
0x1a: {  	s8 =	sadd.s32 $0xFFFFE003, lr  }
0x1b: {  	s9 =	sadd.s32 $0xFFFFFEF7, lr;
	s5 =	simm.s32 $0xFFFFFFFF;
	p2 =	slt.u32 s8, $0xFFFFF086  }
0x1c: {  	p1 =	slt.u32 s9, $0xF7A;
	s5 =	simm.s32 @!p2 $0x0  }
0x1d: {  	s5 =	simm.s32 @p1 $0x1;
	p0 =	seq.s32 s7, s2  }
0x1e: {  	s7 =	smul.u32 @!p0 $0xF7A, s2;
	p2 =	seq.s32 @!p0 s5, $0x0  }
0x1f: {  	s9 =	smul.u32 $0xF7A, s1;
	s8 =	simm.s32 @!p0 $0x1BF5;
	p2 =	por !p2, p0  }
0x20: {  	[sflag:s8] =	ssyncset.s32 @!p0 $0xFFFFF086;
	s6 =	sadd.s32 @!p0 s3, s7;
	s7 =	simm.s32 @!p0 $0x108  }
0x21: {  	s3 =	sadd.s32 s3, s9;
	s6 =	sadd.s32 @!p0 $0x88, s6;
	s7 =	simm.s32 @p2 $0x1082  }
0x22: {  	[simem:s7], [sflag:s8] =	dma.local @!p0 [hbm:s6], $0xF7A  }
0x23: {  	s9 =	sor.u32 $0xD0000000, s2;
	s6 =	simm.s32 $0x108;
	_ =	swait.ge @!p0 [sflag:s8], $0x0  }
0x24: {  	s3 =	sadd.s32 $0x88, s3;
	s6 =	simm.s32 @!p1 $0x1082;
	[sflag:s4] =	ssyncset.s32 $0xFFFFF086  }
0x25: {  	[simem:s6], [sflag:s4] =	dma.local [hbm:s3], $0xF7A  }
0x26: {  	[smem:$0x3F93] =	sst s1;
	(tag) =	ssettag s2;
	_ =	strace s9  }
0x27: {  	s1 =	sld [smem:$0x3FA3]  }
0x28: {  	s2 =	sld [smem:$0x3FA4]  }
0x29: {  	s4 =	sld [smem:$0x3FA6]  }
0x2a: {  	p0 =	seq.s32 s5, $0x0;
	s5 =	sld [smem:$0x3FA7]  }
0x2b: {  	s6 =	sld [smem:$0x3FA8]  }
0x2c: {  	s7 =	sld [smem:$0x3FA9]  }
0x2d: {  	s3 =	simm.s32 $0x108;
	s8 =	sld [smem:$0x3FAA]  }
0x2e: {  	s3 =	simm.s32 @!p0 $0x1082;
	s9 =	sld [smem:$0x3FAB]  }
0x2f: {  	lr =	sadd.s32 s0, s3;
	s0 =	sld [smem:$0x3FA2]  }
0x30: {  	s3 =	sld [smem:$0x3FA5]  }
0x31: {  	[smem:$0x3FAE] =	sst s10  }
0x32: {  	s10 =	sld [smem:$0x3FAC];
	_ =	sdelay $0x3  }
0x33: {  	p0 =	seq.s32 s10, $0x1;
	s10 =	sld [smem:$0x3FAE];
	_ =	sdelay $0x3  }
0x34: {  	[smem:$0x3FAE] =	sst s10  }
0x35: {  	s10 =	sld [smem:$0x3FAD];
	_ =	sdelay $0x3  }
0x36: {  	p1 =	seq.s32 s10, $0x1;
	s10 =	sld [smem:$0x3FAE];
	_ =	sdelay $0x3  }
0x37: {  	[smem:$0x3FAE] =	sst s10  }
0x38: {  	s10 =	sld [smem:$0x3FAF]  }
0x39: {  	_ = 	snop;
	(pc) =	sbr.ind lr, $3  }
0x3a: {  	_ = 	snop  }
0x3b: {  	_ = 	snop  }
0x3c: {  	p2 =	seq.s32 s10, $0x1;
	s10 =	sld [smem:$0x3FAE]  }
0x3d: {  	_ =	shalt  }
0x3e: {  	_ =	shalt  }
0x3f: {  	_ =	shalt  }
0x40: {  	_ =	shalt  }
0x41: {  	_ =	shalt  }
0x42: {  	_ =	shalt  }
0x43: {  	_ =	shalt  }
0x44: {  	_ =	shalt  }
0x45: {  	_ =	shalt  }
0x46: {  	_ =	shalt  }
0x47: {  	_ =	shalt  }
0x48: {  	_ =	shalt  }
0x49: {  	_ =	shalt  }
0x4a: {  	_ =	shalt  }
0x4b: {  	_ =	shalt  }
0x4c: {  	_ =	shalt  }
0x4d: {  	_ =	shalt  }
0x4e: {  	_ =	shalt  }
0x4f: {  	_ =	shalt  }
0x50: {  	_ =	shalt  }
0x51: {  	_ =	shalt  }
0x52: {  	_ =	shalt  }
0x53: {  	_ =	shalt  }
0x54: {  	_ =	shalt  }
0x55: {  	_ =	shalt  }
0x56: {  	_ =	shalt  }
0x57: {  	_ =	shalt  }
0x58: {  	_ =	shalt  }
0x59: {  	_ =	shalt  }
0x5a: {  	_ =	shalt  }
0x5b: {  	_ =	shalt  }
0x5c: {  	_ =	shalt  }
0x5d: {  	_ =	shalt  }
0x5e: {  	_ =	shalt  }
0x5f: {  	_ =	shalt  }
0x60: {  	_ =	shalt  }
0x61: {  	_ =	shalt  }
0x62: {  	_ =	shalt  }
0x63: {  	_ =	shalt  }
0x64: {  	_ =	shalt  }
0x65: {  	_ =	shalt  }
0x66: {  	_ =	shalt  }
0x67: {  	_ =	shalt  }
0x68: {  	_ =	shalt  }
0x69: {  	_ =	shalt  }
0x6a: {  	_ =	shalt  }
0x6b: {  	_ =	shalt  }
0x6c: {  	_ =	shalt  }
0x6d: {  	_ =	shalt  }
0x6e: {  	_ =	shalt  }
0x6f: {  	_ =	shalt  }
0x70: {  	_ =	shalt  }
0x71: {  	_ =	shalt  }
0x72: {  	_ =	shalt  }
0x73: {  	_ =	shalt  }
0x74: {  	_ =	shalt  }
0x75: {  	_ =	shalt  }
0x76: {  	_ =	shalt  }
0x77: {  	_ =	shalt  }
0x78: {  	_ =	shalt  }
0x79: {  	_ =	shalt  }
0x7a: {  	_ =	shalt  }
0x7b: {  	_ =	shalt  }
0x7c: {  	_ =	shalt  }
0x7d: {  	_ =	shalt  }
0x7e: {  	_ =	shalt  }
0x7f: {  	_ =	shalt  }
0x80: {  	_ =	shalt  }
0x81: {  	_ =	shalt  }
0x82: {  	_ =	shalt  }
0x83: {  	_ =	shalt  }
0x84: {  	_ =	shalt  }
0x85: {  	_ =	shalt  }
0x86: {  	_ =	shalt  }
0x87: {  	_ =	shalt  }
.Lfunc_end0:
.L_simem_size_0:
called_computation_lowered:
.L_overlay_start_0:
0x88: {  	s2 =	sld [smem:$0x3FD9]  }
0x89: {  	s3 =	sld [smem:$0x3FFE];
	_ =	sdelay $0x1  }
0x8a: {  	s1 =	srdreg.scid  }
0x8b: {  	s0 =	sand.u32 $0x1, s1  }
0x8c: {  	s16 =	sshll.u32 s0, $0xA;
	s2 =	sadd.s32 s3, s2  }
0x8d: {  	s2 =	sadd.s32 s2, s16  }
0x8e: {  	[smem:$0x3FBA] =	sst s2  }
0x8f: {  	_ = 	snop  }
0x90: {  	(tm) =	ssettm $0x1  }
0x91: {  	s17 =	sld [smem:$0x3FFB];
	_ =	sdelay $0x3  }
0x92: {  	_ =	strace s17  }
0x93: {  	s2 =	sld [smem:$0x3FFC];
	_ =	sdelay $0x3  }
0x94: {  	_ =	strace s2  }
0x95: {  	s2 =	sld [smem:$0x3FFD];
	_ =	sdelay $0x3  }
0x96: {  	_ =	strace s2  }
0x97: {  	_ =	strace $0x8FFFFFFF  }
0x98: {  	s18 =	sld [smem:$0x3FDB];
	_ =	sdelay $0x1  }
0x99: {  	s19 =	simm.s32 $_scs_section_size  }
0x9a: {  	s4 =	simm.s32 $_size__tile_overlayer_lowered;
	s5 =	simm.s32 $_tile_overlayer_lowered  }
0x9b: {  	s22 =	simm.s32 $0x1BFF;
	s21 =	sshll.u32 s5, $0x1;
	s2 =	sadd.s32 s19, s18  }
0x9c: {  	s6 =	simm.s32 $0x0;
	s20 =	sshll.u32 s4, $0x1;
	s4 =	sadd.s32 s21, s2  }
0x9d: {  	[timem:s6], [sflag:s22] =	dma.local [hbm:s4], s20  }
0x9e: {  	_ =	swait.ge [sflag:s22], s20  }
0x9f: {  	s3 =	ssub.s32 $0x0, s20;
	[sflag:s22] =	ssyncset.done $0x0  }
0xa0: {  	[sflag:s22] =	ssyncadd.s32 s3;
	_ =	sdelay $0x1  }
0xa1: {  	s23 =	simm.s32 $0x1B8B  }
0xa2: {  	_ =	swait.ge [sflag:s23], $0x1  }
0xa3: {  	[sflag:s23] =	ssyncset.done $0x0  }
0xa4: {  	s25 =	simm.s32 $0x1B8E;
	s24 =	sld [smem:$0x3FFE];
	[sflag:s23] =	ssyncadd.s32 $0xFFFFFFFF  }
0xa5: {  	s26 =	simm.s32 $execute0_lowered;
	[smem:$0x3FD2] =	sst s25  }
0xa6: {  	s4 =	sshll.u32 s26, $0x1;
	_ =	strace $0x80000046;
	[dreg:$0x1] =	wrdreg $0xFFFFFFFF  }
0xa7: {  	s28 =	simm.s32 $_size_execute0_lowered;
	s2 =	sadd.s32 s2, s4;
	[dreg:$0x0] =	wrdreg $0x0  }
0xa8: {  	s4 =	sshll.u32 s28, $0x1;
	[dreg:$0x2] =	wrdreg s2  }
0xa9: {  	[dreg:$0x3] =	wrdreg s4  }
0xaa: {  	[dreg:$0x4] =	wrdreg $0xC0  }
0xab: {  	_ =	task [dreg:s6], $0x5FFFF  }
0xac: {  	[dreg:$0x1] =	wrdreg $0xFFFFFFFF  }
0xad: {  	[dreg:$0x0] =	wrdreg $0x60  }
0xae: {  	[dreg:$0x2] =	wrdreg s24  }
0xaf: {  	[dreg:$0x3] =	wrdreg $0x0  }
0xb0: {  	[dreg:$0x4] =	wrdreg $0x9  }
0xb1: {  	_ =	task.clear_ibuf [dreg:s6], $0x5FFFF;
	_ =	strace $0x90000046  }
0xb2: {  	s29 =	simm.s32 $0x9;
	_ =	strace $0x80000048  }
0xb3: {  	_ =	swait.ge [sflag:s29], $0x1  }
0xb4: {  	[sflag:s29] =	ssyncadd.s32 $0xFFFFFFFF  }
0xb5: {  	_ =	strace $0x90000048  }
0xb6: {  	_ =	sfence  }
0xb7: {  	s30 =	sld [smem:$0x0];
	_ =	sdelay $0x2  }
0xb8: {  	s31 =	sshll.u32 s1, $0xD;
	s1 =	sshrl.u32 s1, $0x2  }
0xb9: {  	s3 =	sand.u32 $0x4000, s31;
	s1 =	sadd.s32 s1, s30  }
0xba: {  	s0 =	sor.u32 s3, s0;
	s1 =	sshll.u32 s1, $0x11  }
0xbb: {  	s0 =	sor.u32 s1, s0  }
0xbc: {  	s0 =	sadd.s32 $0x8F2B, s0  }
0xbd: {  	[sflag:s0] =	ssyncadd.remote.s32 $0x1  }
0xbe: {  	_ =	sfence.sel $0xFFFF  }
0xbf: {  	[dreg:$0x0] =	wrdreg $0xFFFFFFFF;
	(pc) =	sbr.abs _section_cstart, $3  }
0xc0: {  	[dreg:$0x1] =	wrdreg $0xFFFFFFFF  }
0xc1: {  	_ =	task.clear_ibuf [dreg:s6], $0x2FFFF;
	_ =	strace $0x9FFFFFFF  }
0xc2: {  	(tm) =	ssettm $0x7FFFFFFF  }
0xc3: {  	_ =	shalt  }
tec
execute0_lowered:
.L_overlay_start_1:
0x0: {  	(tag) =	ssettag $0x1  }
0x1: {  	s0 =	srdreg.scid  }
0x2: {  	s1 =	rddreg [dreg:$0x0];
	s7 =	stileid.u32  }
0x3: {  	s2 =	rddreg [dreg:$0x1];
	s17 =	simm.s32 $0x2;
	s18 =	simm.s32 $0x1C000  }
0x4: {  	s19 =	simm.s32 $0x80;
	s20 =	simm.s32 $0x14000;
	s30 =	simm.s32 $0x1D080  }
0x5: {  	s31 =	simm.s32 $0x1D100;
	s21 =	simm.s32 $0x1D280;
	s22 =	simm.s32 $0x1D300  }
0x6: {  	s23 =	simm.s32 $0x1D380;
	s24 =	simm.s32 $0x1;
	s5 =	smul.u32 $0x50000, s7  }
0x7: {  	s25 =	simm.s32 $0x0;
	s0 =	sand.u32 $0x1, s0;
	s8 =	smul.u32 $0x14000, s7  }
0x8: {  	s3 =	sshll.u32 s0, $0x4;
	s28 =	ssub.s32 $0x2, s0;
	s0 =	smul.u32 $0x140000, s0  }
0x9: {  	s4 =	sor.u32 s7, s3;
	s3 =	simm.s32 $0x0;
	s6 =	sshrl.u32 s28, $0x1  }
0xa: {  	s5 =	sshrl.u32 s5, $0x2;
	s10 =	sadd.s32 $0x4000, s8;
	s12 =	sadd.s32 $0x8000, s8  }
0xb: {  	s13 =	sadd.s32 $0xC000, s8;
	s14 =	sadd.s32 $0x10000, s8;
	s4 =	smul.u32 $0x280, s4  }
0xc: {  	[smem:$0x7FF] =	sst s3;
	s15 =	ssub.s32 s28, s6;
	s6 =	sadd.s32 s12, s2  }
0xd: {  	s7 =	sadd.s32 s13, s2;
	s11 =	sadd.s32 s8, s0;
	s8 =	sadd.s32 s14, s2  }
0xe: {  	s16 =	sadd.s32 s0, s10;
	s12 =	sadd.s32 s0, s12;
	s13 =	sadd.s32 s0, s13  }
0xf: {  	s0 =	sadd.s32 s0, s14;
	_ =	strace $0x80000047;
	s11 =	sshrl.u32 s11, $0x3  }
0x10: {  	s29 =	sshrl.u32 s16, $0x3;
	s12 =	sshrl.u32 s12, $0x3;
	s13 =	sshrl.u32 s13, $0x3  }
0x11: {  	s0 =	sshrl.u32 s0, $0x3;
	s15 =	smax.u32 s15, $0x1;
	s16 =	simm.s32 $0x18000  }
0x12: {  	s9 =	sadd.s32 s4, s1;
	s1 =	sadd.s32 $0x9000, s1;
	s4 =	sadd.s32 s5, s2  }
0x13: {  	s5 =	sadd.s32 s10, s2;
	s9 =	sadd.s32 $0x4000, s9;
	s10 =	sadd.s32 s1, s11  }
0x14: {  	s11 =	sadd.s32 s1, s29;
	s12 =	sadd.s32 s1, s12;
	s13 =	sadd.s32 s1, s13  }
0x15: {  	v0 =	vimm.f32 $0.0e+00;
	v1 =	vimm.f32 $1.000000000e+00;
	s14 =	sadd.s32 s1, s0;
	s1 =	simm.s32 $0x1D180;
	s0 =	simm.s32 $0x1D200  }
.LBB2_1:
0x16: {  	s26 =	simm.s32 $0x40;
	s28 =	simm.s32 $0x0  }
.LBB2_2:
0x17: {  	p0 =	sne.s32 s26, $0xFFC0;
	[tilespmem:s28+$0x18000] =	vst v0;
	s29 =	smov.u32 s26;
	s26 =	sadd.s32 $0x40, s26  }
.Ltmp0:
0x18: {  	[tilespmem:s28+$0x14000] =	vst v1;
	(pc) =	sbr.rel @p0 .LBB2_2-.Ltmp0, $2  }
0x19: {  	_ =	sdelay $0x2  }
0x1a: {  	s28 =	sshra.s32 s29, $0x2  }
0x1b: {  	[tilespmem:s28+$0x18000] =	vst v0  }
0x1c: {  	[tilespmem:s28+$0x14000] =	vst v1  }
0x1d: {  	[spmem:s4] =	stream.linear.scatter [tilespmem:s16], [sflag:$0x2], $0x4000, $0x38;
	[tilespmem:$0x1D400] =	vst v63  }
0x1e: {  	_ =	swait.ge [sflag:s17], $0x4000  }
0x1f: {  	[sflag:s17] =	ssyncset.done $0x0  }
0x20: {  	[sflag:s17] =	ssyncadd.s32 $0xFFFFC000  }
0x21: {  	[spmem:s5] =	stream.linear.scatter [tilespmem:s16], [sflag:$0x2], $0x4000, $0x38;
	[tilespmem:$0x1D400] =	vst v63  }
0x22: {  	_ =	swait.ge [sflag:s17], $0x4000  }
0x23: {  	[sflag:s17] =	ssyncset.done $0x0  }
0x24: {  	[sflag:s17] =	ssyncadd.s32 $0xFFFFC000  }
0x25: {  	[spmem:s6] =	stream.linear.scatter [tilespmem:s16], [sflag:$0x2], $0x4000, $0x38;
	[tilespmem:$0x1D400] =	vst v63  }
0x26: {  	_ =	swait.ge [sflag:s17], $0x4000  }
0x27: {  	[sflag:s17] =	ssyncset.done $0x0  }
0x28: {  	[sflag:s17] =	ssyncadd.s32 $0xFFFFC000  }
0x29: {  	[spmem:s7] =	stream.linear.scatter [tilespmem:s16], [sflag:$0x2], $0x4000, $0x38;
	[tilespmem:$0x1D400] =	vst v63  }
0x2a: {  	_ =	swait.ge [sflag:s17], $0x4000  }
0x2b: {  	[sflag:s17] =	ssyncset.done $0x0  }
0x2c: {  	[sflag:s17] =	ssyncadd.s32 $0xFFFFC000  }
0x2d: {  	[spmem:s8] =	stream.linear.scatter [tilespmem:s16], [sflag:$0x2], $0x4000, $0x38;
	[tilespmem:$0x1D400] =	vst v63  }
0x2e: {  	_ =	swait.ge [sflag:s17], $0x4000  }
0x2f: {  	[sflag:s17] =	ssyncset.done $0x0  }
0x30: {  	[sflag:s17] =	ssyncadd.s32 $0xFFFFC000  }
0x31: {  	[bflag:$0x0] =	sbarrier.arrive $0xFFFF  }
0x32: {  	[tilespmem:s18], [sflag:$0x2] =	stream.linear.gather [hbm4b:s9+s3], $0x1400, $0x38;
	[tilespmem:$0x1D400] =	vst v63  }
0x33: {  	_ =	swait.ge [sflag:s17], $0x1400  }
0x34: {  	[sflag:s17] =	ssyncset.done $0x0  }
0x35: {  	[sflag:s17] =	ssyncadd.s32 $0xFFFFEC00  }
0x36: {  	[spmem:s2] =	stream.indirect.scatter.add.f32 [tilespmem:s20], [sflag:$0x1], $0x80, s18, s19, $0xb8;
	[tilespmem:$0x1D400] =	vst v63  }
0x37: {  	s26 =	simm.s32 $0x1C080  }
0x38: {  	[spmem:s2] =	stream.indirect.scatter.add.f32 [tilespmem:s20], [sflag:$0x1], $0x80, s26, s19, $0xb8;
	[tilespmem:$0x1D400] =	vst v63  }
0x39: {  	s29 =	simm.s32 $0x1C100  }
0x3a: {  	[spmem:s2] =	stream.indirect.scatter.add.f32 [tilespmem:s20], [sflag:$0x1], $0x80, s29, s19, $0xb8;
	[tilespmem:$0x1D400] =	vst v63  }
0x3b: {  	s28 =	simm.s32 $0x1C180  }
0x3c: {  	[spmem:s2] =	stream.indirect.scatter.add.f32 [tilespmem:s20], [sflag:$0x1], $0x80, s28, s19, $0xb8;
	[tilespmem:$0x1D400] =	vst v63  }
0x3d: {  	s29 =	simm.s32 $0x1C200  }
0x3e: {  	[spmem:s2] =	stream.indirect.scatter.add.f32 [tilespmem:s20], [sflag:$0x1], $0x80, s29, s19, $0xb8;
	[tilespmem:$0x1D400] =	vst v63  }
0x3f: {  	s28 =	simm.s32 $0x1C280  }
0x40: {  	[spmem:s2] =	stream.indirect.scatter.add.f32 [tilespmem:s20], [sflag:$0x1], $0x80, s28, s19, $0xb8;
	[tilespmem:$0x1D400] =	vst v63  }
0x41: {  	s29 =	simm.s32 $0x1C300  }
0x42: {  	[spmem:s2] =	stream.indirect.scatter.add.f32 [tilespmem:s20], [sflag:$0x1], $0x80, s29, s19, $0xb8;
	[tilespmem:$0x1D400] =	vst v63  }
0x43: {  	s28 =	simm.s32 $0x1C380  }
0x44: {  	[spmem:s2] =	stream.indirect.scatter.add.f32 [tilespmem:s20], [sflag:$0x1], $0x80, s28, s19, $0xb8;
	[tilespmem:$0x1D400] =	vst v63  }
0x45: {  	s29 =	simm.s32 $0x1C400  }
0x46: {  	[spmem:s2] =	stream.indirect.scatter.add.f32 [tilespmem:s20], [sflag:$0x1], $0x80, s29, s19, $0xb8;
	[tilespmem:$0x1D400] =	vst v63  }
0x47: {  	s28 =	simm.s32 $0x1C480  }
0x48: {  	[spmem:s2] =	stream.indirect.scatter.add.f32 [tilespmem:s20], [sflag:$0x1], $0x80, s28, s19, $0xb8;
	[tilespmem:$0x1D400] =	vst v63  }
0x49: {  	s29 =	simm.s32 $0x1C500  }
0x4a: {  	[spmem:s2] =	stream.indirect.scatter.add.f32 [tilespmem:s20], [sflag:$0x1], $0x80, s29, s19, $0xb8;
	[tilespmem:$0x1D400] =	vst v63  }
0x4b: {  	s28 =	simm.s32 $0x1C580  }
0x4c: {  	[spmem:s2] =	stream.indirect.scatter.add.f32 [tilespmem:s20], [sflag:$0x1], $0x80, s28, s19, $0xb8;
	[tilespmem:$0x1D400] =	vst v63  }
0x4d: {  	s29 =	simm.s32 $0x1C600  }
0x4e: {  	[spmem:s2] =	stream.indirect.scatter.add.f32 [tilespmem:s20], [sflag:$0x1], $0x80, s29, s19, $0xb8;
	[tilespmem:$0x1D400] =	vst v63  }
0x4f: {  	s28 =	simm.s32 $0x1C680  }
0x50: {  	[spmem:s2] =	stream.indirect.scatter.add.f32 [tilespmem:s20], [sflag:$0x1], $0x80, s28, s19, $0xb8;
	[tilespmem:$0x1D400] =	vst v63  }
0x51: {  	s29 =	simm.s32 $0x1C700  }
0x52: {  	[spmem:s2] =	stream.indirect.scatter.add.f32 [tilespmem:s20], [sflag:$0x1], $0x80, s29, s19, $0xb8;
	[tilespmem:$0x1D400] =	vst v63  }
0x53: {  	s28 =	simm.s32 $0x1C780  }
0x54: {  	[spmem:s2] =	stream.indirect.scatter.add.f32 [tilespmem:s20], [sflag:$0x1], $0x80, s28, s19, $0xb8;
	[tilespmem:$0x1D400] =	vst v63  }
0x55: {  	s29 =	simm.s32 $0x1C800  }
0x56: {  	[spmem:s2] =	stream.indirect.scatter.add.f32 [tilespmem:s20], [sflag:$0x1], $0x80, s29, s19, $0xb8;
	[tilespmem:$0x1D400] =	vst v63  }
0x57: {  	s28 =	simm.s32 $0x1C880  }
0x58: {  	[spmem:s2] =	stream.indirect.scatter.add.f32 [tilespmem:s20], [sflag:$0x1], $0x80, s28, s19, $0xb8;
	[tilespmem:$0x1D400] =	vst v63  }
0x59: {  	s29 =	simm.s32 $0x1C900  }
0x5a: {  	[spmem:s2] =	stream.indirect.scatter.add.f32 [tilespmem:s20], [sflag:$0x1], $0x80, s29, s19, $0xb8;
	[tilespmem:$0x1D400] =	vst v63  }
0x5b: {  	s28 =	simm.s32 $0x1C980  }
0x5c: {  	[spmem:s2] =	stream.indirect.scatter.add.f32 [tilespmem:s20], [sflag:$0x1], $0x80, s28, s19, $0xb8;
	[tilespmem:$0x1D400] =	vst v63  }
0x5d: {  	s29 =	simm.s32 $0x1CA00  }
0x5e: {  	[spmem:s2] =	stream.indirect.scatter.add.f32 [tilespmem:s20], [sflag:$0x1], $0x80, s29, s19, $0xb8;
	[tilespmem:$0x1D400] =	vst v63  }
0x5f: {  	s28 =	simm.s32 $0x1CA80  }
0x60: {  	[spmem:s2] =	stream.indirect.scatter.add.f32 [tilespmem:s20], [sflag:$0x1], $0x80, s28, s19, $0xb8;
	[tilespmem:$0x1D400] =	vst v63  }
0x61: {  	s29 =	simm.s32 $0x1CB00  }
0x62: {  	[spmem:s2] =	stream.indirect.scatter.add.f32 [tilespmem:s20], [sflag:$0x1], $0x80, s29, s19, $0xb8;
	[tilespmem:$0x1D400] =	vst v63  }
0x63: {  	s28 =	simm.s32 $0x1CB80  }
0x64: {  	[spmem:s2] =	stream.indirect.scatter.add.f32 [tilespmem:s20], [sflag:$0x1], $0x80, s28, s19, $0xb8;
	[tilespmem:$0x1D400] =	vst v63  }
0x65: {  	s29 =	simm.s32 $0x1CC00  }
0x66: {  	[spmem:s2] =	stream.indirect.scatter.add.f32 [tilespmem:s20], [sflag:$0x1], $0x80, s29, s19, $0xb8;
	[tilespmem:$0x1D400] =	vst v63  }
0x67: {  	s28 =	simm.s32 $0x1CC80  }
0x68: {  	[spmem:s2] =	stream.indirect.scatter.add.f32 [tilespmem:s20], [sflag:$0x1], $0x80, s28, s19, $0xb8;
	[tilespmem:$0x1D400] =	vst v63  }
0x69: {  	s29 =	simm.s32 $0x1CD00  }
0x6a: {  	[spmem:s2] =	stream.indirect.scatter.add.f32 [tilespmem:s20], [sflag:$0x1], $0x80, s29, s19, $0xb8;
	[tilespmem:$0x1D400] =	vst v63  }
0x6b: {  	s28 =	simm.s32 $0x1CD80  }
0x6c: {  	[spmem:s2] =	stream.indirect.scatter.add.f32 [tilespmem:s20], [sflag:$0x1], $0x80, s28, s19, $0xb8;
	[tilespmem:$0x1D400] =	vst v63  }
0x6d: {  	s29 =	simm.s32 $0x1CE00  }
0x6e: {  	[spmem:s2] =	stream.indirect.scatter.add.f32 [tilespmem:s20], [sflag:$0x1], $0x80, s29, s19, $0xb8;
	[tilespmem:$0x1D400] =	vst v63  }
0x6f: {  	s28 =	simm.s32 $0x1CE80  }
0x70: {  	[spmem:s2] =	stream.indirect.scatter.add.f32 [tilespmem:s20], [sflag:$0x1], $0x80, s28, s19, $0xb8;
	[tilespmem:$0x1D400] =	vst v63  }
0x71: {  	s29 =	simm.s32 $0x1CF00  }
0x72: {  	[spmem:s2] =	stream.indirect.scatter.add.f32 [tilespmem:s20], [sflag:$0x1], $0x80, s29, s19, $0xb8;
	[tilespmem:$0x1D400] =	vst v63  }
0x73: {  	s28 =	simm.s32 $0x1CF80  }
0x74: {  	[spmem:s2] =	stream.indirect.scatter.add.f32 [tilespmem:s20], [sflag:$0x1], $0x80, s28, s19, $0xb8;
	[tilespmem:$0x1D400] =	vst v63  }
0x75: {  	s29 =	simm.s32 $0x1D000  }
0x76: {  	[spmem:s2] =	stream.indirect.scatter.add.f32 [tilespmem:s20], [sflag:$0x1], $0x80, s29, s19, $0xb8;
	[tilespmem:$0x1D400] =	vst v63  }
0x77: {  	_ = 	snop  }
0x78: {  	[spmem:s2] =	stream.indirect.scatter.add.f32 [tilespmem:s20], [sflag:$0x1], $0x80, s30, s19, $0xb8;
	[tilespmem:$0x1D400] =	vst v63  }
0x79: {  	_ = 	snop  }
0x7a: {  	[spmem:s2] =	stream.indirect.scatter.add.f32 [tilespmem:s20], [sflag:$0x1], $0x80, s31, s19, $0xb8;
	[tilespmem:$0x1D400] =	vst v63  }
0x7b: {  	_ = 	snop  }
0x7c: {  	[spmem:s2] =	stream.indirect.scatter.add.f32 [tilespmem:s20], [sflag:$0x1], $0x80, s1, s19, $0xb8;
	[tilespmem:$0x1D400] =	vst v63  }
0x7d: {  	_ = 	snop  }
0x7e: {  	[spmem:s2] =	stream.indirect.scatter.add.f32 [tilespmem:s20], [sflag:$0x1], $0x80, s0, s19, $0xb8;
	[tilespmem:$0x1D400] =	vst v63  }
0x7f: {  	_ = 	snop  }
0x80: {  	[spmem:s2] =	stream.indirect.scatter.add.f32 [tilespmem:s20], [sflag:$0x1], $0x80, s21, s19, $0xb8;
	[tilespmem:$0x1D400] =	vst v63  }
0x81: {  	_ = 	snop  }
0x82: {  	[spmem:s2] =	stream.indirect.scatter.add.f32 [tilespmem:s20], [sflag:$0x1], $0x80, s22, s19, $0xb8;
	[tilespmem:$0x1D400] =	vst v63  }
0x83: {  	_ = 	snop  }
0x84: {  	[spmem:s2] =	stream.indirect.scatter.add.f32 [tilespmem:s20], [sflag:$0x1], $0x80, s23, s19, $0xb8;
	[tilespmem:$0x1D400] =	vst v63  }
0x85: {  	_ =	swait.ge [sflag:s24], $0x4000  }
0x86: {  	s26 =	simm.s32 $0x27;
	[sflag:s24] =	ssyncset.done $0x0  }
.LBB2_4:
0x87: {  	p0 =	sne.s32 s26, $0x1;
	s26 =	sadd.s32 $0xFFFFFFFF, s26;
	[sflag:s24] =	ssyncadd.s32 $0xFFFFC000  }
.Ltmp1:
0x88: {  	(pc) =	sbr.rel @p0 .LBB2_4-.Ltmp1, $3  }
0x89: {  	_ =	sdelay $0x1  }
0x8a: {  	_ =	swait.ge [sflag:s24], $0x4000  }
0x8b: {  	[sflag:s24] =	ssyncset.done $0x0  }
0x8c: {  	[sflag:s24] =	ssyncadd.s32 $0xFFFFC000  }
0x8d: {  	[bflag:$0x0] =	sbarrier.arrive $0xFFFF  }
0x8e: {  	[tilespmem:s16], [sflag:$0x2] =	stream.linear.gather [spmem:s4], $0x4000, $0x38;
	[tilespmem:$0x1D400] =	vst v63  }
0x8f: {  	_ =	swait.ge [sflag:s17], $0x4000  }
0x90: {  	[sflag:s17] =	ssyncset.done $0x0  }
0x91: {  	[sflag:s17] =	ssyncadd.s32 $0xFFFFC000  }
0x92: {  	[hbm4b:s10+s3] =	stream.linear.scatter [tilespmem:s16], [sflag:$0x2], $0x4000, $0x38;
	[tilespmem:$0x1D400] =	vst v63  }
0x93: {  	_ =	swait.ge [sflag:s17], $0x4000  }
0x94: {  	[sflag:s17] =	ssyncset.done $0x0  }
0x95: {  	[sflag:s17] =	ssyncadd.s32 $0xFFFFC000  }
0x96: {  	[tilespmem:s16], [sflag:$0x2] =	stream.linear.gather [spmem:s5], $0x4000, $0x38;
	[tilespmem:$0x1D400] =	vst v63  }
0x97: {  	_ =	swait.ge [sflag:s17], $0x4000  }
0x98: {  	[sflag:s17] =	ssyncset.done $0x0  }
0x99: {  	[sflag:s17] =	ssyncadd.s32 $0xFFFFC000  }
0x9a: {  	[hbm4b:s11+s3] =	stream.linear.scatter [tilespmem:s16], [sflag:$0x2], $0x4000, $0x38;
	[tilespmem:$0x1D400] =	vst v63  }
0x9b: {  	_ =	swait.ge [sflag:s17], $0x4000  }
0x9c: {  	[sflag:s17] =	ssyncset.done $0x0  }
0x9d: {  	[sflag:s17] =	ssyncadd.s32 $0xFFFFC000  }
0x9e: {  	[tilespmem:s16], [sflag:$0x2] =	stream.linear.gather [spmem:s6], $0x4000, $0x38;
	[tilespmem:$0x1D400] =	vst v63  }
0x9f: {  	_ =	swait.ge [sflag:s17], $0x4000  }
0xa0: {  	[sflag:s17] =	ssyncset.done $0x0  }
0xa1: {  	[sflag:s17] =	ssyncadd.s32 $0xFFFFC000  }
0xa2: {  	[hbm4b:s12+s3] =	stream.linear.scatter [tilespmem:s16], [sflag:$0x2], $0x4000, $0x38;
	[tilespmem:$0x1D400] =	vst v63  }
0xa3: {  	_ =	swait.ge [sflag:s17], $0x4000  }
0xa4: {  	[sflag:s17] =	ssyncset.done $0x0  }
0xa5: {  	[sflag:s17] =	ssyncadd.s32 $0xFFFFC000  }
0xa6: {  	[tilespmem:s16], [sflag:$0x2] =	stream.linear.gather [spmem:s7], $0x4000, $0x38;
	[tilespmem:$0x1D400] =	vst v63  }
0xa7: {  	_ =	swait.ge [sflag:s17], $0x4000  }
0xa8: {  	[sflag:s17] =	ssyncset.done $0x0  }
0xa9: {  	[sflag:s17] =	ssyncadd.s32 $0xFFFFC000  }
0xaa: {  	[hbm4b:s13+s3] =	stream.linear.scatter [tilespmem:s16], [sflag:$0x2], $0x4000, $0x38;
	[tilespmem:$0x1D400] =	vst v63  }
0xab: {  	_ =	swait.ge [sflag:s17], $0x4000  }
0xac: {  	[sflag:s17] =	ssyncset.done $0x0  }
0xad: {  	[sflag:s17] =	ssyncadd.s32 $0xFFFFC000  }
0xae: {  	[tilespmem:s16], [sflag:$0x2] =	stream.linear.gather [spmem:s8], $0x4000, $0x38;
	[tilespmem:$0x1D400] =	vst v63  }
0xaf: {  	s25 =	sadd.s32 $0x1, s25;
	_ =	swait.ge [sflag:s17], $0x4000  }
0xb0: {  	p0 =	sne.s32 s25, s15;
	[sflag:s17] =	ssyncset.done $0x0  }
.Ltmp2:
0xb1: {  	[sflag:s17] =	ssyncadd.s32 $0xFFFFC000;
	(pc) =	sbr.rel @p0 .LBB2_1-.Ltmp2, $4  }
0xb2: {  	[hbm4b:s14+s3] =	stream.linear.scatter [tilespmem:s16], [sflag:$0x2], $0x4000, $0x38;
	[tilespmem:$0x1D400] =	vst v63  }
0xb3: {  	_ =	swait.ge [sflag:s17], $0x4000  }
0xb4: {  	[sflag:s17] =	ssyncset.done $0x0  }
0xb5: {  	[sflag:s17] =	ssyncadd.s32 $0xFFFFC000  }
0xb6: {  	_ =	sfence.sel $0x180000  }
0xb7: {  	[bflag:$0x0] =	sbarrier.arrive $0xFFFF  }
0xb8: {  	_ =	strace $0x90000047  }
0xb9: {  	s0 =	stileid.u32;
	[bflag:$0x2] =	sbarrier.arrive $0xFFFF  }
0xba: {  	p0 =	sne.s32 s0, $0x0;
	s0 =	rddreg [dreg:$0x2]  }
0xbb: {  	s0 =	sadd.s32 @!p0 $0x100000, s0  }
0xbc: {  	[sflag:s0] =	ssyncadd.tile.s32 @!p0 $0x1;
	_ =	shalt  }
.Lfunc_end2:
_tile_overlayer_lowered:
.L_overlay_start_2:
0xbd: {  	(tag) =	ssettag $0x2  }
0xbe: {  	s0 =	rddreg [dreg:$0x0];
	s2 =	stileid.u32  }
0xbf: {  	s1 =	rddreg [dreg:$0x1];
	p0 =	sne.s32 s2, $0x0  }
0xc0: {  	s3 =	rddreg [dreg:$0x2];
	[bflag:$0x3] =	sbarrier.arrive $0xFFFF;
	s2 =	simm.s32 @!p0 $0x1C02  }
0xc1: {  	[timem:s3], [sflag:s2] =	dma.local @!p0 [hbm:s0], s1  }
0xc2: {  	s0 =	simm.s32 @!p0 $0x2  }
0xc3: {  	_ =	swait.ge @!p0 [sflag:s0], s1  }
0xc4: {  	s1 =	ssub.s32 @!p0 $0x0, s1;
	[sflag:s0] =	ssyncset.done @!p0 $0x0  }
0xc5: {  	[sflag:s0] =	ssyncadd.s32 @!p0 s1  }
0xc6: {  	[bflag:$0x3] =	sbarrier.arrive $0xFFFF  }
0xc7: {  	_ =	shalt  }

// kernel: kernel.13.cloned.1.call-start
scs
__scs_entry_jumppad:
0x0: {  	(pc) =	sbr.rel $0x88, $3  }
0x1: {  	(tag) =	ssettag $0x0;
	lr =	simm.s32 $0x1  }
0x2: {  	[smem:$0x3F93] =	sst lr;
	_ =	strace $0xD0000000  }
0x3: {  	_ = 	snop  }
0x4: {  	_ = 	snop  }
0x5: {  	_ = 	snop  }
0x6: {  	_ = 	snop  }
0x7: {  	_ = 	snop  }
__scs_overlays_trampoline_lowered:
0x8: {  	[smem:$0x3FA2] =	sst s0  }
0x9: {  	[smem:$0x3FA3] =	sst s1  }
0xa: {  	[smem:$0x3FA4] =	sst s2  }
0xb: {  	[smem:$0x3FA5] =	sst s3  }
0xc: {  	[smem:$0x3FA6] =	sst s4  }
0xd: {  	[smem:$0x3FA7] =	sst s5  }
0xe: {  	[smem:$0x3FA8] =	sst s6  }
0xf: {  	[smem:$0x3FA9] =	sst s7  }
0x10: {  	[smem:$0x3FAA] =	sst s8  }
0x11: {  	[smem:$0x3FAB] =	sst s9;
	s0 =	simm.s32 @!p0 $0x0  }
0x12: {  	s1 =	sld [smem:$0x3F91];
	s0 =	simm.s32 @p0 $0x1  }
0x13: {  	[smem:$0x3FAC] =	sst s0;
	s0 =	simm.s32 @!p1 $0x0  }
0x14: {  	s2 =	sld [smem:$0x3F90];
	s0 =	simm.s32 @p1 $0x1  }
0x15: {  	[smem:$0x3FAD] =	sst s0;
	s0 =	simm.s32 @!p2 $0x0  }
0x16: {  	s3 =	sld [smem:$0x3FDB];
	s0 =	simm.s32 @p2 $0x1  }
0x17: {  	s4 =	simm.s32 $0x1BF5;
	[smem:$0x3FAF] =	sst s0  }
0x18: {  	s0 =	sld [smem:$0x3F92];
	_ =	swait.ge [sflag:s4], $0x0  }
0x19: {  	s7 =	sld [smem:$0x3F93]  }
0x1a: {  	s8 =	sadd.s32 $0xFFFFE003, lr  }
0x1b: {  	s9 =	sadd.s32 $0xFFFFFEF7, lr;
	s5 =	simm.s32 $0xFFFFFFFF;
	p2 =	slt.u32 s8, $0xFFFFF086  }
0x1c: {  	p1 =	slt.u32 s9, $0xF7A;
	s5 =	simm.s32 @!p2 $0x0  }
0x1d: {  	s5 =	simm.s32 @p1 $0x1;
	p0 =	seq.s32 s7, s2  }
0x1e: {  	s7 =	smul.u32 @!p0 $0xF7A, s2;
	p2 =	seq.s32 @!p0 s5, $0x0  }
0x1f: {  	s9 =	smul.u32 $0xF7A, s1;
	s8 =	simm.s32 @!p0 $0x1BF5;
	p2 =	por !p2, p0  }
0x20: {  	[sflag:s8] =	ssyncset.s32 @!p0 $0xFFFFF086;
	s6 =	sadd.s32 @!p0 s3, s7;
	s7 =	simm.s32 @!p0 $0x108  }
0x21: {  	s3 =	sadd.s32 s3, s9;
	s6 =	sadd.s32 @!p0 $0x88, s6;
	s7 =	simm.s32 @p2 $0x1082  }
0x22: {  	[simem:s7], [sflag:s8] =	dma.local @!p0 [hbm:s6], $0xF7A  }
0x23: {  	s9 =	sor.u32 $0xD0000000, s2;
	s6 =	simm.s32 $0x108;
	_ =	swait.ge @!p0 [sflag:s8], $0x0  }
0x24: {  	s3 =	sadd.s32 $0x88, s3;
	s6 =	simm.s32 @!p1 $0x1082;
	[sflag:s4] =	ssyncset.s32 $0xFFFFF086  }
0x25: {  	[simem:s6], [sflag:s4] =	dma.local [hbm:s3], $0xF7A  }
0x26: {  	[smem:$0x3F93] =	sst s1;
	(tag) =	ssettag s2;
	_ =	strace s9  }
0x27: {  	s1 =	sld [smem:$0x3FA3]  }
0x28: {  	s2 =	sld [smem:$0x3FA4]  }
0x29: {  	s4 =	sld [smem:$0x3FA6]  }
0x2a: {  	p0 =	seq.s32 s5, $0x0;
	s5 =	sld [smem:$0x3FA7]  }
0x2b: {  	s6 =	sld [smem:$0x3FA8]  }
0x2c: {  	s7 =	sld [smem:$0x3FA9]  }
0x2d: {  	s3 =	simm.s32 $0x108;
	s8 =	sld [smem:$0x3FAA]  }
0x2e: {  	s3 =	simm.s32 @!p0 $0x1082;
	s9 =	sld [smem:$0x3FAB]  }
0x2f: {  	lr =	sadd.s32 s0, s3;
	s0 =	sld [smem:$0x3FA2]  }
0x30: {  	s3 =	sld [smem:$0x3FA5]  }
0x31: {  	[smem:$0x3FAE] =	sst s10  }
0x32: {  	s10 =	sld [smem:$0x3FAC];
	_ =	sdelay $0x3  }
0x33: {  	p0 =	seq.s32 s10, $0x1;
	s10 =	sld [smem:$0x3FAE];
	_ =	sdelay $0x3  }
0x34: {  	[smem:$0x3FAE] =	sst s10  }
0x35: {  	s10 =	sld [smem:$0x3FAD];
	_ =	sdelay $0x3  }
0x36: {  	p1 =	seq.s32 s10, $0x1;
	s10 =	sld [smem:$0x3FAE];
	_ =	sdelay $0x3  }
0x37: {  	[smem:$0x3FAE] =	sst s10  }
0x38: {  	s10 =	sld [smem:$0x3FAF]  }
0x39: {  	_ = 	snop;
	(pc) =	sbr.ind lr, $3  }
0x3a: {  	_ = 	snop  }
0x3b: {  	_ = 	snop  }
0x3c: {  	p2 =	seq.s32 s10, $0x1;
	s10 =	sld [smem:$0x3FAE]  }
0x3d: {  	_ =	shalt  }
0x3e: {  	_ =	shalt  }
0x3f: {  	_ =	shalt  }
0x40: {  	_ =	shalt  }
0x41: {  	_ =	shalt  }
0x42: {  	_ =	shalt  }
0x43: {  	_ =	shalt  }
0x44: {  	_ =	shalt  }
0x45: {  	_ =	shalt  }
0x46: {  	_ =	shalt  }
0x47: {  	_ =	shalt  }
0x48: {  	_ =	shalt  }
0x49: {  	_ =	shalt  }
0x4a: {  	_ =	shalt  }
0x4b: {  	_ =	shalt  }
0x4c: {  	_ =	shalt  }
0x4d: {  	_ =	shalt  }
0x4e: {  	_ =	shalt  }
0x4f: {  	_ =	shalt  }
0x50: {  	_ =	shalt  }
0x51: {  	_ =	shalt  }
0x52: {  	_ =	shalt  }
0x53: {  	_ =	shalt  }
0x54: {  	_ =	shalt  }
0x55: {  	_ =	shalt  }
0x56: {  	_ =	shalt  }
0x57: {  	_ =	shalt  }
0x58: {  	_ =	shalt  }
0x59: {  	_ =	shalt  }
0x5a: {  	_ =	shalt  }
0x5b: {  	_ =	shalt  }
0x5c: {  	_ =	shalt  }
0x5d: {  	_ =	shalt  }
0x5e: {  	_ =	shalt  }
0x5f: {  	_ =	shalt  }
0x60: {  	_ =	shalt  }
0x61: {  	_ =	shalt  }
0x62: {  	_ =	shalt  }
0x63: {  	_ =	shalt  }
0x64: {  	_ =	shalt  }
0x65: {  	_ =	shalt  }
0x66: {  	_ =	shalt  }
0x67: {  	_ =	shalt  }
0x68: {  	_ =	shalt  }
0x69: {  	_ =	shalt  }
0x6a: {  	_ =	shalt  }
0x6b: {  	_ =	shalt  }
0x6c: {  	_ =	shalt  }
0x6d: {  	_ =	shalt  }
0x6e: {  	_ =	shalt  }
0x6f: {  	_ =	shalt  }
0x70: {  	_ =	shalt  }
0x71: {  	_ =	shalt  }
0x72: {  	_ =	shalt  }
0x73: {  	_ =	shalt  }
0x74: {  	_ =	shalt  }
0x75: {  	_ =	shalt  }
0x76: {  	_ =	shalt  }
0x77: {  	_ =	shalt  }
0x78: {  	_ =	shalt  }
0x79: {  	_ =	shalt  }
0x7a: {  	_ =	shalt  }
0x7b: {  	_ =	shalt  }
0x7c: {  	_ =	shalt  }
0x7d: {  	_ =	shalt  }
0x7e: {  	_ =	shalt  }
0x7f: {  	_ =	shalt  }
0x80: {  	_ =	shalt  }
0x81: {  	_ =	shalt  }
0x82: {  	_ =	shalt  }
0x83: {  	_ =	shalt  }
0x84: {  	_ =	shalt  }
0x85: {  	_ =	shalt  }
0x86: {  	_ =	shalt  }
0x87: {  	_ =	shalt  }
.Lfunc_end0:
.L_simem_size_0:
called_computation.1_lowered:
.L_overlay_start_0:
0x88: {  	s2 =	sld [smem:$0x3FD9]  }
0x89: {  	s3 =	sld [smem:$0x3FFE];
	_ =	sdelay $0x1  }
0x8a: {  	s1 =	srdreg.scid  }
0x8b: {  	s0 =	sand.u32 $0x1, s1  }
0x8c: {  	s17 =	sshll.u32 s0, $0xA;
	s2 =	sadd.s32 s3, s2  }
0x8d: {  	s2 =	sadd.s32 s2, s17  }
0x8e: {  	[smem:$0x3FBA] =	sst s2  }
0x8f: {  	_ = 	snop  }
0x90: {  	s2 =	sld [smem:$0x3FD0];
	(tm) =	ssettm $0x1  }
0x91: {  	s18 =	sld [smem:$0x3FFB];
	_ =	sdelay $0x3  }
0x92: {  	_ =	strace s18  }
0x93: {  	s3 =	sld [smem:$0x3FFC];
	_ =	sdelay $0x3  }
0x94: {  	_ =	strace s3  }
0x95: {  	s3 =	sld [smem:$0x3FFD];
	_ =	sdelay $0x3  }
0x96: {  	_ =	strace s3  }
0x97: {  	_ =	strace $0x8FFFFFFF  }
0x98: {  	s19 =	sld [smem:$0x3FDB];
	_ =	sdelay $0x1  }
0x99: {  	s4 =	simm.s32 $_scs_section_size  }
0x9a: {  	s5 =	simm.s32 $_size__tile_overlayer_lowered;
	s6 =	simm.s32 $_tile_overlayer_lowered  }
0x9b: {  	s22 =	simm.s32 $0x1BFF;
	s21 =	sshll.u32 s6, $0x1;
	s3 =	sadd.s32 s4, s19  }
0x9c: {  	s7 =	simm.s32 $0x0;
	s20 =	sshll.u32 s5, $0x1;
	s5 =	sadd.s32 s21, s3  }
0x9d: {  	[timem:s7], [sflag:s22] =	dma.local [hbm:s5], s20  }
0x9e: {  	_ =	swait.ge [sflag:s22], s20  }
0x9f: {  	s4 =	ssub.s32 $0x0, s20;
	[sflag:s22] =	ssyncset.done $0x0  }
0xa0: {  	[sflag:s22] =	ssyncadd.s32 s4;
	_ =	sdelay $0x1  }
0xa1: {  	s23 =	simm.s32 $0x1B8B  }
0xa2: {  	_ =	swait.ge [sflag:s23], $0x1  }
0xa3: {  	[sflag:s23] =	ssyncset.done $0x0  }
0xa4: {  	s25 =	simm.s32 $0x1B8E;
	s24 =	sld [smem:$0x3FFE];
	[sflag:s23] =	ssyncadd.s32 $0xFFFFFFFF  }
0xa5: {  	s26 =	simm.s32 $execute0_lowered;
	[smem:$0x3FD2] =	sst s25  }
0xa6: {  	s5 =	sshll.u32 s26, $0x1;
	_ =	strace $0x80000049;
	[dreg:$0x1] =	wrdreg $0xFFFFFFFF  }
0xa7: {  	s28 =	simm.s32 $_size_execute0_lowered;
	s3 =	sadd.s32 s3, s5;
	[dreg:$0x0] =	wrdreg $0x0  }
0xa8: {  	s5 =	sshll.u32 s28, $0x1;
	[dreg:$0x2] =	wrdreg s3  }
0xa9: {  	[dreg:$0x3] =	wrdreg s5  }
0xaa: {  	[dreg:$0x4] =	wrdreg $0xC0  }
0xab: {  	_ =	task [dreg:s7], $0x5FFFF  }
0xac: {  	[dreg:$0x1] =	wrdreg $0xFFFFFFFF  }
0xad: {  	[dreg:$0x0] =	wrdreg $0x60  }
0xae: {  	[dreg:$0x2] =	wrdreg s24  }
0xaf: {  	[dreg:$0x3] =	wrdreg s2  }
0xb0: {  	[dreg:$0x4] =	wrdreg $0x0  }
0xb1: {  	[dreg:$0x5] =	wrdreg $0x9  }
0xb2: {  	_ =	task.clear_ibuf [dreg:s7], $0x6FFFF;
	_ =	strace $0x90000049  }
0xb3: {  	s29 =	simm.s32 $0x9;
	_ =	strace $0x8000004B  }
0xb4: {  	_ =	swait.ge [sflag:s29], $0x1  }
0xb5: {  	[sflag:s29] =	ssyncadd.s32 $0xFFFFFFFF  }
0xb6: {  	_ =	strace $0x9000004B  }
0xb7: {  	_ =	sfence  }
0xb8: {  	s30 =	sld [smem:$0x0];
	_ =	sdelay $0x2  }
0xb9: {  	s31 =	sshll.u32 s1, $0xD;
	s1 =	sshrl.u32 s1, $0x2  }
0xba: {  	s3 =	sand.u32 $0x4000, s31;
	s1 =	sadd.s32 s1, s30  }
0xbb: {  	s0 =	sor.u32 s3, s0;
	s1 =	sshll.u32 s1, $0x11  }
0xbc: {  	s0 =	sor.u32 s1, s0  }
0xbd: {  	s0 =	sadd.s32 $0x8F2B, s0  }
0xbe: {  	[sflag:s0] =	ssyncadd.remote.s32 $0x1  }
0xbf: {  	_ =	sfence.sel $0xFFFF  }
0xc0: {  	[dreg:$0x0] =	wrdreg $0xFFFFFFFF;
	(pc) =	sbr.abs _section_cstart, $3  }
0xc1: {  	[dreg:$0x1] =	wrdreg $0xFFFFFFFF  }
0xc2: {  	_ =	task.clear_ibuf [dreg:s7], $0x2FFFF;
	_ =	strace $0x9FFFFFFF  }
0xc3: {  	(tm) =	ssettm $0x7FFFFFFF  }
tec
execute0_lowered:
.L_overlay_start_1:
0x0: {  	(tag) =	ssettag $0x1  }
0x1: {  	s0 =	rddreg [dreg:$0x0]  }
0x2: {  	s3 =	rddreg [dreg:$0x1]  }
0x3: {  	s1 =	rddreg [dreg:$0x2];
	s2 =	simm.s32 $0x0  }
0x4: {  	s4 =	srdreg.scid;
	s11 =	stileid.u32;
	s28 =	simm.s32 $0x1E780  }
0x5: {  	s29 =	simm.s32 $0x4;
	s30 =	simm.s32 $0x1;
	s8 =	smul.u32 $0x500, s11  }
0x6: {  	s31 =	simm.s32 $0x0;
	[smem:$0x7FF] =	sst s2;
	s10 =	smul.u32 $0x50000, s11  }
0x7: {  	s5 =	sand.u32 $0x1, s4;
	s4 =	sadd.s32 $0x59000, s0;
	s14 =	smul.u32 $0x14000, s11  }
0x8: {  	s12 =	sadd.s32 $0x4000, s0;
	s0 =	sadd.s32 $0xF9000, s0;
	s17 =	smul.u32 $0x2800, s11  }
0x9: {  	_ =	strace $0x8000004A;
	s6 =	smul.u32 $0x2800, s5;
	s7 =	ssub.s32 $0x2, s5  }
0xa: {  	s5 =	smul.u32 $0x140000, s5;
	s9 =	sshrl.u32 s7, $0x1;
	s20 =	sadd.s32 s3, s8  }
0xb: {  	s21 =	sadd.s32 s12, s8;
	s22 =	sshrl.u32 s10, $0x2;
	s15 =	sadd.s32 $0x4000, s14  }
0xc: {  	s16 =	sadd.s32 $0x8000, s14;
	s18 =	sadd.s32 $0xC000, s14;
	s19 =	sadd.s32 $0x10000, s14  }
0xd: {  	s17 =	sshrl.u32 s17, $0x3;
	s13 =	ssub.s32 s7, s9;
	[dreg:$0x4] =	wrdreg s20  }
0xe: {  	[dreg:$0x5] =	wrdreg s21;
	s7 =	sadd.s32 s22, s1;
	s8 =	sadd.s32 s15, s1  }
0xf: {  	s9 =	sadd.s32 s16, s1;
	s10 =	sadd.s32 s18, s1;
	s11 =	sadd.s32 s19, s1  }
0x10: {  	s17 =	sadd.s32 $0x280, s17;
	s14 =	sadd.s32 s14, s5;
	s15 =	sadd.s32 s5, s15  }
0x11: {  	s25 =	sadd.s32 s5, s16;
	s26 =	sadd.s32 s5, s18;
	s5 =	sadd.s32 s5, s19  }
0x12: {  	s20 =	simm.s32 $0x1C000;
	s21 =	simm.s32 $0x5;
	s3 =	sadd.s32 s3, s17  }
0x13: {  	s23 =	sshrl.u32 s14, $0x3;
	s15 =	sshrl.u32 s15, $0x3;
	s12 =	sadd.s32 s12, s17  }
0x14: {  	s5 =	sshrl.u32 s5, $0x3;
	s19 =	smax.u32 s13, $0x1;
	[dreg:$0x6] =	wrdreg s3  }
0x15: {  	[dreg:$0x7] =	wrdreg s12;
	s3 =	sadd.s32 s0, s23;
	s24 =	sadd.s32 s0, s15  }
0x16: {  	s12 =	sshrl.u32 s26, $0x3;
	s18 =	sadd.s32 s0, s5;
	s23 =	simm.s32 $0x80  }
0x17: {  	s26 =	simm.s32 $0x2;
	[dreg:$0x8] =	wrdreg s3;
	s3 =	sshrl.u32 s25, $0x3  }
0x18: {  	[dreg:$0x9] =	wrdreg s24;
	s17 =	sadd.s32 s0, s12;
	s3 =	sadd.s32 s0, s3  }
0x19: {  	v1 =	vimm.f32 $0.0e+00;
	v0 =	vmov s6;
	s24 =	simm.s32 $0x14000;
	s25 =	simm.s32 $0x18000;
	[dreg:$0xa] =	wrdreg s3  }
.LBB2_1:
0x1a: {  	s0 =	rddreg [dreg:$0x4]  }
0x1b: {  	[tilespmem:s20], [sflag:$0x5] =	stream.linear.gather [hbm4b:s0+s2], $0x1400, $0x38;
	[tilespmem:$0x1E800] =	vst v63  }
0x1c: {  	_ =	swait.ge [sflag:s21], $0x1400  }
0x1d: {  	s3 =	simm.s32 $0x1D400;
	s16 =	simm.s32 $0x0;
	[sflag:s21] =	ssyncset.done $0x0  }
0x1e: {  	s22 =	sand.u32 $0xFFFFFF80, s16;
	s15 =	rddreg [dreg:$0x5];
	[sflag:s21] =	ssyncadd.s32 $0xFFFFEC00  }
0x1f: {  	[tilespmem:s3], [sflag:$0x5] =	stream.linear.gather [hbm4b:s15+s2], $0x1400, $0x38;
	[tilespmem:$0x1E800] =	vst v63  }
0x20: {  	s3 =	ssub.s32 $0x0, s22  }
0x21: {  	s0 =	sand.u32 $0x3FFFFF80, s16;
	_ =	swait.ge [sflag:s21], $0x1400;
	s3 =	sand.u32 $0xFFFFFF80, s3  }
0x22: {  	s5 =	sand.u32 $0x70, s2;
	[sflag:s21] =	ssyncset.done $0x0;
	s0 =	sadd.s32 s3, s0  }
0x23: {  	[sflag:s21] =	ssyncadd.s32 $0xFFFFEC00;
	s0 =	sor.u32 s5, s0  }
0x24: {  	v2 =	vld [tilespmem:s0+$0x1C000]  }
0x25: {  	s6 =	simm.s32 $0x10;
	s3 =	simm.s32 $0x0;
	s5 =	simm.s32 $0x2  }
.LBB2_2:
0x26: {  	p0 =	sne.s32 s5, $0x13F;
	s12 =	sand.u32 $0xFFFFFF80, s6;
	s3 =	sadd.s32 $0x10, s3  }
0x27: {  	s12 =	ssub.s32 s3, s12  }
.Ltmp0:
0x28: {  	s6 =	sand.u32 $0x3FFFFF80, s6;
	s12 =	sand.u32 $0xFFFFFF80, s12;
	(pc) =	sbr.rel @p0 .LBB2_2-.Ltmp0, $4  }
0x29: {  	s13 =	sand.u32 $0x70, s3;
	s6 =	sadd.s32 s12, s6;
	v2 =	vadd.s32 v0, v2  }
0x2a: {  	[tilespmem:s0+$0x1C000] =	vst v2;
	s0 =	sor.u32 s13, s6  }
0x2b: {  	v2 =	vld [tilespmem:s0+$0x1C000]  }
0x2c: {  	s6 =	sshll.u32 s5, $0x4;
	s5 =	sadd.s32 $0x1, s5  }
0x2d: {  	s5 =	sand.u32 $0xFFFFFF80, s6;
	s3 =	sadd.s32 $0x10, s3  }
0x2e: {  	s5 =	ssub.s32 s3, s5  }
0x2f: {  	s13 =	sand.u32 $0x3FFFFF80, s6;
	s5 =	sand.u32 $0xFFFFFF80, s5  }
0x30: {  	s3 =	sand.u32 $0x70, s3;
	s5 =	sadd.s32 s5, s13;
	v2 =	vadd.s32 v0, v2  }
0x31: {  	s3 =	sor.u32 s3, s5;
	[tilespmem:s0+$0x1C000] =	vst v2  }
0x32: {  	v2 =	vld [tilespmem:s3+$0x1C000];
	_ =	sdelay $0x2  }
0x33: {  	s14 =	simm.s32 $0x0  }
0x34: {  	s15 =	sand.u32 $0xFFFFFF80, s14  }
0x35: {  	s16 =	ssub.s32 $0x0, s15;
	v2 =	vadd.s32 v0, v2  }
0x36: {  	s0 =	simm.s32 $0x0;
	s5 =	sand.u32 $0xFFFFFF80, s16;
	[tilespmem:s3+$0x1C000] =	vst v2;
	s3 =	sand.u32 $0x3FFFFF80, s14  }
0x37: {  	[tilespmem:s24], [sflag:$0x1] =	stream.indirect.gather [hbm4b:s4+s23], $0x80, s20, s23, $0xb8;
	[tilespmem:$0x1E800] =	vst v63  }
0x38: {  	s22 =	sand.u32 $0x70, s0;
	s5 =	sadd.s32 s5, s3  }
0x39: {  	s3 =	simm.s32 $0x1;
	s5 =	sor.u32 s22, s5  }
.LBB2_4:
0x3a: {  	s6 =	sshll.u32 s3, $0x4;
	p0 =	sne.s32 s3, $0x3FF;
	s3 =	sadd.s32 $0x1, s3;
	[tilespmem:s5+$0x18000] =	vst v1  }
.Ltmp1:
0x3b: {  	s0 =	sadd.s32 $0x10, s0;
	s5 =	sand.u32 $0xFFFFFF80, s6;
	(pc) =	sbr.rel @p0 .LBB2_4-.Ltmp1, $4  }
0x3c: {  	s5 =	ssub.s32 s0, s5  }
0x3d: {  	s6 =	sand.u32 $0x3FFFFF80, s6;
	s5 =	sand.u32 $0xFFFFFF80, s5  }
0x3e: {  	s12 =	sand.u32 $0x70, s0;
	s5 =	sadd.s32 s5, s6  }
0x3f: {  	s5 =	sor.u32 s12, s5  }
0x40: {  	[tilespmem:s5+$0x18000] =	vst v1  }
0x41: {  	[spmem:s7] =	stream.linear.scatter [tilespmem:s25], [sflag:$0x5], $0x4000, $0x38;
	[tilespmem:$0x1E800] =	vst v63  }
0x42: {  	_ =	swait.ge [sflag:s21], $0x4000  }
0x43: {  	[sflag:s21] =	ssyncset.done $0x0  }
0x44: {  	[sflag:s21] =	ssyncadd.s32 $0xFFFFC000  }
0x45: {  	[spmem:s8] =	stream.linear.scatter [tilespmem:s25], [sflag:$0x5], $0x4000, $0x38;
	[tilespmem:$0x1E800] =	vst v63  }
0x46: {  	_ =	swait.ge [sflag:s21], $0x4000  }
0x47: {  	[sflag:s21] =	ssyncset.done $0x0  }
0x48: {  	[sflag:s21] =	ssyncadd.s32 $0xFFFFC000  }
0x49: {  	[spmem:s9] =	stream.linear.scatter [tilespmem:s25], [sflag:$0x5], $0x4000, $0x38;
	[tilespmem:$0x1E800] =	vst v63  }
0x4a: {  	_ =	swait.ge [sflag:s21], $0x4000  }
0x4b: {  	[sflag:s21] =	ssyncset.done $0x0  }
0x4c: {  	[sflag:s21] =	ssyncadd.s32 $0xFFFFC000  }
0x4d: {  	[spmem:s10] =	stream.linear.scatter [tilespmem:s25], [sflag:$0x5], $0x4000, $0x38;
	[tilespmem:$0x1E800] =	vst v63  }
0x4e: {  	_ =	swait.ge [sflag:s21], $0x4000  }
0x4f: {  	[sflag:s21] =	ssyncset.done $0x0  }
0x50: {  	s0 =	simm.s32 $0x1;
	[sflag:s21] =	ssyncadd.s32 $0xFFFFC000  }
0x51: {  	[spmem:s11] =	stream.linear.scatter [tilespmem:s25], [sflag:$0x5], $0x4000, $0x38;
	[tilespmem:$0x1E800] =	vst v63  }
0x52: {  	s3 =	simm.s32 $0x0;
	s15 =	simm.s32 $0x1C080;
	_ =	swait.ge [sflag:s21], $0x4000  }
0x53: {  	s0 =	sand.u32 $0x1, s0;
	s3 =	sand.u32 $0x1, s3;
	[sflag:s21] =	ssyncset.done $0x0  }
0x54: {  	s6 =	sshll.u32 s0, $0xE;
	s0 =	sadd.s32 $0x1, s0;
	[sflag:s21] =	ssyncadd.s32 $0xFFFFC000  }
0x55: {  	s12 =	sadd.s32 $0x1, s3;
	s6 =	sadd.s32 $0x14000, s6;
	[bflag:$0x0] =	sbarrier.arrive $0xFFFF  }
0x56: {  	[tilespmem:s6], [sflag:s0] =	stream.indirect.gather [hbm4b:s4+s23], $0x80, s15, s23, $0xb8;
	[tilespmem:$0x1E800] =	vst v63  }
0x57: {  	_ =	swait.ge [sflag:s12], $0x4000  }
0x58: {  	s16 =	simm.s32 $0x1D400;
	s22 =	sshll.u32 s3, $0xE;
	[sflag:s12] =	ssyncset.done $0x0  }
0x59: {  	s5 =	sadd.s32 $0x14000, s22;
	s6 =	sadd.s32 $0x3, s3;
	[sflag:s12] =	ssyncadd.s32 $0xFFFFC000  }
0x5a: {  	[spmem:s1] =	stream.indirect.scatter.add.f32 [tilespmem:s5], [sflag:s6], $0x80, s16, s23, $0xb8;
	[tilespmem:$0x1E800] =	vst v63  }
0x5b: {  	s3 =	simm.s32 $0x1C100;
	s0 =	simm.s32 $0x1D480;
	s5 =	simm.s32 $0x2  }
0x5c: {  	s12 =	simm.s32 $0x3;
	s13 =	sand.u32 $0x1, s5;
	_ =	swait.ge [sflag:s6], $0x4000  }
.LBB2_6:
0x5d: {  	s14 =	sadd.s32 $0xFFFFFFFF, s5;
	s15 =	sshll.u32 s13, $0xE  }
0x5e: {  	[sflag:s6] =	ssyncset.done $0x0;
	s5 =	smov.u32 s12;
	s13 =	sadd.s32 $0x1, s13  }
0x5f: {  	p0 =	sne.s32 s12, $0x27;
	s14 =	sand.u32 $0x1, s14;
	s15 =	sadd.s32 $0x14000, s15  }
0x60: {  	s22 =	sshll.u32 s14, $0xE;
	s16 =	sadd.s32 $0x1, s14;
	[sflag:s6] =	ssyncadd.s32 $0xFFFFC000  }
0x61: {  	[tilespmem:s15], [sflag:s13] =	stream.indirect.gather [hbm4b:s4+s23], $0x80, s3, s23, $0xb8;
	[tilespmem:$0x1E800] =	vst v63  }
.Ltmp2:
0x62: {  	s15 =	sadd.s32 $0x1, s12;
	_ =	swait.ge [sflag:s16], $0x4000;
	(pc) =	sbr.rel @p0 .LBB2_6-.Ltmp2, $4  }
0x63: {  	s6 =	sadd.s32 $0x3, s14;
	s12 =	sadd.s32 $0x14000, s22;
	[sflag:s16] =	ssyncset.done $0x0  }
0x64: {  	s3 =	sadd.s32 $0x80, s3;
	s13 =	sand.u32 $0x1, s5;
	[sflag:s16] =	ssyncadd.s32 $0xFFFFC000  }
0x65: {  	[spmem:s1] =	stream.indirect.scatter.add.f32 [tilespmem:s12], [sflag:s6], $0x80, s0, s23, $0xb8;
	[tilespmem:$0x1E800] =	vst v63  }
0x66: {  	s0 =	sadd.s32 $0x80, s0;
	s12 =	smov.u32 s15;
	_ =	swait.ge [sflag:s6], $0x4000  }
0x67: {  	s5 =	sadd.s32 $0xFFFFFFFF, s5;
	s12 =	sshll.u32 s13, $0xE  }
0x68: {  	[sflag:s6] =	ssyncset.done $0x0;
	s22 =	sadd.s32 $0x1, s13;
	s5 =	sand.u32 $0x1, s5  }
0x69: {  	s12 =	sadd.s32 $0x14000, s12;
	[sflag:s6] =	ssyncadd.s32 $0xFFFFC000;
	s14 =	sadd.s32 $0x1, s5  }
0x6a: {  	[tilespmem:s12], [sflag:s22] =	stream.indirect.gather [hbm4b:s4+s23], $0x80, s3, s23, $0xb8;
	[tilespmem:$0x1E800] =	vst v63  }
0x6b: {  	_ =	swait.ge [sflag:s14], $0x4000  }
0x6c: {  	s6 =	sshll.u32 s5, $0xE;
	[sflag:s14] =	ssyncset.done $0x0  }
0x6d: {  	s5 =	sadd.s32 $0x3, s5;
	s3 =	sadd.s32 $0x14000, s6;
	[sflag:s14] =	ssyncadd.s32 $0xFFFFC000  }
0x6e: {  	[spmem:s1] =	stream.indirect.scatter.add.f32 [tilespmem:s3], [sflag:s5], $0x80, s0, s23, $0xb8;
	[tilespmem:$0x1E800] =	vst v63  }
0x6f: {  	_ =	swait.ge [sflag:s5], $0x4000  }
0x70: {  	[sflag:s5] =	ssyncset.done $0x0  }
0x71: {  	[sflag:s5] =	ssyncadd.s32 $0xFFFFC000  }
0x72: {  	_ =	swait.ge [sflag:s26], $0x4000  }
0x73: {  	[sflag:s26] =	ssyncset.done $0x0  }
0x74: {  	[sflag:s26] =	ssyncadd.s32 $0xFFFFC000  }
0x75: {  	[spmem:s1] =	stream.indirect.scatter.add.f32 [tilespmem:s25], [sflag:$0x4], $0x80, s28, s23, $0xb8;
	[tilespmem:$0x1E800] =	vst v63  }
0x76: {  	_ =	swait.ge [sflag:s29], $0x4000  }
0x77: {  	[sflag:s29] =	ssyncset.done $0x0  }
0x78: {  	s0 =	simm.s32 $0x0;
	s12 =	rddreg [dreg:$0x6];
	[sflag:s29] =	ssyncadd.s32 $0xFFFFC000  }
0x79: {  	[tilespmem:s20], [sflag:$0x5] =	stream.linear.gather [hbm4b:s12+s0], $0x1400, $0x38;
	[tilespmem:$0x1E800] =	vst v63  }
0x7a: {  	s15 =	simm.s32 $0x0;
	_ =	swait.ge [sflag:s21], $0x1400  }
0x7b: {  	s16 =	sand.u32 $0xFFFFFF80, s15;
	s14 =	simm.s32 $0x1D400;
	[sflag:s21] =	ssyncset.done $0x0  }
0x7c: {  	s5 =	ssub.s32 $0x0, s16;
	s13 =	rddreg [dreg:$0x7];
	[sflag:s21] =	ssyncadd.s32 $0xFFFFEC00  }
0x7d: {  	[tilespmem:s14], [sflag:$0x5] =	stream.linear.gather [hbm4b:s13+s0], $0x1400, $0x38;
	[tilespmem:$0x1E800] =	vst v63  }
0x7e: {  	s3 =	sand.u32 $0x3FFFFF80, s15;
	s5 =	sand.u32 $0xFFFFFF80, s5;
	_ =	swait.ge [sflag:s21], $0x1400  }
0x7f: {  	s22 =	sand.u32 $0x70, s0;
	s3 =	sadd.s32 s5, s3;
	[sflag:s21] =	ssyncset.done $0x0  }
0x80: {  	s3 =	sor.u32 s22, s3;
	[sflag:s21] =	ssyncadd.s32 $0xFFFFEC00  }
0x81: {  	v2 =	vld [tilespmem:s3+$0x1C000]  }
0x82: {  	s6 =	simm.s32 $0x10;
	s5 =	simm.s32 $0x2  }
.LBB2_8:
0x83: {  	p0 =	sne.s32 s5, $0x13F;
	s12 =	sand.u32 $0xFFFFFF80, s6;
	s0 =	sadd.s32 $0x10, s0  }
0x84: {  	s12 =	ssub.s32 s0, s12  }
.Ltmp3:
0x85: {  	s6 =	sand.u32 $0x3FFFFF80, s6;
	s12 =	sand.u32 $0xFFFFFF80, s12;
	(pc) =	sbr.rel @p0 .LBB2_8-.Ltmp3, $4  }
0x86: {  	s13 =	sand.u32 $0x70, s0;
	s6 =	sadd.s32 s12, s6;
	v2 =	vadd.s32 v0, v2  }
0x87: {  	[tilespmem:s3+$0x1C000] =	vst v2;
	s3 =	sor.u32 s13, s6  }
0x88: {  	v2 =	vld [tilespmem:s3+$0x1C000]  }
0x89: {  	s6 =	sshll.u32 s5, $0x4;
	s5 =	sadd.s32 $0x1, s5  }
0x8a: {  	s5 =	sand.u32 $0xFFFFFF80, s6;
	s0 =	sadd.s32 $0x10, s0  }
0x8b: {  	s5 =	ssub.s32 s0, s5  }
0x8c: {  	s22 =	sand.u32 $0x3FFFFF80, s6;
	s5 =	sand.u32 $0xFFFFFF80, s5  }
0x8d: {  	s0 =	sand.u32 $0x70, s0;
	s5 =	sadd.s32 s5, s22;
	v2 =	vadd.s32 v0, v2  }
0x8e: {  	s0 =	sor.u32 s0, s5;
	[tilespmem:s3+$0x1C000] =	vst v2  }
0x8f: {  	v2 =	vld [tilespmem:s0+$0x1C000];
	_ =	sdelay $0x4  }
0x90: {  	s12 =	simm.s32 $0x1;
	s13 =	simm.s32 $0x0;
	v2 =	vadd.s32 v0, v2  }
0x91: {  	s3 =	sand.u32 $0x1, s13;
	[tilespmem:s0+$0x1C000] =	vst v2;
	s0 =	sand.u32 $0x1, s12  }
0x92: {  	[tilespmem:s24], [sflag:$0x1] =	stream.indirect.gather [hbm4b:s4+s23], $0x80, s20, s23, $0xb8;
	[tilespmem:$0x1E800] =	vst v63  }
0x93: {  	s14 =	simm.s32 $0x1C080;
	s22 =	sshll.u32 s3, $0xE;
	s15 =	sshll.u32 s0, $0xE  }
0x94: {  	s12 =	sadd.s32 $0x1, s3;
	s0 =	sadd.s32 $0x1, s0;
	s6 =	sadd.s32 $0x14000, s15  }
0x95: {  	[tilespmem:s6], [sflag:s0] =	stream.indirect.gather [hbm4b:s4+s23], $0x80, s14, s23, $0xb8;
	[tilespmem:$0x1E800] =	vst v63  }
0x96: {  	s16 =	simm.s32 $0x1D400;
	s5 =	sadd.s32 $0x14000, s22;
	_ =	swait.ge [sflag:s12], $0x4000  }
0x97: {  	s6 =	sadd.s32 $0x3, s3;
	s3 =	simm.s32 $0x2;
	[sflag:s12] =	ssyncset.done $0x0  }
0x98: {  	s0 =	simm.s32 $0x1D480;
	s13 =	sand.u32 $0x1, s3;
	[sflag:s12] =	ssyncadd.s32 $0xFFFFC000  }
0x99: {  	[spmem:s1] =	stream.indirect.scatter.add.f32 [tilespmem:s5], [sflag:s6], $0x80, s16, s23, $0xb8;
	[tilespmem:$0x1E800] =	vst v63  }
0x9a: {  	s12 =	simm.s32 $0x3;
	s5 =	simm.s32 $0x1C100;
	_ =	swait.ge [sflag:s6], $0x4000  }
.LBB2_10:
0x9b: {  	s14 =	sadd.s32 $0xFFFFFFFF, s3;
	s15 =	sshll.u32 s13, $0xE  }
0x9c: {  	[sflag:s6] =	ssyncset.done $0x0;
	s3 =	smov.u32 s12;
	s13 =	sadd.s32 $0x1, s13  }
0x9d: {  	p0 =	sne.s32 s12, $0x27;
	s14 =	sand.u32 $0x1, s14;
	s15 =	sadd.s32 $0x14000, s15  }
0x9e: {  	s16 =	sshll.u32 s14, $0xE;
	s22 =	sadd.s32 $0x1, s14;
	[sflag:s6] =	ssyncadd.s32 $0xFFFFC000  }
0x9f: {  	[tilespmem:s15], [sflag:s13] =	stream.indirect.gather [hbm4b:s4+s23], $0x80, s5, s23, $0xb8;
	[tilespmem:$0x1E800] =	vst v63  }
.Ltmp4:
0xa0: {  	s15 =	sadd.s32 $0x1, s12;
	_ =	swait.ge [sflag:s22], $0x4000;
	(pc) =	sbr.rel @p0 .LBB2_10-.Ltmp4, $4  }
0xa1: {  	s6 =	sadd.s32 $0x3, s14;
	s12 =	sadd.s32 $0x14000, s16;
	[sflag:s22] =	ssyncset.done $0x0  }
0xa2: {  	s5 =	sadd.s32 $0x80, s5;
	s13 =	sand.u32 $0x1, s3;
	[sflag:s22] =	ssyncadd.s32 $0xFFFFC000  }
0xa3: {  	[spmem:s1] =	stream.indirect.scatter.add.f32 [tilespmem:s12], [sflag:s6], $0x80, s0, s23, $0xb8;
	[tilespmem:$0x1E800] =	vst v63  }
0xa4: {  	s0 =	sadd.s32 $0x80, s0;
	s12 =	smov.u32 s15;
	_ =	swait.ge [sflag:s6], $0x4000  }
0xa5: {  	s12 =	sshll.u32 s13, $0xE  }
0xa6: {  	[sflag:s6] =	ssyncset.done $0x0;
	s22 =	sadd.s32 $0x1, s13;
	s3 =	sadd.s32 $0xFFFFFFFF, s3  }
0xa7: {  	[sflag:s6] =	ssyncadd.s32 $0xFFFFC000;
	s16 =	sadd.s32 $0x14000, s12;
	s3 =	sand.u32 $0x1, s3  }
0xa8: {  	[tilespmem:s16], [sflag:s22] =	stream.indirect.gather [hbm4b:s4+s23], $0x80, s5, s23, $0xb8;
	[tilespmem:$0x1E800] =	vst v63  }
0xa9: {  	s12 =	sadd.s32 $0x1, s3  }
0xaa: {  	_ =	swait.ge [sflag:s12], $0x4000  }
0xab: {  	s13 =	sshll.u32 s3, $0xE;
	[sflag:s12] =	ssyncset.done $0x0  }
0xac: {  	s3 =	sadd.s32 $0x3, s3;
	s14 =	sadd.s32 $0x14000, s13;
	[sflag:s12] =	ssyncadd.s32 $0xFFFFC000  }
0xad: {  	[spmem:s1] =	stream.indirect.scatter.add.f32 [tilespmem:s14], [sflag:s3], $0x80, s0, s23, $0xb8;
	[tilespmem:$0x1E800] =	vst v63  }
0xae: {  	_ =	swait.ge [sflag:s3], $0x4000  }
0xaf: {  	[sflag:s3] =	ssyncset.done $0x0  }
0xb0: {  	[sflag:s3] =	ssyncadd.s32 $0xFFFFC000  }
0xb1: {  	_ =	swait.ge [sflag:s26], $0x4000  }
0xb2: {  	[sflag:s26] =	ssyncset.done $0x0  }
0xb3: {  	[sflag:s26] =	ssyncadd.s32 $0xFFFFC000  }
0xb4: {  	[spmem:s1] =	stream.indirect.scatter.add.f32 [tilespmem:s25], [sflag:$0x4], $0x80, s28, s23, $0xb8;
	[tilespmem:$0x1E800] =	vst v63  }
0xb5: {  	_ =	swait.ge [sflag:s29], $0x4000  }
0xb6: {  	[sflag:s29] =	ssyncset.done $0x0  }
0xb7: {  	[sflag:s29] =	ssyncadd.s32 $0xFFFFC000  }
0xb8: {  	[bflag:$0x0] =	sbarrier.arrive $0xFFFF  }
0xb9: {  	[tilespmem:s24], [sflag:$0x1] =	stream.linear.gather [spmem:s7], $0x4000, $0x38;
	[tilespmem:$0x1E800] =	vst v63  }
0xba: {  	_ =	swait.ge [sflag:s30], $0x4000  }
0xbb: {  	[sflag:s30] =	ssyncset.done $0x0  }
0xbc: {  	[sflag:s30] =	ssyncadd.s32 $0xFFFFC000  }
0xbd: {  	[tilespmem:s25], [sflag:$0x2] =	stream.linear.gather [spmem:s8], $0x4000, $0x38;
	[tilespmem:$0x1E800] =	vst v63  }
0xbe: {  	s15 =	rddreg [dreg:$0x8]  }
0xbf: {  	[hbm4b:s15+s2] =	stream.linear.scatter [tilespmem:s24], [sflag:$0x5], $0x4000, $0x38;
	[tilespmem:$0x1E800] =	vst v63  }
0xc0: {  	_ =	swait.ge [sflag:s21], $0x4000  }
0xc1: {  	[sflag:s21] =	ssyncset.done $0x0  }
0xc2: {  	[sflag:s21] =	ssyncadd.s32 $0xFFFFC000  }
0xc3: {  	_ =	swait.ge [sflag:s26], $0x4000  }
0xc4: {  	[sflag:s26] =	ssyncset.done $0x0  }
0xc5: {  	[sflag:s26] =	ssyncadd.s32 $0xFFFFC000  }
0xc6: {  	[tilespmem:s24], [sflag:$0x1] =	stream.linear.gather [spmem:s9], $0x4000, $0x38;
	[tilespmem:$0x1E800] =	vst v63  }
0xc7: {  	s16 =	rddreg [dreg:$0x9]  }
0xc8: {  	[hbm4b:s16+s2] =	stream.linear.scatter [tilespmem:s25], [sflag:$0x5], $0x4000, $0x38;
	[tilespmem:$0x1E800] =	vst v63  }
0xc9: {  	_ =	swait.ge [sflag:s21], $0x4000  }
0xca: {  	[sflag:s21] =	ssyncset.done $0x0  }
0xcb: {  	[sflag:s21] =	ssyncadd.s32 $0xFFFFC000  }
0xcc: {  	_ =	swait.ge [sflag:s30], $0x4000  }
0xcd: {  	[sflag:s30] =	ssyncset.done $0x0  }
0xce: {  	[sflag:s30] =	ssyncadd.s32 $0xFFFFC000  }
0xcf: {  	[tilespmem:s25], [sflag:$0x2] =	stream.linear.gather [spmem:s10], $0x4000, $0x38;
	[tilespmem:$0x1E800] =	vst v63  }
0xd0: {  	s22 =	rddreg [dreg:$0xa]  }
0xd1: {  	[hbm4b:s22+s2] =	stream.linear.scatter [tilespmem:s24], [sflag:$0x5], $0x4000, $0x38;
	[tilespmem:$0x1E800] =	vst v63  }
0xd2: {  	_ =	swait.ge [sflag:s21], $0x4000  }
0xd3: {  	[sflag:s21] =	ssyncset.done $0x0  }
0xd4: {  	[sflag:s21] =	ssyncadd.s32 $0xFFFFC000  }
0xd5: {  	_ =	swait.ge [sflag:s26], $0x4000  }
0xd6: {  	[sflag:s26] =	ssyncset.done $0x0  }
0xd7: {  	[sflag:s26] =	ssyncadd.s32 $0xFFFFC000  }
0xd8: {  	[tilespmem:s24], [sflag:$0x1] =	stream.linear.gather [spmem:s11], $0x4000, $0x38;
	[tilespmem:$0x1E800] =	vst v63  }
0xd9: {  	_ = 	snop  }
0xda: {  	[hbm4b:s17+s2] =	stream.linear.scatter [tilespmem:s25], [sflag:$0x5], $0x4000, $0x38;
	[tilespmem:$0x1E800] =	vst v63  }
0xdb: {  	_ =	swait.ge [sflag:s21], $0x4000  }
0xdc: {  	[sflag:s21] =	ssyncset.done $0x0  }
0xdd: {  	[sflag:s21] =	ssyncadd.s32 $0xFFFFC000  }
0xde: {  	s31 =	sadd.s32 $0x1, s31;
	_ =	swait.ge [sflag:s30], $0x4000  }
0xdf: {  	p0 =	sne.s32 s31, s19;
	[sflag:s30] =	ssyncset.done $0x0  }
.Ltmp5:
0xe0: {  	[sflag:s30] =	ssyncadd.s32 $0xFFFFC000;
	(pc) =	sbr.rel @p0 .LBB2_1-.Ltmp5, $4  }
0xe1: {  	[hbm4b:s18+s2] =	stream.linear.scatter [tilespmem:s24], [sflag:$0x5], $0x4000, $0x38;
	[tilespmem:$0x1E800] =	vst v63  }
0xe2: {  	_ =	swait.ge [sflag:s21], $0x4000  }
0xe3: {  	[sflag:s21] =	ssyncset.done $0x0  }
0xe4: {  	[sflag:s21] =	ssyncadd.s32 $0xFFFFC000  }
0xe5: {  	_ =	sfence.sel $0x180000  }
0xe6: {  	[bflag:$0x0] =	sbarrier.arrive $0xFFFF  }
0xe7: {  	_ =	strace $0x9000004A  }
0xe8: {  	s0 =	stileid.u32;
	[bflag:$0x2] =	sbarrier.arrive $0xFFFF  }
0xe9: {  	p0 =	sne.s32 s0, $0x0;
	s0 =	rddreg [dreg:$0x3]  }
0xea: {  	s0 =	sadd.s32 @!p0 $0x100000, s0  }
0xeb: {  	[sflag:s0] =	ssyncadd.tile.s32 @!p0 $0x1;
	_ =	shalt  }
.Lfunc_end2:
_tile_overlayer_lowered:
.L_overlay_start_2:
0xec: {  	(tag) =	ssettag $0x2  }
0xed: {  	s0 =	rddreg [dreg:$0x0];
	s2 =	stileid.u32  }
0xee: {  	s1 =	rddreg [dreg:$0x1];
	p0 =	sne.s32 s2, $0x0  }
0xef: {  	s3 =	rddreg [dreg:$0x2];
	[bflag:$0x3] =	sbarrier.arrive $0xFFFF;
	s2 =	simm.s32 @!p0 $0x1C05  }
0xf0: {  	[timem:s3], [sflag:s2] =	dma.local @!p0 [hbm:s0], s1  }
0xf1: {  	s0 =	simm.s32 @!p0 $0x5  }
0xf2: {  	_ =	swait.ge @!p0 [sflag:s0], s1  }
0xf3: {  	s1 =	ssub.s32 @!p0 $0x0, s1;
	[sflag:s0] =	ssyncset.done @!p0 $0x0  }
0xf4: {  	[sflag:s0] =	ssyncadd.s32 @!p0 s1  }
0xf5: {  	[bflag:$0x3] =	sbarrier.arrive $0xFFFF  }
0xf6: {  	_ =	shalt  }

// kernel: kernel.16.cloned.1.call-start
scs
__scs_entry_jumppad:
0x0: {  	(pc) =	sbr.rel $0x88, $3  }
0x1: {  	(tag) =	ssettag $0x0;
	lr =	simm.s32 $0x1  }
0x2: {  	[smem:$0x3F93] =	sst lr;
	_ =	strace $0xD0000000  }
0x3: {  	_ = 	snop  }
0x4: {  	_ = 	snop  }
0x5: {  	_ = 	snop  }
0x6: {  	_ = 	snop  }
0x7: {  	_ = 	snop  }
__scs_overlays_trampoline_lowered:
0x8: {  	[smem:$0x3FA2] =	sst s0  }
0x9: {  	[smem:$0x3FA3] =	sst s1  }
0xa: {  	[smem:$0x3FA4] =	sst s2  }
0xb: {  	[smem:$0x3FA5] =	sst s3  }
0xc: {  	[smem:$0x3FA6] =	sst s4  }
0xd: {  	[smem:$0x3FA7] =	sst s5  }
0xe: {  	[smem:$0x3FA8] =	sst s6  }
0xf: {  	[smem:$0x3FA9] =	sst s7  }
0x10: {  	[smem:$0x3FAA] =	sst s8  }
0x11: {  	[smem:$0x3FAB] =	sst s9;
	s0 =	simm.s32 @!p0 $0x0  }
0x12: {  	s1 =	sld [smem:$0x3F91];
	s0 =	simm.s32 @p0 $0x1  }
0x13: {  	[smem:$0x3FAC] =	sst s0;
	s0 =	simm.s32 @!p1 $0x0  }
0x14: {  	s2 =	sld [smem:$0x3F90];
	s0 =	simm.s32 @p1 $0x1  }
0x15: {  	[smem:$0x3FAD] =	sst s0;
	s0 =	simm.s32 @!p2 $0x0  }
0x16: {  	s3 =	sld [smem:$0x3FDB];
	s0 =	simm.s32 @p2 $0x1  }
0x17: {  	s4 =	simm.s32 $0x1BF5;
	[smem:$0x3FAF] =	sst s0  }
0x18: {  	s0 =	sld [smem:$0x3F92];
	_ =	swait.ge [sflag:s4], $0x0  }
0x19: {  	s7 =	sld [smem:$0x3F93]  }
0x1a: {  	s8 =	sadd.s32 $0xFFFFE003, lr  }
0x1b: {  	s9 =	sadd.s32 $0xFFFFFEF7, lr;
	s5 =	simm.s32 $0xFFFFFFFF;
	p2 =	slt.u32 s8, $0xFFFFF086  }
0x1c: {  	p1 =	slt.u32 s9, $0xF7A;
	s5 =	simm.s32 @!p2 $0x0  }
0x1d: {  	s5 =	simm.s32 @p1 $0x1;
	p0 =	seq.s32 s7, s2  }
0x1e: {  	s7 =	smul.u32 @!p0 $0xF7A, s2;
	p2 =	seq.s32 @!p0 s5, $0x0  }
0x1f: {  	s9 =	smul.u32 $0xF7A, s1;
	s8 =	simm.s32 @!p0 $0x1BF5;
	p2 =	por !p2, p0  }
0x20: {  	[sflag:s8] =	ssyncset.s32 @!p0 $0xFFFFF086;
	s6 =	sadd.s32 @!p0 s3, s7;
	s7 =	simm.s32 @!p0 $0x108  }
0x21: {  	s3 =	sadd.s32 s3, s9;
	s6 =	sadd.s32 @!p0 $0x88, s6;
	s7 =	simm.s32 @p2 $0x1082  }
0x22: {  	[simem:s7], [sflag:s8] =	dma.local @!p0 [hbm:s6], $0xF7A  }
0x23: {  	s9 =	sor.u32 $0xD0000000, s2;
	s6 =	simm.s32 $0x108;
	_ =	swait.ge @!p0 [sflag:s8], $0x0  }
0x24: {  	s3 =	sadd.s32 $0x88, s3;
	s6 =	simm.s32 @!p1 $0x1082;
	[sflag:s4] =	ssyncset.s32 $0xFFFFF086  }
0x25: {  	[simem:s6], [sflag:s4] =	dma.local [hbm:s3], $0xF7A  }
0x26: {  	[smem:$0x3F93] =	sst s1;
	(tag) =	ssettag s2;
	_ =	strace s9  }
0x27: {  	s1 =	sld [smem:$0x3FA3]  }
0x28: {  	s2 =	sld [smem:$0x3FA4]  }
0x29: {  	s4 =	sld [smem:$0x3FA6]  }
0x2a: {  	p0 =	seq.s32 s5, $0x0;
	s5 =	sld [smem:$0x3FA7]  }
0x2b: {  	s6 =	sld [smem:$0x3FA8]  }
0x2c: {  	s7 =	sld [smem:$0x3FA9]  }
0x2d: {  	s3 =	simm.s32 $0x108;
	s8 =	sld [smem:$0x3FAA]  }
0x2e: {  	s3 =	simm.s32 @!p0 $0x1082;
	s9 =	sld [smem:$0x3FAB]  }
0x2f: {  	lr =	sadd.s32 s0, s3;
	s0 =	sld [smem:$0x3FA2]  }
0x30: {  	s3 =	sld [smem:$0x3FA5]  }
0x31: {  	[smem:$0x3FAE] =	sst s10  }
0x32: {  	s10 =	sld [smem:$0x3FAC];
	_ =	sdelay $0x3  }
0x33: {  	p0 =	seq.s32 s10, $0x1;
	s10 =	sld [smem:$0x3FAE];
	_ =	sdelay $0x3  }
0x34: {  	[smem:$0x3FAE] =	sst s10  }
0x35: {  	s10 =	sld [smem:$0x3FAD];
	_ =	sdelay $0x3  }
0x36: {  	p1 =	seq.s32 s10, $0x1;
	s10 =	sld [smem:$0x3FAE];
	_ =	sdelay $0x3  }
0x37: {  	[smem:$0x3FAE] =	sst s10  }
0x38: {  	s10 =	sld [smem:$0x3FAF]  }
0x39: {  	_ = 	snop;
	(pc) =	sbr.ind lr, $3  }
0x3a: {  	_ = 	snop  }
0x3b: {  	_ = 	snop  }
0x3c: {  	p2 =	seq.s32 s10, $0x1;
	s10 =	sld [smem:$0x3FAE]  }
0x3d: {  	_ =	shalt  }
0x3e: {  	_ =	shalt  }
0x3f: {  	_ =	shalt  }
0x40: {  	_ =	shalt  }
0x41: {  	_ =	shalt  }
0x42: {  	_ =	shalt  }
0x43: {  	_ =	shalt  }
0x44: {  	_ =	shalt  }
0x45: {  	_ =	shalt  }
0x46: {  	_ =	shalt  }
0x47: {  	_ =	shalt  }
0x48: {  	_ =	shalt  }
0x49: {  	_ =	shalt  }
0x4a: {  	_ =	shalt  }
0x4b: {  	_ =	shalt  }
0x4c: {  	_ =	shalt  }
0x4d: {  	_ =	shalt  }
0x4e: {  	_ =	shalt  }
0x4f: {  	_ =	shalt  }
0x50: {  	_ =	shalt  }
0x51: {  	_ =	shalt  }
0x52: {  	_ =	shalt  }
0x53: {  	_ =	shalt  }
0x54: {  	_ =	shalt  }
0x55: {  	_ =	shalt  }
0x56: {  	_ =	shalt  }
0x57: {  	_ =	shalt  }
0x58: {  	_ =	shalt  }
0x59: {  	_ =	shalt  }
0x5a: {  	_ =	shalt  }
0x5b: {  	_ =	shalt  }
0x5c: {  	_ =	shalt  }
0x5d: {  	_ =	shalt  }
0x5e: {  	_ =	shalt  }
0x5f: {  	_ =	shalt  }
0x60: {  	_ =	shalt  }
0x61: {  	_ =	shalt  }
0x62: {  	_ =	shalt  }
0x63: {  	_ =	shalt  }
0x64: {  	_ =	shalt  }
0x65: {  	_ =	shalt  }
0x66: {  	_ =	shalt  }
0x67: {  	_ =	shalt  }
0x68: {  	_ =	shalt  }
0x69: {  	_ =	shalt  }
0x6a: {  	_ =	shalt  }
0x6b: {  	_ =	shalt  }
0x6c: {  	_ =	shalt  }
0x6d: {  	_ =	shalt  }
0x6e: {  	_ =	shalt  }
0x6f: {  	_ =	shalt  }
0x70: {  	_ =	shalt  }
0x71: {  	_ =	shalt  }
0x72: {  	_ =	shalt  }
0x73: {  	_ =	shalt  }
0x74: {  	_ =	shalt  }
0x75: {  	_ =	shalt  }
0x76: {  	_ =	shalt  }
0x77: {  	_ =	shalt  }
0x78: {  	_ =	shalt  }
0x79: {  	_ =	shalt  }
0x7a: {  	_ =	shalt  }
0x7b: {  	_ =	shalt  }
0x7c: {  	_ =	shalt  }
0x7d: {  	_ =	shalt  }
0x7e: {  	_ =	shalt  }
0x7f: {  	_ =	shalt  }
0x80: {  	_ =	shalt  }
0x81: {  	_ =	shalt  }
0x82: {  	_ =	shalt  }
0x83: {  	_ =	shalt  }
0x84: {  	_ =	shalt  }
0x85: {  	_ =	shalt  }
0x86: {  	_ =	shalt  }
0x87: {  	_ =	shalt  }
.Lfunc_end0:
.L_simem_size_0:
called_computation.2_lowered:
.L_overlay_start_0:
0x88: {  	s2 =	sld [smem:$0x3FD9]  }
0x89: {  	s3 =	sld [smem:$0x3FFE];
	_ =	sdelay $0x1  }
0x8a: {  	s1 =	srdreg.scid  }
0x8b: {  	s0 =	sand.u32 $0x1, s1  }
0x8c: {  	s17 =	sshll.u32 s0, $0xA;
	s2 =	sadd.s32 s3, s2  }
0x8d: {  	s2 =	sadd.s32 s2, s17  }
0x8e: {  	[smem:$0x3FBA] =	sst s2  }
0x8f: {  	_ = 	snop  }
0x90: {  	s2 =	sld [smem:$0x3FD0];
	(tm) =	ssettm $0x1  }
0x91: {  	s18 =	sld [smem:$0x3FFB];
	_ =	sdelay $0x3  }
0x92: {  	_ =	strace s18  }
0x93: {  	s3 =	sld [smem:$0x3FFC];
	_ =	sdelay $0x3  }
0x94: {  	_ =	strace s3  }
0x95: {  	s3 =	sld [smem:$0x3FFD];
	_ =	sdelay $0x3  }
0x96: {  	_ =	strace s3  }
0x97: {  	_ =	strace $0x8FFFFFFF  }
0x98: {  	s19 =	sld [smem:$0x3FDB];
	_ =	sdelay $0x1  }
0x99: {  	s4 =	simm.s32 $_scs_section_size  }
0x9a: {  	s5 =	simm.s32 $_size__tile_overlayer_lowered;
	s6 =	simm.s32 $_tile_overlayer_lowered  }
0x9b: {  	s22 =	simm.s32 $0x1BFF;
	s21 =	sshll.u32 s6, $0x1;
	s3 =	sadd.s32 s4, s19  }
0x9c: {  	s7 =	simm.s32 $0x0;
	s20 =	sshll.u32 s5, $0x1;
	s5 =	sadd.s32 s21, s3  }
0x9d: {  	[timem:s7], [sflag:s22] =	dma.local [hbm:s5], s20  }
0x9e: {  	_ =	swait.ge [sflag:s22], s20  }
0x9f: {  	s4 =	ssub.s32 $0x0, s20;
	[sflag:s22] =	ssyncset.done $0x0  }
0xa0: {  	[sflag:s22] =	ssyncadd.s32 s4;
	_ =	sdelay $0x1  }
0xa1: {  	s23 =	simm.s32 $0x1B8B  }
0xa2: {  	_ =	swait.ge [sflag:s23], $0x1  }
0xa3: {  	[sflag:s23] =	ssyncset.done $0x0  }
0xa4: {  	s25 =	simm.s32 $0x1B8E;
	s24 =	sld [smem:$0x3FFE];
	[sflag:s23] =	ssyncadd.s32 $0xFFFFFFFF  }
0xa5: {  	s26 =	simm.s32 $execute0_lowered;
	[smem:$0x3FD2] =	sst s25  }
0xa6: {  	s5 =	sshll.u32 s26, $0x1;
	_ =	strace $0x8000004C;
	[dreg:$0x1] =	wrdreg $0xFFFFFFFF  }
0xa7: {  	s28 =	simm.s32 $_size_execute0_lowered;
	s3 =	sadd.s32 s3, s5;
	[dreg:$0x0] =	wrdreg $0x0  }
0xa8: {  	s5 =	sshll.u32 s28, $0x1;
	[dreg:$0x2] =	wrdreg s3  }
0xa9: {  	[dreg:$0x3] =	wrdreg s5  }
0xaa: {  	[dreg:$0x4] =	wrdreg $0xC0  }
0xab: {  	_ =	task [dreg:s7], $0x5FFFF  }
0xac: {  	[dreg:$0x1] =	wrdreg $0xFFFFFFFF  }
0xad: {  	[dreg:$0x0] =	wrdreg $0x60  }
0xae: {  	[dreg:$0x2] =	wrdreg s24  }
0xaf: {  	[dreg:$0x3] =	wrdreg s2  }
0xb0: {  	[dreg:$0x4] =	wrdreg $0x0  }
0xb1: {  	[dreg:$0x5] =	wrdreg $0x9  }
0xb2: {  	_ =	task.clear_ibuf [dreg:s7], $0x6FFFF;
	_ =	strace $0x9000004C  }
0xb3: {  	s29 =	simm.s32 $0x9;
	_ =	strace $0x8000004E  }
0xb4: {  	_ =	swait.ge [sflag:s29], $0x1  }
0xb5: {  	[sflag:s29] =	ssyncadd.s32 $0xFFFFFFFF  }
0xb6: {  	_ =	strace $0x9000004E  }
0xb7: {  	_ =	sfence  }
0xb8: {  	s30 =	sld [smem:$0x0];
	_ =	sdelay $0x2  }
0xb9: {  	s31 =	sshll.u32 s1, $0xD;
	s1 =	sshrl.u32 s1, $0x2  }
0xba: {  	s3 =	sand.u32 $0x4000, s31;
	s1 =	sadd.s32 s1, s30  }
0xbb: {  	s0 =	sor.u32 s3, s0;
	s1 =	sshll.u32 s1, $0x11  }
0xbc: {  	s0 =	sor.u32 s1, s0  }
0xbd: {  	s0 =	sadd.s32 $0x8F2B, s0  }
0xbe: {  	[sflag:s0] =	ssyncadd.remote.s32 $0x1  }
0xbf: {  	_ =	sfence.sel $0xFFFF  }
0xc0: {  	[dreg:$0x0] =	wrdreg $0xFFFFFFFF;
	(pc) =	sbr.abs _section_cstart, $3  }
0xc1: {  	[dreg:$0x1] =	wrdreg $0xFFFFFFFF  }
0xc2: {  	_ =	task.clear_ibuf [dreg:s7], $0x2FFFF;
	_ =	strace $0x9FFFFFFF  }
0xc3: {  	(tm) =	ssettm $0x7FFFFFFF  }
tec
execute0_lowered:
.L_overlay_start_1:
0x0: {  	(tag) =	ssettag $0x1  }
0x1: {  	s0 =	rddreg [dreg:$0x0]  }
0x2: {  	s3 =	rddreg [dreg:$0x1]  }
0x3: {  	s1 =	rddreg [dreg:$0x2];
	s2 =	simm.s32 $0x0  }
0x4: {  	s4 =	srdreg.scid;
	s11 =	stileid.u32;
	s28 =	simm.s32 $0x1E780  }
0x5: {  	s29 =	simm.s32 $0x4;
	s30 =	simm.s32 $0x1;
	s8 =	smul.u32 $0x500, s11  }
0x6: {  	s31 =	simm.s32 $0x0;
	[smem:$0x7FF] =	sst s2;
	s10 =	smul.u32 $0x50000, s11  }
0x7: {  	s5 =	sand.u32 $0x1, s4;
	s4 =	sadd.s32 $0x59000, s0;
	s14 =	smul.u32 $0x14000, s11  }
0x8: {  	s12 =	sadd.s32 $0x4000, s0;
	s0 =	sadd.s32 $0xF9000, s0;
	s17 =	smul.u32 $0x2800, s11  }
0x9: {  	_ =	strace $0x8000004D;
	s6 =	smul.u32 $0x2800, s5;
	s7 =	ssub.s32 $0x2, s5  }
0xa: {  	s5 =	smul.u32 $0x140000, s5;
	s9 =	sshrl.u32 s7, $0x1;
	s20 =	sadd.s32 s3, s8  }
0xb: {  	s21 =	sadd.s32 s12, s8;
	s22 =	sshrl.u32 s10, $0x2;
	s15 =	sadd.s32 $0x4000, s14  }
0xc: {  	s16 =	sadd.s32 $0x8000, s14;
	s18 =	sadd.s32 $0xC000, s14;
	s19 =	sadd.s32 $0x10000, s14  }
0xd: {  	s17 =	sshrl.u32 s17, $0x3;
	s13 =	ssub.s32 s7, s9;
	[dreg:$0x4] =	wrdreg s20  }
0xe: {  	[dreg:$0x5] =	wrdreg s21;
	s7 =	sadd.s32 s22, s1;
	s8 =	sadd.s32 s15, s1  }
0xf: {  	s9 =	sadd.s32 s16, s1;
	s10 =	sadd.s32 s18, s1;
	s11 =	sadd.s32 s19, s1  }
0x10: {  	s17 =	sadd.s32 $0x280, s17;
	s14 =	sadd.s32 s14, s5;
	s15 =	sadd.s32 s5, s15  }
0x11: {  	s25 =	sadd.s32 s5, s16;
	s26 =	sadd.s32 s5, s18;
	s5 =	sadd.s32 s5, s19  }
0x12: {  	s20 =	simm.s32 $0x1C000;
	s21 =	simm.s32 $0x5;
	s3 =	sadd.s32 s3, s17  }
0x13: {  	s23 =	sshrl.u32 s14, $0x3;
	s15 =	sshrl.u32 s15, $0x3;
	s12 =	sadd.s32 s12, s17  }
0x14: {  	s5 =	sshrl.u32 s5, $0x3;
	s19 =	smax.u32 s13, $0x1;
	[dreg:$0x6] =	wrdreg s3  }
0x15: {  	[dreg:$0x7] =	wrdreg s12;
	s3 =	sadd.s32 s0, s23;
	s24 =	sadd.s32 s0, s15  }
0x16: {  	s12 =	sshrl.u32 s26, $0x3;
	s18 =	sadd.s32 s0, s5;
	s23 =	simm.s32 $0x80  }
0x17: {  	s26 =	simm.s32 $0x2;
	[dreg:$0x8] =	wrdreg s3;
	s3 =	sshrl.u32 s25, $0x3  }
0x18: {  	[dreg:$0x9] =	wrdreg s24;
	s17 =	sadd.s32 s0, s12;
	s3 =	sadd.s32 s0, s3  }
0x19: {  	v1 =	vimm.f32 $0.0e+00;
	v0 =	vmov s6;
	s24 =	simm.s32 $0x14000;
	s25 =	simm.s32 $0x18000;
	[dreg:$0xa] =	wrdreg s3  }
.LBB2_1:
0x1a: {  	s0 =	rddreg [dreg:$0x4]  }
0x1b: {  	[tilespmem:s20], [sflag:$0x5] =	stream.linear.gather [hbm4b:s0+s2], $0x1400, $0x38;
	[tilespmem:$0x1E800] =	vst v63  }
0x1c: {  	_ =	swait.ge [sflag:s21], $0x1400  }
0x1d: {  	s3 =	simm.s32 $0x1D400;
	s16 =	simm.s32 $0x0;
	[sflag:s21] =	ssyncset.done $0x0  }
0x1e: {  	s22 =	sand.u32 $0xFFFFFF80, s16;
	s15 =	rddreg [dreg:$0x5];
	[sflag:s21] =	ssyncadd.s32 $0xFFFFEC00  }
0x1f: {  	[tilespmem:s3], [sflag:$0x5] =	stream.linear.gather [hbm4b:s15+s2], $0x1400, $0x38;
	[tilespmem:$0x1E800] =	vst v63  }
0x20: {  	s3 =	ssub.s32 $0x0, s22  }
0x21: {  	s0 =	sand.u32 $0x3FFFFF80, s16;
	_ =	swait.ge [sflag:s21], $0x1400;
	s3 =	sand.u32 $0xFFFFFF80, s3  }
0x22: {  	s5 =	sand.u32 $0x70, s2;
	[sflag:s21] =	ssyncset.done $0x0;
	s0 =	sadd.s32 s3, s0  }
0x23: {  	[sflag:s21] =	ssyncadd.s32 $0xFFFFEC00;
	s0 =	sor.u32 s5, s0  }
0x24: {  	v2 =	vld [tilespmem:s0+$0x1C000]  }
0x25: {  	s6 =	simm.s32 $0x10;
	s3 =	simm.s32 $0x0;
	s5 =	simm.s32 $0x2  }
.LBB2_2:
0x26: {  	p0 =	sne.s32 s5, $0x13F;
	s12 =	sand.u32 $0xFFFFFF80, s6;
	s3 =	sadd.s32 $0x10, s3  }
0x27: {  	s12 =	ssub.s32 s3, s12  }
.Ltmp0:
0x28: {  	s6 =	sand.u32 $0x3FFFFF80, s6;
	s12 =	sand.u32 $0xFFFFFF80, s12;
	(pc) =	sbr.rel @p0 .LBB2_2-.Ltmp0, $4  }
0x29: {  	s13 =	sand.u32 $0x70, s3;
	s6 =	sadd.s32 s12, s6;
	v2 =	vadd.s32 v0, v2  }
0x2a: {  	[tilespmem:s0+$0x1C000] =	vst v2;
	s0 =	sor.u32 s13, s6  }
0x2b: {  	v2 =	vld [tilespmem:s0+$0x1C000]  }
0x2c: {  	s6 =	sshll.u32 s5, $0x4;
	s5 =	sadd.s32 $0x1, s5  }
0x2d: {  	s5 =	sand.u32 $0xFFFFFF80, s6;
	s3 =	sadd.s32 $0x10, s3  }
0x2e: {  	s5 =	ssub.s32 s3, s5  }
0x2f: {  	s13 =	sand.u32 $0x3FFFFF80, s6;
	s5 =	sand.u32 $0xFFFFFF80, s5  }
0x30: {  	s3 =	sand.u32 $0x70, s3;
	s5 =	sadd.s32 s5, s13;
	v2 =	vadd.s32 v0, v2  }
0x31: {  	s3 =	sor.u32 s3, s5;
	[tilespmem:s0+$0x1C000] =	vst v2  }
0x32: {  	v2 =	vld [tilespmem:s3+$0x1C000];
	_ =	sdelay $0x2  }
0x33: {  	s14 =	simm.s32 $0x0  }
0x34: {  	s15 =	sand.u32 $0xFFFFFF80, s14  }
0x35: {  	s16 =	ssub.s32 $0x0, s15;
	v2 =	vadd.s32 v0, v2  }
0x36: {  	s0 =	simm.s32 $0x0;
	s5 =	sand.u32 $0xFFFFFF80, s16;
	[tilespmem:s3+$0x1C000] =	vst v2;
	s3 =	sand.u32 $0x3FFFFF80, s14  }
0x37: {  	[tilespmem:s24], [sflag:$0x1] =	stream.indirect.gather [hbm4b:s4+s23], $0x80, s20, s23, $0xb8;
	[tilespmem:$0x1E800] =	vst v63  }
0x38: {  	s22 =	sand.u32 $0x70, s0;
	s5 =	sadd.s32 s5, s3  }
0x39: {  	s3 =	simm.s32 $0x1;
	s5 =	sor.u32 s22, s5  }
.LBB2_4:
0x3a: {  	s6 =	sshll.u32 s3, $0x4;
	p0 =	sne.s32 s3, $0x3FF;
	s3 =	sadd.s32 $0x1, s3;
	[tilespmem:s5+$0x18000] =	vst v1  }
.Ltmp1:
0x3b: {  	s0 =	sadd.s32 $0x10, s0;
	s5 =	sand.u32 $0xFFFFFF80, s6;
	(pc) =	sbr.rel @p0 .LBB2_4-.Ltmp1, $4  }
0x3c: {  	s5 =	ssub.s32 s0, s5  }
0x3d: {  	s6 =	sand.u32 $0x3FFFFF80, s6;
	s5 =	sand.u32 $0xFFFFFF80, s5  }
0x3e: {  	s12 =	sand.u32 $0x70, s0;
	s5 =	sadd.s32 s5, s6  }
0x3f: {  	s5 =	sor.u32 s12, s5  }
0x40: {  	[tilespmem:s5+$0x18000] =	vst v1  }
0x41: {  	[spmem:s7] =	stream.linear.scatter [tilespmem:s25], [sflag:$0x5], $0x4000, $0x38;
	[tilespmem:$0x1E800] =	vst v63  }
0x42: {  	_ =	swait.ge [sflag:s21], $0x4000  }
0x43: {  	[sflag:s21] =	ssyncset.done $0x0  }
0x44: {  	[sflag:s21] =	ssyncadd.s32 $0xFFFFC000  }
0x45: {  	[spmem:s8] =	stream.linear.scatter [tilespmem:s25], [sflag:$0x5], $0x4000, $0x38;
	[tilespmem:$0x1E800] =	vst v63  }
0x46: {  	_ =	swait.ge [sflag:s21], $0x4000  }
0x47: {  	[sflag:s21] =	ssyncset.done $0x0  }
0x48: {  	[sflag:s21] =	ssyncadd.s32 $0xFFFFC000  }
0x49: {  	[spmem:s9] =	stream.linear.scatter [tilespmem:s25], [sflag:$0x5], $0x4000, $0x38;
	[tilespmem:$0x1E800] =	vst v63  }
0x4a: {  	_ =	swait.ge [sflag:s21], $0x4000  }
0x4b: {  	[sflag:s21] =	ssyncset.done $0x0  }
0x4c: {  	[sflag:s21] =	ssyncadd.s32 $0xFFFFC000  }
0x4d: {  	[spmem:s10] =	stream.linear.scatter [tilespmem:s25], [sflag:$0x5], $0x4000, $0x38;
	[tilespmem:$0x1E800] =	vst v63  }
0x4e: {  	_ =	swait.ge [sflag:s21], $0x4000  }
0x4f: {  	[sflag:s21] =	ssyncset.done $0x0  }
0x50: {  	s0 =	simm.s32 $0x1;
	[sflag:s21] =	ssyncadd.s32 $0xFFFFC000  }
0x51: {  	[spmem:s11] =	stream.linear.scatter [tilespmem:s25], [sflag:$0x5], $0x4000, $0x38;
	[tilespmem:$0x1E800] =	vst v63  }
0x52: {  	s3 =	simm.s32 $0x0;
	s15 =	simm.s32 $0x1C080;
	_ =	swait.ge [sflag:s21], $0x4000  }
0x53: {  	s0 =	sand.u32 $0x1, s0;
	s3 =	sand.u32 $0x1, s3;
	[sflag:s21] =	ssyncset.done $0x0  }
0x54: {  	s6 =	sshll.u32 s0, $0xE;
	s0 =	sadd.s32 $0x1, s0;
	[sflag:s21] =	ssyncadd.s32 $0xFFFFC000  }
0x55: {  	s12 =	sadd.s32 $0x1, s3;
	s6 =	sadd.s32 $0x14000, s6;
	[bflag:$0x0] =	sbarrier.arrive $0xFFFF  }
0x56: {  	[tilespmem:s6], [sflag:s0] =	stream.indirect.gather [hbm4b:s4+s23], $0x80, s15, s23, $0xb8;
	[tilespmem:$0x1E800] =	vst v63  }
0x57: {  	_ =	swait.ge [sflag:s12], $0x4000  }
0x58: {  	s16 =	simm.s32 $0x1D400;
	s22 =	sshll.u32 s3, $0xE;
	[sflag:s12] =	ssyncset.done $0x0  }
0x59: {  	s5 =	sadd.s32 $0x14000, s22;
	s6 =	sadd.s32 $0x3, s3;
	[sflag:s12] =	ssyncadd.s32 $0xFFFFC000  }
0x5a: {  	[spmem:s1] =	stream.indirect.scatter.add.f32 [tilespmem:s5], [sflag:s6], $0x80, s16, s23, $0xb8;
	[tilespmem:$0x1E800] =	vst v63  }
0x5b: {  	s3 =	simm.s32 $0x1C100;
	s0 =	simm.s32 $0x1D480;
	s5 =	simm.s32 $0x2  }
0x5c: {  	s12 =	simm.s32 $0x3;
	s13 =	sand.u32 $0x1, s5;
	_ =	swait.ge [sflag:s6], $0x4000  }
.LBB2_6:
0x5d: {  	s14 =	sadd.s32 $0xFFFFFFFF, s5;
	s15 =	sshll.u32 s13, $0xE  }
0x5e: {  	[sflag:s6] =	ssyncset.done $0x0;
	s5 =	smov.u32 s12;
	s13 =	sadd.s32 $0x1, s13  }
0x5f: {  	p0 =	sne.s32 s12, $0x27;
	s14 =	sand.u32 $0x1, s14;
	s15 =	sadd.s32 $0x14000, s15  }
0x60: {  	s22 =	sshll.u32 s14, $0xE;
	s16 =	sadd.s32 $0x1, s14;
	[sflag:s6] =	ssyncadd.s32 $0xFFFFC000  }
0x61: {  	[tilespmem:s15], [sflag:s13] =	stream.indirect.gather [hbm4b:s4+s23], $0x80, s3, s23, $0xb8;
	[tilespmem:$0x1E800] =	vst v63  }
.Ltmp2:
0x62: {  	s15 =	sadd.s32 $0x1, s12;
	_ =	swait.ge [sflag:s16], $0x4000;
	(pc) =	sbr.rel @p0 .LBB2_6-.Ltmp2, $4  }
0x63: {  	s6 =	sadd.s32 $0x3, s14;
	s12 =	sadd.s32 $0x14000, s22;
	[sflag:s16] =	ssyncset.done $0x0  }
0x64: {  	s3 =	sadd.s32 $0x80, s3;
	s13 =	sand.u32 $0x1, s5;
	[sflag:s16] =	ssyncadd.s32 $0xFFFFC000  }
0x65: {  	[spmem:s1] =	stream.indirect.scatter.add.f32 [tilespmem:s12], [sflag:s6], $0x80, s0, s23, $0xb8;
	[tilespmem:$0x1E800] =	vst v63  }
0x66: {  	s0 =	sadd.s32 $0x80, s0;
	s12 =	smov.u32 s15;
	_ =	swait.ge [sflag:s6], $0x4000  }
0x67: {  	s5 =	sadd.s32 $0xFFFFFFFF, s5;
	s12 =	sshll.u32 s13, $0xE  }
0x68: {  	[sflag:s6] =	ssyncset.done $0x0;
	s22 =	sadd.s32 $0x1, s13;
	s5 =	sand.u32 $0x1, s5  }
0x69: {  	s12 =	sadd.s32 $0x14000, s12;
	[sflag:s6] =	ssyncadd.s32 $0xFFFFC000;
	s14 =	sadd.s32 $0x1, s5  }
0x6a: {  	[tilespmem:s12], [sflag:s22] =	stream.indirect.gather [hbm4b:s4+s23], $0x80, s3, s23, $0xb8;
	[tilespmem:$0x1E800] =	vst v63  }
0x6b: {  	_ =	swait.ge [sflag:s14], $0x4000  }
0x6c: {  	s6 =	sshll.u32 s5, $0xE;
	[sflag:s14] =	ssyncset.done $0x0  }
0x6d: {  	s5 =	sadd.s32 $0x3, s5;
	s3 =	sadd.s32 $0x14000, s6;
	[sflag:s14] =	ssyncadd.s32 $0xFFFFC000  }
0x6e: {  	[spmem:s1] =	stream.indirect.scatter.add.f32 [tilespmem:s3], [sflag:s5], $0x80, s0, s23, $0xb8;
	[tilespmem:$0x1E800] =	vst v63  }
0x6f: {  	_ =	swait.ge [sflag:s5], $0x4000  }
0x70: {  	[sflag:s5] =	ssyncset.done $0x0  }
0x71: {  	[sflag:s5] =	ssyncadd.s32 $0xFFFFC000  }
0x72: {  	_ =	swait.ge [sflag:s26], $0x4000  }
0x73: {  	[sflag:s26] =	ssyncset.done $0x0  }
0x74: {  	[sflag:s26] =	ssyncadd.s32 $0xFFFFC000  }
0x75: {  	[spmem:s1] =	stream.indirect.scatter.add.f32 [tilespmem:s25], [sflag:$0x4], $0x80, s28, s23, $0xb8;
	[tilespmem:$0x1E800] =	vst v63  }
0x76: {  	_ =	swait.ge [sflag:s29], $0x4000  }
0x77: {  	[sflag:s29] =	ssyncset.done $0x0  }
0x78: {  	s0 =	simm.s32 $0x0;
	s12 =	rddreg [dreg:$0x6];
	[sflag:s29] =	ssyncadd.s32 $0xFFFFC000  }
0x79: {  	[tilespmem:s20], [sflag:$0x5] =	stream.linear.gather [hbm4b:s12+s0], $0x1400, $0x38;
	[tilespmem:$0x1E800] =	vst v63  }
0x7a: {  	s15 =	simm.s32 $0x0;
	_ =	swait.ge [sflag:s21], $0x1400  }
0x7b: {  	s16 =	sand.u32 $0xFFFFFF80, s15;
	s14 =	simm.s32 $0x1D400;
	[sflag:s21] =	ssyncset.done $0x0  }
0x7c: {  	s5 =	ssub.s32 $0x0, s16;
	s13 =	rddreg [dreg:$0x7];
	[sflag:s21] =	ssyncadd.s32 $0xFFFFEC00  }
0x7d: {  	[tilespmem:s14], [sflag:$0x5] =	stream.linear.gather [hbm4b:s13+s0], $0x1400, $0x38;
	[tilespmem:$0x1E800] =	vst v63  }
0x7e: {  	s3 =	sand.u32 $0x3FFFFF80, s15;
	s5 =	sand.u32 $0xFFFFFF80, s5;
	_ =	swait.ge [sflag:s21], $0x1400  }
0x7f: {  	s22 =	sand.u32 $0x70, s0;
	s3 =	sadd.s32 s5, s3;
	[sflag:s21] =	ssyncset.done $0x0  }
0x80: {  	s3 =	sor.u32 s22, s3;
	[sflag:s21] =	ssyncadd.s32 $0xFFFFEC00  }
0x81: {  	v2 =	vld [tilespmem:s3+$0x1C000]  }
0x82: {  	s6 =	simm.s32 $0x10;
	s5 =	simm.s32 $0x2  }
.LBB2_8:
0x83: {  	p0 =	sne.s32 s5, $0x13F;
	s12 =	sand.u32 $0xFFFFFF80, s6;
	s0 =	sadd.s32 $0x10, s0  }
0x84: {  	s12 =	ssub.s32 s0, s12  }
.Ltmp3:
0x85: {  	s6 =	sand.u32 $0x3FFFFF80, s6;
	s12 =	sand.u32 $0xFFFFFF80, s12;
	(pc) =	sbr.rel @p0 .LBB2_8-.Ltmp3, $4  }
0x86: {  	s13 =	sand.u32 $0x70, s0;
	s6 =	sadd.s32 s12, s6;
	v2 =	vadd.s32 v0, v2  }
0x87: {  	[tilespmem:s3+$0x1C000] =	vst v2;
	s3 =	sor.u32 s13, s6  }
0x88: {  	v2 =	vld [tilespmem:s3+$0x1C000]  }
0x89: {  	s6 =	sshll.u32 s5, $0x4;
	s5 =	sadd.s32 $0x1, s5  }
0x8a: {  	s5 =	sand.u32 $0xFFFFFF80, s6;
	s0 =	sadd.s32 $0x10, s0  }
0x8b: {  	s5 =	ssub.s32 s0, s5  }
0x8c: {  	s22 =	sand.u32 $0x3FFFFF80, s6;
	s5 =	sand.u32 $0xFFFFFF80, s5  }
0x8d: {  	s0 =	sand.u32 $0x70, s0;
	s5 =	sadd.s32 s5, s22;
	v2 =	vadd.s32 v0, v2  }
0x8e: {  	s0 =	sor.u32 s0, s5;
	[tilespmem:s3+$0x1C000] =	vst v2  }
0x8f: {  	v2 =	vld [tilespmem:s0+$0x1C000];
	_ =	sdelay $0x4  }
0x90: {  	s12 =	simm.s32 $0x1;
	s13 =	simm.s32 $0x0;
	v2 =	vadd.s32 v0, v2  }
0x91: {  	s3 =	sand.u32 $0x1, s13;
	[tilespmem:s0+$0x1C000] =	vst v2;
	s0 =	sand.u32 $0x1, s12  }
0x92: {  	[tilespmem:s24], [sflag:$0x1] =	stream.indirect.gather [hbm4b:s4+s23], $0x80, s20, s23, $0xb8;
	[tilespmem:$0x1E800] =	vst v63  }
0x93: {  	s14 =	simm.s32 $0x1C080;
	s22 =	sshll.u32 s3, $0xE;
	s15 =	sshll.u32 s0, $0xE  }
0x94: {  	s12 =	sadd.s32 $0x1, s3;
	s0 =	sadd.s32 $0x1, s0;
	s6 =	sadd.s32 $0x14000, s15  }
0x95: {  	[tilespmem:s6], [sflag:s0] =	stream.indirect.gather [hbm4b:s4+s23], $0x80, s14, s23, $0xb8;
	[tilespmem:$0x1E800] =	vst v63  }
0x96: {  	s16 =	simm.s32 $0x1D400;
	s5 =	sadd.s32 $0x14000, s22;
	_ =	swait.ge [sflag:s12], $0x4000  }
0x97: {  	s6 =	sadd.s32 $0x3, s3;
	s3 =	simm.s32 $0x2;
	[sflag:s12] =	ssyncset.done $0x0  }
0x98: {  	s0 =	simm.s32 $0x1D480;
	s13 =	sand.u32 $0x1, s3;
	[sflag:s12] =	ssyncadd.s32 $0xFFFFC000  }
0x99: {  	[spmem:s1] =	stream.indirect.scatter.add.f32 [tilespmem:s5], [sflag:s6], $0x80, s16, s23, $0xb8;
	[tilespmem:$0x1E800] =	vst v63  }
0x9a: {  	s12 =	simm.s32 $0x3;
	s5 =	simm.s32 $0x1C100;
	_ =	swait.ge [sflag:s6], $0x4000  }
.LBB2_10:
0x9b: {  	s14 =	sadd.s32 $0xFFFFFFFF, s3;
	s15 =	sshll.u32 s13, $0xE  }
0x9c: {  	[sflag:s6] =	ssyncset.done $0x0;
	s3 =	smov.u32 s12;
	s13 =	sadd.s32 $0x1, s13  }
0x9d: {  	p0 =	sne.s32 s12, $0x27;
	s14 =	sand.u32 $0x1, s14;
	s15 =	sadd.s32 $0x14000, s15  }
0x9e: {  	s16 =	sshll.u32 s14, $0xE;
	s22 =	sadd.s32 $0x1, s14;
	[sflag:s6] =	ssyncadd.s32 $0xFFFFC000  }
0x9f: {  	[tilespmem:s15], [sflag:s13] =	stream.indirect.gather [hbm4b:s4+s23], $0x80, s5, s23, $0xb8;
	[tilespmem:$0x1E800] =	vst v63  }
.Ltmp4:
0xa0: {  	s15 =	sadd.s32 $0x1, s12;
	_ =	swait.ge [sflag:s22], $0x4000;
	(pc) =	sbr.rel @p0 .LBB2_10-.Ltmp4, $4  }
0xa1: {  	s6 =	sadd.s32 $0x3, s14;
	s12 =	sadd.s32 $0x14000, s16;
	[sflag:s22] =	ssyncset.done $0x0  }
0xa2: {  	s5 =	sadd.s32 $0x80, s5;
	s13 =	sand.u32 $0x1, s3;
	[sflag:s22] =	ssyncadd.s32 $0xFFFFC000  }
0xa3: {  	[spmem:s1] =	stream.indirect.scatter.add.f32 [tilespmem:s12], [sflag:s6], $0x80, s0, s23, $0xb8;
	[tilespmem:$0x1E800] =	vst v63  }
0xa4: {  	s0 =	sadd.s32 $0x80, s0;
	s12 =	smov.u32 s15;
	_ =	swait.ge [sflag:s6], $0x4000  }
0xa5: {  	s12 =	sshll.u32 s13, $0xE  }
0xa6: {  	[sflag:s6] =	ssyncset.done $0x0;
	s22 =	sadd.s32 $0x1, s13;
	s3 =	sadd.s32 $0xFFFFFFFF, s3  }
0xa7: {  	[sflag:s6] =	ssyncadd.s32 $0xFFFFC000;
	s16 =	sadd.s32 $0x14000, s12;
	s3 =	sand.u32 $0x1, s3  }
0xa8: {  	[tilespmem:s16], [sflag:s22] =	stream.indirect.gather [hbm4b:s4+s23], $0x80, s5, s23, $0xb8;
	[tilespmem:$0x1E800] =	vst v63  }
0xa9: {  	s12 =	sadd.s32 $0x1, s3  }
0xaa: {  	_ =	swait.ge [sflag:s12], $0x4000  }
0xab: {  	s13 =	sshll.u32 s3, $0xE;
	[sflag:s12] =	ssyncset.done $0x0  }
0xac: {  	s3 =	sadd.s32 $0x3, s3;
	s14 =	sadd.s32 $0x14000, s13;
	[sflag:s12] =	ssyncadd.s32 $0xFFFFC000  }
0xad: {  	[spmem:s1] =	stream.indirect.scatter.add.f32 [tilespmem:s14], [sflag:s3], $0x80, s0, s23, $0xb8;
	[tilespmem:$0x1E800] =	vst v63  }
0xae: {  	_ =	swait.ge [sflag:s3], $0x4000  }
0xaf: {  	[sflag:s3] =	ssyncset.done $0x0  }
0xb0: {  	[sflag:s3] =	ssyncadd.s32 $0xFFFFC000  }
0xb1: {  	_ =	swait.ge [sflag:s26], $0x4000  }
0xb2: {  	[sflag:s26] =	ssyncset.done $0x0  }
0xb3: {  	[sflag:s26] =	ssyncadd.s32 $0xFFFFC000  }
0xb4: {  	[spmem:s1] =	stream.indirect.scatter.add.f32 [tilespmem:s25], [sflag:$0x4], $0x80, s28, s23, $0xb8;
	[tilespmem:$0x1E800] =	vst v63  }
0xb5: {  	_ =	swait.ge [sflag:s29], $0x4000  }
0xb6: {  	[sflag:s29] =	ssyncset.done $0x0  }
0xb7: {  	[sflag:s29] =	ssyncadd.s32 $0xFFFFC000  }
0xb8: {  	[bflag:$0x0] =	sbarrier.arrive $0xFFFF  }
0xb9: {  	[tilespmem:s24], [sflag:$0x1] =	stream.linear.gather [spmem:s7], $0x4000, $0x38;
	[tilespmem:$0x1E800] =	vst v63  }
0xba: {  	_ =	swait.ge [sflag:s30], $0x4000  }
0xbb: {  	[sflag:s30] =	ssyncset.done $0x0  }
0xbc: {  	[sflag:s30] =	ssyncadd.s32 $0xFFFFC000  }
0xbd: {  	[tilespmem:s25], [sflag:$0x2] =	stream.linear.gather [spmem:s8], $0x4000, $0x38;
	[tilespmem:$0x1E800] =	vst v63  }
0xbe: {  	s15 =	rddreg [dreg:$0x8]  }
0xbf: {  	[hbm4b:s15+s2] =	stream.linear.scatter [tilespmem:s24], [sflag:$0x5], $0x4000, $0x38;
	[tilespmem:$0x1E800] =	vst v63  }
0xc0: {  	_ =	swait.ge [sflag:s21], $0x4000  }
0xc1: {  	[sflag:s21] =	ssyncset.done $0x0  }
0xc2: {  	[sflag:s21] =	ssyncadd.s32 $0xFFFFC000  }
0xc3: {  	_ =	swait.ge [sflag:s26], $0x4000  }
0xc4: {  	[sflag:s26] =	ssyncset.done $0x0  }
0xc5: {  	[sflag:s26] =	ssyncadd.s32 $0xFFFFC000  }
0xc6: {  	[tilespmem:s24], [sflag:$0x1] =	stream.linear.gather [spmem:s9], $0x4000, $0x38;
	[tilespmem:$0x1E800] =	vst v63  }
0xc7: {  	s16 =	rddreg [dreg:$0x9]  }
0xc8: {  	[hbm4b:s16+s2] =	stream.linear.scatter [tilespmem:s25], [sflag:$0x5], $0x4000, $0x38;
	[tilespmem:$0x1E800] =	vst v63  }
0xc9: {  	_ =	swait.ge [sflag:s21], $0x4000  }
0xca: {  	[sflag:s21] =	ssyncset.done $0x0  }
0xcb: {  	[sflag:s21] =	ssyncadd.s32 $0xFFFFC000  }
0xcc: {  	_ =	swait.ge [sflag:s30], $0x4000  }
0xcd: {  	[sflag:s30] =	ssyncset.done $0x0  }
0xce: {  	[sflag:s30] =	ssyncadd.s32 $0xFFFFC000  }
0xcf: {  	[tilespmem:s25], [sflag:$0x2] =	stream.linear.gather [spmem:s10], $0x4000, $0x38;
	[tilespmem:$0x1E800] =	vst v63  }
0xd0: {  	s22 =	rddreg [dreg:$0xa]  }
0xd1: {  	[hbm4b:s22+s2] =	stream.linear.scatter [tilespmem:s24], [sflag:$0x5], $0x4000, $0x38;
	[tilespmem:$0x1E800] =	vst v63  }
0xd2: {  	_ =	swait.ge [sflag:s21], $0x4000  }
0xd3: {  	[sflag:s21] =	ssyncset.done $0x0  }
0xd4: {  	[sflag:s21] =	ssyncadd.s32 $0xFFFFC000  }
0xd5: {  	_ =	swait.ge [sflag:s26], $0x4000  }
0xd6: {  	[sflag:s26] =	ssyncset.done $0x0  }
0xd7: {  	[sflag:s26] =	ssyncadd.s32 $0xFFFFC000  }
0xd8: {  	[tilespmem:s24], [sflag:$0x1] =	stream.linear.gather [spmem:s11], $0x4000, $0x38;
	[tilespmem:$0x1E800] =	vst v63  }
0xd9: {  	_ = 	snop  }
0xda: {  	[hbm4b:s17+s2] =	stream.linear.scatter [tilespmem:s25], [sflag:$0x5], $0x4000, $0x38;
	[tilespmem:$0x1E800] =	vst v63  }
0xdb: {  	_ =	swait.ge [sflag:s21], $0x4000  }
0xdc: {  	[sflag:s21] =	ssyncset.done $0x0  }
0xdd: {  	[sflag:s21] =	ssyncadd.s32 $0xFFFFC000  }
0xde: {  	s31 =	sadd.s32 $0x1, s31;
	_ =	swait.ge [sflag:s30], $0x4000  }
0xdf: {  	p0 =	sne.s32 s31, s19;
	[sflag:s30] =	ssyncset.done $0x0  }
.Ltmp5:
0xe0: {  	[sflag:s30] =	ssyncadd.s32 $0xFFFFC000;
	(pc) =	sbr.rel @p0 .LBB2_1-.Ltmp5, $4  }
0xe1: {  	[hbm4b:s18+s2] =	stream.linear.scatter [tilespmem:s24], [sflag:$0x5], $0x4000, $0x38;
	[tilespmem:$0x1E800] =	vst v63  }
0xe2: {  	_ =	swait.ge [sflag:s21], $0x4000  }
0xe3: {  	[sflag:s21] =	ssyncset.done $0x0  }
0xe4: {  	[sflag:s21] =	ssyncadd.s32 $0xFFFFC000  }
0xe5: {  	_ =	sfence.sel $0x180000  }
0xe6: {  	[bflag:$0x0] =	sbarrier.arrive $0xFFFF  }
0xe7: {  	_ =	strace $0x9000004D  }
0xe8: {  	s0 =	stileid.u32;
	[bflag:$0x2] =	sbarrier.arrive $0xFFFF  }
0xe9: {  	p0 =	sne.s32 s0, $0x0;
	s0 =	rddreg [dreg:$0x3]  }
0xea: {  	s0 =	sadd.s32 @!p0 $0x100000, s0  }
0xeb: {  	[sflag:s0] =	ssyncadd.tile.s32 @!p0 $0x1;
	_ =	shalt  }
.Lfunc_end2:
_tile_overlayer_lowered:
.L_overlay_start_2:
0xec: {  	(tag) =	ssettag $0x2  }
0xed: {  	s0 =	rddreg [dreg:$0x0];
	s2 =	stileid.u32  }
0xee: {  	s1 =	rddreg [dreg:$0x1];
	p0 =	sne.s32 s2, $0x0  }
0xef: {  	s3 =	rddreg [dreg:$0x2];
	[bflag:$0x3] =	sbarrier.arrive $0xFFFF;
	s2 =	simm.s32 @!p0 $0x1C05  }
0xf0: {  	[timem:s3], [sflag:s2] =	dma.local @!p0 [hbm:s0], s1  }
0xf1: {  	s0 =	simm.s32 @!p0 $0x5  }
0xf2: {  	_ =	swait.ge @!p0 [sflag:s0], s1  }
0xf3: {  	s1 =	ssub.s32 @!p0 $0x0, s1;
	[sflag:s0] =	ssyncset.done @!p0 $0x0  }
0xf4: {  	[sflag:s0] =	ssyncadd.s32 @!p0 s1  }
0xf5: {  	[bflag:$0x3] =	sbarrier.arrive $0xFFFF  }
0xf6: {  	_ =	shalt  }

// kernel: kernel.19.cloned.1.call-start
scs
__scs_entry_jumppad:
0x0: {  	(pc) =	sbr.rel $0x88, $3  }
0x1: {  	(tag) =	ssettag $0x0;
	lr =	simm.s32 $0x1  }
0x2: {  	[smem:$0x3F93] =	sst lr;
	_ =	strace $0xD0000000  }
0x3: {  	_ = 	snop  }
0x4: {  	_ = 	snop  }
0x5: {  	_ = 	snop  }
0x6: {  	_ = 	snop  }
0x7: {  	_ = 	snop  }
__scs_overlays_trampoline_lowered:
0x8: {  	[smem:$0x3FA2] =	sst s0  }
0x9: {  	[smem:$0x3FA3] =	sst s1  }
0xa: {  	[smem:$0x3FA4] =	sst s2  }
0xb: {  	[smem:$0x3FA5] =	sst s3  }
0xc: {  	[smem:$0x3FA6] =	sst s4  }
0xd: {  	[smem:$0x3FA7] =	sst s5  }
0xe: {  	[smem:$0x3FA8] =	sst s6  }
0xf: {  	[smem:$0x3FA9] =	sst s7  }
0x10: {  	[smem:$0x3FAA] =	sst s8  }
0x11: {  	[smem:$0x3FAB] =	sst s9;
	s0 =	simm.s32 @!p0 $0x0  }
0x12: {  	s1 =	sld [smem:$0x3F91];
	s0 =	simm.s32 @p0 $0x1  }
0x13: {  	[smem:$0x3FAC] =	sst s0;
	s0 =	simm.s32 @!p1 $0x0  }
0x14: {  	s2 =	sld [smem:$0x3F90];
	s0 =	simm.s32 @p1 $0x1  }
0x15: {  	[smem:$0x3FAD] =	sst s0;
	s0 =	simm.s32 @!p2 $0x0  }
0x16: {  	s3 =	sld [smem:$0x3FDB];
	s0 =	simm.s32 @p2 $0x1  }
0x17: {  	s4 =	simm.s32 $0x1BF5;
	[smem:$0x3FAF] =	sst s0  }
0x18: {  	s0 =	sld [smem:$0x3F92];
	_ =	swait.ge [sflag:s4], $0x0  }
0x19: {  	s7 =	sld [smem:$0x3F93]  }
0x1a: {  	s8 =	sadd.s32 $0xFFFFE003, lr  }
0x1b: {  	s9 =	sadd.s32 $0xFFFFFEF7, lr;
	s5 =	simm.s32 $0xFFFFFFFF;
	p2 =	slt.u32 s8, $0xFFFFF086  }
0x1c: {  	p1 =	slt.u32 s9, $0xF7A;
	s5 =	simm.s32 @!p2 $0x0  }
0x1d: {  	s5 =	simm.s32 @p1 $0x1;
	p0 =	seq.s32 s7, s2  }
0x1e: {  	s7 =	smul.u32 @!p0 $0xF7A, s2;
	p2 =	seq.s32 @!p0 s5, $0x0  }
0x1f: {  	s9 =	smul.u32 $0xF7A, s1;
	s8 =	simm.s32 @!p0 $0x1BF5;
	p2 =	por !p2, p0  }
0x20: {  	[sflag:s8] =	ssyncset.s32 @!p0 $0xFFFFF086;
	s6 =	sadd.s32 @!p0 s3, s7;
	s7 =	simm.s32 @!p0 $0x108  }
0x21: {  	s3 =	sadd.s32 s3, s9;
	s6 =	sadd.s32 @!p0 $0x88, s6;
	s7 =	simm.s32 @p2 $0x1082  }
0x22: {  	[simem:s7], [sflag:s8] =	dma.local @!p0 [hbm:s6], $0xF7A  }
0x23: {  	s9 =	sor.u32 $0xD0000000, s2;
	s6 =	simm.s32 $0x108;
	_ =	swait.ge @!p0 [sflag:s8], $0x0  }
0x24: {  	s3 =	sadd.s32 $0x88, s3;
	s6 =	simm.s32 @!p1 $0x1082;
	[sflag:s4] =	ssyncset.s32 $0xFFFFF086  }
0x25: {  	[simem:s6], [sflag:s4] =	dma.local [hbm:s3], $0xF7A  }
0x26: {  	[smem:$0x3F93] =	sst s1;
	(tag) =	ssettag s2;
	_ =	strace s9  }
0x27: {  	s1 =	sld [smem:$0x3FA3]  }
0x28: {  	s2 =	sld [smem:$0x3FA4]  }
0x29: {  	s4 =	sld [smem:$0x3FA6]  }
0x2a: {  	p0 =	seq.s32 s5, $0x0;
	s5 =	sld [smem:$0x3FA7]  }
0x2b: {  	s6 =	sld [smem:$0x3FA8]  }
0x2c: {  	s7 =	sld [smem:$0x3FA9]  }
0x2d: {  	s3 =	simm.s32 $0x108;
	s8 =	sld [smem:$0x3FAA]  }
0x2e: {  	s3 =	simm.s32 @!p0 $0x1082;
	s9 =	sld [smem:$0x3FAB]  }
0x2f: {  	lr =	sadd.s32 s0, s3;
	s0 =	sld [smem:$0x3FA2]  }
0x30: {  	s3 =	sld [smem:$0x3FA5]  }
0x31: {  	[smem:$0x3FAE] =	sst s10  }
0x32: {  	s10 =	sld [smem:$0x3FAC];
	_ =	sdelay $0x3  }
0x33: {  	p0 =	seq.s32 s10, $0x1;
	s10 =	sld [smem:$0x3FAE];
	_ =	sdelay $0x3  }
0x34: {  	[smem:$0x3FAE] =	sst s10  }
0x35: {  	s10 =	sld [smem:$0x3FAD];
	_ =	sdelay $0x3  }
0x36: {  	p1 =	seq.s32 s10, $0x1;
	s10 =	sld [smem:$0x3FAE];
	_ =	sdelay $0x3  }
0x37: {  	[smem:$0x3FAE] =	sst s10  }
0x38: {  	s10 =	sld [smem:$0x3FAF]  }
0x39: {  	_ = 	snop;
	(pc) =	sbr.ind lr, $3  }
0x3a: {  	_ = 	snop  }
0x3b: {  	_ = 	snop  }
0x3c: {  	p2 =	seq.s32 s10, $0x1;
	s10 =	sld [smem:$0x3FAE]  }
0x3d: {  	_ =	shalt  }
0x3e: {  	_ =	shalt  }
0x3f: {  	_ =	shalt  }
0x40: {  	_ =	shalt  }
0x41: {  	_ =	shalt  }
0x42: {  	_ =	shalt  }
0x43: {  	_ =	shalt  }
0x44: {  	_ =	shalt  }
0x45: {  	_ =	shalt  }
0x46: {  	_ =	shalt  }
0x47: {  	_ =	shalt  }
0x48: {  	_ =	shalt  }
0x49: {  	_ =	shalt  }
0x4a: {  	_ =	shalt  }
0x4b: {  	_ =	shalt  }
0x4c: {  	_ =	shalt  }
0x4d: {  	_ =	shalt  }
0x4e: {  	_ =	shalt  }
0x4f: {  	_ =	shalt  }
0x50: {  	_ =	shalt  }
0x51: {  	_ =	shalt  }
0x52: {  	_ =	shalt  }
0x53: {  	_ =	shalt  }
0x54: {  	_ =	shalt  }
0x55: {  	_ =	shalt  }
0x56: {  	_ =	shalt  }
0x57: {  	_ =	shalt  }
0x58: {  	_ =	shalt  }
0x59: {  	_ =	shalt  }
0x5a: {  	_ =	shalt  }
0x5b: {  	_ =	shalt  }
0x5c: {  	_ =	shalt  }
0x5d: {  	_ =	shalt  }
0x5e: {  	_ =	shalt  }
0x5f: {  	_ =	shalt  }
0x60: {  	_ =	shalt  }
0x61: {  	_ =	shalt  }
0x62: {  	_ =	shalt  }
0x63: {  	_ =	shalt  }
0x64: {  	_ =	shalt  }
0x65: {  	_ =	shalt  }
0x66: {  	_ =	shalt  }
0x67: {  	_ =	shalt  }
0x68: {  	_ =	shalt  }
0x69: {  	_ =	shalt  }
0x6a: {  	_ =	shalt  }
0x6b: {  	_ =	shalt  }
0x6c: {  	_ =	shalt  }
0x6d: {  	_ =	shalt  }
0x6e: {  	_ =	shalt  }
0x6f: {  	_ =	shalt  }
0x70: {  	_ =	shalt  }
0x71: {  	_ =	shalt  }
0x72: {  	_ =	shalt  }
0x73: {  	_ =	shalt  }
0x74: {  	_ =	shalt  }
0x75: {  	_ =	shalt  }
0x76: {  	_ =	shalt  }
0x77: {  	_ =	shalt  }
0x78: {  	_ =	shalt  }
0x79: {  	_ =	shalt  }
0x7a: {  	_ =	shalt  }
0x7b: {  	_ =	shalt  }
0x7c: {  	_ =	shalt  }
0x7d: {  	_ =	shalt  }
0x7e: {  	_ =	shalt  }
0x7f: {  	_ =	shalt  }
0x80: {  	_ =	shalt  }
0x81: {  	_ =	shalt  }
0x82: {  	_ =	shalt  }
0x83: {  	_ =	shalt  }
0x84: {  	_ =	shalt  }
0x85: {  	_ =	shalt  }
0x86: {  	_ =	shalt  }
0x87: {  	_ =	shalt  }
.Lfunc_end0:
.L_simem_size_0:
called_computation.3_lowered:
.L_overlay_start_0:
0x88: {  	s2 =	sld [smem:$0x3FD9]  }
0x89: {  	s3 =	sld [smem:$0x3FFE];
	_ =	sdelay $0x1  }
0x8a: {  	s1 =	srdreg.scid  }
0x8b: {  	s0 =	sand.u32 $0x1, s1  }
0x8c: {  	s17 =	sshll.u32 s0, $0xA;
	s2 =	sadd.s32 s3, s2  }
0x8d: {  	s2 =	sadd.s32 s2, s17  }
0x8e: {  	[smem:$0x3FBA] =	sst s2  }
0x8f: {  	_ = 	snop  }
0x90: {  	s2 =	sld [smem:$0x3FD0];
	(tm) =	ssettm $0x1  }
0x91: {  	s18 =	sld [smem:$0x3FFB];
	_ =	sdelay $0x3  }
0x92: {  	_ =	strace s18  }
0x93: {  	s3 =	sld [smem:$0x3FFC];
	_ =	sdelay $0x3  }
0x94: {  	_ =	strace s3  }
0x95: {  	s3 =	sld [smem:$0x3FFD];
	_ =	sdelay $0x3  }
0x96: {  	_ =	strace s3  }
0x97: {  	_ =	strace $0x8FFFFFFF  }
0x98: {  	s19 =	sld [smem:$0x3FDB];
	_ =	sdelay $0x1  }
0x99: {  	s4 =	simm.s32 $_scs_section_size  }
0x9a: {  	s5 =	simm.s32 $_size__tile_overlayer_lowered;
	s6 =	simm.s32 $_tile_overlayer_lowered  }
0x9b: {  	s22 =	simm.s32 $0x1BFF;
	s21 =	sshll.u32 s6, $0x1;
	s3 =	sadd.s32 s4, s19  }
0x9c: {  	s7 =	simm.s32 $0x0;
	s20 =	sshll.u32 s5, $0x1;
	s5 =	sadd.s32 s21, s3  }
0x9d: {  	[timem:s7], [sflag:s22] =	dma.local [hbm:s5], s20  }
0x9e: {  	_ =	swait.ge [sflag:s22], s20  }
0x9f: {  	s4 =	ssub.s32 $0x0, s20;
	[sflag:s22] =	ssyncset.done $0x0  }
0xa0: {  	[sflag:s22] =	ssyncadd.s32 s4;
	_ =	sdelay $0x1  }
0xa1: {  	s23 =	simm.s32 $0x1B8B  }
0xa2: {  	_ =	swait.ge [sflag:s23], $0x1  }
0xa3: {  	[sflag:s23] =	ssyncset.done $0x0  }
0xa4: {  	s25 =	simm.s32 $0x1B8E;
	s24 =	sld [smem:$0x3FFE];
	[sflag:s23] =	ssyncadd.s32 $0xFFFFFFFF  }
0xa5: {  	s26 =	simm.s32 $execute0_lowered;
	[smem:$0x3FD2] =	sst s25  }
0xa6: {  	s5 =	sshll.u32 s26, $0x1;
	_ =	strace $0x8000004F;
	[dreg:$0x1] =	wrdreg $0xFFFFFFFF  }
0xa7: {  	s28 =	simm.s32 $_size_execute0_lowered;
	s3 =	sadd.s32 s3, s5;
	[dreg:$0x0] =	wrdreg $0x0  }
0xa8: {  	s5 =	sshll.u32 s28, $0x1;
	[dreg:$0x2] =	wrdreg s3  }
0xa9: {  	[dreg:$0x3] =	wrdreg s5  }
0xaa: {  	[dreg:$0x4] =	wrdreg $0xC0  }
0xab: {  	_ =	task [dreg:s7], $0x5FFFF  }
0xac: {  	[dreg:$0x1] =	wrdreg $0xFFFFFFFF  }
0xad: {  	[dreg:$0x0] =	wrdreg $0x60  }
0xae: {  	[dreg:$0x2] =	wrdreg s24  }
0xaf: {  	[dreg:$0x3] =	wrdreg s2  }
0xb0: {  	[dreg:$0x4] =	wrdreg $0x0  }
0xb1: {  	[dreg:$0x5] =	wrdreg $0x9  }
0xb2: {  	_ =	task.clear_ibuf [dreg:s7], $0x6FFFF;
	_ =	strace $0x9000004F  }
0xb3: {  	s29 =	simm.s32 $0x9;
	_ =	strace $0x80000051  }
0xb4: {  	_ =	swait.ge [sflag:s29], $0x1  }
0xb5: {  	[sflag:s29] =	ssyncadd.s32 $0xFFFFFFFF  }
0xb6: {  	_ =	strace $0x90000051  }
0xb7: {  	_ =	sfence  }
0xb8: {  	s30 =	sld [smem:$0x0];
	_ =	sdelay $0x2  }
0xb9: {  	s31 =	sshll.u32 s1, $0xD;
	s1 =	sshrl.u32 s1, $0x2  }
0xba: {  	s3 =	sand.u32 $0x4000, s31;
	s1 =	sadd.s32 s1, s30  }
0xbb: {  	s0 =	sor.u32 s3, s0;
	s1 =	sshll.u32 s1, $0x11  }
0xbc: {  	s0 =	sor.u32 s1, s0  }
0xbd: {  	s0 =	sadd.s32 $0x8F2B, s0  }
0xbe: {  	[sflag:s0] =	ssyncadd.remote.s32 $0x1  }
0xbf: {  	_ =	sfence.sel $0xFFFF  }
0xc0: {  	[dreg:$0x0] =	wrdreg $0xFFFFFFFF;
	(pc) =	sbr.abs _section_cstart, $3  }
0xc1: {  	[dreg:$0x1] =	wrdreg $0xFFFFFFFF  }
0xc2: {  	_ =	task.clear_ibuf [dreg:s7], $0x2FFFF;
	_ =	strace $0x9FFFFFFF  }
0xc3: {  	(tm) =	ssettm $0x7FFFFFFF  }
tec
execute0_lowered:
.L_overlay_start_1:
0x0: {  	(tag) =	ssettag $0x1  }
0x1: {  	s0 =	rddreg [dreg:$0x0]  }
0x2: {  	s3 =	rddreg [dreg:$0x1]  }
0x3: {  	s1 =	rddreg [dreg:$0x2];
	s2 =	simm.s32 $0x0  }
0x4: {  	s4 =	srdreg.scid;
	s11 =	stileid.u32;
	s28 =	simm.s32 $0x1E780  }
0x5: {  	s29 =	simm.s32 $0x4;
	s30 =	simm.s32 $0x1;
	s8 =	smul.u32 $0x500, s11  }
0x6: {  	s31 =	simm.s32 $0x0;
	[smem:$0x7FF] =	sst s2;
	s10 =	smul.u32 $0x50000, s11  }
0x7: {  	s5 =	sand.u32 $0x1, s4;
	s4 =	sadd.s32 $0x59000, s0;
	s14 =	smul.u32 $0x14000, s11  }
0x8: {  	s12 =	sadd.s32 $0x4000, s0;
	s0 =	sadd.s32 $0xA9000, s0;
	s17 =	smul.u32 $0x2800, s11  }
0x9: {  	_ =	strace $0x80000050;
	s6 =	smul.u32 $0x2800, s5;
	s7 =	ssub.s32 $0x2, s5  }
0xa: {  	s5 =	smul.u32 $0x140000, s5;
	s9 =	sshrl.u32 s7, $0x1;
	s20 =	sadd.s32 s3, s8  }
0xb: {  	s21 =	sadd.s32 s12, s8;
	s22 =	sshrl.u32 s10, $0x2;
	s15 =	sadd.s32 $0x4000, s14  }
0xc: {  	s16 =	sadd.s32 $0x8000, s14;
	s18 =	sadd.s32 $0xC000, s14;
	s19 =	sadd.s32 $0x10000, s14  }
0xd: {  	s17 =	sshrl.u32 s17, $0x3;
	s13 =	ssub.s32 s7, s9;
	[dreg:$0x4] =	wrdreg s20  }
0xe: {  	[dreg:$0x5] =	wrdreg s21;
	s7 =	sadd.s32 s22, s1;
	s8 =	sadd.s32 s15, s1  }
0xf: {  	s9 =	sadd.s32 s16, s1;
	s10 =	sadd.s32 s18, s1;
	s11 =	sadd.s32 s19, s1  }
0x10: {  	s17 =	sadd.s32 $0x280, s17;
	s14 =	sadd.s32 s14, s5;
	s15 =	sadd.s32 s5, s15  }
0x11: {  	s25 =	sadd.s32 s5, s16;
	s26 =	sadd.s32 s5, s18;
	s5 =	sadd.s32 s5, s19  }
0x12: {  	s20 =	simm.s32 $0x1C000;
	s21 =	simm.s32 $0x5;
	s3 =	sadd.s32 s3, s17  }
0x13: {  	s23 =	sshrl.u32 s14, $0x3;
	s15 =	sshrl.u32 s15, $0x3;
	s12 =	sadd.s32 s12, s17  }
0x14: {  	s5 =	sshrl.u32 s5, $0x3;
	s19 =	smax.u32 s13, $0x1;
	[dreg:$0x6] =	wrdreg s3  }
0x15: {  	[dreg:$0x7] =	wrdreg s12;
	s3 =	sadd.s32 s0, s23;
	s24 =	sadd.s32 s0, s15  }
0x16: {  	s12 =	sshrl.u32 s26, $0x3;
	s18 =	sadd.s32 s0, s5;
	s23 =	simm.s32 $0x80  }
0x17: {  	s26 =	simm.s32 $0x2;
	[dreg:$0x8] =	wrdreg s3;
	s3 =	sshrl.u32 s25, $0x3  }
0x18: {  	[dreg:$0x9] =	wrdreg s24;
	s17 =	sadd.s32 s0, s12;
	s3 =	sadd.s32 s0, s3  }
0x19: {  	v1 =	vimm.f32 $0.0e+00;
	v0 =	vmov s6;
	s24 =	simm.s32 $0x14000;
	s25 =	simm.s32 $0x18000;
	[dreg:$0xa] =	wrdreg s3  }
.LBB2_1:
0x1a: {  	s0 =	rddreg [dreg:$0x4]  }
0x1b: {  	[tilespmem:s20], [sflag:$0x5] =	stream.linear.gather [hbm4b:s0+s2], $0x1400, $0x38;
	[tilespmem:$0x1E800] =	vst v63  }
0x1c: {  	_ =	swait.ge [sflag:s21], $0x1400  }
0x1d: {  	s3 =	simm.s32 $0x1D400;
	s16 =	simm.s32 $0x0;
	[sflag:s21] =	ssyncset.done $0x0  }
0x1e: {  	s22 =	sand.u32 $0xFFFFFF80, s16;
	s15 =	rddreg [dreg:$0x5];
	[sflag:s21] =	ssyncadd.s32 $0xFFFFEC00  }
0x1f: {  	[tilespmem:s3], [sflag:$0x5] =	stream.linear.gather [hbm4b:s15+s2], $0x1400, $0x38;
	[tilespmem:$0x1E800] =	vst v63  }
0x20: {  	s3 =	ssub.s32 $0x0, s22  }
0x21: {  	s0 =	sand.u32 $0x3FFFFF80, s16;
	_ =	swait.ge [sflag:s21], $0x1400;
	s3 =	sand.u32 $0xFFFFFF80, s3  }
0x22: {  	s5 =	sand.u32 $0x70, s2;
	[sflag:s21] =	ssyncset.done $0x0;
	s0 =	sadd.s32 s3, s0  }
0x23: {  	[sflag:s21] =	ssyncadd.s32 $0xFFFFEC00;
	s0 =	sor.u32 s5, s0  }
0x24: {  	v2 =	vld [tilespmem:s0+$0x1C000]  }
0x25: {  	s6 =	simm.s32 $0x10;
	s3 =	simm.s32 $0x0;
	s5 =	simm.s32 $0x2  }
.LBB2_2:
0x26: {  	p0 =	sne.s32 s5, $0x13F;
	s12 =	sand.u32 $0xFFFFFF80, s6;
	s3 =	sadd.s32 $0x10, s3  }
0x27: {  	s12 =	ssub.s32 s3, s12  }
.Ltmp0:
0x28: {  	s6 =	sand.u32 $0x3FFFFF80, s6;
	s12 =	sand.u32 $0xFFFFFF80, s12;
	(pc) =	sbr.rel @p0 .LBB2_2-.Ltmp0, $4  }
0x29: {  	s13 =	sand.u32 $0x70, s3;
	s6 =	sadd.s32 s12, s6;
	v2 =	vadd.s32 v0, v2  }
0x2a: {  	[tilespmem:s0+$0x1C000] =	vst v2;
	s0 =	sor.u32 s13, s6  }
0x2b: {  	v2 =	vld [tilespmem:s0+$0x1C000]  }
0x2c: {  	s6 =	sshll.u32 s5, $0x4;
	s5 =	sadd.s32 $0x1, s5  }
0x2d: {  	s5 =	sand.u32 $0xFFFFFF80, s6;
	s3 =	sadd.s32 $0x10, s3  }
0x2e: {  	s5 =	ssub.s32 s3, s5  }
0x2f: {  	s13 =	sand.u32 $0x3FFFFF80, s6;
	s5 =	sand.u32 $0xFFFFFF80, s5  }
0x30: {  	s3 =	sand.u32 $0x70, s3;
	s5 =	sadd.s32 s5, s13;
	v2 =	vadd.s32 v0, v2  }
0x31: {  	s3 =	sor.u32 s3, s5;
	[tilespmem:s0+$0x1C000] =	vst v2  }
0x32: {  	v2 =	vld [tilespmem:s3+$0x1C000];
	_ =	sdelay $0x2  }
0x33: {  	s14 =	simm.s32 $0x0  }
0x34: {  	s15 =	sand.u32 $0xFFFFFF80, s14  }
0x35: {  	s16 =	ssub.s32 $0x0, s15;
	v2 =	vadd.s32 v0, v2  }
0x36: {  	s0 =	simm.s32 $0x0;
	s5 =	sand.u32 $0xFFFFFF80, s16;
	[tilespmem:s3+$0x1C000] =	vst v2;
	s3 =	sand.u32 $0x3FFFFF80, s14  }
0x37: {  	[tilespmem:s24], [sflag:$0x1] =	stream.indirect.gather [hbm4b:s4+s23], $0x80, s20, s23, $0xb8;
	[tilespmem:$0x1E800] =	vst v63  }
0x38: {  	s22 =	sand.u32 $0x70, s0;
	s5 =	sadd.s32 s5, s3  }
0x39: {  	s3 =	simm.s32 $0x1;
	s5 =	sor.u32 s22, s5  }
.LBB2_4:
0x3a: {  	s6 =	sshll.u32 s3, $0x4;
	p0 =	sne.s32 s3, $0x3FF;
	s3 =	sadd.s32 $0x1, s3;
	[tilespmem:s5+$0x18000] =	vst v1  }
.Ltmp1:
0x3b: {  	s0 =	sadd.s32 $0x10, s0;
	s5 =	sand.u32 $0xFFFFFF80, s6;
	(pc) =	sbr.rel @p0 .LBB2_4-.Ltmp1, $4  }
0x3c: {  	s5 =	ssub.s32 s0, s5  }
0x3d: {  	s6 =	sand.u32 $0x3FFFFF80, s6;
	s5 =	sand.u32 $0xFFFFFF80, s5  }
0x3e: {  	s12 =	sand.u32 $0x70, s0;
	s5 =	sadd.s32 s5, s6  }
0x3f: {  	s5 =	sor.u32 s12, s5  }
0x40: {  	[tilespmem:s5+$0x18000] =	vst v1  }
0x41: {  	[spmem:s7] =	stream.linear.scatter [tilespmem:s25], [sflag:$0x5], $0x4000, $0x38;
	[tilespmem:$0x1E800] =	vst v63  }
0x42: {  	_ =	swait.ge [sflag:s21], $0x4000  }
0x43: {  	[sflag:s21] =	ssyncset.done $0x0  }
0x44: {  	[sflag:s21] =	ssyncadd.s32 $0xFFFFC000  }
0x45: {  	[spmem:s8] =	stream.linear.scatter [tilespmem:s25], [sflag:$0x5], $0x4000, $0x38;
	[tilespmem:$0x1E800] =	vst v63  }
0x46: {  	_ =	swait.ge [sflag:s21], $0x4000  }
0x47: {  	[sflag:s21] =	ssyncset.done $0x0  }
0x48: {  	[sflag:s21] =	ssyncadd.s32 $0xFFFFC000  }
0x49: {  	[spmem:s9] =	stream.linear.scatter [tilespmem:s25], [sflag:$0x5], $0x4000, $0x38;
	[tilespmem:$0x1E800] =	vst v63  }
0x4a: {  	_ =	swait.ge [sflag:s21], $0x4000  }
0x4b: {  	[sflag:s21] =	ssyncset.done $0x0  }
0x4c: {  	[sflag:s21] =	ssyncadd.s32 $0xFFFFC000  }
0x4d: {  	[spmem:s10] =	stream.linear.scatter [tilespmem:s25], [sflag:$0x5], $0x4000, $0x38;
	[tilespmem:$0x1E800] =	vst v63  }
0x4e: {  	_ =	swait.ge [sflag:s21], $0x4000  }
0x4f: {  	[sflag:s21] =	ssyncset.done $0x0  }
0x50: {  	s0 =	simm.s32 $0x1;
	[sflag:s21] =	ssyncadd.s32 $0xFFFFC000  }
0x51: {  	[spmem:s11] =	stream.linear.scatter [tilespmem:s25], [sflag:$0x5], $0x4000, $0x38;
	[tilespmem:$0x1E800] =	vst v63  }
0x52: {  	s3 =	simm.s32 $0x0;
	s15 =	simm.s32 $0x1C080;
	_ =	swait.ge [sflag:s21], $0x4000  }
0x53: {  	s0 =	sand.u32 $0x1, s0;
	s3 =	sand.u32 $0x1, s3;
	[sflag:s21] =	ssyncset.done $0x0  }
0x54: {  	s6 =	sshll.u32 s0, $0xE;
	s0 =	sadd.s32 $0x1, s0;
	[sflag:s21] =	ssyncadd.s32 $0xFFFFC000  }
0x55: {  	s12 =	sadd.s32 $0x1, s3;
	s6 =	sadd.s32 $0x14000, s6;
	[bflag:$0x0] =	sbarrier.arrive $0xFFFF  }
0x56: {  	[tilespmem:s6], [sflag:s0] =	stream.indirect.gather [hbm4b:s4+s23], $0x80, s15, s23, $0xb8;
	[tilespmem:$0x1E800] =	vst v63  }
0x57: {  	_ =	swait.ge [sflag:s12], $0x4000  }
0x58: {  	s16 =	simm.s32 $0x1D400;
	s22 =	sshll.u32 s3, $0xE;
	[sflag:s12] =	ssyncset.done $0x0  }
0x59: {  	s5 =	sadd.s32 $0x14000, s22;
	s6 =	sadd.s32 $0x3, s3;
	[sflag:s12] =	ssyncadd.s32 $0xFFFFC000  }
0x5a: {  	[spmem:s1] =	stream.indirect.scatter.add.f32 [tilespmem:s5], [sflag:s6], $0x80, s16, s23, $0xb8;
	[tilespmem:$0x1E800] =	vst v63  }
0x5b: {  	s3 =	simm.s32 $0x1C100;
	s0 =	simm.s32 $0x1D480;
	s5 =	simm.s32 $0x2  }
0x5c: {  	s12 =	simm.s32 $0x3;
	s13 =	sand.u32 $0x1, s5;
	_ =	swait.ge [sflag:s6], $0x4000  }
.LBB2_6:
0x5d: {  	s14 =	sadd.s32 $0xFFFFFFFF, s5;
	s15 =	sshll.u32 s13, $0xE  }
0x5e: {  	[sflag:s6] =	ssyncset.done $0x0;
	s5 =	smov.u32 s12;
	s13 =	sadd.s32 $0x1, s13  }
0x5f: {  	p0 =	sne.s32 s12, $0x27;
	s14 =	sand.u32 $0x1, s14;
	s15 =	sadd.s32 $0x14000, s15  }
0x60: {  	s22 =	sshll.u32 s14, $0xE;
	s16 =	sadd.s32 $0x1, s14;
	[sflag:s6] =	ssyncadd.s32 $0xFFFFC000  }
0x61: {  	[tilespmem:s15], [sflag:s13] =	stream.indirect.gather [hbm4b:s4+s23], $0x80, s3, s23, $0xb8;
	[tilespmem:$0x1E800] =	vst v63  }
.Ltmp2:
0x62: {  	s15 =	sadd.s32 $0x1, s12;
	_ =	swait.ge [sflag:s16], $0x4000;
	(pc) =	sbr.rel @p0 .LBB2_6-.Ltmp2, $4  }
0x63: {  	s6 =	sadd.s32 $0x3, s14;
	s12 =	sadd.s32 $0x14000, s22;
	[sflag:s16] =	ssyncset.done $0x0  }
0x64: {  	s3 =	sadd.s32 $0x80, s3;
	s13 =	sand.u32 $0x1, s5;
	[sflag:s16] =	ssyncadd.s32 $0xFFFFC000  }
0x65: {  	[spmem:s1] =	stream.indirect.scatter.add.f32 [tilespmem:s12], [sflag:s6], $0x80, s0, s23, $0xb8;
	[tilespmem:$0x1E800] =	vst v63  }
0x66: {  	s0 =	sadd.s32 $0x80, s0;
	s12 =	smov.u32 s15;
	_ =	swait.ge [sflag:s6], $0x4000  }
0x67: {  	s5 =	sadd.s32 $0xFFFFFFFF, s5;
	s12 =	sshll.u32 s13, $0xE  }
0x68: {  	[sflag:s6] =	ssyncset.done $0x0;
	s22 =	sadd.s32 $0x1, s13;
	s5 =	sand.u32 $0x1, s5  }
0x69: {  	s12 =	sadd.s32 $0x14000, s12;
	[sflag:s6] =	ssyncadd.s32 $0xFFFFC000;
	s14 =	sadd.s32 $0x1, s5  }
0x6a: {  	[tilespmem:s12], [sflag:s22] =	stream.indirect.gather [hbm4b:s4+s23], $0x80, s3, s23, $0xb8;
	[tilespmem:$0x1E800] =	vst v63  }
0x6b: {  	_ =	swait.ge [sflag:s14], $0x4000  }
0x6c: {  	s6 =	sshll.u32 s5, $0xE;
	[sflag:s14] =	ssyncset.done $0x0  }
0x6d: {  	s5 =	sadd.s32 $0x3, s5;
	s3 =	sadd.s32 $0x14000, s6;
	[sflag:s14] =	ssyncadd.s32 $0xFFFFC000  }
0x6e: {  	[spmem:s1] =	stream.indirect.scatter.add.f32 [tilespmem:s3], [sflag:s5], $0x80, s0, s23, $0xb8;
	[tilespmem:$0x1E800] =	vst v63  }
0x6f: {  	_ =	swait.ge [sflag:s5], $0x4000  }
0x70: {  	[sflag:s5] =	ssyncset.done $0x0  }
0x71: {  	[sflag:s5] =	ssyncadd.s32 $0xFFFFC000  }
0x72: {  	_ =	swait.ge [sflag:s26], $0x4000  }
0x73: {  	[sflag:s26] =	ssyncset.done $0x0  }
0x74: {  	[sflag:s26] =	ssyncadd.s32 $0xFFFFC000  }
0x75: {  	[spmem:s1] =	stream.indirect.scatter.add.f32 [tilespmem:s25], [sflag:$0x4], $0x80, s28, s23, $0xb8;
	[tilespmem:$0x1E800] =	vst v63  }
0x76: {  	_ =	swait.ge [sflag:s29], $0x4000  }
0x77: {  	[sflag:s29] =	ssyncset.done $0x0  }
0x78: {  	s0 =	simm.s32 $0x0;
	s12 =	rddreg [dreg:$0x6];
	[sflag:s29] =	ssyncadd.s32 $0xFFFFC000  }
0x79: {  	[tilespmem:s20], [sflag:$0x5] =	stream.linear.gather [hbm4b:s12+s0], $0x1400, $0x38;
	[tilespmem:$0x1E800] =	vst v63  }
0x7a: {  	s15 =	simm.s32 $0x0;
	_ =	swait.ge [sflag:s21], $0x1400  }
0x7b: {  	s16 =	sand.u32 $0xFFFFFF80, s15;
	s14 =	simm.s32 $0x1D400;
	[sflag:s21] =	ssyncset.done $0x0  }
0x7c: {  	s5 =	ssub.s32 $0x0, s16;
	s13 =	rddreg [dreg:$0x7];
	[sflag:s21] =	ssyncadd.s32 $0xFFFFEC00  }
0x7d: {  	[tilespmem:s14], [sflag:$0x5] =	stream.linear.gather [hbm4b:s13+s0], $0x1400, $0x38;
	[tilespmem:$0x1E800] =	vst v63  }
0x7e: {  	s3 =	sand.u32 $0x3FFFFF80, s15;
	s5 =	sand.u32 $0xFFFFFF80, s5;
	_ =	swait.ge [sflag:s21], $0x1400  }
0x7f: {  	s22 =	sand.u32 $0x70, s0;
	s3 =	sadd.s32 s5, s3;
	[sflag:s21] =	ssyncset.done $0x0  }
0x80: {  	s3 =	sor.u32 s22, s3;
	[sflag:s21] =	ssyncadd.s32 $0xFFFFEC00  }
0x81: {  	v2 =	vld [tilespmem:s3+$0x1C000]  }
0x82: {  	s6 =	simm.s32 $0x10;
	s5 =	simm.s32 $0x2  }
.LBB2_8:
0x83: {  	p0 =	sne.s32 s5, $0x13F;
	s12 =	sand.u32 $0xFFFFFF80, s6;
	s0 =	sadd.s32 $0x10, s0  }
0x84: {  	s12 =	ssub.s32 s0, s12  }
.Ltmp3:
0x85: {  	s6 =	sand.u32 $0x3FFFFF80, s6;
	s12 =	sand.u32 $0xFFFFFF80, s12;
	(pc) =	sbr.rel @p0 .LBB2_8-.Ltmp3, $4  }
0x86: {  	s13 =	sand.u32 $0x70, s0;
	s6 =	sadd.s32 s12, s6;
	v2 =	vadd.s32 v0, v2  }
0x87: {  	[tilespmem:s3+$0x1C000] =	vst v2;
	s3 =	sor.u32 s13, s6  }
0x88: {  	v2 =	vld [tilespmem:s3+$0x1C000]  }
0x89: {  	s6 =	sshll.u32 s5, $0x4;
	s5 =	sadd.s32 $0x1, s5  }
0x8a: {  	s5 =	sand.u32 $0xFFFFFF80, s6;
	s0 =	sadd.s32 $0x10, s0  }
0x8b: {  	s5 =	ssub.s32 s0, s5  }
0x8c: {  	s22 =	sand.u32 $0x3FFFFF80, s6;
	s5 =	sand.u32 $0xFFFFFF80, s5  }
0x8d: {  	s0 =	sand.u32 $0x70, s0;
	s5 =	sadd.s32 s5, s22;
	v2 =	vadd.s32 v0, v2  }
0x8e: {  	s0 =	sor.u32 s0, s5;
	[tilespmem:s3+$0x1C000] =	vst v2  }
0x8f: {  	v2 =	vld [tilespmem:s0+$0x1C000];
	_ =	sdelay $0x4  }
0x90: {  	s12 =	simm.s32 $0x1;
	s13 =	simm.s32 $0x0;
	v2 =	vadd.s32 v0, v2  }
0x91: {  	s3 =	sand.u32 $0x1, s13;
	[tilespmem:s0+$0x1C000] =	vst v2;
	s0 =	sand.u32 $0x1, s12  }
0x92: {  	[tilespmem:s24], [sflag:$0x1] =	stream.indirect.gather [hbm4b:s4+s23], $0x80, s20, s23, $0xb8;
	[tilespmem:$0x1E800] =	vst v63  }
0x93: {  	s14 =	simm.s32 $0x1C080;
	s22 =	sshll.u32 s3, $0xE;
	s15 =	sshll.u32 s0, $0xE  }
0x94: {  	s12 =	sadd.s32 $0x1, s3;
	s0 =	sadd.s32 $0x1, s0;
	s6 =	sadd.s32 $0x14000, s15  }
0x95: {  	[tilespmem:s6], [sflag:s0] =	stream.indirect.gather [hbm4b:s4+s23], $0x80, s14, s23, $0xb8;
	[tilespmem:$0x1E800] =	vst v63  }
0x96: {  	s16 =	simm.s32 $0x1D400;
	s5 =	sadd.s32 $0x14000, s22;
	_ =	swait.ge [sflag:s12], $0x4000  }
0x97: {  	s6 =	sadd.s32 $0x3, s3;
	s3 =	simm.s32 $0x2;
	[sflag:s12] =	ssyncset.done $0x0  }
0x98: {  	s0 =	simm.s32 $0x1D480;
	s13 =	sand.u32 $0x1, s3;
	[sflag:s12] =	ssyncadd.s32 $0xFFFFC000  }
0x99: {  	[spmem:s1] =	stream.indirect.scatter.add.f32 [tilespmem:s5], [sflag:s6], $0x80, s16, s23, $0xb8;
	[tilespmem:$0x1E800] =	vst v63  }
0x9a: {  	s12 =	simm.s32 $0x3;
	s5 =	simm.s32 $0x1C100;
	_ =	swait.ge [sflag:s6], $0x4000  }
.LBB2_10:
0x9b: {  	s14 =	sadd.s32 $0xFFFFFFFF, s3;
	s15 =	sshll.u32 s13, $0xE  }
0x9c: {  	[sflag:s6] =	ssyncset.done $0x0;
	s3 =	smov.u32 s12;
	s13 =	sadd.s32 $0x1, s13  }
0x9d: {  	p0 =	sne.s32 s12, $0x27;
	s14 =	sand.u32 $0x1, s14;
	s15 =	sadd.s32 $0x14000, s15  }
0x9e: {  	s16 =	sshll.u32 s14, $0xE;
	s22 =	sadd.s32 $0x1, s14;
	[sflag:s6] =	ssyncadd.s32 $0xFFFFC000  }
0x9f: {  	[tilespmem:s15], [sflag:s13] =	stream.indirect.gather [hbm4b:s4+s23], $0x80, s5, s23, $0xb8;
	[tilespmem:$0x1E800] =	vst v63  }
.Ltmp4:
0xa0: {  	s15 =	sadd.s32 $0x1, s12;
	_ =	swait.ge [sflag:s22], $0x4000;
	(pc) =	sbr.rel @p0 .LBB2_10-.Ltmp4, $4  }
0xa1: {  	s6 =	sadd.s32 $0x3, s14;
	s12 =	sadd.s32 $0x14000, s16;
	[sflag:s22] =	ssyncset.done $0x0  }
0xa2: {  	s5 =	sadd.s32 $0x80, s5;
	s13 =	sand.u32 $0x1, s3;
	[sflag:s22] =	ssyncadd.s32 $0xFFFFC000  }
0xa3: {  	[spmem:s1] =	stream.indirect.scatter.add.f32 [tilespmem:s12], [sflag:s6], $0x80, s0, s23, $0xb8;
	[tilespmem:$0x1E800] =	vst v63  }
0xa4: {  	s0 =	sadd.s32 $0x80, s0;
	s12 =	smov.u32 s15;
	_ =	swait.ge [sflag:s6], $0x4000  }
0xa5: {  	s12 =	sshll.u32 s13, $0xE  }
0xa6: {  	[sflag:s6] =	ssyncset.done $0x0;
	s22 =	sadd.s32 $0x1, s13;
	s3 =	sadd.s32 $0xFFFFFFFF, s3  }
0xa7: {  	[sflag:s6] =	ssyncadd.s32 $0xFFFFC000;
	s16 =	sadd.s32 $0x14000, s12;
	s3 =	sand.u32 $0x1, s3  }
0xa8: {  	[tilespmem:s16], [sflag:s22] =	stream.indirect.gather [hbm4b:s4+s23], $0x80, s5, s23, $0xb8;
	[tilespmem:$0x1E800] =	vst v63  }
0xa9: {  	s12 =	sadd.s32 $0x1, s3  }
0xaa: {  	_ =	swait.ge [sflag:s12], $0x4000  }
0xab: {  	s13 =	sshll.u32 s3, $0xE;
	[sflag:s12] =	ssyncset.done $0x0  }
0xac: {  	s3 =	sadd.s32 $0x3, s3;
	s14 =	sadd.s32 $0x14000, s13;
	[sflag:s12] =	ssyncadd.s32 $0xFFFFC000  }
0xad: {  	[spmem:s1] =	stream.indirect.scatter.add.f32 [tilespmem:s14], [sflag:s3], $0x80, s0, s23, $0xb8;
	[tilespmem:$0x1E800] =	vst v63  }
0xae: {  	_ =	swait.ge [sflag:s3], $0x4000  }
0xaf: {  	[sflag:s3] =	ssyncset.done $0x0  }
0xb0: {  	[sflag:s3] =	ssyncadd.s32 $0xFFFFC000  }
0xb1: {  	_ =	swait.ge [sflag:s26], $0x4000  }
0xb2: {  	[sflag:s26] =	ssyncset.done $0x0  }
0xb3: {  	[sflag:s26] =	ssyncadd.s32 $0xFFFFC000  }
0xb4: {  	[spmem:s1] =	stream.indirect.scatter.add.f32 [tilespmem:s25], [sflag:$0x4], $0x80, s28, s23, $0xb8;
	[tilespmem:$0x1E800] =	vst v63  }
0xb5: {  	_ =	swait.ge [sflag:s29], $0x4000  }
0xb6: {  	[sflag:s29] =	ssyncset.done $0x0  }
0xb7: {  	[sflag:s29] =	ssyncadd.s32 $0xFFFFC000  }
0xb8: {  	[bflag:$0x0] =	sbarrier.arrive $0xFFFF  }
0xb9: {  	[tilespmem:s24], [sflag:$0x1] =	stream.linear.gather [spmem:s7], $0x4000, $0x38;
	[tilespmem:$0x1E800] =	vst v63  }
0xba: {  	_ =	swait.ge [sflag:s30], $0x4000  }
0xbb: {  	[sflag:s30] =	ssyncset.done $0x0  }
0xbc: {  	[sflag:s30] =	ssyncadd.s32 $0xFFFFC000  }
0xbd: {  	[tilespmem:s25], [sflag:$0x2] =	stream.linear.gather [spmem:s8], $0x4000, $0x38;
	[tilespmem:$0x1E800] =	vst v63  }
0xbe: {  	s15 =	rddreg [dreg:$0x8]  }
0xbf: {  	[hbm4b:s15+s2] =	stream.linear.scatter [tilespmem:s24], [sflag:$0x5], $0x4000, $0x38;
	[tilespmem:$0x1E800] =	vst v63  }
0xc0: {  	_ =	swait.ge [sflag:s21], $0x4000  }
0xc1: {  	[sflag:s21] =	ssyncset.done $0x0  }
0xc2: {  	[sflag:s21] =	ssyncadd.s32 $0xFFFFC000  }
0xc3: {  	_ =	swait.ge [sflag:s26], $0x4000  }
0xc4: {  	[sflag:s26] =	ssyncset.done $0x0  }
0xc5: {  	[sflag:s26] =	ssyncadd.s32 $0xFFFFC000  }
0xc6: {  	[tilespmem:s24], [sflag:$0x1] =	stream.linear.gather [spmem:s9], $0x4000, $0x38;
	[tilespmem:$0x1E800] =	vst v63  }
0xc7: {  	s16 =	rddreg [dreg:$0x9]  }
0xc8: {  	[hbm4b:s16+s2] =	stream.linear.scatter [tilespmem:s25], [sflag:$0x5], $0x4000, $0x38;
	[tilespmem:$0x1E800] =	vst v63  }
0xc9: {  	_ =	swait.ge [sflag:s21], $0x4000  }
0xca: {  	[sflag:s21] =	ssyncset.done $0x0  }
0xcb: {  	[sflag:s21] =	ssyncadd.s32 $0xFFFFC000  }
0xcc: {  	_ =	swait.ge [sflag:s30], $0x4000  }
0xcd: {  	[sflag:s30] =	ssyncset.done $0x0  }
0xce: {  	[sflag:s30] =	ssyncadd.s32 $0xFFFFC000  }
0xcf: {  	[tilespmem:s25], [sflag:$0x2] =	stream.linear.gather [spmem:s10], $0x4000, $0x38;
	[tilespmem:$0x1E800] =	vst v63  }
0xd0: {  	s22 =	rddreg [dreg:$0xa]  }
0xd1: {  	[hbm4b:s22+s2] =	stream.linear.scatter [tilespmem:s24], [sflag:$0x5], $0x4000, $0x38;
	[tilespmem:$0x1E800] =	vst v63  }
0xd2: {  	_ =	swait.ge [sflag:s21], $0x4000  }
0xd3: {  	[sflag:s21] =	ssyncset.done $0x0  }
0xd4: {  	[sflag:s21] =	ssyncadd.s32 $0xFFFFC000  }
0xd5: {  	_ =	swait.ge [sflag:s26], $0x4000  }
0xd6: {  	[sflag:s26] =	ssyncset.done $0x0  }
0xd7: {  	[sflag:s26] =	ssyncadd.s32 $0xFFFFC000  }
0xd8: {  	[tilespmem:s24], [sflag:$0x1] =	stream.linear.gather [spmem:s11], $0x4000, $0x38;
	[tilespmem:$0x1E800] =	vst v63  }
0xd9: {  	_ = 	snop  }
0xda: {  	[hbm4b:s17+s2] =	stream.linear.scatter [tilespmem:s25], [sflag:$0x5], $0x4000, $0x38;
	[tilespmem:$0x1E800] =	vst v63  }
0xdb: {  	_ =	swait.ge [sflag:s21], $0x4000  }
0xdc: {  	[sflag:s21] =	ssyncset.done $0x0  }
0xdd: {  	[sflag:s21] =	ssyncadd.s32 $0xFFFFC000  }
0xde: {  	s31 =	sadd.s32 $0x1, s31;
	_ =	swait.ge [sflag:s30], $0x4000  }
0xdf: {  	p0 =	sne.s32 s31, s19;
	[sflag:s30] =	ssyncset.done $0x0  }
.Ltmp5:
0xe0: {  	[sflag:s30] =	ssyncadd.s32 $0xFFFFC000;
	(pc) =	sbr.rel @p0 .LBB2_1-.Ltmp5, $4  }
0xe1: {  	[hbm4b:s18+s2] =	stream.linear.scatter [tilespmem:s24], [sflag:$0x5], $0x4000, $0x38;
	[tilespmem:$0x1E800] =	vst v63  }
0xe2: {  	_ =	swait.ge [sflag:s21], $0x4000  }
0xe3: {  	[sflag:s21] =	ssyncset.done $0x0  }
0xe4: {  	[sflag:s21] =	ssyncadd.s32 $0xFFFFC000  }
0xe5: {  	_ =	sfence.sel $0x180000  }
0xe6: {  	[bflag:$0x0] =	sbarrier.arrive $0xFFFF  }
0xe7: {  	_ =	strace $0x90000050  }
0xe8: {  	s0 =	stileid.u32;
	[bflag:$0x2] =	sbarrier.arrive $0xFFFF  }
0xe9: {  	p0 =	sne.s32 s0, $0x0;
	s0 =	rddreg [dreg:$0x3]  }
0xea: {  	s0 =	sadd.s32 @!p0 $0x100000, s0  }
0xeb: {  	[sflag:s0] =	ssyncadd.tile.s32 @!p0 $0x1;
	_ =	shalt  }
.Lfunc_end2:
_tile_overlayer_lowered:
.L_overlay_start_2:
0xec: {  	(tag) =	ssettag $0x2  }
0xed: {  	s0 =	rddreg [dreg:$0x0];
	s2 =	stileid.u32  }
0xee: {  	s1 =	rddreg [dreg:$0x1];
	p0 =	sne.s32 s2, $0x0  }
0xef: {  	s3 =	rddreg [dreg:$0x2];
	[bflag:$0x3] =	sbarrier.arrive $0xFFFF;
	s2 =	simm.s32 @!p0 $0x1C05  }
0xf0: {  	[timem:s3], [sflag:s2] =	dma.local @!p0 [hbm:s0], s1  }
0xf1: {  	s0 =	simm.s32 @!p0 $0x5  }
0xf2: {  	_ =	swait.ge @!p0 [sflag:s0], s1  }
0xf3: {  	s1 =	ssub.s32 @!p0 $0x0, s1;
	[sflag:s0] =	ssyncset.done @!p0 $0x0  }
0xf4: {  	[sflag:s0] =	ssyncadd.s32 @!p0 s1  }
0xf5: {  	[bflag:$0x3] =	sbarrier.arrive $0xFFFF  }
0xf6: {  	_ =	shalt  }

</sc_bundles>
